<compile_context>
chip_gen: v7x
topology: tpu7x:2x2x1
jax: 0.10.2.dev20260603
libtpu: 0.0.44.dev20260713+nightly
codegen_flags: <defaults>
</compile_context>

<pallas_src>
import functools

import jax
import jax.numpy as jnp
from jax import lax
from jax.experimental import pallas as pl
from jax.experimental.pallas import tpu as pltpu
from jax.experimental.pallas import tpu_sc as plsc

NCLU = 16
NLEV = 128
NTOT = 4194304
NC, NS, L = 2, 16, 16
NW = NC * NS
CHUNK = NTOT // NW
SUB = 8192
NSUB = CHUNK // SUB
NACC = 8

TC_N = (NTOT * 5) // 8
SC_N = NTOT - TC_N
MM_CHUNK = SC_N // NW
MM_NSUB = MM_CHUNK // SUB
TC_ROWS = TC_N // 128
TC_STEP = 1024

_L2C = (-3.0283174810522704, 6.06583014324084, -5.264110477180775,
        3.218832837151793, -1.2342631730840539, 0.2668588228733046,
        -0.02482560661573763)

_MESH = plsc.VectorSubcoreMesh(core_axis_name="c", subcore_axis_name="s",
                               num_cores=NC, num_subcores=NS)
_SC_PARAMS = pltpu.CompilerParams(needs_layout_passes=False)

_F32 = jnp.float32
_I32 = jnp.int32


def _worker_id():
    return lax.axis_index("s") * NC + lax.axis_index("c")


def _stream_chunks(w_hbm, a_hbm, base, bufs, sems, process, carry_init,
                   nsub=NSUB):
    (wb0, ab0, wb1, ab1) = bufs
    (sw0, sa0, sw1, sa1) = sems

    pltpu.async_copy(w_hbm.at[pl.ds(base, SUB)], wb0, sw0)
    pltpu.async_copy(a_hbm.at[pl.ds(base, SUB)], ab0, sa0)

    def outer(io, carry):
        off0 = base + (2 * io) * SUB
        off1 = base + (2 * io + 1) * SUB
        off2 = base + (2 * io + 2) * SUB
        pltpu.async_copy(w_hbm.at[pl.ds(off1, SUB)], wb1, sw1)
        pltpu.async_copy(a_hbm.at[pl.ds(off1, SUB)], ab1, sa1)
        pltpu.make_async_copy(w_hbm.at[pl.ds(off0, SUB)], wb0, sw0).wait()
        pltpu.make_async_copy(a_hbm.at[pl.ds(off0, SUB)], ab0, sa0).wait()
        carry = process(wb0, ab0, carry)

        @pl.when(io < nsub // 2 - 1)
        def _():
            pltpu.async_copy(w_hbm.at[pl.ds(off2, SUB)], wb0, sw0)
            pltpu.async_copy(a_hbm.at[pl.ds(off2, SUB)], ab0, sa0)

        pltpu.make_async_copy(w_hbm.at[pl.ds(off1, SUB)], wb1, sw1).wait()
        pltpu.make_async_copy(a_hbm.at[pl.ds(off1, SUB)], ab1, sa1).wait()
        carry = process(wb1, ab1, carry)
        return carry

    return lax.fori_loop(0, nsub // 2, outer, carry_init)


def _minmax_body(w_hbm, a_hbm, omin_hbm, omax_hbm, *refs):
    wb0, ab0, wb1, ab1 = refs[:4]
    mns = refs[4:4 + NACC]
    mxs = refs[4 + NACC:4 + 2 * NACC]
    res = refs[4 + 2 * NACC]
    sw0, sa0, sw1, sa1 = refs[5 + 2 * NACC:9 + 2 * NACC]
    wid = _worker_id()
    base = wid * MM_CHUNK
    lane = lax.iota(_I32, L)

    def init(j, c):
        sl = pl.ds(j * L, L)
        for r in range(NACC):
            mns[r][sl] = jnp.full((L,), jnp.inf, _F32)
            mxs[r][sl] = jnp.full((L,), -jnp.inf, _F32)
        return c

    lax.fori_loop(0, NCLU, init, 0)

    def process(wb, ab, carry):
        def vec(k, c):
            for r in range(NACC):
                off = (k * NACC + r) * L
                w = wb[pl.ds(off, L)]
                a = ab[pl.ds(off, L)]
                idx = a * L + lane
                cur = plsc.load_gather(mns[r], [idx])
                plsc.store_scatter(mns[r], [idx], jnp.minimum(cur, w))
                cur = plsc.load_gather(mxs[r], [idx])
                plsc.store_scatter(mxs[r], [idx], jnp.maximum(cur, w))
            return c

        return lax.fori_loop(0, SUB // (NACC * L), vec, carry)

    _stream_chunks(w_hbm, a_hbm, base, (wb0, ab0, wb1, ab1),
                   (sw0, sa0, sw1, sa1), process, 0, nsub=MM_NSUB)

    for j in range(NCLU):
        sl = pl.ds(j * L, L)
        mn = mns[0][sl]
        mx = mxs[0][sl]
        for r in range(1, NACC):
            mn = jnp.minimum(mn, mns[r][sl])
            mx = jnp.maximum(mx, mxs[r][sl])
        mns[0][sl] = mn
        mxs[0][sl] = mx

    col = lane * L
    rmin = plsc.load_gather(mns[0], [col])
    rmax = plsc.load_gather(mxs[0], [col])
    for l in range(1, L):
        rmin = jnp.minimum(rmin, plsc.load_gather(mns[0], [col + l]))
        rmax = jnp.maximum(rmax, plsc.load_gather(mxs[0], [col + l]))
    res[pl.ds(0, L)] = rmin
    pltpu.sync_copy(res, omin_hbm.at[pl.ds(wid * L, L)])
    res[pl.ds(0, L)] = rmax
    pltpu.sync_copy(res, omax_hbm.at[pl.ds(wid * L, L)])


_minmax_call = pl.kernel(
    _minmax_body,
    out_type=[jax.ShapeDtypeStruct((NW * L,), _F32),
              jax.ShapeDtypeStruct((NW * L,), _F32)],
    mesh=_MESH,
    compiler_params=_SC_PARAMS,
    scratch_types=[
        pltpu.VMEM((SUB,), _F32), pltpu.VMEM((SUB,), _I32),
        pltpu.VMEM((SUB,), _F32), pltpu.VMEM((SUB,), _I32),
    ] + [pltpu.VMEM((NCLU * L,), _F32)] * (2 * NACC) + [
        pltpu.VMEM((L,), _F32),
        pltpu.SemaphoreType.DMA, pltpu.SemaphoreType.DMA,
        pltpu.SemaphoreType.DMA, pltpu.SemaphoreType.DMA,
    ],
)


def _tcmm_body(w_ref, a_ref, omin_ref, omax_ref):
    @pl.when(pl.program_id(0) == 0)
    def _():
        omin_ref[:, :] = jnp.full((NCLU, 128), jnp.inf, _F32)
        omax_ref[:, :] = jnp.full((NCLU, 128), -jnp.inf, _F32)

    w = w_ref[:, :]
    a = a_ref[:, :]
    for c in range(NCLU):
        mask = a == c
        mn = jnp.min(jnp.where(mask, w, jnp.inf), axis=0, keepdims=True)
        mx = jnp.max(jnp.where(mask, w, -jnp.inf), axis=0, keepdims=True)
        omin_ref[pl.ds(c, 1), :] = jnp.minimum(omin_ref[pl.ds(c, 1), :], mn)
        omax_ref[pl.ds(c, 1), :] = jnp.maximum(omax_ref[pl.ds(c, 1), :], mx)


_tcmm_call = pl.pallas_call(
    _tcmm_body,
    grid=(TC_ROWS // TC_STEP,),
    in_specs=[pl.BlockSpec((TC_STEP, 128), lambda i: (i, 0)),
              pl.BlockSpec((TC_STEP, 128), lambda i: (i, 0))],
    out_specs=[pl.BlockSpec((NCLU, 128), lambda i: (0, 0)),
               pl.BlockSpec((NCLU, 128), lambda i: (0, 0))],
    out_shape=[jax.ShapeDtypeStruct((NCLU, 128), _F32),
               jax.ShapeDtypeStruct((NCLU, 128), _F32)],
)


def _diag_col(row, fill):
    b = jnp.broadcast_to(row, (NCLU, NCLU))
    ii = lax.broadcasted_iota(_I32, (NCLU, NCLU), 0)
    jj = lax.broadcasted_iota(_I32, (NCLU, NCLU), 1)
    return jnp.min(jnp.where(ii == jj, b, fill), axis=1, keepdims=True)


def _diag_row(colv, fill):
    b = jnp.broadcast_to(colv, (NCLU, NCLU))
    ii = lax.broadcasted_iota(_I32, (NCLU, NCLU), 0)
    jj = lax.broadcasted_iota(_I32, (NCLU, NCLU), 1)
    return jnp.min(jnp.where(ii == jj, b, fill), axis=0, keepdims=True)


def _table_body(pmin_ref, pmax_ref, tcmin_ref, tcmax_ref,
                bits_row_ref, bits_col_ref, logits_ref,
                table_ref, s_ref, t_ref, nlm1_ref):
    tmin = _diag_row(jnp.min(tcmin_ref[:], axis=1, keepdims=True), jnp.inf)
    tmax = -_diag_row(-jnp.max(tcmax_ref[:], axis=1, keepdims=True), jnp.inf)
    gmin = jnp.minimum(jnp.min(pmin_ref[:], axis=0, keepdims=True), tmin)
    gmax = jnp.maximum(jnp.max(pmax_ref[:], axis=0, keepdims=True), tmax)
    rng = gmax - gmin
    gate = rng >= 1e-8
    nl = jnp.left_shift(1, bits_row_ref[:])
    nlm1f = (nl - 1).astype(_F32)
    s = jnp.where(gate, nlm1f / jnp.where(gate, rng, 1.0), 0.0)
    s_ref[:, :] = s
    t_ref[:, :] = -jnp.where(gate, gmin, 0.0) * s
    nlm1_ref[:, :] = jnp.where(gate, nlm1f, 0.0)

    gmin_c = _diag_col(gmin, jnp.inf)
    gmax_c = -_diag_col(-gmax, jnp.inf)
    gate_c = (gmax_c - gmin_c) >= 1e-8
    nl_c = jnp.left_shift(1, bits_col_ref[:])
    logits = logits_ref[:, :NLEV]
    colid = lax.broadcasted_iota(_I32, (NCLU, NLEV), 1)
    lmask = colid < nl_c
    lm = jnp.where(lmask, logits, -jnp.inf)
    mx = jnp.max(lm, axis=1, keepdims=True)
    e = jnp.exp(lm - mx)
    p = e / jnp.sum(e, axis=1, keepdims=True)
    last = jnp.sum(jnp.where(colid == nl_c - 1, p, 0.0), axis=1,
                   keepdims=True)
    pfull = jnp.where(lmask, p, jnp.broadcast_to(last, (NCLU, NLEV)))
    pfull = jnp.where(gate_c, pfull, 1.0) + 1e-10
    ii = lax.broadcasted_iota(_I32, (NCLU, NCLU), 0)
    jj = lax.broadcasted_iota(_I32, (NCLU, NCLU), 1)
    eye = (ii == jj).astype(_F32)
    dn = (((0,), (0,)), ((), ()))
    table_ref[pl.ds(0, NLEV), :] = lax.dot_general(pfull, eye, dn)
    lastp = jnp.where(gate_c, last, 1.0) + 1e-10
    table_ref[pl.ds(NLEV, 1), :] = lax.dot_general(lastp, eye, dn)


def _table_call(pmin, pmax, tcmin, tcmax, bits, logits):
    table, s, t, nlm1 = pl.pallas_call(
        _table_body,
        out_shape=[jax.ShapeDtypeStruct((NLEV + 1, NCLU), _F32),
                   jax.ShapeDtypeStruct((1, NCLU), _F32),
                   jax.ShapeDtypeStruct((1, NCLU), _F32),
                   jax.ShapeDtypeStruct((1, NCLU), _F32)],
    )(pmin, pmax, tcmin, tcmax,
      bits.reshape(1, NCLU), bits.reshape(NCLU, 1), logits)
    return table, s.reshape(NCLU), t.reshape(NCLU), nlm1.reshape(NCLU)


def _log2(x):
    bi = plsc.bitcast(x, _I32)
    ex = (bi >> 23) - 127
    mant = plsc.bitcast((bi & 0x007FFFFF) | 0x3F800000, _F32)
    p = jnp.full((L,), _L2C[6], _F32)
    for c in (_L2C[5], _L2C[4], _L2C[3], _L2C[2], _L2C[1], _L2C[0]):
        p = p * mant + c
    return ex.astype(_F32) + p


def _main_body(w_hbm, a_hbm, tab_hbm, s_hbm, t_hbm, nlm1_hbm, out_hbm,
               wb0, ab0, wb1, ab1, tabv, sv, tv, nlv, res,
               sw0, sa0, sw1, sa1):
    wid = _worker_id()
    base = wid * CHUNK
    pltpu.sync_copy(tab_hbm, tabv)
    pltpu.sync_copy(s_hbm, sv)
    pltpu.sync_copy(t_hbm, tv)
    pltpu.sync_copy(nlm1_hbm, nlv)

    def one(wb, ab, off, acc):
        w = wb[pl.ds(off, L)]
        a = ab[pl.ds(off, L)]
        s = plsc.load_gather(sv, [a])
        t = plsc.load_gather(tv, [a])
        nf = plsc.load_gather(nlv, [a])
        soft = jnp.minimum(w * s + t, nf)
        ifl = soft.astype(_I32)
        alpha = soft - ifl.astype(_F32)
        addr = (ifl << 4) + a
        pf = plsc.load_gather(tabv, [addr])
        pc = plsc.load_gather(tabv, [addr + L])
        itp = pf + alpha * (pc - pf)
        return acc + _log2(itp)

    def process(wb, ab, accs):
        def vec(k, accs):
            a0, a1 = accs
            off = k * (2 * L)
            a0 = one(wb, ab, off, a0)
            a1 = one(wb, ab, off + L, a1)
            return (a0, a1)

        return lax.fori_loop(0, SUB // (2 * L), vec, accs)

    acc0, acc1 = _stream_chunks(
        w_hbm, a_hbm, base, (wb0, ab0, wb1, ab1),
        (sw0, sa0, sw1, sa1), process,
        (jnp.zeros((L,), _F32), jnp.zeros((L,), _F32)))
    res[pl.ds(0, L)] = acc0 + acc1
    pltpu.sync_copy(res, out_hbm.at[pl.ds(wid * L, L)])


_main_call = pl.kernel(
    _main_body,
    out_type=[jax.ShapeDtypeStruct((NW * L,), _F32)],
    mesh=_MESH,
    compiler_params=_SC_PARAMS,
    scratch_types=[
        pltpu.VMEM((SUB,), _F32), pltpu.VMEM((SUB,), _I32),
        pltpu.VMEM((SUB,), _F32), pltpu.VMEM((SUB,), _I32),
        pltpu.VMEM(((NLEV + 1) * NCLU,), _F32),
        pltpu.VMEM((NCLU,), _F32), pltpu.VMEM((NCLU,), _F32),
        pltpu.VMEM((NCLU,), _F32),
        pltpu.VMEM((L,), _F32),
        pltpu.SemaphoreType.DMA, pltpu.SemaphoreType.DMA,
        pltpu.SemaphoreType.DMA, pltpu.SemaphoreType.DMA,
    ],
)


def _final_body(part_ref, out_ref):
    t = jnp.sum(part_ref[:], axis=1, keepdims=True)
    out_ref[:, :] = -jnp.sum(t, axis=0, keepdims=True) / float(NTOT)


def _final_call(part):
    return pl.pallas_call(
        _final_body,
        out_shape=jax.ShapeDtypeStruct((1, 1), _F32),
    )(part.reshape(NW, L))


@jax.jit
def kernel(quantized_weights, cluster_assignments, bit_allocation,
           cluster_logits, cluster_scales):
    w = quantized_weights.reshape(NTOT)
    a = cluster_assignments.reshape(NTOT)
    omin, omax = _minmax_call(w, a)
    tcmin, tcmax = _tcmm_call(w[SC_N:].reshape(TC_ROWS, 128),
                              a[SC_N:].reshape(TC_ROWS, 128))
    table, s, t, nlm1 = _table_call(
        omin.reshape(NW, L), omax.reshape(NW, L), tcmin, tcmax,
        bit_allocation, cluster_logits)
    (part,) = _main_call(w, a, table.reshape((NLEV + 1) * NCLU), s, t, nlm1)
    return _final_call(part)[0, 0]

# --- scband reference (transcript-rebuilt; emitter-appended) ---
"""Pipeline reference for scband-cluster-entropy-model-49289044689483 (READ-ONLY COPY).

The authoritative reference and input builder live on the scoring server;
editing this copy changes nothing except your own understanding.
"""

import jax, jax.numpy as jnp
import numpy as np

NUM_CLUSTERS = 16
MAX_LEVELS = 256
N = 4194304


def setup_inputs(seed: int = 0) -> dict:
    key = jax.random.key(seed)
    k1, k2, k3, k4 = jax.random.split(key, 4)
    quantized_weights = jax.random.normal(k1, (N,), dtype=jnp.float32)
    cluster_assignments = jax.random.randint(k2, (N,), 0, NUM_CLUSTERS, dtype=jnp.int32)
    bit_allocation = jax.random.randint(k3, (NUM_CLUSTERS,), 0, 8, dtype=jnp.int32)
    cluster_logits = jax.random.normal(k4, (NUM_CLUSTERS, MAX_LEVELS), dtype=jnp.float32)
    cluster_scales = jnp.ones((NUM_CLUSTERS,), dtype=jnp.float32)
    return {
        'quantized_weights': quantized_weights,
        'cluster_assignments': cluster_assignments,
        'bit_allocation': bit_allocation,
        'cluster_logits': cluster_logits,
        'cluster_scales': cluster_scales,
    }


def _forward(quantized_weights, cluster_logits, cluster_scales, cluster_assignments, bits_np):
    w = quantized_weights.ravel()
    a = cluster_assignments.ravel()
    total_bits = jnp.asarray(0.0, dtype=jnp.float32)
    total_weights = jnp.asarray(0.0, dtype=jnp.float32)
    for cid in range(NUM_CLUSTERS):
        probs_full = jax.nn.softmax(cluster_logits[cid], axis=-1)
        mask = (a == cid)
        count = jnp.sum(mask).astype(jnp.float32)
        has = count > 0
        wmin = jnp.where(has, jnp.min(jnp.where(mask, w, jnp.inf)), 0.0)
        wmax = jnp.where(has, jnp.max(jnp.where(mask, w, -jnp.inf)), 0.0)
        rng = wmax - wmin
        valid = rng >= 1e-08
        denom = jnp.where(valid, rng, 1.0)
        normalized = (w - wmin) / denom

        def make_branch(bits, probs_full=probs_full, mask=mask, count=count,
                        has=has, valid=valid, normalized=normalized):
            n_levels = int(2 ** bits)

            def branch(_):
                probs = probs_full[:n_levels]
                probs = probs / jnp.sum(probs)
                soft_indices = jnp.clip(normalized * (n_levels - 1), 0.0, float(n_levels - 1))
                indices_floor = soft_indices.astype(jnp.int32)
                indices_ceil = jnp.minimum(indices_floor + 1, n_levels - 1)
                alpha = soft_indices - indices_floor.astype(jnp.float32)
                prob_floor = probs[indices_floor]
                prob_ceil = probs[indices_ceil]
                interpolated = (1.0 - alpha) * prob_floor + alpha * prob_ceil
                bits_per_weight = -jnp.log2(interpolated + 1e-10)
                mean_bits = jnp.sum(jnp.where(mask, bits_per_weight, 0.0)) / jnp.maximum(count, 1.0)
                return jnp.where(has & valid, mean_bits, 0.0)

            return branch

        branches = [make_branch(b) for b in range(8)]
        cluster_bits = jax.lax.switch(bits_np[cid], branches, 0)
        total_bits = total_bits + cluster_bits * count
        total_weights = total_weights + count
    return jnp.where(total_weights > 0, total_bits / jnp.maximum(total_weights, 1.0), 0.0)


def reference(quantized_weights, cluster_assignments, bit_allocation, cluster_logits, cluster_scales):
    bits_np = jnp.asarray(bit_allocation)
    return _forward(quantized_weights, cluster_logits, cluster_scales, cluster_assignments, bits_np)

if __name__ == "__main__":
    import jax
    _d = setup_inputs()
    print(jax.jit(kernel)(*tuple(_d.values())))

</pallas_src>

<mosaic_0001>
#map = affine_map<(d0, d1) -> (0)>
module attributes {stable_mosaic.version = 14 : i64} {
  func.func @_main_body(%arg0: i32, %arg1: i32, %arg2: memref<4194304xf32, #tpu.memory_space<hbm>>, %arg3: memref<4194304xi32, #tpu.memory_space<hbm>>, %arg4: memref<2064xf32, #tpu.memory_space<hbm>>, %arg5: memref<16xf32, #tpu.memory_space<hbm>>, %arg6: memref<16xf32, #tpu.memory_space<hbm>>, %arg7: memref<16xf32, #tpu.memory_space<hbm>>, %arg8: memref<512xf32, #tpu.memory_space<hbm>>, %arg9: memref<8192xf32, #tpu.memory_space<vmem>>, %arg10: memref<8192xi32, #tpu.memory_space<vmem>>, %arg11: memref<8192xf32, #tpu.memory_space<vmem>>, %arg12: memref<8192xi32, #tpu.memory_space<vmem>>, %arg13: memref<2064xf32, #tpu.memory_space<vmem>>, %arg14: memref<16xf32, #tpu.memory_space<vmem>>, %arg15: memref<16xf32, #tpu.memory_space<vmem>>, %arg16: memref<16xf32, #tpu.memory_space<vmem>>, %arg17: memref<16xf32, #tpu.memory_space<vmem>>, %arg18: memref<!tpu.dma_semaphore, #tpu.memory_space<semaphore_mem>>, %arg19: memref<!tpu.dma_semaphore, #tpu.memory_space<semaphore_mem>>, %arg20: memref<!tpu.dma_semaphore, #tpu.memory_space<semaphore_mem>>, %arg21: memref<!tpu.dma_semaphore, #tpu.memory_space<semaphore_mem>>) attributes {dimension_semantics = [#tpu.dimension_semantics<core_parallel>, #tpu.dimension_semantics<subcore_parallel>], iteration_bounds = array<i64: 2, 16>, scalar_prefetch = 0 : i64, scratch_operands = 13 : i64, tpu.core_type = #tpu.core_type<sc_vector_subcore>, window_params = [{transform_indices = #map}, {transform_indices = #map}, {transform_indices = #map}, {transform_indices = #map}, {transform_indices = #map}, {transform_indices = #map}, {transform_indices = #map}]} {
    %mul3A = arith.constant 2 : i32
    %mul3A_0 = arith.muli %arg1, %mul3A : i32
    %add3A = arith.addi %mul3A_0, %arg0 : i32
    %mul3A_1 = arith.constant 131072 : i32
    %mul3A_2 = arith.muli %add3A, %mul3A_1 : i32
    "tpu.region"() ({
      %run_scoped3A = tpu.sem_alloc : memref<!tpu.dma_semaphore, #tpu.memory_space<semaphore_mem>>
      tpu.enqueue_dma source(%arg4 : memref<2064xf32, #tpu.memory_space<hbm>>) target(%arg13 : memref<2064xf32, #tpu.memory_space<vmem>>) target_semaphore(%run_scoped3A : memref<!tpu.dma_semaphore, #tpu.memory_space<semaphore_mem>>)
      tpu.wait_dma2 semaphore(%run_scoped3A : memref<!tpu.dma_semaphore, #tpu.memory_space<semaphore_mem>>) src(%arg4 : memref<2064xf32, #tpu.memory_space<hbm>>) dst(%arg13 : memref<2064xf32, #tpu.memory_space<vmem>>)
      tpu.yield
    }) : () -> ()
    "tpu.region"() ({
      %run_scoped3A = tpu.sem_alloc : memref<!tpu.dma_semaphore, #tpu.memory_space<semaphore_mem>>
      tpu.enqueue_dma source(%arg5 : memref<16xf32, #tpu.memory_space<hbm>>) target(%arg14 : memref<16xf32, #tpu.memory_space<vmem>>) target_semaphore(%run_scoped3A : memref<!tpu.dma_semaphore, #tpu.memory_space<semaphore_mem>>)
      tpu.wait_dma2 semaphore(%run_scoped3A : memref<!tpu.dma_semaphore, #tpu.memory_space<semaphore_mem>>) src(%arg5 : memref<16xf32, #tpu.memory_space<hbm>>) dst(%arg14 : memref<16xf32, #tpu.memory_space<vmem>>)
      tpu.yield
    }) : () -> ()
    "tpu.region"() ({
      %run_scoped3A = tpu.sem_alloc : memref<!tpu.dma_semaphore, #tpu.memory_space<semaphore_mem>>
      tpu.enqueue_dma source(%arg6 : memref<16xf32, #tpu.memory_space<hbm>>) target(%arg15 : memref<16xf32, #tpu.memory_space<vmem>>) target_semaphore(%run_scoped3A : memref<!tpu.dma_semaphore, #tpu.memory_space<semaphore_mem>>)
      tpu.wait_dma2 semaphore(%run_scoped3A : memref<!tpu.dma_semaphore, #tpu.memory_space<semaphore_mem>>) src(%arg6 : memref<16xf32, #tpu.memory_space<hbm>>) dst(%arg15 : memref<16xf32, #tpu.memory_space<vmem>>)
      tpu.yield
    }) : () -> ()
    "tpu.region"() ({
      %run_scoped3A = tpu.sem_alloc : memref<!tpu.dma_semaphore, #tpu.memory_space<semaphore_mem>>
      tpu.enqueue_dma source(%arg7 : memref<16xf32, #tpu.memory_space<hbm>>) target(%arg16 : memref<16xf32, #tpu.memory_space<vmem>>) target_semaphore(%run_scoped3A : memref<!tpu.dma_semaphore, #tpu.memory_space<semaphore_mem>>)
      tpu.wait_dma2 semaphore(%run_scoped3A : memref<!tpu.dma_semaphore, #tpu.memory_space<semaphore_mem>>) src(%arg7 : memref<16xf32, #tpu.memory_space<hbm>>) dst(%arg16 : memref<16xf32, #tpu.memory_space<vmem>>)
      tpu.yield
    }) : () -> ()
    %broadcast_in_dim3A = arith.constant 0.000000e+00 : f32
    %broadcast_in_dim3A_3 = vector.broadcast %broadcast_in_dim3A : f32 to vector<16xf32>
    %broadcast_in_dim3A_4 = arith.constant 0.000000e+00 : f32
    %broadcast_in_dim3A_5 = vector.broadcast %broadcast_in_dim3A_4 : f32 to vector<16xf32>
    %dma_start3A = tpu.memref_slice %arg2[%mul3A_2] : memref<4194304xf32, #tpu.memory_space<hbm>> -> memref<8192xf32, #tpu.memory_space<hbm>>
    %dma_start3A_6 = tpu.memref_slice %arg2[%mul3A_2] : memref<4194304xf32, #tpu.memory_space<hbm>> -> memref<8192xf32, #tpu.memory_space<hbm>>
    tpu.enqueue_dma source(%dma_start3A_6 : memref<8192xf32, #tpu.memory_space<hbm>>) target(%arg9 : memref<8192xf32, #tpu.memory_space<vmem>>) target_semaphore(%arg18 : memref<!tpu.dma_semaphore, #tpu.memory_space<semaphore_mem>>)
    %dma_start3A_7 = tpu.memref_slice %arg3[%mul3A_2] : memref<4194304xi32, #tpu.memory_space<hbm>> -> memref<8192xi32, #tpu.memory_space<hbm>>
    %dma_start3A_8 = tpu.memref_slice %arg3[%mul3A_2] : memref<4194304xi32, #tpu.memory_space<hbm>> -> memref<8192xi32, #tpu.memory_space<hbm>>
    tpu.enqueue_dma source(%dma_start3A_8 : memref<8192xi32, #tpu.memory_space<hbm>>) target(%arg10 : memref<8192xi32, #tpu.memory_space<vmem>>) target_semaphore(%arg19 : memref<!tpu.dma_semaphore, #tpu.memory_space<semaphore_mem>>)
    %scan3A = arith.constant 0 : i32
    %scan3A_9 = arith.constant 8 : i32
    %scan3A_10 = arith.addi %scan3A, %scan3A_9 : i32
    %scan3A_11 = arith.constant 1 : i32
    %scan3A_12:2 = scf.for %scan3A_18 = %scan3A to %scan3A_10 step %scan3A_11 iter_args(%scan3A_19 = %broadcast_in_dim3A_3, %scan3A_20 = %broadcast_in_dim3A_5) -> (vector<16xf32>, vector<16xf32>)  : i32 {
      %mul3A_21 = arith.constant 2 : i32
      %mul3A_22 = arith.muli %mul3A_21, %scan3A_18 : i32
      %mul3A_23 = arith.constant 8192 : i32
      %mul3A_24 = arith.muli %mul3A_22, %mul3A_23 : i32
      %add3A_25 = arith.addi %mul3A_2, %mul3A_24 : i32
      %mul3A_26 = arith.constant 2 : i32
      %mul3A_27 = arith.muli %mul3A_26, %scan3A_18 : i32
      %add3A_28 = arith.constant 1 : i32
      %add3A_29 = arith.addi %mul3A_27, %add3A_28 : i32
      %mul3A_30 = arith.constant 8192 : i32
      %mul3A_31 = arith.muli %add3A_29, %mul3A_30 : i32
      %add3A_32 = arith.addi %mul3A_2, %mul3A_31 : i32
      %mul3A_33 = arith.constant 2 : i32
      %mul3A_34 = arith.muli %mul3A_33, %scan3A_18 : i32
      %add3A_35 = arith.constant 2 : i32
      %add3A_36 = arith.addi %mul3A_34, %add3A_35 : i32
      %mul3A_37 = arith.constant 8192 : i32
      %mul3A_38 = arith.muli %add3A_36, %mul3A_37 : i32
      %add3A_39 = arith.addi %mul3A_2, %mul3A_38 : i32
      %dma_start3A_40 = tpu.memref_slice %arg2[%add3A_32] : memref<4194304xf32, #tpu.memory_space<hbm>> -> memref<8192xf32, #tpu.memory_space<hbm>>
      %dma_start3A_41 = tpu.memref_slice %arg2[%add3A_32] : memref<4194304xf32, #tpu.memory_space<hbm>> -> memref<8192xf32, #tpu.memory_space<hbm>>
      tpu.enqueue_dma source(%dma_start3A_41 : memref<8192xf32, #tpu.memory_space<hbm>>) target(%arg11 : memref<8192xf32, #tpu.memory_space<vmem>>) target_semaphore(%arg20 : memref<!tpu.dma_semaphore, #tpu.memory_space<semaphore_mem>>)
      %dma_start3A_42 = tpu.memref_slice %arg3[%add3A_32] : memref<4194304xi32, #tpu.memory_space<hbm>> -> memref<8192xi32, #tpu.memory_space<hbm>>
      %dma_start3A_43 = tpu.memref_slice %arg3[%add3A_32] : memref<4194304xi32, #tpu.memory_space<hbm>> -> memref<8192xi32, #tpu.memory_space<hbm>>
      tpu.enqueue_dma source(%dma_start3A_43 : memref<8192xi32, #tpu.memory_space<hbm>>) target(%arg12 : memref<8192xi32, #tpu.memory_space<vmem>>) target_semaphore(%arg21 : memref<!tpu.dma_semaphore, #tpu.memory_space<semaphore_mem>>)
      %dma_wait3A = tpu.memref_slice %arg2[%add3A_25] : memref<4194304xf32, #tpu.memory_space<hbm>> -> memref<8192xf32, #tpu.memory_space<hbm>>
      %dma_wait3A_44 = tpu.memref_slice %arg2[%add3A_25] : memref<4194304xf32, #tpu.memory_space<hbm>> -> memref<8192xf32, #tpu.memory_space<hbm>>
      tpu.wait_dma2 semaphore(%arg18 : memref<!tpu.dma_semaphore, #tpu.memory_space<semaphore_mem>>) src(%dma_wait3A_44 : memref<8192xf32, #tpu.memory_space<hbm>>) dst(%arg9 : memref<8192xf32, #tpu.memory_space<vmem>>)
      %dma_wait3A_45 = tpu.memref_slice %arg3[%add3A_25] : memref<4194304xi32, #tpu.memory_space<hbm>> -> memref<8192xi32, #tpu.memory_space<hbm>>
      %dma_wait3A_46 = tpu.memref_slice %arg3[%add3A_25] : memref<4194304xi32, #tpu.memory_space<hbm>> -> memref<8192xi32, #tpu.memory_space<hbm>>
      tpu.wait_dma2 semaphore(%arg19 : memref<!tpu.dma_semaphore, #tpu.memory_space<semaphore_mem>>) src(%dma_wait3A_46 : memref<8192xi32, #tpu.memory_space<hbm>>) dst(%arg10 : memref<8192xi32, #tpu.memory_space<vmem>>)
      %scan3A_47 = arith.constant 0 : i32
      %scan3A_48 = arith.constant 256 : i32
      %scan3A_49 = arith.addi %scan3A_47, %scan3A_48 : i32
      %scan3A_50 = arith.constant 1 : i32
      %scan3A_51:2 = scf.for %scan3A_65 = %scan3A_47 to %scan3A_49 step %scan3A_50 iter_args(%scan3A_66 = %scan3A_19, %scan3A_67 = %scan3A_20) -> (vector<16xf32>, vector<16xf32>)  : i32 {
        %mul3A_68 = arith.constant 32 : i32
        %mul3A_69 = arith.muli %scan3A_65, %mul3A_68 : i32
        %get3A = arith.index_cast %mul3A_69 : i32 to index
        %get3A_70 = tpu.vector_load %arg9[%get3A] {strides = array<i32>} : memref<8192xf32, #tpu.memory_space<vmem>>, vector<16xf32>,
        %get3A_71 = arith.index_cast %mul3A_69 : i32 to index
        %get3A_72 = tpu.vector_load %arg10[%get3A_71] {strides = array<i32>} : memref<8192xi32, #tpu.memory_space<vmem>>, vector<16xi32>,
        %gather3A = tpu.vector_load_idx %arg14[%get3A_72] : memref<16xf32, #tpu.memory_space<vmem>>[vector<16xi32>], vector<16xf32>,
        %gather3A_73 = tpu.vector_load_idx %arg15[%get3A_72] : memref<16xf32, #tpu.memory_space<vmem>>[vector<16xi32>], vector<16xf32>,
        %gather3A_74 = tpu.vector_load_idx %arg16[%get3A_72] : memref<16xf32, #tpu.memory_space<vmem>>[vector<16xi32>], vector<16xf32>,
        %mul3A_75 = arith.mulf %get3A_70, %gather3A : vector<16xf32>
        %add3A_76 = arith.addf %mul3A_75, %gather3A_73 : vector<16xf32>
        %min3A = arith.minimumf %add3A_76, %gather3A_74 : vector<16xf32>
        %convert_element_type3A_77 = arith.fptosi %min3A : vector<16xf32> to vector<16xi32>
        %convert_element_type3A_78 = arith.sitofp %convert_element_type3A_77 : vector<16xi32> to vector<16xf32>
        %sub3A = arith.subf %min3A, %convert_element_type3A_78 : vector<16xf32>
        %shift_left3A = arith.constant 4 : i32
        %shift_left3A_79 = vector.broadcast %shift_left3A : i32 to vector<16xi32>
        %shift_left3A_80 = arith.shli %convert_element_type3A_77, %shift_left3A_79 : vector<16xi32>
        %add3A_81 = arith.addi %shift_left3A_80, %get3A_72 : vector<16xi32>
        %gather3A_82 = tpu.vector_load_idx %arg13[%add3A_81] : memref<2064xf32, #tpu.memory_space<vmem>>[vector<16xi32>], vector<16xf32>,
        %add3A_83 = arith.constant 16 : i32
        %add3A_84 = vector.broadcast %add3A_83 : i32 to vector<16xi32>
        %add3A_85 = arith.addi %add3A_81, %add3A_84 : vector<16xi32>
        %gather3A_86 = tpu.vector_load_idx %arg13[%add3A_85] : memref<2064xf32, #tpu.memory_space<vmem>>[vector<16xi32>], vector<16xf32>,
        %sub3A_87 = arith.subf %gather3A_86, %gather3A_82 : vector<16xf32>
        %mul3A_88 = arith.mulf %sub3A, %sub3A_87 : vector<16xf32>
        %add3A_89 = arith.addf %gather3A_82, %mul3A_88 : vector<16xf32>
        %bitcast3A = vector.bitcast %add3A_89 : vector<16xf32> to vector<16xi32>
        %shift_right_arithmetic3A = arith.constant 23 : i32
        %shift_right_arithmetic3A_90 = vector.broadcast %shift_right_arithmetic3A : i32 to vector<16xi32>
        %shift_right_arithmetic3A_91 = arith.shrsi %bitcast3A, %shift_right_arithmetic3A_90 : vector<16xi32>
        %sub3A_92 = arith.constant 127 : i32
        %sub3A_93 = vector.broadcast %sub3A_92 : i32 to vector<16xi32>
        %sub3A_94 = arith.subi %shift_right_arithmetic3A_91, %sub3A_93 : vector<16xi32>
        %and3A = arith.constant 8388607 : i32
        %and3A_95 = vector.broadcast %and3A : i32 to vector<16xi32>
        %and3A_96 = arith.andi %bitcast3A, %and3A_95 : vector<16xi32>
        %or3A = arith.constant 1065353216 : i32
        %or3A_97 = vector.broadcast %or3A : i32 to vector<16xi32>
        %or3A_98 = arith.ori %and3A_96, %or3A_97 : vector<16xi32>
        %bitcast3A_99 = vector.bitcast %or3A_98 : vector<16xi32> to vector<16xf32>
        %broadcast_in_dim3A_100 = arith.constant -0.0248256065 : f32
        %broadcast_in_dim3A_101 = vector.broadcast %broadcast_in_dim3A_100 : f32 to vector<16xf32>
        %mul3A_102 = arith.mulf %broadcast_in_dim3A_101, %bitcast3A_99 : vector<16xf32>
        %add3A_103 = arith.constant 0.266858816 : f32
        %add3A_104 = vector.broadcast %add3A_103 : f32 to vector<16xf32>
        %add3A_105 = arith.addf %mul3A_102, %add3A_104 : vector<16xf32>
        %mul3A_106 = arith.mulf %add3A_105, %bitcast3A_99 : vector<16xf32>
        %add3A_107 = arith.constant -1.23426318 : f32
        %add3A_108 = vector.broadcast %add3A_107 : f32 to vector<16xf32>
        %add3A_109 = arith.addf %mul3A_106, %add3A_108 : vector<16xf32>
        %mul3A_110 = arith.mulf %add3A_109, %bitcast3A_99 : vector<16xf32>
        %add3A_111 = arith.constant 3.21883273 : f32
        %add3A_112 = vector.broadcast %add3A_111 : f32 to vector<16xf32>
        %add3A_113 = arith.addf %mul3A_110, %add3A_112 : vector<16xf32>
        %mul3A_114 = arith.mulf %add3A_113, %bitcast3A_99 : vector<16xf32>
        %add3A_115 = arith.constant -5.26411057 : f32
        %add3A_116 = vector.broadcast %add3A_115 : f32 to vector<16xf32>
        %add3A_117 = arith.addf %mul3A_114, %add3A_116 : vector<16xf32>
        %mul3A_118 = arith.mulf %add3A_117, %bitcast3A_99 : vector<16xf32>
        %add3A_119 = arith.constant 6.065830e+00 : f32
        %add3A_120 = vector.broadcast %add3A_119 : f32 to vector<16xf32>
        %add3A_121 = arith.addf %mul3A_118, %add3A_120 : vector<16xf32>
        %mul3A_122 = arith.mulf %add3A_121, %bitcast3A_99 : vector<16xf32>
        %add3A_123 = arith.constant -3.02831745 : f32
        %add3A_124 = vector.broadcast %add3A_123 : f32 to vector<16xf32>
        %add3A_125 = arith.addf %mul3A_122, %add3A_124 : vector<16xf32>
        %convert_element_type3A_126 = arith.sitofp %sub3A_94 : vector<16xi32> to vector<16xf32>
        %add3A_127 = arith.addf %convert_element_type3A_126, %add3A_125 : vector<16xf32>
        %add3A_128 = arith.addf %scan3A_66, %add3A_127 : vector<16xf32>
        %add3A_129 = arith.constant 16 : i32
        %add3A_130 = arith.addi %mul3A_69, %add3A_129 : i32
        %get3A_131 = arith.index_cast %add3A_130 : i32 to index
        %get3A_132 = tpu.vector_load %arg9[%get3A_131] {strides = array<i32>} : memref<8192xf32, #tpu.memory_space<vmem>>, vector<16xf32>,
        %get3A_133 = arith.index_cast %add3A_130 : i32 to index
        %get3A_134 = tpu.vector_load %arg10[%get3A_133] {strides = array<i32>} : memref<8192xi32, #tpu.memory_space<vmem>>, vector<16xi32>,
        %gather3A_135 = tpu.vector_load_idx %arg14[%get3A_134] : memref<16xf32, #tpu.memory_space<vmem>>[vector<16xi32>], vector<16xf32>,
        %gather3A_136 = tpu.vector_load_idx %arg15[%get3A_134] : memref<16xf32, #tpu.memory_space<vmem>>[vector<16xi32>], vector<16xf32>,
        %gather3A_137 = tpu.vector_load_idx %arg16[%get3A_134] : memref<16xf32, #tpu.memory_space<vmem>>[vector<16xi32>], vector<16xf32>,
        %mul3A_138 = arith.mulf %get3A_132, %gather3A_135 : vector<16xf32>
        %add3A_139 = arith.addf %mul3A_138, %gather3A_136 : vector<16xf32>
        %min3A_140 = arith.minimumf %add3A_139, %gather3A_137 : vector<16xf32>
        %convert_element_type3A_141 = arith.fptosi %min3A_140 : vector<16xf32> to vector<16xi32>
        %convert_element_type3A_142 = arith.sitofp %convert_element_type3A_141 : vector<16xi32> to vector<16xf32>
        %sub3A_143 = arith.subf %min3A_140, %convert_element_type3A_142 : vector<16xf32>
        %shift_left3A_144 = arith.constant 4 : i32
        %shift_left3A_145 = vector.broadcast %shift_left3A_144 : i32 to vector<16xi32>
        %shift_left3A_146 = arith.shli %convert_element_type3A_141, %shift_left3A_145 : vector<16xi32>
        %add3A_147 = arith.addi %shift_left3A_146, %get3A_134 : vector<16xi32>
        %gather3A_148 = tpu.vector_load_idx %arg13[%add3A_147] : memref<2064xf32, #tpu.memory_space<vmem>>[vector<16xi32>], vector<16xf32>,
        %add3A_149 = arith.constant 16 : i32
        %add3A_150 = vector.broadcast %add3A_149 : i32 to vector<16xi32>
        %add3A_151 = arith.addi %add3A_147, %add3A_150 : vector<16xi32>
        %gather3A_152 = tpu.vector_load_idx %arg13[%add3A_151] : memref<2064xf32, #tpu.memory_space<vmem>>[vector<16xi32>], vector<16xf32>,
        %sub3A_153 = arith.subf %gather3A_152, %gather3A_148 : vector<16xf32>
        %mul3A_154 = arith.mulf %sub3A_143, %sub3A_153 : vector<16xf32>
        %add3A_155 = arith.addf %gather3A_148, %mul3A_154 : vector<16xf32>
        %bitcast3A_156 = vector.bitcast %add3A_155 : vector<16xf32> to vector<16xi32>
        %shift_right_arithmetic3A_157 = arith.constant 23 : i32
        %shift_right_arithmetic3A_158 = vector.broadcast %shift_right_arithmetic3A_157 : i32 to vector<16xi32>
        %shift_right_arithmetic3A_159 = arith.shrsi %bitcast3A_156, %shift_right_arithmetic3A_158 : vector<16xi32>
        %sub3A_160 = arith.constant 127 : i32
        %sub3A_161 = vector.broadcast %sub3A_160 : i32 to vector<16xi32>
        %sub3A_162 = arith.subi %shift_right_arithmetic3A_159, %sub3A_161 : vector<16xi32>
        %and3A_163 = arith.constant 8388607 : i32
        %and3A_164 = vector.broadcast %and3A_163 : i32 to vector<16xi32>
        %and3A_165 = arith.andi %bitcast3A_156, %and3A_164 : vector<16xi32>
        %or3A_166 = arith.constant 1065353216 : i32
        %or3A_167 = vector.broadcast %or3A_166 : i32 to vector<16xi32>
        %or3A_168 = arith.ori %and3A_165, %or3A_167 : vector<16xi32>
        %bitcast3A_169 = vector.bitcast %or3A_168 : vector<16xi32> to vector<16xf32>
        %broadcast_in_dim3A_170 = arith.constant -0.0248256065 : f32
        %broadcast_in_dim3A_171 = vector.broadcast %broadcast_in_dim3A_170 : f32 to vector<16xf32>
        %mul3A_172 = arith.mulf %broadcast_in_dim3A_171, %bitcast3A_169 : vector<16xf32>
        %add3A_173 = arith.constant 0.266858816 : f32
        %add3A_174 = vector.broadcast %add3A_173 : f32 to vector<16xf32>
        %add3A_175 = arith.addf %mul3A_172, %add3A_174 : vector<16xf32>
        %mul3A_176 = arith.mulf %add3A_175, %bitcast3A_169 : vector<16xf32>
        %add3A_177 = arith.constant -1.23426318 : f32
        %add3A_178 = vector.broadcast %add3A_177 : f32 to vector<16xf32>
        %add3A_179 = arith.addf %mul3A_176, %add3A_178 : vector<16xf32>
        %mul3A_180 = arith.mulf %add3A_179, %bitcast3A_169 : vector<16xf32>
        %add3A_181 = arith.constant 3.21883273 : f32
        %add3A_182 = vector.broadcast %add3A_181 : f32 to vector<16xf32>
        %add3A_183 = arith.addf %mul3A_180, %add3A_182 : vector<16xf32>
        %mul3A_184 = arith.mulf %add3A_183, %bitcast3A_169 : vector<16xf32>
        %add3A_185 = arith.constant -5.26411057 : f32
        %add3A_186 = vector.broadcast %add3A_185 : f32 to vector<16xf32>
        %add3A_187 = arith.addf %mul3A_184, %add3A_186 : vector<16xf32>
        %mul3A_188 = arith.mulf %add3A_187, %bitcast3A_169 : vector<16xf32>
        %add3A_189 = arith.constant 6.065830e+00 : f32
        %add3A_190 = vector.broadcast %add3A_189 : f32 to vector<16xf32>
        %add3A_191 = arith.addf %mul3A_188, %add3A_190 : vector<16xf32>
        %mul3A_192 = arith.mulf %add3A_191, %bitcast3A_169 : vector<16xf32>
        %add3A_193 = arith.constant -3.02831745 : f32
        %add3A_194 = vector.broadcast %add3A_193 : f32 to vector<16xf32>
        %add3A_195 = arith.addf %mul3A_192, %add3A_194 : vector<16xf32>
        %convert_element_type3A_196 = arith.sitofp %sub3A_162 : vector<16xi32> to vector<16xf32>
        %add3A_197 = arith.addf %convert_element_type3A_196, %add3A_195 : vector<16xf32>
        %add3A_198 = arith.addf %scan3A_67, %add3A_197 : vector<16xf32>
        scf.yield %add3A_128, %add3A_198 : vector<16xf32>, vector<16xf32>
      }
      %scan3A_52 = arith.constant 256 : i32
      %lt3A = arith.constant 7 : i32
      %lt3A_53 = arith.cmpi slt, %scan3A_18, %lt3A : i32
      %convert_element_type3A = arith.extui %lt3A_53 : i1 to i32
      %cond3A = arith.constant 0 : i32
      %cond3A_54 = arith.cmpi ne, %convert_element_type3A, %cond3A : i32
      scf.if %cond3A_54 {
        %dma_start3A_65 = tpu.memref_slice %arg2[%add3A_39] : memref<4194304xf32, #tpu.memory_space<hbm>> -> memref<8192xf32, #tpu.memory_space<hbm>>
        %dma_start3A_66 = tpu.memref_slice %arg2[%add3A_39] : memref<4194304xf32, #tpu.memory_space<hbm>> -> memref<8192xf32, #tpu.memory_space<hbm>>
        tpu.enqueue_dma source(%dma_start3A_66 : memref<8192xf32, #tpu.memory_space<hbm>>) target(%arg9 : memref<8192xf32, #tpu.memory_space<vmem>>) target_semaphore(%arg18 : memref<!tpu.dma_semaphore, #tpu.memory_space<semaphore_mem>>)
        %dma_start3A_67 = tpu.memref_slice %arg3[%add3A_39] : memref<4194304xi32, #tpu.memory_space<hbm>> -> memref<8192xi32, #tpu.memory_space<hbm>>
        %dma_start3A_68 = tpu.memref_slice %arg3[%add3A_39] : memref<4194304xi32, #tpu.memory_space<hbm>> -> memref<8192xi32, #tpu.memory_space<hbm>>
        tpu.enqueue_dma source(%dma_start3A_68 : memref<8192xi32, #tpu.memory_space<hbm>>) target(%arg10 : memref<8192xi32, #tpu.memory_space<vmem>>) target_semaphore(%arg19 : memref<!tpu.dma_semaphore, #tpu.memory_space<semaphore_mem>>)
      } else {
      }
      %dma_wait3A_55 = tpu.memref_slice %arg2[%add3A_32] : memref<4194304xf32, #tpu.memory_space<hbm>> -> memref<8192xf32, #tpu.memory_space<hbm>>
      %dma_wait3A_56 = tpu.memref_slice %arg2[%add3A_32] : memref<4194304xf32, #tpu.memory_space<hbm>> -> memref<8192xf32, #tpu.memory_space<hbm>>
      tpu.wait_dma2 semaphore(%arg20 : memref<!tpu.dma_semaphore, #tpu.memory_space<semaphore_mem>>) src(%dma_wait3A_56 : memref<8192xf32, #tpu.memory_space<hbm>>) dst(%arg11 : memref<8192xf32, #tpu.memory_space<vmem>>)
      %dma_wait3A_57 = tpu.memref_slice %arg3[%add3A_32] : memref<4194304xi32, #tpu.memory_space<hbm>> -> memref<8192xi32, #tpu.memory_space<hbm>>
      %dma_wait3A_58 = tpu.memref_slice %arg3[%add3A_32] : memref<4194304xi32, #tpu.memory_space<hbm>> -> memref<8192xi32, #tpu.memory_space<hbm>>
      tpu.wait_dma2 semaphore(%arg21 : memref<!tpu.dma_semaphore, #tpu.memory_space<semaphore_mem>>) src(%dma_wait3A_58 : memref<8192xi32, #tpu.memory_space<hbm>>) dst(%arg12 : memref<8192xi32, #tpu.memory_space<vmem>>)
      %scan3A_59 = arith.constant 0 : i32
      %scan3A_60 = arith.constant 256 : i32
      %scan3A_61 = arith.addi %scan3A_59, %scan3A_60 : i32
      %scan3A_62 = arith.constant 1 : i32
      %scan3A_63:2 = scf.for %scan3A_65 = %scan3A_59 to %scan3A_61 step %scan3A_62 iter_args(%scan3A_66 = %scan3A_51#0, %scan3A_67 = %scan3A_51#1) -> (vector<16xf32>, vector<16xf32>)  : i32 {
        %mul3A_68 = arith.constant 32 : i32
        %mul3A_69 = arith.muli %scan3A_65, %mul3A_68 : i32
        %get3A = arith.index_cast %mul3A_69 : i32 to index
        %get3A_70 = tpu.vector_load %arg11[%get3A] {strides = array<i32>} : memref<8192xf32, #tpu.memory_space<vmem>>, vector<16xf32>,
        %get3A_71 = arith.index_cast %mul3A_69 : i32 to index
        %get3A_72 = tpu.vector_load %arg12[%get3A_71] {strides = array<i32>} : memref<8192xi32, #tpu.memory_space<vmem>>, vector<16xi32>,
        %gather3A = tpu.vector_load_idx %arg14[%get3A_72] : memref<16xf32, #tpu.memory_space<vmem>>[vector<16xi32>], vector<16xf32>,
        %gather3A_73 = tpu.vector_load_idx %arg15[%get3A_72] : memref<16xf32, #tpu.memory_space<vmem>>[vector<16xi32>], vector<16xf32>,
        %gather3A_74 = tpu.vector_load_idx %arg16[%get3A_72] : memref<16xf32, #tpu.memory_space<vmem>>[vector<16xi32>], vector<16xf32>,
        %mul3A_75 = arith.mulf %get3A_70, %gather3A : vector<16xf32>
        %add3A_76 = arith.addf %mul3A_75, %gather3A_73 : vector<16xf32>
        %min3A = arith.minimumf %add3A_76, %gather3A_74 : vector<16xf32>
        %convert_element_type3A_77 = arith.fptosi %min3A : vector<16xf32> to vector<16xi32>
        %convert_element_type3A_78 = arith.sitofp %convert_element_type3A_77 : vector<16xi32> to vector<16xf32>
        %sub3A = arith.subf %min3A, %convert_element_type3A_78 : vector<16xf32>
        %shift_left3A = arith.constant 4 : i32
        %shift_left3A_79 = vector.broadcast %shift_left3A : i32 to vector<16xi32>
        %shift_left3A_80 = arith.shli %convert_element_type3A_77, %shift_left3A_79 : vector<16xi32>
        %add3A_81 = arith.addi %shift_left3A_80, %get3A_72 : vector<16xi32>
        %gather3A_82 = tpu.vector_load_idx %arg13[%add3A_81] : memref<2064xf32, #tpu.memory_space<vmem>>[vector<16xi32>], vector<16xf32>,
        %add3A_83 = arith.constant 16 : i32
        %add3A_84 = vector.broadcast %add3A_83 : i32 to vector<16xi32>
        %add3A_85 = arith.addi %add3A_81, %add3A_84 : vector<16xi32>
        %gather3A_86 = tpu.vector_load_idx %arg13[%add3A_85] : memref<2064xf32, #tpu.memory_space<vmem>>[vector<16xi32>], vector<16xf32>,
        %sub3A_87 = arith.subf %gather3A_86, %gather3A_82 : vector<16xf32>
        %mul3A_88 = arith.mulf %sub3A, %sub3A_87 : vector<16xf32>
        %add3A_89 = arith.addf %gather3A_82, %mul3A_88 : vector<16xf32>
        %bitcast3A = vector.bitcast %add3A_89 : vector<16xf32> to vector<16xi32>
        %shift_right_arithmetic3A = arith.constant 23 : i32
        %shift_right_arithmetic3A_90 = vector.broadcast %shift_right_arithmetic3A : i32 to vector<16xi32>
        %shift_right_arithmetic3A_91 = arith.shrsi %bitcast3A, %shift_right_arithmetic3A_90 : vector<16xi32>
        %sub3A_92 = arith.constant 127 : i32
        %sub3A_93 = vector.broadcast %sub3A_92 : i32 to vector<16xi32>
        %sub3A_94 = arith.subi %shift_right_arithmetic3A_91, %sub3A_93 : vector<16xi32>
        %and3A = arith.constant 8388607 : i32
        %and3A_95 = vector.broadcast %and3A : i32 to vector<16xi32>
        %and3A_96 = arith.andi %bitcast3A, %and3A_95 : vector<16xi32>
        %or3A = arith.constant 1065353216 : i32
        %or3A_97 = vector.broadcast %or3A : i32 to vector<16xi32>
        %or3A_98 = arith.ori %and3A_96, %or3A_97 : vector<16xi32>
        %bitcast3A_99 = vector.bitcast %or3A_98 : vector<16xi32> to vector<16xf32>
        %broadcast_in_dim3A_100 = arith.constant -0.0248256065 : f32
        %broadcast_in_dim3A_101 = vector.broadcast %broadcast_in_dim3A_100 : f32 to vector<16xf32>
        %mul3A_102 = arith.mulf %broadcast_in_dim3A_101, %bitcast3A_99 : vector<16xf32>
        %add3A_103 = arith.constant 0.266858816 : f32
        %add3A_104 = vector.broadcast %add3A_103 : f32 to vector<16xf32>
        %add3A_105 = arith.addf %mul3A_102, %add3A_104 : vector<16xf32>
        %mul3A_106 = arith.mulf %add3A_105, %bitcast3A_99 : vector<16xf32>
        %add3A_107 = arith.constant -1.23426318 : f32
        %add3A_108 = vector.broadcast %add3A_107 : f32 to vector<16xf32>
        %add3A_109 = arith.addf %mul3A_106, %add3A_108 : vector<16xf32>
        %mul3A_110 = arith.mulf %add3A_109, %bitcast3A_99 : vector<16xf32>
        %add3A_111 = arith.constant 3.21883273 : f32
        %add3A_112 = vector.broadcast %add3A_111 : f32 to vector<16xf32>
        %add3A_113 = arith.addf %mul3A_110, %add3A_112 : vector<16xf32>
        %mul3A_114 = arith.mulf %add3A_113, %bitcast3A_99 : vector<16xf32>
        %add3A_115 = arith.constant -5.26411057 : f32
        %add3A_116 = vector.broadcast %add3A_115 : f32 to vector<16xf32>
        %add3A_117 = arith.addf %mul3A_114, %add3A_116 : vector<16xf32>
        %mul3A_118 = arith.mulf %add3A_117, %bitcast3A_99 : vector<16xf32>
        %add3A_119 = arith.constant 6.065830e+00 : f32
        %add3A_120 = vector.broadcast %add3A_119 : f32 to vector<16xf32>
        %add3A_121 = arith.addf %mul3A_118, %add3A_120 : vector<16xf32>
        %mul3A_122 = arith.mulf %add3A_121, %bitcast3A_99 : vector<16xf32>
        %add3A_123 = arith.constant -3.02831745 : f32
        %add3A_124 = vector.broadcast %add3A_123 : f32 to vector<16xf32>
        %add3A_125 = arith.addf %mul3A_122, %add3A_124 : vector<16xf32>
        %convert_element_type3A_126 = arith.sitofp %sub3A_94 : vector<16xi32> to vector<16xf32>
        %add3A_127 = arith.addf %convert_element_type3A_126, %add3A_125 : vector<16xf32>
        %add3A_128 = arith.addf %scan3A_66, %add3A_127 : vector<16xf32>
        %add3A_129 = arith.constant 16 : i32
        %add3A_130 = arith.addi %mul3A_69, %add3A_129 : i32
        %get3A_131 = arith.index_cast %add3A_130 : i32 to index
        %get3A_132 = tpu.vector_load %arg11[%get3A_131] {strides = array<i32>} : memref<8192xf32, #tpu.memory_space<vmem>>, vector<16xf32>,
        %get3A_133 = arith.index_cast %add3A_130 : i32 to index
        %get3A_134 = tpu.vector_load %arg12[%get3A_133] {strides = array<i32>} : memref<8192xi32, #tpu.memory_space<vmem>>, vector<16xi32>,
        %gather3A_135 = tpu.vector_load_idx %arg14[%get3A_134] : memref<16xf32, #tpu.memory_space<vmem>>[vector<16xi32>], vector<16xf32>,
        %gather3A_136 = tpu.vector_load_idx %arg15[%get3A_134] : memref<16xf32, #tpu.memory_space<vmem>>[vector<16xi32>], vector<16xf32>,
        %gather3A_137 = tpu.vector_load_idx %arg16[%get3A_134] : memref<16xf32, #tpu.memory_space<vmem>>[vector<16xi32>], vector<16xf32>,
        %mul3A_138 = arith.mulf %get3A_132, %gather3A_135 : vector<16xf32>
        %add3A_139 = arith.addf %mul3A_138, %gather3A_136 : vector<16xf32>
        %min3A_140 = arith.minimumf %add3A_139, %gather3A_137 : vector<16xf32>
        %convert_element_type3A_141 = arith.fptosi %min3A_140 : vector<16xf32> to vector<16xi32>
        %convert_element_type3A_142 = arith.sitofp %convert_element_type3A_141 : vector<16xi32> to vector<16xf32>
        %sub3A_143 = arith.subf %min3A_140, %convert_element_type3A_142 : vector<16xf32>
        %shift_left3A_144 = arith.constant 4 : i32
        %shift_left3A_145 = vector.broadcast %shift_left3A_144 : i32 to vector<16xi32>
        %shift_left3A_146 = arith.shli %convert_element_type3A_141, %shift_left3A_145 : vector<16xi32>
        %add3A_147 = arith.addi %shift_left3A_146, %get3A_134 : vector<16xi32>
        %gather3A_148 = tpu.vector_load_idx %arg13[%add3A_147] : memref<2064xf32, #tpu.memory_space<vmem>>[vector<16xi32>], vector<16xf32>,
        %add3A_149 = arith.constant 16 : i32
        %add3A_150 = vector.broadcast %add3A_149 : i32 to vector<16xi32>
        %add3A_151 = arith.addi %add3A_147, %add3A_150 : vector<16xi32>
        %gather3A_152 = tpu.vector_load_idx %arg13[%add3A_151] : memref<2064xf32, #tpu.memory_space<vmem>>[vector<16xi32>], vector<16xf32>,
        %sub3A_153 = arith.subf %gather3A_152, %gather3A_148 : vector<16xf32>
        %mul3A_154 = arith.mulf %sub3A_143, %sub3A_153 : vector<16xf32>
        %add3A_155 = arith.addf %gather3A_148, %mul3A_154 : vector<16xf32>
        %bitcast3A_156 = vector.bitcast %add3A_155 : vector<16xf32> to vector<16xi32>
        %shift_right_arithmetic3A_157 = arith.constant 23 : i32
        %shift_right_arithmetic3A_158 = vector.broadcast %shift_right_arithmetic3A_157 : i32 to vector<16xi32>
        %shift_right_arithmetic3A_159 = arith.shrsi %bitcast3A_156, %shift_right_arithmetic3A_158 : vector<16xi32>
        %sub3A_160 = arith.constant 127 : i32
        %sub3A_161 = vector.broadcast %sub3A_160 : i32 to vector<16xi32>
        %sub3A_162 = arith.subi %shift_right_arithmetic3A_159, %sub3A_161 : vector<16xi32>
        %and3A_163 = arith.constant 8388607 : i32
        %and3A_164 = vector.broadcast %and3A_163 : i32 to vector<16xi32>
        %and3A_165 = arith.andi %bitcast3A_156, %and3A_164 : vector<16xi32>
        %or3A_166 = arith.constant 1065353216 : i32
        %or3A_167 = vector.broadcast %or3A_166 : i32 to vector<16xi32>
        %or3A_168 = arith.ori %and3A_165, %or3A_167 : vector<16xi32>
        %bitcast3A_169 = vector.bitcast %or3A_168 : vector<16xi32> to vector<16xf32>
        %broadcast_in_dim3A_170 = arith.constant -0.0248256065 : f32
        %broadcast_in_dim3A_171 = vector.broadcast %broadcast_in_dim3A_170 : f32 to vector<16xf32>
        %mul3A_172 = arith.mulf %broadcast_in_dim3A_171, %bitcast3A_169 : vector<16xf32>
        %add3A_173 = arith.constant 0.266858816 : f32
        %add3A_174 = vector.broadcast %add3A_173 : f32 to vector<16xf32>
        %add3A_175 = arith.addf %mul3A_172, %add3A_174 : vector<16xf32>
        %mul3A_176 = arith.mulf %add3A_175, %bitcast3A_169 : vector<16xf32>
        %add3A_177 = arith.constant -1.23426318 : f32
        %add3A_178 = vector.broadcast %add3A_177 : f32 to vector<16xf32>
        %add3A_179 = arith.addf %mul3A_176, %add3A_178 : vector<16xf32>
        %mul3A_180 = arith.mulf %add3A_179, %bitcast3A_169 : vector<16xf32>
        %add3A_181 = arith.constant 3.21883273 : f32
        %add3A_182 = vector.broadcast %add3A_181 : f32 to vector<16xf32>
        %add3A_183 = arith.addf %mul3A_180, %add3A_182 : vector<16xf32>
        %mul3A_184 = arith.mulf %add3A_183, %bitcast3A_169 : vector<16xf32>
        %add3A_185 = arith.constant -5.26411057 : f32
        %add3A_186 = vector.broadcast %add3A_185 : f32 to vector<16xf32>
        %add3A_187 = arith.addf %mul3A_184, %add3A_186 : vector<16xf32>
        %mul3A_188 = arith.mulf %add3A_187, %bitcast3A_169 : vector<16xf32>
        %add3A_189 = arith.constant 6.065830e+00 : f32
        %add3A_190 = vector.broadcast %add3A_189 : f32 to vector<16xf32>
        %add3A_191 = arith.addf %mul3A_188, %add3A_190 : vector<16xf32>
        %mul3A_192 = arith.mulf %add3A_191, %bitcast3A_169 : vector<16xf32>
        %add3A_193 = arith.constant -3.02831745 : f32
        %add3A_194 = vector.broadcast %add3A_193 : f32 to vector<16xf32>
        %add3A_195 = arith.addf %mul3A_192, %add3A_194 : vector<16xf32>
        %convert_element_type3A_196 = arith.sitofp %sub3A_162 : vector<16xi32> to vector<16xf32>
        %add3A_197 = arith.addf %convert_element_type3A_196, %add3A_195 : vector<16xf32>
        %add3A_198 = arith.addf %scan3A_67, %add3A_197 : vector<16xf32>
        scf.yield %add3A_128, %add3A_198 : vector<16xf32>, vector<16xf32>
      }
      %scan3A_64 = arith.constant 256 : i32
      scf.yield %scan3A_63#0, %scan3A_63#1 : vector<16xf32>, vector<16xf32>
    }
    %scan3A_13 = arith.constant 8 : i32
    %add3A_14 = arith.addf %scan3A_12#0, %scan3A_12#1 : vector<16xf32>
    %swap3A = arith.constant 0 : index
    %swap3A_15 = tpu.vector_load %arg17[%swap3A] {strides = array<i32>} : memref<16xf32, #tpu.memory_space<vmem>>, vector<16xf32>,
    tpu.vector_store %arg17[%swap3A], %add3A_14 {strides = array<i32>} : memref<16xf32, #tpu.memory_space<vmem>>, vector<16xf32>,
    %mul3A_16 = arith.constant 16 : i32
    %mul3A_17 = arith.muli %add3A, %mul3A_16 : i32
    "tpu.region"() ({
      %run_scoped3A = tpu.sem_alloc : memref<!tpu.dma_semaphore, #tpu.memory_space<semaphore_mem>>
      %dma_start3A_18 = tpu.memref_slice %arg8[%mul3A_17] : memref<512xf32, #tpu.memory_space<hbm>> -> memref<16xf32, #tpu.memory_space<hbm>>
      %dma_start3A_19 = tpu.memref_slice %arg8[%mul3A_17] : memref<512xf32, #tpu.memory_space<hbm>> -> memref<16xf32, #tpu.memory_space<hbm>>
      tpu.enqueue_dma source(%arg17 : memref<16xf32, #tpu.memory_space<vmem>>) target(%dma_start3A_19 : memref<16xf32, #tpu.memory_space<hbm>>) target_semaphore(%run_scoped3A : memref<!tpu.dma_semaphore, #tpu.memory_space<semaphore_mem>>)
      %dma_wait3A = tpu.memref_slice %arg8[%mul3A_17] : memref<512xf32, #tpu.memory_space<hbm>> -> memref<16xf32, #tpu.memory_space<hbm>>
      %dma_wait3A_20 = tpu.memref_slice %arg8[%mul3A_17] : memref<512xf32, #tpu.memory_space<hbm>> -> memref<16xf32, #tpu.memory_space<hbm>>
      tpu.wait_dma2 semaphore(%run_scoped3A : memref<!tpu.dma_semaphore, #tpu.memory_space<semaphore_mem>>) src(%arg17 : memref<16xf32, #tpu.memory_space<vmem>>) dst(%dma_wait3A_20 : memref<16xf32, #tpu.memory_space<hbm>>)
      tpu.yield
    }) : () -> ()
    return
  }
}

#map = affine_map<(d0, d1) -> (0)>
module attributes {stable_mosaic.version = 14 : i64} {
  func.func @_minmax_body(%arg0: i32, %arg1: i32, %arg2: memref<4194304xf32, #tpu.memory_space<hbm>>, %arg3: memref<4194304xi32, #tpu.memory_space<hbm>>, %arg4: memref<512xf32, #tpu.memory_space<hbm>>, %arg5: memref<512xf32, #tpu.memory_space<hbm>>, %arg6: memref<8192xf32, #tpu.memory_space<vmem>>, %arg7: memref<8192xi32, #tpu.memory_space<vmem>>, %arg8: memref<8192xf32, #tpu.memory_space<vmem>>, %arg9: memref<8192xi32, #tpu.memory_space<vmem>>, %arg10: memref<256xf32, #tpu.memory_space<vmem>>, %arg11: memref<256xf32, #tpu.memory_space<vmem>>, %arg12: memref<256xf32, #tpu.memory_space<vmem>>, %arg13: memref<256xf32, #tpu.memory_space<vmem>>, %arg14: memref<256xf32, #tpu.memory_space<vmem>>, %arg15: memref<256xf32, #tpu.memory_space<vmem>>, %arg16: memref<256xf32, #tpu.memory_space<vmem>>, %arg17: memref<256xf32, #tpu.memory_space<vmem>>, %arg18: memref<256xf32, #tpu.memory_space<vmem>>, %arg19: memref<256xf32, #tpu.memory_space<vmem>>, %arg20: memref<256xf32, #tpu.memory_space<vmem>>, %arg21: memref<256xf32, #tpu.memory_space<vmem>>, %arg22: memref<256xf32, #tpu.memory_space<vmem>>, %arg23: memref<256xf32, #tpu.memory_space<vmem>>, %arg24: memref<256xf32, #tpu.memory_space<vmem>>, %arg25: memref<256xf32, #tpu.memory_space<vmem>>, %arg26: memref<16xf32, #tpu.memory_space<vmem>>, %arg27: memref<!tpu.dma_semaphore, #tpu.memory_space<semaphore_mem>>, %arg28: memref<!tpu.dma_semaphore, #tpu.memory_space<semaphore_mem>>, %arg29: memref<!tpu.dma_semaphore, #tpu.memory_space<semaphore_mem>>, %arg30: memref<!tpu.dma_semaphore, #tpu.memory_space<semaphore_mem>>) attributes {dimension_semantics = [#tpu.dimension_semantics<core_parallel>, #tpu.dimension_semantics<subcore_parallel>], iteration_bounds = array<i64: 2, 16>, scalar_prefetch = 0 : i64, scratch_operands = 25 : i64, tpu.core_type = #tpu.core_type<sc_vector_subcore>, window_params = [{transform_indices = #map}, {transform_indices = #map}, {transform_indices = #map}, {transform_indices = #map}]} {
    %mul3A = arith.constant 2 : i32
    %mul3A_0 = arith.muli %arg1, %mul3A : i32
    %add3A = arith.addi %mul3A_0, %arg0 : i32
    %mul3A_1 = arith.constant 49152 : i32
    %mul3A_2 = arith.muli %add3A, %mul3A_1 : i32
    %iota3A = tpu.iota {dimensions = array<i32: 0>} : vector<16xi32>
    %scan3A = arith.constant 0 : i32
    %scan3A_3 = arith.constant 0 : i32
    %scan3A_4 = arith.constant 16 : i32
    %scan3A_5 = arith.addi %scan3A_3, %scan3A_4 : i32
    %scan3A_6 = arith.constant 1 : i32
    scf.for %scan3A_975 = %scan3A_3 to %scan3A_5 step %scan3A_6  : i32 {
      %mul3A_976 = arith.constant 16 : i32
      %mul3A_977 = arith.muli %scan3A_975, %mul3A_976 : i32
      %broadcast_in_dim3A = arith.constant 0x7F800000 : f32
      %broadcast_in_dim3A_978 = vector.broadcast %broadcast_in_dim3A : f32 to vector<16xf32>
      %swap3A_979 = arith.index_cast %mul3A_977 : i32 to index
      %swap3A_980 = tpu.vector_load %arg10[%swap3A_979] {strides = array<i32>} : memref<256xf32, #tpu.memory_space<vmem>>, vector<16xf32>,
      tpu.vector_store %arg10[%swap3A_979], %broadcast_in_dim3A_978 {strides = array<i32>} : memref<256xf32, #tpu.memory_space<vmem>>, vector<16xf32>,
      %broadcast_in_dim3A_981 = arith.constant 0xFF800000 : f32
      %broadcast_in_dim3A_982 = vector.broadcast %broadcast_in_dim3A_981 : f32 to vector<16xf32>
      %swap3A_983 = arith.index_cast %mul3A_977 : i32 to index
      %swap3A_984 = tpu.vector_load %arg18[%swap3A_983] {strides = array<i32>} : memref<256xf32, #tpu.memory_space<vmem>>, vector<16xf32>,
      tpu.vector_store %arg18[%swap3A_983], %broadcast_in_dim3A_982 {strides = array<i32>} : memref<256xf32, #tpu.memory_space<vmem>>, vector<16xf32>,
      %broadcast_in_dim3A_985 = arith.constant 0x7F800000 : f32
      %broadcast_in_dim3A_986 = vector.broadcast %broadcast_in_dim3A_985 : f32 to vector<16xf32>
      %swap3A_987 = arith.index_cast %mul3A_977 : i32 to index
      %swap3A_988 = tpu.vector_load %arg11[%swap3A_987] {strides = array<i32>} : memref<256xf32, #tpu.memory_space<vmem>>, vector<16xf32>,
      tpu.vector_store %arg11[%swap3A_987], %broadcast_in_dim3A_986 {strides = array<i32>} : memref<256xf32, #tpu.memory_space<vmem>>, vector<16xf32>,
      %broadcast_in_dim3A_989 = arith.constant 0xFF800000 : f32
      %broadcast_in_dim3A_990 = vector.broadcast %broadcast_in_dim3A_989 : f32 to vector<16xf32>
      %swap3A_991 = arith.index_cast %mul3A_977 : i32 to index
      %swap3A_992 = tpu.vector_load %arg19[%swap3A_991] {strides = array<i32>} : memref<256xf32, #tpu.memory_space<vmem>>, vector<16xf32>,
      tpu.vector_store %arg19[%swap3A_991], %broadcast_in_dim3A_990 {strides = array<i32>} : memref<256xf32, #tpu.memory_space<vmem>>, vector<16xf32>,
      %broadcast_in_dim3A_993 = arith.constant 0x7F800000 : f32
      %broadcast_in_dim3A_994 = vector.broadcast %broadcast_in_dim3A_993 : f32 to vector<16xf32>
      %swap3A_995 = arith.index_cast %mul3A_977 : i32 to index
      %swap3A_996 = tpu.vector_load %arg12[%swap3A_995] {strides = array<i32>} : memref<256xf32, #tpu.memory_space<vmem>>, vector<16xf32>,
      tpu.vector_store %arg12[%swap3A_995], %broadcast_in_dim3A_994 {strides = array<i32>} : memref<256xf32, #tpu.memory_space<vmem>>, vector<16xf32>,
      %broadcast_in_dim3A_997 = arith.constant 0xFF800000 : f32
      %broadcast_in_dim3A_998 = vector.broadcast %broadcast_in_dim3A_997 : f32 to vector<16xf32>
      %swap3A_999 = arith.index_cast %mul3A_977 : i32 to index
      %swap3A_1000 = tpu.vector_load %arg20[%swap3A_999] {strides = array<i32>} : memref<256xf32, #tpu.memory_space<vmem>>, vector<16xf32>,
      tpu.vector_store %arg20[%swap3A_999], %broadcast_in_dim3A_998 {strides = array<i32>} : memref<256xf32, #tpu.memory_space<vmem>>, vector<16xf32>,
      %broadcast_in_dim3A_1001 = arith.constant 0x7F800000 : f32
      %broadcast_in_dim3A_1002 = vector.broadcast %broadcast_in_dim3A_1001 : f32 to vector<16xf32>
      %swap3A_1003 = arith.index_cast %mul3A_977 : i32 to index
      %swap3A_1004 = tpu.vector_load %arg13[%swap3A_1003] {strides = array<i32>} : memref<256xf32, #tpu.memory_space<vmem>>, vector<16xf32>,
      tpu.vector_store %arg13[%swap3A_1003], %broadcast_in_dim3A_1002 {strides = array<i32>} : memref<256xf32, #tpu.memory_space<vmem>>, vector<16xf32>,
      %broadcast_in_dim3A_1005 = arith.constant 0xFF800000 : f32
      %broadcast_in_dim3A_1006 = vector.broadcast %broadcast_in_dim3A_1005 : f32 to vector<16xf32>
      %swap3A_1007 = arith.index_cast %mul3A_977 : i32 to index
      %swap3A_1008 = tpu.vector_load %arg21[%swap3A_1007] {strides = array<i32>} : memref<256xf32, #tpu.memory_space<vmem>>, vector<16xf32>,
      tpu.vector_store %arg21[%swap3A_1007], %broadcast_in_dim3A_1006 {strides = array<i32>} : memref<256xf32, #tpu.memory_space<vmem>>, vector<16xf32>,
      %broadcast_in_dim3A_1009 = arith.constant 0x7F800000 : f32
      %broadcast_in_dim3A_1010 = vector.broadcast %broadcast_in_dim3A_1009 : f32 to vector<16xf32>
      %swap3A_1011 = arith.index_cast %mul3A_977 : i32 to index
      %swap3A_1012 = tpu.vector_load %arg14[%swap3A_1011] {strides = array<i32>} : memref<256xf32, #tpu.memory_space<vmem>>, vector<16xf32>,
      tpu.vector_store %arg14[%swap3A_1011], %broadcast_in_dim3A_1010 {strides = array<i32>} : memref<256xf32, #tpu.memory_space<vmem>>, vector<16xf32>,
      %broadcast_in_dim3A_1013 = arith.constant 0xFF800000 : f32
      %broadcast_in_dim3A_1014 = vector.broadcast %broadcast_in_dim3A_1013 : f32 to vector<16xf32>
      %swap3A_1015 = arith.index_cast %mul3A_977 : i32 to index
      %swap3A_1016 = tpu.vector_load %arg22[%swap3A_1015] {strides = array<i32>} : memref<256xf32, #tpu.memory_space<vmem>>, vector<16xf32>,
      tpu.vector_store %arg22[%swap3A_1015], %broadcast_in_dim3A_1014 {strides = array<i32>} : memref<256xf32, #tpu.memory_space<vmem>>, vector<16xf32>,
      %broadcast_in_dim3A_1017 = arith.constant 0x7F800000 : f32
      %broadcast_in_dim3A_1018 = vector.broadcast %broadcast_in_dim3A_1017 : f32 to vector<16xf32>
      %swap3A_1019 = arith.index_cast %mul3A_977 : i32 to index
      %swap3A_1020 = tpu.vector_load %arg15[%swap3A_1019] {strides = array<i32>} : memref<256xf32, #tpu.memory_space<vmem>>, vector<16xf32>,
      tpu.vector_store %arg15[%swap3A_1019], %broadcast_in_dim3A_1018 {strides = array<i32>} : memref<256xf32, #tpu.memory_space<vmem>>, vector<16xf32>,
      %broadcast_in_dim3A_1021 = arith.constant 0xFF800000 : f32
      %broadcast_in_dim3A_1022 = vector.broadcast %broadcast_in_dim3A_1021 : f32 to vector<16xf32>
      %swap3A_1023 = arith.index_cast %mul3A_977 : i32 to index
      %swap3A_1024 = tpu.vector_load %arg23[%swap3A_1023] {strides = array<i32>} : memref<256xf32, #tpu.memory_space<vmem>>, vector<16xf32>,
      tpu.vector_store %arg23[%swap3A_1023], %broadcast_in_dim3A_1022 {strides = array<i32>} : memref<256xf32, #tpu.memory_space<vmem>>, vector<16xf32>,
      %broadcast_in_dim3A_1025 = arith.constant 0x7F800000 : f32
      %broadcast_in_dim3A_1026 = vector.broadcast %broadcast_in_dim3A_1025 : f32 to vector<16xf32>
      %swap3A_1027 = arith.index_cast %mul3A_977 : i32 to index
      %swap3A_1028 = tpu.vector_load %arg16[%swap3A_1027] {strides = array<i32>} : memref<256xf32, #tpu.memory_space<vmem>>, vector<16xf32>,
      tpu.vector_store %arg16[%swap3A_1027], %broadcast_in_dim3A_1026 {strides = array<i32>} : memref<256xf32, #tpu.memory_space<vmem>>, vector<16xf32>,
      %broadcast_in_dim3A_1029 = arith.constant 0xFF800000 : f32
      %broadcast_in_dim3A_1030 = vector.broadcast %broadcast_in_dim3A_1029 : f32 to vector<16xf32>
      %swap3A_1031 = arith.index_cast %mul3A_977 : i32 to index
      %swap3A_1032 = tpu.vector_load %arg24[%swap3A_1031] {strides = array<i32>} : memref<256xf32, #tpu.memory_space<vmem>>, vector<16xf32>,
      tpu.vector_store %arg24[%swap3A_1031], %broadcast_in_dim3A_1030 {strides = array<i32>} : memref<256xf32, #tpu.memory_space<vmem>>, vector<16xf32>,
      %broadcast_in_dim3A_1033 = arith.constant 0x7F800000 : f32
      %broadcast_in_dim3A_1034 = vector.broadcast %broadcast_in_dim3A_1033 : f32 to vector<16xf32>
      %swap3A_1035 = arith.index_cast %mul3A_977 : i32 to index
      %swap3A_1036 = tpu.vector_load %arg17[%swap3A_1035] {strides = array<i32>} : memref<256xf32, #tpu.memory_space<vmem>>, vector<16xf32>,
      tpu.vector_store %arg17[%swap3A_1035], %broadcast_in_dim3A_1034 {strides = array<i32>} : memref<256xf32, #tpu.memory_space<vmem>>, vector<16xf32>,
      %broadcast_in_dim3A_1037 = arith.constant 0xFF800000 : f32
      %broadcast_in_dim3A_1038 = vector.broadcast %broadcast_in_dim3A_1037 : f32 to vector<16xf32>
      %swap3A_1039 = arith.index_cast %mul3A_977 : i32 to index
      %swap3A_1040 = tpu.vector_load %arg25[%swap3A_1039] {strides = array<i32>} : memref<256xf32, #tpu.memory_space<vmem>>, vector<16xf32>,
      tpu.vector_store %arg25[%swap3A_1039], %broadcast_in_dim3A_1038 {strides = array<i32>} : memref<256xf32, #tpu.memory_space<vmem>>, vector<16xf32>,
    }
    %scan3A_7 = arith.constant 16 : i32
    %dma_start3A = tpu.memref_slice %arg2[%mul3A_2] : memref<4194304xf32, #tpu.memory_space<hbm>> -> memref<8192xf32, #tpu.memory_space<hbm>>
    %dma_start3A_8 = tpu.memref_slice %arg2[%mul3A_2] : memref<4194304xf32, #tpu.memory_space<hbm>> -> memref<8192xf32, #tpu.memory_space<hbm>>
    tpu.enqueue_dma source(%dma_start3A_8 : memref<8192xf32, #tpu.memory_space<hbm>>) target(%arg6 : memref<8192xf32, #tpu.memory_space<vmem>>) target_semaphore(%arg27 : memref<!tpu.dma_semaphore, #tpu.memory_space<semaphore_mem>>)
    %dma_start3A_9 = tpu.memref_slice %arg3[%mul3A_2] : memref<4194304xi32, #tpu.memory_space<hbm>> -> memref<8192xi32, #tpu.memory_space<hbm>>
    %dma_start3A_10 = tpu.memref_slice %arg3[%mul3A_2] : memref<4194304xi32, #tpu.memory_space<hbm>> -> memref<8192xi32, #tpu.memory_space<hbm>>
    tpu.enqueue_dma source(%dma_start3A_10 : memref<8192xi32, #tpu.memory_space<hbm>>) target(%arg7 : memref<8192xi32, #tpu.memory_space<vmem>>) target_semaphore(%arg28 : memref<!tpu.dma_semaphore, #tpu.memory_space<semaphore_mem>>)
    %scan3A_11 = arith.constant 0 : i32
    %scan3A_12 = arith.constant 0 : i32
    %scan3A_13 = arith.constant 3 : i32
    %scan3A_14 = arith.addi %scan3A_12, %scan3A_13 : i32
    %scan3A_15 = arith.constant 1 : i32
    scf.for %scan3A_975 = %scan3A_12 to %scan3A_14 step %scan3A_15  : i32 {
      %mul3A_976 = arith.constant 2 : i32
      %mul3A_977 = arith.muli %mul3A_976, %scan3A_975 : i32
      %mul3A_978 = arith.constant 8192 : i32
      %mul3A_979 = arith.muli %mul3A_977, %mul3A_978 : i32
      %add3A_980 = arith.addi %mul3A_2, %mul3A_979 : i32
      %mul3A_981 = arith.constant 2 : i32
      %mul3A_982 = arith.muli %mul3A_981, %scan3A_975 : i32
      %add3A_983 = arith.constant 1 : i32
      %add3A_984 = arith.addi %mul3A_982, %add3A_983 : i32
      %mul3A_985 = arith.constant 8192 : i32
      %mul3A_986 = arith.muli %add3A_984, %mul3A_985 : i32
      %add3A_987 = arith.addi %mul3A_2, %mul3A_986 : i32
      %mul3A_988 = arith.constant 2 : i32
      %mul3A_989 = arith.muli %mul3A_988, %scan3A_975 : i32
      %add3A_990 = arith.constant 2 : i32
      %add3A_991 = arith.addi %mul3A_989, %add3A_990 : i32
      %mul3A_992 = arith.constant 8192 : i32
      %mul3A_993 = arith.muli %add3A_991, %mul3A_992 : i32
      %add3A_994 = arith.addi %mul3A_2, %mul3A_993 : i32
      %dma_start3A_995 = tpu.memref_slice %arg2[%add3A_987] : memref<4194304xf32, #tpu.memory_space<hbm>> -> memref<8192xf32, #tpu.memory_space<hbm>>
      %dma_start3A_996 = tpu.memref_slice %arg2[%add3A_987] : memref<4194304xf32, #tpu.memory_space<hbm>> -> memref<8192xf32, #tpu.memory_space<hbm>>
      tpu.enqueue_dma source(%dma_start3A_996 : memref<8192xf32, #tpu.memory_space<hbm>>) target(%arg8 : memref<8192xf32, #tpu.memory_space<vmem>>) target_semaphore(%arg29 : memref<!tpu.dma_semaphore, #tpu.memory_space<semaphore_mem>>)
      %dma_start3A_997 = tpu.memref_slice %arg3[%add3A_987] : memref<4194304xi32, #tpu.memory_space<hbm>> -> memref<8192xi32, #tpu.memory_space<hbm>>
      %dma_start3A_998 = tpu.memref_slice %arg3[%add3A_987] : memref<4194304xi32, #tpu.memory_space<hbm>> -> memref<8192xi32, #tpu.memory_space<hbm>>
      tpu.enqueue_dma source(%dma_start3A_998 : memref<8192xi32, #tpu.memory_space<hbm>>) target(%arg9 : memref<8192xi32, #tpu.memory_space<vmem>>) target_semaphore(%arg30 : memref<!tpu.dma_semaphore, #tpu.memory_space<semaphore_mem>>)
      %dma_wait3A = tpu.memref_slice %arg2[%add3A_980] : memref<4194304xf32, #tpu.memory_space<hbm>> -> memref<8192xf32, #tpu.memory_space<hbm>>
      %dma_wait3A_999 = tpu.memref_slice %arg2[%add3A_980] : memref<4194304xf32, #tpu.memory_space<hbm>> -> memref<8192xf32, #tpu.memory_space<hbm>>
      tpu.wait_dma2 semaphore(%arg27 : memref<!tpu.dma_semaphore, #tpu.memory_space<semaphore_mem>>) src(%dma_wait3A_999 : memref<8192xf32, #tpu.memory_space<hbm>>) dst(%arg6 : memref<8192xf32, #tpu.memory_space<vmem>>)
      %dma_wait3A_1000 = tpu.memref_slice %arg3[%add3A_980] : memref<4194304xi32, #tpu.memory_space<hbm>> -> memref<8192xi32, #tpu.memory_space<hbm>>
      %dma_wait3A_1001 = tpu.memref_slice %arg3[%add3A_980] : memref<4194304xi32, #tpu.memory_space<hbm>> -> memref<8192xi32, #tpu.memory_space<hbm>>
      tpu.wait_dma2 semaphore(%arg28 : memref<!tpu.dma_semaphore, #tpu.memory_space<semaphore_mem>>) src(%dma_wait3A_1001 : memref<8192xi32, #tpu.memory_space<hbm>>) dst(%arg7 : memref<8192xi32, #tpu.memory_space<vmem>>)
      %scan3A_1002 = arith.constant 0 : i32
      %scan3A_1003 = arith.constant 64 : i32
      %scan3A_1004 = arith.addi %scan3A_1002, %scan3A_1003 : i32
      %scan3A_1005 = arith.constant 1 : i32
      scf.for %scan3A_1018 = %scan3A_1002 to %scan3A_1004 step %scan3A_1005  : i32 {
        %mul3A_1019 = arith.constant 8 : i32
        %mul3A_1020 = arith.muli %scan3A_1018, %mul3A_1019 : i32
        %add3A_1021 = arith.constant 0 : i32
        %add3A_1022 = arith.addi %mul3A_1020, %add3A_1021 : i32
        %mul3A_1023 = arith.constant 16 : i32
        %mul3A_1024 = arith.muli %add3A_1022, %mul3A_1023 : i32
        %get3A_1025 = arith.index_cast %mul3A_1024 : i32 to index
        %get3A_1026 = tpu.vector_load %arg6[%get3A_1025] {strides = array<i32>} : memref<8192xf32, #tpu.memory_space<vmem>>, vector<16xf32>,
        %get3A_1027 = arith.index_cast %mul3A_1024 : i32 to index
        %get3A_1028 = tpu.vector_load %arg7[%get3A_1027] {strides = array<i32>} : memref<8192xi32, #tpu.memory_space<vmem>>, vector<16xi32>,
        %mul3A_1029 = arith.constant 16 : i32
        %mul3A_1030 = vector.broadcast %mul3A_1029 : i32 to vector<16xi32>
        %mul3A_1031 = arith.muli %get3A_1028, %mul3A_1030 : vector<16xi32>
        %add3A_1032 = arith.addi %mul3A_1031, %iota3A : vector<16xi32>
        %gather3A_1033 = tpu.vector_load_idx %arg10[%add3A_1032] : memref<256xf32, #tpu.memory_space<vmem>>[vector<16xi32>], vector<16xf32>,
        %min3A_1034 = arith.minimumf %gather3A_1033, %get3A_1026 : vector<16xf32>
        tpu.vector_store_idx %arg10[%add3A_1032], %min3A_1034 : memref<256xf32, #tpu.memory_space<vmem>>[vector<16xi32>], vector<16xf32>,
        %gather3A_1035 = tpu.vector_load_idx %arg18[%add3A_1032] : memref<256xf32, #tpu.memory_space<vmem>>[vector<16xi32>], vector<16xf32>,
        %max3A_1036 = arith.maximumf %gather3A_1035, %get3A_1026 : vector<16xf32>
        tpu.vector_store_idx %arg18[%add3A_1032], %max3A_1036 : memref<256xf32, #tpu.memory_space<vmem>>[vector<16xi32>], vector<16xf32>,
        %mul3A_1037 = arith.constant 8 : i32
        %mul3A_1038 = arith.muli %scan3A_1018, %mul3A_1037 : i32
        %add3A_1039 = arith.constant 1 : i32
        %add3A_1040 = arith.addi %mul3A_1038, %add3A_1039 : i32
        %mul3A_1041 = arith.constant 16 : i32
        %mul3A_1042 = arith.muli %add3A_1040, %mul3A_1041 : i32
        %get3A_1043 = arith.index_cast %mul3A_1042 : i32 to index
        %get3A_1044 = tpu.vector_load %arg6[%get3A_1043] {strides = array<i32>} : memref<8192xf32, #tpu.memory_space<vmem>>, vector<16xf32>,
        %get3A_1045 = arith.index_cast %mul3A_1042 : i32 to index
        %get3A_1046 = tpu.vector_load %arg7[%get3A_1045] {strides = array<i32>} : memref<8192xi32, #tpu.memory_space<vmem>>, vector<16xi32>,
        %mul3A_1047 = arith.constant 16 : i32
        %mul3A_1048 = vector.broadcast %mul3A_1047 : i32 to vector<16xi32>
        %mul3A_1049 = arith.muli %get3A_1046, %mul3A_1048 : vector<16xi32>
        %add3A_1050 = arith.addi %mul3A_1049, %iota3A : vector<16xi32>
        %gather3A_1051 = tpu.vector_load_idx %arg11[%add3A_1050] : memref<256xf32, #tpu.memory_space<vmem>>[vector<16xi32>], vector<16xf32>,
        %min3A_1052 = arith.minimumf %gather3A_1051, %get3A_1044 : vector<16xf32>
        tpu.vector_store_idx %arg11[%add3A_1050], %min3A_1052 : memref<256xf32, #tpu.memory_space<vmem>>[vector<16xi32>], vector<16xf32>,
        %gather3A_1053 = tpu.vector_load_idx %arg19[%add3A_1050] : memref<256xf32, #tpu.memory_space<vmem>>[vector<16xi32>], vector<16xf32>,
        %max3A_1054 = arith.maximumf %gather3A_1053, %get3A_1044 : vector<16xf32>
        tpu.vector_store_idx %arg19[%add3A_1050], %max3A_1054 : memref<256xf32, #tpu.memory_space<vmem>>[vector<16xi32>], vector<16xf32>,
        %mul3A_1055 = arith.constant 8 : i32
        %mul3A_1056 = arith.muli %scan3A_1018, %mul3A_1055 : i32
        %add3A_1057 = arith.constant 2 : i32
        %add3A_1058 = arith.addi %mul3A_1056, %add3A_1057 : i32
        %mul3A_1059 = arith.constant 16 : i32
        %mul3A_1060 = arith.muli %add3A_1058, %mul3A_1059 : i32
        %get3A_1061 = arith.index_cast %mul3A_1060 : i32 to index
        %get3A_1062 = tpu.vector_load %arg6[%get3A_1061] {strides = array<i32>} : memref<8192xf32, #tpu.memory_space<vmem>>, vector<16xf32>,
        %get3A_1063 = arith.index_cast %mul3A_1060 : i32 to index
        %get3A_1064 = tpu.vector_load %arg7[%get3A_1063] {strides = array<i32>} : memref<8192xi32, #tpu.memory_space<vmem>>, vector<16xi32>,
        %mul3A_1065 = arith.constant 16 : i32
        %mul3A_1066 = vector.broadcast %mul3A_1065 : i32 to vector<16xi32>
        %mul3A_1067 = arith.muli %get3A_1064, %mul3A_1066 : vector<16xi32>
        %add3A_1068 = arith.addi %mul3A_1067, %iota3A : vector<16xi32>
        %gather3A_1069 = tpu.vector_load_idx %arg12[%add3A_1068] : memref<256xf32, #tpu.memory_space<vmem>>[vector<16xi32>], vector<16xf32>,
        %min3A_1070 = arith.minimumf %gather3A_1069, %get3A_1062 : vector<16xf32>
        tpu.vector_store_idx %arg12[%add3A_1068], %min3A_1070 : memref<256xf32, #tpu.memory_space<vmem>>[vector<16xi32>], vector<16xf32>,
        %gather3A_1071 = tpu.vector_load_idx %arg20[%add3A_1068] : memref<256xf32, #tpu.memory_space<vmem>>[vector<16xi32>], vector<16xf32>,
        %max3A_1072 = arith.maximumf %gather3A_1071, %get3A_1062 : vector<16xf32>
        tpu.vector_store_idx %arg20[%add3A_1068], %max3A_1072 : memref<256xf32, #tpu.memory_space<vmem>>[vector<16xi32>], vector<16xf32>,
        %mul3A_1073 = arith.constant 8 : i32
        %mul3A_1074 = arith.muli %scan3A_1018, %mul3A_1073 : i32
        %add3A_1075 = arith.constant 3 : i32
        %add3A_1076 = arith.addi %mul3A_1074, %add3A_1075 : i32
        %mul3A_1077 = arith.constant 16 : i32
        %mul3A_1078 = arith.muli %add3A_1076, %mul3A_1077 : i32
        %get3A_1079 = arith.index_cast %mul3A_1078 : i32 to index
        %get3A_1080 = tpu.vector_load %arg6[%get3A_1079] {strides = array<i32>} : memref<8192xf32, #tpu.memory_space<vmem>>, vector<16xf32>,
        %get3A_1081 = arith.index_cast %mul3A_1078 : i32 to index
        %get3A_1082 = tpu.vector_load %arg7[%get3A_1081] {strides = array<i32>} : memref<8192xi32, #tpu.memory_space<vmem>>, vector<16xi32>,
        %mul3A_1083 = arith.constant 16 : i32
        %mul3A_1084 = vector.broadcast %mul3A_1083 : i32 to vector<16xi32>
        %mul3A_1085 = arith.muli %get3A_1082, %mul3A_1084 : vector<16xi32>
        %add3A_1086 = arith.addi %mul3A_1085, %iota3A : vector<16xi32>
        %gather3A_1087 = tpu.vector_load_idx %arg13[%add3A_1086] : memref<256xf32, #tpu.memory_space<vmem>>[vector<16xi32>], vector<16xf32>,
        %min3A_1088 = arith.minimumf %gather3A_1087, %get3A_1080 : vector<16xf32>
        tpu.vector_store_idx %arg13[%add3A_1086], %min3A_1088 : memref<256xf32, #tpu.memory_space<vmem>>[vector<16xi32>], vector<16xf32>,
        %gather3A_1089 = tpu.vector_load_idx %arg21[%add3A_1086] : memref<256xf32, #tpu.memory_space<vmem>>[vector<16xi32>], vector<16xf32>,
        %max3A_1090 = arith.maximumf %gather3A_1089, %get3A_1080 : vector<16xf32>
        tpu.vector_store_idx %arg21[%add3A_1086], %max3A_1090 : memref<256xf32, #tpu.memory_space<vmem>>[vector<16xi32>], vector<16xf32>,
        %mul3A_1091 = arith.constant 8 : i32
        %mul3A_1092 = arith.muli %scan3A_1018, %mul3A_1091 : i32
        %add3A_1093 = arith.constant 4 : i32
        %add3A_1094 = arith.addi %mul3A_1092, %add3A_1093 : i32
        %mul3A_1095 = arith.constant 16 : i32
        %mul3A_1096 = arith.muli %add3A_1094, %mul3A_1095 : i32
        %get3A_1097 = arith.index_cast %mul3A_1096 : i32 to index
        %get3A_1098 = tpu.vector_load %arg6[%get3A_1097] {strides = array<i32>} : memref<8192xf32, #tpu.memory_space<vmem>>, vector<16xf32>,
        %get3A_1099 = arith.index_cast %mul3A_1096 : i32 to index
        %get3A_1100 = tpu.vector_load %arg7[%get3A_1099] {strides = array<i32>} : memref<8192xi32, #tpu.memory_space<vmem>>, vector<16xi32>,
        %mul3A_1101 = arith.constant 16 : i32
        %mul3A_1102 = vector.broadcast %mul3A_1101 : i32 to vector<16xi32>
        %mul3A_1103 = arith.muli %get3A_1100, %mul3A_1102 : vector<16xi32>
        %add3A_1104 = arith.addi %mul3A_1103, %iota3A : vector<16xi32>
        %gather3A_1105 = tpu.vector_load_idx %arg14[%add3A_1104] : memref<256xf32, #tpu.memory_space<vmem>>[vector<16xi32>], vector<16xf32>,
        %min3A_1106 = arith.minimumf %gather3A_1105, %get3A_1098 : vector<16xf32>
        tpu.vector_store_idx %arg14[%add3A_1104], %min3A_1106 : memref<256xf32, #tpu.memory_space<vmem>>[vector<16xi32>], vector<16xf32>,
        %gather3A_1107 = tpu.vector_load_idx %arg22[%add3A_1104] : memref<256xf32, #tpu.memory_space<vmem>>[vector<16xi32>], vector<16xf32>,
        %max3A_1108 = arith.maximumf %gather3A_1107, %get3A_1098 : vector<16xf32>
        tpu.vector_store_idx %arg22[%add3A_1104], %max3A_1108 : memref<256xf32, #tpu.memory_space<vmem>>[vector<16xi32>], vector<16xf32>,
        %mul3A_1109 = arith.constant 8 : i32
        %mul3A_1110 = arith.muli %scan3A_1018, %mul3A_1109 : i32
        %add3A_1111 = arith.constant 5 : i32
        %add3A_1112 = arith.addi %mul3A_1110, %add3A_1111 : i32
        %mul3A_1113 = arith.constant 16 : i32
        %mul3A_1114 = arith.muli %add3A_1112, %mul3A_1113 : i32
        %get3A_1115 = arith.index_cast %mul3A_1114 : i32 to index
        %get3A_1116 = tpu.vector_load %arg6[%get3A_1115] {strides = array<i32>} : memref<8192xf32, #tpu.memory_space<vmem>>, vector<16xf32>,
        %get3A_1117 = arith.index_cast %mul3A_1114 : i32 to index
        %get3A_1118 = tpu.vector_load %arg7[%get3A_1117] {strides = array<i32>} : memref<8192xi32, #tpu.memory_space<vmem>>, vector<16xi32>,
        %mul3A_1119 = arith.constant 16 : i32
        %mul3A_1120 = vector.broadcast %mul3A_1119 : i32 to vector<16xi32>
        %mul3A_1121 = arith.muli %get3A_1118, %mul3A_1120 : vector<16xi32>
        %add3A_1122 = arith.addi %mul3A_1121, %iota3A : vector<16xi32>
        %gather3A_1123 = tpu.vector_load_idx %arg15[%add3A_1122] : memref<256xf32, #tpu.memory_space<vmem>>[vector<16xi32>], vector<16xf32>,
        %min3A_1124 = arith.minimumf %gather3A_1123, %get3A_1116 : vector<16xf32>
        tpu.vector_store_idx %arg15[%add3A_1122], %min3A_1124 : memref<256xf32, #tpu.memory_space<vmem>>[vector<16xi32>], vector<16xf32>,
        %gather3A_1125 = tpu.vector_load_idx %arg23[%add3A_1122] : memref<256xf32, #tpu.memory_space<vmem>>[vector<16xi32>], vector<16xf32>,
        %max3A_1126 = arith.maximumf %gather3A_1125, %get3A_1116 : vector<16xf32>
        tpu.vector_store_idx %arg23[%add3A_1122], %max3A_1126 : memref<256xf32, #tpu.memory_space<vmem>>[vector<16xi32>], vector<16xf32>,
        %mul3A_1127 = arith.constant 8 : i32
        %mul3A_1128 = arith.muli %scan3A_1018, %mul3A_1127 : i32
        %add3A_1129 = arith.constant 6 : i32
        %add3A_1130 = arith.addi %mul3A_1128, %add3A_1129 : i32
        %mul3A_1131 = arith.constant 16 : i32
        %mul3A_1132 = arith.muli %add3A_1130, %mul3A_1131 : i32
        %get3A_1133 = arith.index_cast %mul3A_1132 : i32 to index
        %get3A_1134 = tpu.vector_load %arg6[%get3A_1133] {strides = array<i32>} : memref<8192xf32, #tpu.memory_space<vmem>>, vector<16xf32>,
        %get3A_1135 = arith.index_cast %mul3A_1132 : i32 to index
        %get3A_1136 = tpu.vector_load %arg7[%get3A_1135] {strides = array<i32>} : memref<8192xi32, #tpu.memory_space<vmem>>, vector<16xi32>,
        %mul3A_1137 = arith.constant 16 : i32
        %mul3A_1138 = vector.broadcast %mul3A_1137 : i32 to vector<16xi32>
        %mul3A_1139 = arith.muli %get3A_1136, %mul3A_1138 : vector<16xi32>
        %add3A_1140 = arith.addi %mul3A_1139, %iota3A : vector<16xi32>
        %gather3A_1141 = tpu.vector_load_idx %arg16[%add3A_1140] : memref<256xf32, #tpu.memory_space<vmem>>[vector<16xi32>], vector<16xf32>,
        %min3A_1142 = arith.minimumf %gather3A_1141, %get3A_1134 : vector<16xf32>
        tpu.vector_store_idx %arg16[%add3A_1140], %min3A_1142 : memref<256xf32, #tpu.memory_space<vmem>>[vector<16xi32>], vector<16xf32>,
        %gather3A_1143 = tpu.vector_load_idx %arg24[%add3A_1140] : memref<256xf32, #tpu.memory_space<vmem>>[vector<16xi32>], vector<16xf32>,
        %max3A_1144 = arith.maximumf %gather3A_1143, %get3A_1134 : vector<16xf32>
        tpu.vector_store_idx %arg24[%add3A_1140], %max3A_1144 : memref<256xf32, #tpu.memory_space<vmem>>[vector<16xi32>], vector<16xf32>,
        %mul3A_1145 = arith.constant 8 : i32
        %mul3A_1146 = arith.muli %scan3A_1018, %mul3A_1145 : i32
        %add3A_1147 = arith.constant 7 : i32
        %add3A_1148 = arith.addi %mul3A_1146, %add3A_1147 : i32
        %mul3A_1149 = arith.constant 16 : i32
        %mul3A_1150 = arith.muli %add3A_1148, %mul3A_1149 : i32
        %get3A_1151 = arith.index_cast %mul3A_1150 : i32 to index
        %get3A_1152 = tpu.vector_load %arg6[%get3A_1151] {strides = array<i32>} : memref<8192xf32, #tpu.memory_space<vmem>>, vector<16xf32>,
        %get3A_1153 = arith.index_cast %mul3A_1150 : i32 to index
        %get3A_1154 = tpu.vector_load %arg7[%get3A_1153] {strides = array<i32>} : memref<8192xi32, #tpu.memory_space<vmem>>, vector<16xi32>,
        %mul3A_1155 = arith.constant 16 : i32
        %mul3A_1156 = vector.broadcast %mul3A_1155 : i32 to vector<16xi32>
        %mul3A_1157 = arith.muli %get3A_1154, %mul3A_1156 : vector<16xi32>
        %add3A_1158 = arith.addi %mul3A_1157, %iota3A : vector<16xi32>
        %gather3A_1159 = tpu.vector_load_idx %arg17[%add3A_1158] : memref<256xf32, #tpu.memory_space<vmem>>[vector<16xi32>], vector<16xf32>,
        %min3A_1160 = arith.minimumf %gather3A_1159, %get3A_1152 : vector<16xf32>
        tpu.vector_store_idx %arg17[%add3A_1158], %min3A_1160 : memref<256xf32, #tpu.memory_space<vmem>>[vector<16xi32>], vector<16xf32>,
        %gather3A_1161 = tpu.vector_load_idx %arg25[%add3A_1158] : memref<256xf32, #tpu.memory_space<vmem>>[vector<16xi32>], vector<16xf32>,
        %max3A_1162 = arith.maximumf %gather3A_1161, %get3A_1152 : vector<16xf32>
        tpu.vector_store_idx %arg25[%add3A_1158], %max3A_1162 : memref<256xf32, #tpu.memory_space<vmem>>[vector<16xi32>], vector<16xf32>,
      }
      %scan3A_1006 = arith.constant 64 : i32
      %lt3A = arith.constant 2 : i32
      %lt3A_1007 = arith.cmpi slt, %scan3A_975, %lt3A : i32
      %convert_element_type3A = arith.extui %lt3A_1007 : i1 to i32
      %cond3A = arith.constant 0 : i32
      %cond3A_1008 = arith.cmpi ne, %convert_element_type3A, %cond3A : i32
      scf.if %cond3A_1008 {
        %dma_start3A_1018 = tpu.memref_slice %arg2[%add3A_994] : memref<4194304xf32, #tpu.memory_space<hbm>> -> memref<8192xf32, #tpu.memory_space<hbm>>
        %dma_start3A_1019 = tpu.memref_slice %arg2[%add3A_994] : memref<4194304xf32, #tpu.memory_space<hbm>> -> memref<8192xf32, #tpu.memory_space<hbm>>
        tpu.enqueue_dma source(%dma_start3A_1019 : memref<8192xf32, #tpu.memory_space<hbm>>) target(%arg6 : memref<8192xf32, #tpu.memory_space<vmem>>) target_semaphore(%arg27 : memref<!tpu.dma_semaphore, #tpu.memory_space<semaphore_mem>>)
        %dma_start3A_1020 = tpu.memref_slice %arg3[%add3A_994] : memref<4194304xi32, #tpu.memory_space<hbm>> -> memref<8192xi32, #tpu.memory_space<hbm>>
        %dma_start3A_1021 = tpu.memref_slice %arg3[%add3A_994] : memref<4194304xi32, #tpu.memory_space<hbm>> -> memref<8192xi32, #tpu.memory_space<hbm>>
        tpu.enqueue_dma source(%dma_start3A_1021 : memref<8192xi32, #tpu.memory_space<hbm>>) target(%arg7 : memref<8192xi32, #tpu.memory_space<vmem>>) target_semaphore(%arg28 : memref<!tpu.dma_semaphore, #tpu.memory_space<semaphore_mem>>)
      } else {
      }
      %dma_wait3A_1009 = tpu.memref_slice %arg2[%add3A_987] : memref<4194304xf32, #tpu.memory_space<hbm>> -> memref<8192xf32, #tpu.memory_space<hbm>>
      %dma_wait3A_1010 = tpu.memref_slice %arg2[%add3A_987] : memref<4194304xf32, #tpu.memory_space<hbm>> -> memref<8192xf32, #tpu.memory_space<hbm>>
      tpu.wait_dma2 semaphore(%arg29 : memref<!tpu.dma_semaphore, #tpu.memory_space<semaphore_mem>>) src(%dma_wait3A_1010 : memref<8192xf32, #tpu.memory_space<hbm>>) dst(%arg8 : memref<8192xf32, #tpu.memory_space<vmem>>)
      %dma_wait3A_1011 = tpu.memref_slice %arg3[%add3A_987] : memref<4194304xi32, #tpu.memory_space<hbm>> -> memref<8192xi32, #tpu.memory_space<hbm>>
      %dma_wait3A_1012 = tpu.memref_slice %arg3[%add3A_987] : memref<4194304xi32, #tpu.memory_space<hbm>> -> memref<8192xi32, #tpu.memory_space<hbm>>
      tpu.wait_dma2 semaphore(%arg30 : memref<!tpu.dma_semaphore, #tpu.memory_space<semaphore_mem>>) src(%dma_wait3A_1012 : memref<8192xi32, #tpu.memory_space<hbm>>) dst(%arg9 : memref<8192xi32, #tpu.memory_space<vmem>>)
      %scan3A_1013 = arith.constant 0 : i32
      %scan3A_1014 = arith.constant 64 : i32
      %scan3A_1015 = arith.addi %scan3A_1013, %scan3A_1014 : i32
      %scan3A_1016 = arith.constant 1 : i32
      scf.for %scan3A_1018 = %scan3A_1013 to %scan3A_1015 step %scan3A_1016  : i32 {
        %mul3A_1019 = arith.constant 8 : i32
        %mul3A_1020 = arith.muli %scan3A_1018, %mul3A_1019 : i32
        %add3A_1021 = arith.constant 0 : i32
        %add3A_1022 = arith.addi %mul3A_1020, %add3A_1021 : i32
        %mul3A_1023 = arith.constant 16 : i32
        %mul3A_1024 = arith.muli %add3A_1022, %mul3A_1023 : i32
        %get3A_1025 = arith.index_cast %mul3A_1024 : i32 to index
        %get3A_1026 = tpu.vector_load %arg8[%get3A_1025] {strides = array<i32>} : memref<8192xf32, #tpu.memory_space<vmem>>, vector<16xf32>,
        %get3A_1027 = arith.index_cast %mul3A_1024 : i32 to index
        %get3A_1028 = tpu.vector_load %arg9[%get3A_1027] {strides = array<i32>} : memref<8192xi32, #tpu.memory_space<vmem>>, vector<16xi32>,
        %mul3A_1029 = arith.constant 16 : i32
        %mul3A_1030 = vector.broadcast %mul3A_1029 : i32 to vector<16xi32>
        %mul3A_1031 = arith.muli %get3A_1028, %mul3A_1030 : vector<16xi32>
        %add3A_1032 = arith.addi %mul3A_1031, %iota3A : vector<16xi32>
        %gather3A_1033 = tpu.vector_load_idx %arg10[%add3A_1032] : memref<256xf32, #tpu.memory_space<vmem>>[vector<16xi32>], vector<16xf32>,
        %min3A_1034 = arith.minimumf %gather3A_1033, %get3A_1026 : vector<16xf32>
        tpu.vector_store_idx %arg10[%add3A_1032], %min3A_1034 : memref<256xf32, #tpu.memory_space<vmem>>[vector<16xi32>], vector<16xf32>,
        %gather3A_1035 = tpu.vector_load_idx %arg18[%add3A_1032] : memref<256xf32, #tpu.memory_space<vmem>>[vector<16xi32>], vector<16xf32>,
        %max3A_1036 = arith.maximumf %gather3A_1035, %get3A_1026 : vector<16xf32>
        tpu.vector_store_idx %arg18[%add3A_1032], %max3A_1036 : memref<256xf32, #tpu.memory_space<vmem>>[vector<16xi32>], vector<16xf32>,
        %mul3A_1037 = arith.constant 8 : i32
        %mul3A_1038 = arith.muli %scan3A_1018, %mul3A_1037 : i32
        %add3A_1039 = arith.constant 1 : i32
        %add3A_1040 = arith.addi %mul3A_1038, %add3A_1039 : i32
        %mul3A_1041 = arith.constant 16 : i32
        %mul3A_1042 = arith.muli %add3A_1040, %mul3A_1041 : i32
        %get3A_1043 = arith.index_cast %mul3A_1042 : i32 to index
        %get3A_1044 = tpu.vector_load %arg8[%get3A_1043] {strides = array<i32>} : memref<8192xf32, #tpu.memory_space<vmem>>, vector<16xf32>,
        %get3A_1045 = arith.index_cast %mul3A_1042 : i32 to index
        %get3A_1046 = tpu.vector_load %arg9[%get3A_1045] {strides = array<i32>} : memref<8192xi32, #tpu.memory_space<vmem>>, vector<16xi32>,
        %mul3A_1047 = arith.constant 16 : i32
        %mul3A_1048 = vector.broadcast %mul3A_1047 : i32 to vector<16xi32>
        %mul3A_1049 = arith.muli %get3A_1046, %mul3A_1048 : vector<16xi32>
        %add3A_1050 = arith.addi %mul3A_1049, %iota3A : vector<16xi32>
        %gather3A_1051 = tpu.vector_load_idx %arg11[%add3A_1050] : memref<256xf32, #tpu.memory_space<vmem>>[vector<16xi32>], vector<16xf32>,
        %min3A_1052 = arith.minimumf %gather3A_1051, %get3A_1044 : vector<16xf32>
        tpu.vector_store_idx %arg11[%add3A_1050], %min3A_1052 : memref<256xf32, #tpu.memory_space<vmem>>[vector<16xi32>], vector<16xf32>,
        %gather3A_1053 = tpu.vector_load_idx %arg19[%add3A_1050] : memref<256xf32, #tpu.memory_space<vmem>>[vector<16xi32>], vector<16xf32>,
        %max3A_1054 = arith.maximumf %gather3A_1053, %get3A_1044 : vector<16xf32>
        tpu.vector_store_idx %arg19[%add3A_1050], %max3A_1054 : memref<256xf32, #tpu.memory_space<vmem>>[vector<16xi32>], vector<16xf32>,
        %mul3A_1055 = arith.constant 8 : i32
        %mul3A_1056 = arith.muli %scan3A_1018, %mul3A_1055 : i32
        %add3A_1057 = arith.constant 2 : i32
        %add3A_1058 = arith.addi %mul3A_1056, %add3A_1057 : i32
        %mul3A_1059 = arith.constant 16 : i32
        %mul3A_1060 = arith.muli %add3A_1058, %mul3A_1059 : i32
        %get3A_1061 = arith.index_cast %mul3A_1060 : i32 to index
        %get3A_1062 = tpu.vector_load %arg8[%get3A_1061] {strides = array<i32>} : memref<8192xf32, #tpu.memory_space<vmem>>, vector<16xf32>,
        %get3A_1063 = arith.index_cast %mul3A_1060 : i32 to index
        %get3A_1064 = tpu.vector_load %arg9[%get3A_1063] {strides = array<i32>} : memref<8192xi32, #tpu.memory_space<vmem>>, vector<16xi32>,
        %mul3A_1065 = arith.constant 16 : i32
        %mul3A_1066 = vector.broadcast %mul3A_1065 : i32 to vector<16xi32>
        %mul3A_1067 = arith.muli %get3A_1064, %mul3A_1066 : vector<16xi32>
        %add3A_1068 = arith.addi %mul3A_1067, %iota3A : vector<16xi32>
        %gather3A_1069 = tpu.vector_load_idx %arg12[%add3A_1068] : memref<256xf32, #tpu.memory_space<vmem>>[vector<16xi32>], vector<16xf32>,
        %min3A_1070 = arith.minimumf %gather3A_1069, %get3A_1062 : vector<16xf32>
        tpu.vector_store_idx %arg12[%add3A_1068], %min3A_1070 : memref<256xf32, #tpu.memory_space<vmem>>[vector<16xi32>], vector<16xf32>,
        %gather3A_1071 = tpu.vector_load_idx %arg20[%add3A_1068] : memref<256xf32, #tpu.memory_space<vmem>>[vector<16xi32>], vector<16xf32>,
        %max3A_1072 = arith.maximumf %gather3A_1071, %get3A_1062 : vector<16xf32>
        tpu.vector_store_idx %arg20[%add3A_1068], %max3A_1072 : memref<256xf32, #tpu.memory_space<vmem>>[vector<16xi32>], vector<16xf32>,
        %mul3A_1073 = arith.constant 8 : i32
        %mul3A_1074 = arith.muli %scan3A_1018, %mul3A_1073 : i32
        %add3A_1075 = arith.constant 3 : i32
        %add3A_1076 = arith.addi %mul3A_1074, %add3A_1075 : i32
        %mul3A_1077 = arith.constant 16 : i32
        %mul3A_1078 = arith.muli %add3A_1076, %mul3A_1077 : i32
        %get3A_1079 = arith.index_cast %mul3A_1078 : i32 to index
        %get3A_1080 = tpu.vector_load %arg8[%get3A_1079] {strides = array<i32>} : memref<8192xf32, #tpu.memory_space<vmem>>, vector<16xf32>,
        %get3A_1081 = arith.index_cast %mul3A_1078 : i32 to index
        %get3A_1082 = tpu.vector_load %arg9[%get3A_1081] {strides = array<i32>} : memref<8192xi32, #tpu.memory_space<vmem>>, vector<16xi32>,
        %mul3A_1083 = arith.constant 16 : i32
        %mul3A_1084 = vector.broadcast %mul3A_1083 : i32 to vector<16xi32>
        %mul3A_1085 = arith.muli %get3A_1082, %mul3A_1084 : vector<16xi32>
        %add3A_1086 = arith.addi %mul3A_1085, %iota3A : vector<16xi32>
        %gather3A_1087 = tpu.vector_load_idx %arg13[%add3A_1086] : memref<256xf32, #tpu.memory_space<vmem>>[vector<16xi32>], vector<16xf32>,
        %min3A_1088 = arith.minimumf %gather3A_1087, %get3A_1080 : vector<16xf32>
        tpu.vector_store_idx %arg13[%add3A_1086], %min3A_1088 : memref<256xf32, #tpu.memory_space<vmem>>[vector<16xi32>], vector<16xf32>,
        %gather3A_1089 = tpu.vector_load_idx %arg21[%add3A_1086] : memref<256xf32, #tpu.memory_space<vmem>>[vector<16xi32>], vector<16xf32>,
        %max3A_1090 = arith.maximumf %gather3A_1089, %get3A_1080 : vector<16xf32>
        tpu.vector_store_idx %arg21[%add3A_1086], %max3A_1090 : memref<256xf32, #tpu.memory_space<vmem>>[vector<16xi32>], vector<16xf32>,
        %mul3A_1091 = arith.constant 8 : i32
        %mul3A_1092 = arith.muli %scan3A_1018, %mul3A_1091 : i32
        %add3A_1093 = arith.constant 4 : i32
        %add3A_1094 = arith.addi %mul3A_1092, %add3A_1093 : i32
        %mul3A_1095 = arith.constant 16 : i32
        %mul3A_1096 = arith.muli %add3A_1094, %mul3A_1095 : i32
        %get3A_1097 = arith.index_cast %mul3A_1096 : i32 to index
        %get3A_1098 = tpu.vector_load %arg8[%get3A_1097] {strides = array<i32>} : memref<8192xf32, #tpu.memory_space<vmem>>, vector<16xf32>,
        %get3A_1099 = arith.index_cast %mul3A_1096 : i32 to index
        %get3A_1100 = tpu.vector_load %arg9[%get3A_1099] {strides = array<i32>} : memref<8192xi32, #tpu.memory_space<vmem>>, vector<16xi32>,
        %mul3A_1101 = arith.constant 16 : i32
        %mul3A_1102 = vector.broadcast %mul3A_1101 : i32 to vector<16xi32>
        %mul3A_1103 = arith.muli %get3A_1100, %mul3A_1102 : vector<16xi32>
        %add3A_1104 = arith.addi %mul3A_1103, %iota3A : vector<16xi32>
        %gather3A_1105 = tpu.vector_load_idx %arg14[%add3A_1104] : memref<256xf32, #tpu.memory_space<vmem>>[vector<16xi32>], vector<16xf32>,
        %min3A_1106 = arith.minimumf %gather3A_1105, %get3A_1098 : vector<16xf32>
        tpu.vector_store_idx %arg14[%add3A_1104], %min3A_1106 : memref<256xf32, #tpu.memory_space<vmem>>[vector<16xi32>], vector<16xf32>,
        %gather3A_1107 = tpu.vector_load_idx %arg22[%add3A_1104] : memref<256xf32, #tpu.memory_space<vmem>>[vector<16xi32>], vector<16xf32>,
        %max3A_1108 = arith.maximumf %gather3A_1107, %get3A_1098 : vector<16xf32>
        tpu.vector_store_idx %arg22[%add3A_1104], %max3A_1108 : memref<256xf32, #tpu.memory_space<vmem>>[vector<16xi32>], vector<16xf32>,
        %mul3A_1109 = arith.constant 8 : i32
        %mul3A_1110 = arith.muli %scan3A_1018, %mul3A_1109 : i32
        %add3A_1111 = arith.constant 5 : i32
        %add3A_1112 = arith.addi %mul3A_1110, %add3A_1111 : i32
        %mul3A_1113 = arith.constant 16 : i32
        %mul3A_1114 = arith.muli %add3A_1112, %mul3A_1113 : i32
        %get3A_1115 = arith.index_cast %mul3A_1114 : i32 to index
        %get3A_1116 = tpu.vector_load %arg8[%get3A_1115] {strides = array<i32>} : memref<8192xf32, #tpu.memory_space<vmem>>, vector<16xf32>,
        %get3A_1117 = arith.index_cast %mul3A_1114 : i32 to index
        %get3A_1118 = tpu.vector_load %arg9[%get3A_1117] {strides = array<i32>} : memref<8192xi32, #tpu.memory_space<vmem>>, vector<16xi32>,
        %mul3A_1119 = arith.constant 16 : i32
        %mul3A_1120 = vector.broadcast %mul3A_1119 : i32 to vector<16xi32>
        %mul3A_1121 = arith.muli %get3A_1118, %mul3A_1120 : vector<16xi32>
        %add3A_1122 = arith.addi %mul3A_1121, %iota3A : vector<16xi32>
        %gather3A_1123 = tpu.vector_load_idx %arg15[%add3A_1122] : memref<256xf32, #tpu.memory_space<vmem>>[vector<16xi32>], vector<16xf32>,
        %min3A_1124 = arith.minimumf %gather3A_1123, %get3A_1116 : vector<16xf32>
        tpu.vector_store_idx %arg15[%add3A_1122], %min3A_1124 : memref<256xf32, #tpu.memory_space<vmem>>[vector<16xi32>], vector<16xf32>,
        %gather3A_1125 = tpu.vector_load_idx %arg23[%add3A_1122] : memref<256xf32, #tpu.memory_space<vmem>>[vector<16xi32>], vector<16xf32>,
        %max3A_1126 = arith.maximumf %gather3A_1125, %get3A_1116 : vector<16xf32>
        tpu.vector_store_idx %arg23[%add3A_1122], %max3A_1126 : memref<256xf32, #tpu.memory_space<vmem>>[vector<16xi32>], vector<16xf32>,
        %mul3A_1127 = arith.constant 8 : i32
        %mul3A_1128 = arith.muli %scan3A_1018, %mul3A_1127 : i32
        %add3A_1129 = arith.constant 6 : i32
        %add3A_1130 = arith.addi %mul3A_1128, %add3A_1129 : i32
        %mul3A_1131 = arith.constant 16 : i32
        %mul3A_1132 = arith.muli %add3A_1130, %mul3A_1131 : i32
        %get3A_1133 = arith.index_cast %mul3A_1132 : i32 to index
        %get3A_1134 = tpu.vector_load %arg8[%get3A_1133] {strides = array<i32>} : memref<8192xf32, #tpu.memory_space<vmem>>, vector<16xf32>,
        %get3A_1135 = arith.index_cast %mul3A_1132 : i32 to index
        %get3A_1136 = tpu.vector_load %arg9[%get3A_1135] {strides = array<i32>} : memref<8192xi32, #tpu.memory_space<vmem>>, vector<16xi32>,
        %mul3A_1137 = arith.constant 16 : i32
        %mul3A_1138 = vector.broadcast %mul3A_1137 : i32 to vector<16xi32>
        %mul3A_1139 = arith.muli %get3A_1136, %mul3A_1138 : vector<16xi32>
        %add3A_1140 = arith.addi %mul3A_1139, %iota3A : vector<16xi32>
        %gather3A_1141 = tpu.vector_load_idx %arg16[%add3A_1140] : memref<256xf32, #tpu.memory_space<vmem>>[vector<16xi32>], vector<16xf32>,
        %min3A_1142 = arith.minimumf %gather3A_1141, %get3A_1134 : vector<16xf32>
        tpu.vector_store_idx %arg16[%add3A_1140], %min3A_1142 : memref<256xf32, #tpu.memory_space<vmem>>[vector<16xi32>], vector<16xf32>,
        %gather3A_1143 = tpu.vector_load_idx %arg24[%add3A_1140] : memref<256xf32, #tpu.memory_space<vmem>>[vector<16xi32>], vector<16xf32>,
        %max3A_1144 = arith.maximumf %gather3A_1143, %get3A_1134 : vector<16xf32>
        tpu.vector_store_idx %arg24[%add3A_1140], %max3A_1144 : memref<256xf32, #tpu.memory_space<vmem>>[vector<16xi32>], vector<16xf32>,
        %mul3A_1145 = arith.constant 8 : i32
        %mul3A_1146 = arith.muli %scan3A_1018, %mul3A_1145 : i32
        %add3A_1147 = arith.constant 7 : i32
        %add3A_1148 = arith.addi %mul3A_1146, %add3A_1147 : i32
        %mul3A_1149 = arith.constant 16 : i32
        %mul3A_1150 = arith.muli %add3A_1148, %mul3A_1149 : i32
        %get3A_1151 = arith.index_cast %mul3A_1150 : i32 to index
        %get3A_1152 = tpu.vector_load %arg8[%get3A_1151] {strides = array<i32>} : memref<8192xf32, #tpu.memory_space<vmem>>, vector<16xf32>,
        %get3A_1153 = arith.index_cast %mul3A_1150 : i32 to index
        %get3A_1154 = tpu.vector_load %arg9[%get3A_1153] {strides = array<i32>} : memref<8192xi32, #tpu.memory_space<vmem>>, vector<16xi32>,
        %mul3A_1155 = arith.constant 16 : i32
        %mul3A_1156 = vector.broadcast %mul3A_1155 : i32 to vector<16xi32>
        %mul3A_1157 = arith.muli %get3A_1154, %mul3A_1156 : vector<16xi32>
        %add3A_1158 = arith.addi %mul3A_1157, %iota3A : vector<16xi32>
        %gather3A_1159 = tpu.vector_load_idx %arg17[%add3A_1158] : memref<256xf32, #tpu.memory_space<vmem>>[vector<16xi32>], vector<16xf32>,
        %min3A_1160 = arith.minimumf %gather3A_1159, %get3A_1152 : vector<16xf32>
        tpu.vector_store_idx %arg17[%add3A_1158], %min3A_1160 : memref<256xf32, #tpu.memory_space<vmem>>[vector<16xi32>], vector<16xf32>,
        %gather3A_1161 = tpu.vector_load_idx %arg25[%add3A_1158] : memref<256xf32, #tpu.memory_space<vmem>>[vector<16xi32>], vector<16xf32>,
        %max3A_1162 = arith.maximumf %gather3A_1161, %get3A_1152 : vector<16xf32>
        tpu.vector_store_idx %arg25[%add3A_1158], %max3A_1162 : memref<256xf32, #tpu.memory_space<vmem>>[vector<16xi32>], vector<16xf32>,
      }
      %scan3A_1017 = arith.constant 64 : i32
    }
    %scan3A_16 = arith.constant 3 : i32
    %get3A = arith.constant 0 : index
    %get3A_17 = tpu.vector_load %arg10[%get3A] {strides = array<i32>} : memref<256xf32, #tpu.memory_space<vmem>>, vector<16xf32>,
    %get3A_18 = arith.constant 0 : index
    %get3A_19 = tpu.vector_load %arg18[%get3A_18] {strides = array<i32>} : memref<256xf32, #tpu.memory_space<vmem>>, vector<16xf32>,
    %get3A_20 = arith.constant 0 : index
    %get3A_21 = tpu.vector_load %arg11[%get3A_20] {strides = array<i32>} : memref<256xf32, #tpu.memory_space<vmem>>, vector<16xf32>,
    %min3A = arith.minimumf %get3A_17, %get3A_21 : vector<16xf32>
    %get3A_22 = arith.constant 0 : index
    %get3A_23 = tpu.vector_load %arg19[%get3A_22] {strides = array<i32>} : memref<256xf32, #tpu.memory_space<vmem>>, vector<16xf32>,
    %max3A = arith.maximumf %get3A_19, %get3A_23 : vector<16xf32>
    %get3A_24 = arith.constant 0 : index
    %get3A_25 = tpu.vector_load %arg12[%get3A_24] {strides = array<i32>} : memref<256xf32, #tpu.memory_space<vmem>>, vector<16xf32>,
    %min3A_26 = arith.minimumf %min3A, %get3A_25 : vector<16xf32>
    %get3A_27 = arith.constant 0 : index
    %get3A_28 = tpu.vector_load %arg20[%get3A_27] {strides = array<i32>} : memref<256xf32, #tpu.memory_space<vmem>>, vector<16xf32>,
    %max3A_29 = arith.maximumf %max3A, %get3A_28 : vector<16xf32>
    %get3A_30 = arith.constant 0 : index
    %get3A_31 = tpu.vector_load %arg13[%get3A_30] {strides = array<i32>} : memref<256xf32, #tpu.memory_space<vmem>>, vector<16xf32>,
    %min3A_32 = arith.minimumf %min3A_26, %get3A_31 : vector<16xf32>
    %get3A_33 = arith.constant 0 : index
    %get3A_34 = tpu.vector_load %arg21[%get3A_33] {strides = array<i32>} : memref<256xf32, #tpu.memory_space<vmem>>, vector<16xf32>,
    %max3A_35 = arith.maximumf %max3A_29, %get3A_34 : vector<16xf32>
    %get3A_36 = arith.constant 0 : index
    %get3A_37 = tpu.vector_load %arg14[%get3A_36] {strides = array<i32>} : memref<256xf32, #tpu.memory_space<vmem>>, vector<16xf32>,
    %min3A_38 = arith.minimumf %min3A_32, %get3A_37 : vector<16xf32>
    %get3A_39 = arith.constant 0 : index
    %get3A_40 = tpu.vector_load %arg22[%get3A_39] {strides = array<i32>} : memref<256xf32, #tpu.memory_space<vmem>>, vector<16xf32>,
    %max3A_41 = arith.maximumf %max3A_35, %get3A_40 : vector<16xf32>
    %get3A_42 = arith.constant 0 : index
    %get3A_43 = tpu.vector_load %arg15[%get3A_42] {strides = array<i32>} : memref<256xf32, #tpu.memory_space<vmem>>, vector<16xf32>,
    %min3A_44 = arith.minimumf %min3A_38, %get3A_43 : vector<16xf32>
    %get3A_45 = arith.constant 0 : index
    %get3A_46 = tpu.vector_load %arg23[%get3A_45] {strides = array<i32>} : memref<256xf32, #tpu.memory_space<vmem>>, vector<16xf32>,
    %max3A_47 = arith.maximumf %max3A_41, %get3A_46 : vector<16xf32>
    %get3A_48 = arith.constant 0 : index
    %get3A_49 = tpu.vector_load %arg16[%get3A_48] {strides = array<i32>} : memref<256xf32, #tpu.memory_space<vmem>>, vector<16xf32>,
    %min3A_50 = arith.minimumf %min3A_44, %get3A_49 : vector<16xf32>
    %get3A_51 = arith.constant 0 : index
    %get3A_52 = tpu.vector_load %arg24[%get3A_51] {strides = array<i32>} : memref<256xf32, #tpu.memory_space<vmem>>, vector<16xf32>,
    %max3A_53 = arith.maximumf %max3A_47, %get3A_52 : vector<16xf32>
    %get3A_54 = arith.constant 0 : index
    %get3A_55 = tpu.vector_load %arg17[%get3A_54] {strides = array<i32>} : memref<256xf32, #tpu.memory_space<vmem>>, vector<16xf32>,
    %min3A_56 = arith.minimumf %min3A_50, %get3A_55 : vector<16xf32>
    %get3A_57 = arith.constant 0 : index
    %get3A_58 = tpu.vector_load %arg25[%get3A_57] {strides = array<i32>} : memref<256xf32, #tpu.memory_space<vmem>>, vector<16xf32>,
    %max3A_59 = arith.maximumf %max3A_53, %get3A_58 : vector<16xf32>
    %swap3A = arith.constant 0 : index
    %swap3A_60 = tpu.vector_load %arg10[%swap3A] {strides = array<i32>} : memref<256xf32, #tpu.memory_space<vmem>>, vector<16xf32>,
    tpu.vector_store %arg10[%swap3A], %min3A_56 {strides = array<i32>} : memref<256xf32, #tpu.memory_space<vmem>>, vector<16xf32>,
    %swap3A_61 = arith.constant 0 : index
    %swap3A_62 = tpu.vector_load %arg18[%swap3A_61] {strides = array<i32>} : memref<256xf32, #tpu.memory_space<vmem>>, vector<16xf32>,
    tpu.vector_store %arg18[%swap3A_61], %max3A_59 {strides = array<i32>} : memref<256xf32, #tpu.memory_space<vmem>>, vector<16xf32>,
    %get3A_63 = arith.constant 16 : index
    %get3A_64 = tpu.vector_load %arg10[%get3A_63] {strides = array<i32>} : memref<256xf32, #tpu.memory_space<vmem>>, vector<16xf32>,
    %get3A_65 = arith.constant 16 : index
    %get3A_66 = tpu.vector_load %arg18[%get3A_65] {strides = array<i32>} : memref<256xf32, #tpu.memory_space<vmem>>, vector<16xf32>,
    %get3A_67 = arith.constant 16 : index
    %get3A_68 = tpu.vector_load %arg11[%get3A_67] {strides = array<i32>} : memref<256xf32, #tpu.memory_space<vmem>>, vector<16xf32>,
    %min3A_69 = arith.minimumf %get3A_64, %get3A_68 : vector<16xf32>
    %get3A_70 = arith.constant 16 : index
    %get3A_71 = tpu.vector_load %arg19[%get3A_70] {strides = array<i32>} : memref<256xf32, #tpu.memory_space<vmem>>, vector<16xf32>,
    %max3A_72 = arith.maximumf %get3A_66, %get3A_71 : vector<16xf32>
    %get3A_73 = arith.constant 16 : index
    %get3A_74 = tpu.vector_load %arg12[%get3A_73] {strides = array<i32>} : memref<256xf32, #tpu.memory_space<vmem>>, vector<16xf32>,
    %min3A_75 = arith.minimumf %min3A_69, %get3A_74 : vector<16xf32>
    %get3A_76 = arith.constant 16 : index
    %get3A_77 = tpu.vector_load %arg20[%get3A_76] {strides = array<i32>} : memref<256xf32, #tpu.memory_space<vmem>>, vector<16xf32>,
    %max3A_78 = arith.maximumf %max3A_72, %get3A_77 : vector<16xf32>
    %get3A_79 = arith.constant 16 : index
    %get3A_80 = tpu.vector_load %arg13[%get3A_79] {strides = array<i32>} : memref<256xf32, #tpu.memory_space<vmem>>, vector<16xf32>,
    %min3A_81 = arith.minimumf %min3A_75, %get3A_80 : vector<16xf32>
    %get3A_82 = arith.constant 16 : index
    %get3A_83 = tpu.vector_load %arg21[%get3A_82] {strides = array<i32>} : memref<256xf32, #tpu.memory_space<vmem>>, vector<16xf32>,
    %max3A_84 = arith.maximumf %max3A_78, %get3A_83 : vector<16xf32>
    %get3A_85 = arith.constant 16 : index
    %get3A_86 = tpu.vector_load %arg14[%get3A_85] {strides = array<i32>} : memref<256xf32, #tpu.memory_space<vmem>>, vector<16xf32>,
    %min3A_87 = arith.minimumf %min3A_81, %get3A_86 : vector<16xf32>
    %get3A_88 = arith.constant 16 : index
    %get3A_89 = tpu.vector_load %arg22[%get3A_88] {strides = array<i32>} : memref<256xf32, #tpu.memory_space<vmem>>, vector<16xf32>,
    %max3A_90 = arith.maximumf %max3A_84, %get3A_89 : vector<16xf32>
    %get3A_91 = arith.constant 16 : index
    %get3A_92 = tpu.vector_load %arg15[%get3A_91] {strides = array<i32>} : memref<256xf32, #tpu.memory_space<vmem>>, vector<16xf32>,
    %min3A_93 = arith.minimumf %min3A_87, %get3A_92 : vector<16xf32>
    %get3A_94 = arith.constant 16 : index
    %get3A_95 = tpu.vector_load %arg23[%get3A_94] {strides = array<i32>} : memref<256xf32, #tpu.memory_space<vmem>>, vector<16xf32>,
    %max3A_96 = arith.maximumf %max3A_90, %get3A_95 : vector<16xf32>
    %get3A_97 = arith.constant 16 : index
    %get3A_98 = tpu.vector_load %arg16[%get3A_97] {strides = array<i32>} : memref<256xf32, #tpu.memory_space<vmem>>, vector<16xf32>,
    %min3A_99 = arith.minimumf %min3A_93, %get3A_98 : vector<16xf32>
    %get3A_100 = arith.constant 16 : index
    %get3A_101 = tpu.vector_load %arg24[%get3A_100] {strides = array<i32>} : memref<256xf32, #tpu.memory_space<vmem>>, vector<16xf32>,
    %max3A_102 = arith.maximumf %max3A_96, %get3A_101 : vector<16xf32>
    %get3A_103 = arith.constant 16 : index
    %get3A_104 = tpu.vector_load %arg17[%get3A_103] {strides = array<i32>} : memref<256xf32, #tpu.memory_space<vmem>>, vector<16xf32>,
    %min3A_105 = arith.minimumf %min3A_99, %get3A_104 : vector<16xf32>
    %get3A_106 = arith.constant 16 : index
    %get3A_107 = tpu.vector_load %arg25[%get3A_106] {strides = array<i32>} : memref<256xf32, #tpu.memory_space<vmem>>, vector<16xf32>,
    %max3A_108 = arith.maximumf %max3A_102, %get3A_107 : vector<16xf32>
    %swap3A_109 = arith.constant 16 : index
    %swap3A_110 = tpu.vector_load %arg10[%swap3A_109] {strides = array<i32>} : memref<256xf32, #tpu.memory_space<vmem>>, vector<16xf32>,
    tpu.vector_store %arg10[%swap3A_109], %min3A_105 {strides = array<i32>} : memref<256xf32, #tpu.memory_space<vmem>>, vector<16xf32>,
    %swap3A_111 = arith.constant 16 : index
    %swap3A_112 = tpu.vector_load %arg18[%swap3A_111] {strides = array<i32>} : memref<256xf32, #tpu.memory_space<vmem>>, vector<16xf32>,
    tpu.vector_store %arg18[%swap3A_111], %max3A_108 {strides = array<i32>} : memref<256xf32, #tpu.memory_space<vmem>>, vector<16xf32>,
    %get3A_113 = arith.constant 32 : index
    %get3A_114 = tpu.vector_load %arg10[%get3A_113] {strides = array<i32>} : memref<256xf32, #tpu.memory_space<vmem>>, vector<16xf32>,
    %get3A_115 = arith.constant 32 : index
    %get3A_116 = tpu.vector_load %arg18[%get3A_115] {strides = array<i32>} : memref<256xf32, #tpu.memory_space<vmem>>, vector<16xf32>,
    %get3A_117 = arith.constant 32 : index
    %get3A_118 = tpu.vector_load %arg11[%get3A_117] {strides = array<i32>} : memref<256xf32, #tpu.memory_space<vmem>>, vector<16xf32>,
    %min3A_119 = arith.minimumf %get3A_114, %get3A_118 : vector<16xf32>
    %get3A_120 = arith.constant 32 : index
    %get3A_121 = tpu.vector_load %arg19[%get3A_120] {strides = array<i32>} : memref<256xf32, #tpu.memory_space<vmem>>, vector<16xf32>,
    %max3A_122 = arith.maximumf %get3A_116, %get3A_121 : vector<16xf32>
    %get3A_123 = arith.constant 32 : index
    %get3A_124 = tpu.vector_load %arg12[%get3A_123] {strides = array<i32>} : memref<256xf32, #tpu.memory_space<vmem>>, vector<16xf32>,
    %min3A_125 = arith.minimumf %min3A_119, %get3A_124 : vector<16xf32>
    %get3A_126 = arith.constant 32 : index
    %get3A_127 = tpu.vector_load %arg20[%get3A_126] {strides = array<i32>} : memref<256xf32, #tpu.memory_space<vmem>>, vector<16xf32>,
    %max3A_128 = arith.maximumf %max3A_122, %get3A_127 : vector<16xf32>
    %get3A_129 = arith.constant 32 : index
    %get3A_130 = tpu.vector_load %arg13[%get3A_129] {strides = array<i32>} : memref<256xf32, #tpu.memory_space<vmem>>, vector<16xf32>,
    %min3A_131 = arith.minimumf %min3A_125, %get3A_130 : vector<16xf32>
    %get3A_132 = arith.constant 32 : index
    %get3A_133 = tpu.vector_load %arg21[%get3A_132] {strides = array<i32>} : memref<256xf32, #tpu.memory_space<vmem>>, vector<16xf32>,
    %max3A_134 = arith.maximumf %max3A_128, %get3A_133 : vector<16xf32>
    %get3A_135 = arith.constant 32 : index
    %get3A_136 = tpu.vector_load %arg14[%get3A_135] {strides = array<i32>} : memref<256xf32, #tpu.memory_space<vmem>>, vector<16xf32>,
    %min3A_137 = arith.minimumf %min3A_131, %get3A_136 : vector<16xf32>
    %get3A_138 = arith.constant 32 : index
    %get3A_139 = tpu.vector_load %arg22[%get3A_138] {strides = array<i32>} : memref<256xf32, #tpu.memory_space<vmem>>, vector<16xf32>,
    %max3A_140 = arith.maximumf %max3A_134, %get3A_139 : vector<16xf32>
    %get3A_141 = arith.constant 32 : index
    %get3A_142 = tpu.vector_load %arg15[%get3A_141] {strides = array<i32>} : memref<256xf32, #tpu.memory_space<vmem>>, vector<16xf32>,
    %min3A_143 = arith.minimumf %min3A_137, %get3A_142 : vector<16xf32>
    %get3A_144 = arith.constant 32 : index
    %get3A_145 = tpu.vector_load %arg23[%get3A_144] {strides = array<i32>} : memref<256xf32, #tpu.memory_space<vmem>>, vector<16xf32>,
    %max3A_146 = arith.maximumf %max3A_140, %get3A_145 : vector<16xf32>
    %get3A_147 = arith.constant 32 : index
    %get3A_148 = tpu.vector_load %arg16[%get3A_147] {strides = array<i32>} : memref<256xf32, #tpu.memory_space<vmem>>, vector<16xf32>,
    %min3A_149 = arith.minimumf %min3A_143, %get3A_148 : vector<16xf32>
    %get3A_150 = arith.constant 32 : index
    %get3A_151 = tpu.vector_load %arg24[%get3A_150] {strides = array<i32>} : memref<256xf32, #tpu.memory_space<vmem>>, vector<16xf32>,
    %max3A_152 = arith.maximumf %max3A_146, %get3A_151 : vector<16xf32>
    %get3A_153 = arith.constant 32 : index
    %get3A_154 = tpu.vector_load %arg17[%get3A_153] {strides = array<i32>} : memref<256xf32, #tpu.memory_space<vmem>>, vector<16xf32>,
    %min3A_155 = arith.minimumf %min3A_149, %get3A_154 : vector<16xf32>
    %get3A_156 = arith.constant 32 : index
    %get3A_157 = tpu.vector_load %arg25[%get3A_156] {strides = array<i32>} : memref<256xf32, #tpu.memory_space<vmem>>, vector<16xf32>,
    %max3A_158 = arith.maximumf %max3A_152, %get3A_157 : vector<16xf32>
    %swap3A_159 = arith.constant 32 : index
    %swap3A_160 = tpu.vector_load %arg10[%swap3A_159] {strides = array<i32>} : memref<256xf32, #tpu.memory_space<vmem>>, vector<16xf32>,
    tpu.vector_store %arg10[%swap3A_159], %min3A_155 {strides = array<i32>} : memref<256xf32, #tpu.memory_space<vmem>>, vector<16xf32>,
    %swap3A_161 = arith.constant 32 : index
    %swap3A_162 = tpu.vector_load %arg18[%swap3A_161] {strides = array<i32>} : memref<256xf32, #tpu.memory_space<vmem>>, vector<16xf32>,
    tpu.vector_store %arg18[%swap3A_161], %max3A_158 {strides = array<i32>} : memref<256xf32, #tpu.memory_space<vmem>>, vector<16xf32>,
    %get3A_163 = arith.constant 48 : index
    %get3A_164 = tpu.vector_load %arg10[%get3A_163] {strides = array<i32>} : memref<256xf32, #tpu.memory_space<vmem>>, vector<16xf32>,
    %get3A_165 = arith.constant 48 : index
    %get3A_166 = tpu.vector_load %arg18[%get3A_165] {strides = array<i32>} : memref<256xf32, #tpu.memory_space<vmem>>, vector<16xf32>,
    %get3A_167 = arith.constant 48 : index
    %get3A_168 = tpu.vector_load %arg11[%get3A_167] {strides = array<i32>} : memref<256xf32, #tpu.memory_space<vmem>>, vector<16xf32>,
    %min3A_169 = arith.minimumf %get3A_164, %get3A_168 : vector<16xf32>
    %get3A_170 = arith.constant 48 : index
    %get3A_171 = tpu.vector_load %arg19[%get3A_170] {strides = array<i32>} : memref<256xf32, #tpu.memory_space<vmem>>, vector<16xf32>,
    %max3A_172 = arith.maximumf %get3A_166, %get3A_171 : vector<16xf32>
    %get3A_173 = arith.constant 48 : index
    %get3A_174 = tpu.vector_load %arg12[%get3A_173] {strides = array<i32>} : memref<256xf32, #tpu.memory_space<vmem>>, vector<16xf32>,
    %min3A_175 = arith.minimumf %min3A_169, %get3A_174 : vector<16xf32>
    %get3A_176 = arith.constant 48 : index
    %get3A_177 = tpu.vector_load %arg20[%get3A_176] {strides = array<i32>} : memref<256xf32, #tpu.memory_space<vmem>>, vector<16xf32>,
    %max3A_178 = arith.maximumf %max3A_172, %get3A_177 : vector<16xf32>
    %get3A_179 = arith.constant 48 : index
    %get3A_180 = tpu.vector_load %arg13[%get3A_179] {strides = array<i32>} : memref<256xf32, #tpu.memory_space<vmem>>, vector<16xf32>,
    %min3A_181 = arith.minimumf %min3A_175, %get3A_180 : vector<16xf32>
    %get3A_182 = arith.constant 48 : index
    %get3A_183 = tpu.vector_load %arg21[%get3A_182] {strides = array<i32>} : memref<256xf32, #tpu.memory_space<vmem>>, vector<16xf32>,
    %max3A_184 = arith.maximumf %max3A_178, %get3A_183 : vector<16xf32>
    %get3A_185 = arith.constant 48 : index
    %get3A_186 = tpu.vector_load %arg14[%get3A_185] {strides = array<i32>} : memref<256xf32, #tpu.memory_space<vmem>>, vector<16xf32>,
    %min3A_187 = arith.minimumf %min3A_181, %get3A_186 : vector<16xf32>
    %get3A_188 = arith.constant 48 : index
    %get3A_189 = tpu.vector_load %arg22[%get3A_188] {strides = array<i32>} : memref<256xf32, #tpu.memory_space<vmem>>, vector<16xf32>,
    %max3A_190 = arith.maximumf %max3A_184, %get3A_189 : vector<16xf32>
    %get3A_191 = arith.constant 48 : index
    %get3A_192 = tpu.vector_load %arg15[%get3A_191] {strides = array<i32>} : memref<256xf32, #tpu.memory_space<vmem>>, vector<16xf32>,
    %min3A_193 = arith.minimumf %min3A_187, %get3A_192 : vector<16xf32>
    %get3A_194 = arith.constant 48 : index
    %get3A_195 = tpu.vector_load %arg23[%get3A_194] {strides = array<i32>} : memref<256xf32, #tpu.memory_space<vmem>>, vector<16xf32>,
    %max3A_196 = arith.maximumf %max3A_190, %get3A_195 : vector<16xf32>
    %get3A_197 = arith.constant 48 : index
    %get3A_198 = tpu.vector_load %arg16[%get3A_197] {strides = array<i32>} : memref<256xf32, #tpu.memory_space<vmem>>, vector<16xf32>,
    %min3A_199 = arith.minimumf %min3A_193, %get3A_198 : vector<16xf32>
    %get3A_200 = arith.constant 48 : index
    %get3A_201 = tpu.vector_load %arg24[%get3A_200] {strides = array<i32>} : memref<256xf32, #tpu.memory_space<vmem>>, vector<16xf32>,
    %max3A_202 = arith.maximumf %max3A_196, %get3A_201 : vector<16xf32>
    %get3A_203 = arith.constant 48 : index
    %get3A_204 = tpu.vector_load %arg17[%get3A_203] {strides = array<i32>} : memref<256xf32, #tpu.memory_space<vmem>>, vector<16xf32>,
    %min3A_205 = arith.minimumf %min3A_199, %get3A_204 : vector<16xf32>
    %get3A_206 = arith.constant 48 : index
    %get3A_207 = tpu.vector_load %arg25[%get3A_206] {strides = array<i32>} : memref<256xf32, #tpu.memory_space<vmem>>, vector<16xf32>,
    %max3A_208 = arith.maximumf %max3A_202, %get3A_207 : vector<16xf32>
    %swap3A_209 = arith.constant 48 : index
    %swap3A_210 = tpu.vector_load %arg10[%swap3A_209] {strides = array<i32>} : memref<256xf32, #tpu.memory_space<vmem>>, vector<16xf32>,
    tpu.vector_store %arg10[%swap3A_209], %min3A_205 {strides = array<i32>} : memref<256xf32, #tpu.memory_space<vmem>>, vector<16xf32>,
    %swap3A_211 = arith.constant 48 : index
    %swap3A_212 = tpu.vector_load %arg18[%swap3A_211] {strides = array<i32>} : memref<256xf32, #tpu.memory_space<vmem>>, vector<16xf32>,
    tpu.vector_store %arg18[%swap3A_211], %max3A_208 {strides = array<i32>} : memref<256xf32, #tpu.memory_space<vmem>>, vector<16xf32>,
    %get3A_213 = arith.constant 64 : index
    %get3A_214 = tpu.vector_load %arg10[%get3A_213] {strides = array<i32>} : memref<256xf32, #tpu.memory_space<vmem>>, vector<16xf32>,
    %get3A_215 = arith.constant 64 : index
    %get3A_216 = tpu.vector_load %arg18[%get3A_215] {strides = array<i32>} : memref<256xf32, #tpu.memory_space<vmem>>, vector<16xf32>,
    %get3A_217 = arith.constant 64 : index
    %get3A_218 = tpu.vector_load %arg11[%get3A_217] {strides = array<i32>} : memref<256xf32, #tpu.memory_space<vmem>>, vector<16xf32>,
    %min3A_219 = arith.minimumf %get3A_214, %get3A_218 : vector<16xf32>
    %get3A_220 = arith.constant 64 : index
    %get3A_221 = tpu.vector_load %arg19[%get3A_220] {strides = array<i32>} : memref<256xf32, #tpu.memory_space<vmem>>, vector<16xf32>,
    %max3A_222 = arith.maximumf %get3A_216, %get3A_221 : vector<16xf32>
    %get3A_223 = arith.constant 64 : index
    %get3A_224 = tpu.vector_load %arg12[%get3A_223] {strides = array<i32>} : memref<256xf32, #tpu.memory_space<vmem>>, vector<16xf32>,
    %min3A_225 = arith.minimumf %min3A_219, %get3A_224 : vector<16xf32>
    %get3A_226 = arith.constant 64 : index
    %get3A_227 = tpu.vector_load %arg20[%get3A_226] {strides = array<i32>} : memref<256xf32, #tpu.memory_space<vmem>>, vector<16xf32>,
    %max3A_228 = arith.maximumf %max3A_222, %get3A_227 : vector<16xf32>
    %get3A_229 = arith.constant 64 : index
    %get3A_230 = tpu.vector_load %arg13[%get3A_229] {strides = array<i32>} : memref<256xf32, #tpu.memory_space<vmem>>, vector<16xf32>,
    %min3A_231 = arith.minimumf %min3A_225, %get3A_230 : vector<16xf32>
    %get3A_232 = arith.constant 64 : index
    %get3A_233 = tpu.vector_load %arg21[%get3A_232] {strides = array<i32>} : memref<256xf32, #tpu.memory_space<vmem>>, vector<16xf32>,
    %max3A_234 = arith.maximumf %max3A_228, %get3A_233 : vector<16xf32>
    %get3A_235 = arith.constant 64 : index
    %get3A_236 = tpu.vector_load %arg14[%get3A_235] {strides = array<i32>} : memref<256xf32, #tpu.memory_space<vmem>>, vector<16xf32>,
    %min3A_237 = arith.minimumf %min3A_231, %get3A_236 : vector<16xf32>
    %get3A_238 = arith.constant 64 : index
    %get3A_239 = tpu.vector_load %arg22[%get3A_238] {strides = array<i32>} : memref<256xf32, #tpu.memory_space<vmem>>, vector<16xf32>,
    %max3A_240 = arith.maximumf %max3A_234, %get3A_239 : vector<16xf32>
    %get3A_241 = arith.constant 64 : index
    %get3A_242 = tpu.vector_load %arg15[%get3A_241] {strides = array<i32>} : memref<256xf32, #tpu.memory_space<vmem>>, vector<16xf32>,
    %min3A_243 = arith.minimumf %min3A_237, %get3A_242 : vector<16xf32>
    %get3A_244 = arith.constant 64 : index
    %get3A_245 = tpu.vector_load %arg23[%get3A_244] {strides = array<i32>} : memref<256xf32, #tpu.memory_space<vmem>>, vector<16xf32>,
    %max3A_246 = arith.maximumf %max3A_240, %get3A_245 : vector<16xf32>
    %get3A_247 = arith.constant 64 : index
    %get3A_248 = tpu.vector_load %arg16[%get3A_247] {strides = array<i32>} : memref<256xf32, #tpu.memory_space<vmem>>, vector<16xf32>,
    %min3A_249 = arith.minimumf %min3A_243, %get3A_248 : vector<16xf32>
    %get3A_250 = arith.constant 64 : index
    %get3A_251 = tpu.vector_load %arg24[%get3A_250] {strides = array<i32>} : memref<256xf32, #tpu.memory_space<vmem>>, vector<16xf32>,
    %max3A_252 = arith.maximumf %max3A_246, %get3A_251 : vector<16xf32>
    %get3A_253 = arith.constant 64 : index
    %get3A_254 = tpu.vector_load %arg17[%get3A_253] {strides = array<i32>} : memref<256xf32, #tpu.memory_space<vmem>>, vector<16xf32>,
    %min3A_255 = arith.minimumf %min3A_249, %get3A_254 : vector<16xf32>
    %get3A_256 = arith.constant 64 : index
    %get3A_257 = tpu.vector_load %arg25[%get3A_256] {strides = array<i32>} : memref<256xf32, #tpu.memory_space<vmem>>, vector<16xf32>,
    %max3A_258 = arith.maximumf %max3A_252, %get3A_257 : vector<16xf32>
    %swap3A_259 = arith.constant 64 : index
    %swap3A_260 = tpu.vector_load %arg10[%swap3A_259] {strides = array<i32>} : memref<256xf32, #tpu.memory_space<vmem>>, vector<16xf32>,
    tpu.vector_store %arg10[%swap3A_259], %min3A_255 {strides = array<i32>} : memref<256xf32, #tpu.memory_space<vmem>>, vector<16xf32>,
    %swap3A_261 = arith.constant 64 : index
    %swap3A_262 = tpu.vector_load %arg18[%swap3A_261] {strides = array<i32>} : memref<256xf32, #tpu.memory_space<vmem>>, vector<16xf32>,
    tpu.vector_store %arg18[%swap3A_261], %max3A_258 {strides = array<i32>} : memref<256xf32, #tpu.memory_space<vmem>>, vector<16xf32>,
    %get3A_263 = arith.constant 80 : index
    %get3A_264 = tpu.vector_load %arg10[%get3A_263] {strides = array<i32>} : memref<256xf32, #tpu.memory_space<vmem>>, vector<16xf32>,
    %get3A_265 = arith.constant 80 : index
    %get3A_266 = tpu.vector_load %arg18[%get3A_265] {strides = array<i32>} : memref<256xf32, #tpu.memory_space<vmem>>, vector<16xf32>,
    %get3A_267 = arith.constant 80 : index
    %get3A_268 = tpu.vector_load %arg11[%get3A_267] {strides = array<i32>} : memref<256xf32, #tpu.memory_space<vmem>>, vector<16xf32>,
    %min3A_269 = arith.minimumf %get3A_264, %get3A_268 : vector<16xf32>
    %get3A_270 = arith.constant 80 : index
    %get3A_271 = tpu.vector_load %arg19[%get3A_270] {strides = array<i32>} : memref<256xf32, #tpu.memory_space<vmem>>, vector<16xf32>,
    %max3A_272 = arith.maximumf %get3A_266, %get3A_271 : vector<16xf32>
    %get3A_273 = arith.constant 80 : index
    %get3A_274 = tpu.vector_load %arg12[%get3A_273] {strides = array<i32>} : memref<256xf32, #tpu.memory_space<vmem>>, vector<16xf32>,
    %min3A_275 = arith.minimumf %min3A_269, %get3A_274 : vector<16xf32>
    %get3A_276 = arith.constant 80 : index
    %get3A_277 = tpu.vector_load %arg20[%get3A_276] {strides = array<i32>} : memref<256xf32, #tpu.memory_space<vmem>>, vector<16xf32>,
    %max3A_278 = arith.maximumf %max3A_272, %get3A_277 : vector<16xf32>
    %get3A_279 = arith.constant 80 : index
    %get3A_280 = tpu.vector_load %arg13[%get3A_279] {strides = array<i32>} : memref<256xf32, #tpu.memory_space<vmem>>, vector<16xf32>,
    %min3A_281 = arith.minimumf %min3A_275, %get3A_280 : vector<16xf32>
    %get3A_282 = arith.constant 80 : index
    %get3A_283 = tpu.vector_load %arg21[%get3A_282] {strides = array<i32>} : memref<256xf32, #tpu.memory_space<vmem>>, vector<16xf32>,
    %max3A_284 = arith.maximumf %max3A_278, %get3A_283 : vector<16xf32>
    %get3A_285 = arith.constant 80 : index
    %get3A_286 = tpu.vector_load %arg14[%get3A_285] {strides = array<i32>} : memref<256xf32, #tpu.memory_space<vmem>>, vector<16xf32>,
    %min3A_287 = arith.minimumf %min3A_281, %get3A_286 : vector<16xf32>
    %get3A_288 = arith.constant 80 : index
    %get3A_289 = tpu.vector_load %arg22[%get3A_288] {strides = array<i32>} : memref<256xf32, #tpu.memory_space<vmem>>, vector<16xf32>,
    %max3A_290 = arith.maximumf %max3A_284, %get3A_289 : vector<16xf32>
    %get3A_291 = arith.constant 80 : index
    %get3A_292 = tpu.vector_load %arg15[%get3A_291] {strides = array<i32>} : memref<256xf32, #tpu.memory_space<vmem>>, vector<16xf32>,
    %min3A_293 = arith.minimumf %min3A_287, %get3A_292 : vector<16xf32>
    %get3A_294 = arith.constant 80 : index
    %get3A_295 = tpu.vector_load %arg23[%get3A_294] {strides = array<i32>} : memref<256xf32, #tpu.memory_space<vmem>>, vector<16xf32>,
    %max3A_296 = arith.maximumf %max3A_290, %get3A_295 : vector<16xf32>
    %get3A_297 = arith.constant 80 : index
    %get3A_298 = tpu.vector_load %arg16[%get3A_297] {strides = array<i32>} : memref<256xf32, #tpu.memory_space<vmem>>, vector<16xf32>,
    %min3A_299 = arith.minimumf %min3A_293, %get3A_298 : vector<16xf32>
    %get3A_300 = arith.constant 80 : index
    %get3A_301 = tpu.vector_load %arg24[%get3A_300] {strides = array<i32>} : memref<256xf32, #tpu.memory_space<vmem>>, vector<16xf32>,
    %max3A_302 = arith.maximumf %max3A_296, %get3A_301 : vector<16xf32>
    %get3A_303 = arith.constant 80 : index
    %get3A_304 = tpu.vector_load %arg17[%get3A_303] {strides = array<i32>} : memref<256xf32, #tpu.memory_space<vmem>>, vector<16xf32>,
    %min3A_305 = arith.minimumf %min3A_299, %get3A_304 : vector<16xf32>
    %get3A_306 = arith.constant 80 : index
    %get3A_307 = tpu.vector_load %arg25[%get3A_306] {strides = array<i32>} : memref<256xf32, #tpu.memory_space<vmem>>, vector<16xf32>,
    %max3A_308 = arith.maximumf %max3A_302, %get3A_307 : vector<16xf32>
    %swap3A_309 = arith.constant 80 : index
    %swap3A_310 = tpu.vector_load %arg10[%swap3A_309] {strides = array<i32>} : memref<256xf32, #tpu.memory_space<vmem>>, vector<16xf32>,
    tpu.vector_store %arg10[%swap3A_309], %min3A_305 {strides = array<i32>} : memref<256xf32, #tpu.memory_space<vmem>>, vector<16xf32>,
    %swap3A_311 = arith.constant 80 : index
    %swap3A_312 = tpu.vector_load %arg18[%swap3A_311] {strides = array<i32>} : memref<256xf32, #tpu.memory_space<vmem>>, vector<16xf32>,
    tpu.vector_store %arg18[%swap3A_311], %max3A_308 {strides = array<i32>} : memref<256xf32, #tpu.memory_space<vmem>>, vector<16xf32>,
    %get3A_313 = arith.constant 96 : index
    %get3A_314 = tpu.vector_load %arg10[%get3A_313] {strides = array<i32>} : memref<256xf32, #tpu.memory_space<vmem>>, vector<16xf32>,
    %get3A_315 = arith.constant 96 : index
    %get3A_316 = tpu.vector_load %arg18[%get3A_315] {strides = array<i32>} : memref<256xf32, #tpu.memory_space<vmem>>, vector<16xf32>,
    %get3A_317 = arith.constant 96 : index
    %get3A_318 = tpu.vector_load %arg11[%get3A_317] {strides = array<i32>} : memref<256xf32, #tpu.memory_space<vmem>>, vector<16xf32>,
    %min3A_319 = arith.minimumf %get3A_314, %get3A_318 : vector<16xf32>
    %get3A_320 = arith.constant 96 : index
    %get3A_321 = tpu.vector_load %arg19[%get3A_320] {strides = array<i32>} : memref<256xf32, #tpu.memory_space<vmem>>, vector<16xf32>,
    %max3A_322 = arith.maximumf %get3A_316, %get3A_321 : vector<16xf32>
    %get3A_323 = arith.constant 96 : index
    %get3A_324 = tpu.vector_load %arg12[%get3A_323] {strides = array<i32>} : memref<256xf32, #tpu.memory_space<vmem>>, vector<16xf32>,
    %min3A_325 = arith.minimumf %min3A_319, %get3A_324 : vector<16xf32>
    %get3A_326 = arith.constant 96 : index
    %get3A_327 = tpu.vector_load %arg20[%get3A_326] {strides = array<i32>} : memref<256xf32, #tpu.memory_space<vmem>>, vector<16xf32>,
    %max3A_328 = arith.maximumf %max3A_322, %get3A_327 : vector<16xf32>
    %get3A_329 = arith.constant 96 : index
    %get3A_330 = tpu.vector_load %arg13[%get3A_329] {strides = array<i32>} : memref<256xf32, #tpu.memory_space<vmem>>, vector<16xf32>,
    %min3A_331 = arith.minimumf %min3A_325, %get3A_330 : vector<16xf32>
    %get3A_332 = arith.constant 96 : index
    %get3A_333 = tpu.vector_load %arg21[%get3A_332] {strides = array<i32>} : memref<256xf32, #tpu.memory_space<vmem>>, vector<16xf32>,
    %max3A_334 = arith.maximumf %max3A_328, %get3A_333 : vector<16xf32>
    %get3A_335 = arith.constant 96 : index
    %get3A_336 = tpu.vector_load %arg14[%get3A_335] {strides = array<i32>} : memref<256xf32, #tpu.memory_space<vmem>>, vector<16xf32>,
    %min3A_337 = arith.minimumf %min3A_331, %get3A_336 : vector<16xf32>
    %get3A_338 = arith.constant 96 : index
    %get3A_339 = tpu.vector_load %arg22[%get3A_338] {strides = array<i32>} : memref<256xf32, #tpu.memory_space<vmem>>, vector<16xf32>,
    %max3A_340 = arith.maximumf %max3A_334, %get3A_339 : vector<16xf32>
    %get3A_341 = arith.constant 96 : index
    %get3A_342 = tpu.vector_load %arg15[%get3A_341] {strides = array<i32>} : memref<256xf32, #tpu.memory_space<vmem>>, vector<16xf32>,
    %min3A_343 = arith.minimumf %min3A_337, %get3A_342 : vector<16xf32>
    %get3A_344 = arith.constant 96 : index
    %get3A_345 = tpu.vector_load %arg23[%get3A_344] {strides = array<i32>} : memref<256xf32, #tpu.memory_space<vmem>>, vector<16xf32>,
    %max3A_346 = arith.maximumf %max3A_340, %get3A_345 : vector<16xf32>
    %get3A_347 = arith.constant 96 : index
    %get3A_348 = tpu.vector_load %arg16[%get3A_347] {strides = array<i32>} : memref<256xf32, #tpu.memory_space<vmem>>, vector<16xf32>,
    %min3A_349 = arith.minimumf %min3A_343, %get3A_348 : vector<16xf32>
    %get3A_350 = arith.constant 96 : index
    %get3A_351 = tpu.vector_load %arg24[%get3A_350] {strides = array<i32>} : memref<256xf32, #tpu.memory_space<vmem>>, vector<16xf32>,
    %max3A_352 = arith.maximumf %max3A_346, %get3A_351 : vector<16xf32>
    %get3A_353 = arith.constant 96 : index
    %get3A_354 = tpu.vector_load %arg17[%get3A_353] {strides = array<i32>} : memref<256xf32, #tpu.memory_space<vmem>>, vector<16xf32>,
    %min3A_355 = arith.minimumf %min3A_349, %get3A_354 : vector<16xf32>
    %get3A_356 = arith.constant 96 : index
    %get3A_357 = tpu.vector_load %arg25[%get3A_356] {strides = array<i32>} : memref<256xf32, #tpu.memory_space<vmem>>, vector<16xf32>,
    %max3A_358 = arith.maximumf %max3A_352, %get3A_357 : vector<16xf32>
    %swap3A_359 = arith.constant 96 : index
    %swap3A_360 = tpu.vector_load %arg10[%swap3A_359] {strides = array<i32>} : memref<256xf32, #tpu.memory_space<vmem>>, vector<16xf32>,
    tpu.vector_store %arg10[%swap3A_359], %min3A_355 {strides = array<i32>} : memref<256xf32, #tpu.memory_space<vmem>>, vector<16xf32>,
    %swap3A_361 = arith.constant 96 : index
    %swap3A_362 = tpu.vector_load %arg18[%swap3A_361] {strides = array<i32>} : memref<256xf32, #tpu.memory_space<vmem>>, vector<16xf32>,
    tpu.vector_store %arg18[%swap3A_361], %max3A_358 {strides = array<i32>} : memref<256xf32, #tpu.memory_space<vmem>>, vector<16xf32>,
    %get3A_363 = arith.constant 112 : index
    %get3A_364 = tpu.vector_load %arg10[%get3A_363] {strides = array<i32>} : memref<256xf32, #tpu.memory_space<vmem>>, vector<16xf32>,
    %get3A_365 = arith.constant 112 : index
    %get3A_366 = tpu.vector_load %arg18[%get3A_365] {strides = array<i32>} : memref<256xf32, #tpu.memory_space<vmem>>, vector<16xf32>,
    %get3A_367 = arith.constant 112 : index
    %get3A_368 = tpu.vector_load %arg11[%get3A_367] {strides = array<i32>} : memref<256xf32, #tpu.memory_space<vmem>>, vector<16xf32>,
    %min3A_369 = arith.minimumf %get3A_364, %get3A_368 : vector<16xf32>
    %get3A_370 = arith.constant 112 : index
    %get3A_371 = tpu.vector_load %arg19[%get3A_370] {strides = array<i32>} : memref<256xf32, #tpu.memory_space<vmem>>, vector<16xf32>,
    %max3A_372 = arith.maximumf %get3A_366, %get3A_371 : vector<16xf32>
    %get3A_373 = arith.constant 112 : index
    %get3A_374 = tpu.vector_load %arg12[%get3A_373] {strides = array<i32>} : memref<256xf32, #tpu.memory_space<vmem>>, vector<16xf32>,
    %min3A_375 = arith.minimumf %min3A_369, %get3A_374 : vector<16xf32>
    %get3A_376 = arith.constant 112 : index
    %get3A_377 = tpu.vector_load %arg20[%get3A_376] {strides = array<i32>} : memref<256xf32, #tpu.memory_space<vmem>>, vector<16xf32>,
    %max3A_378 = arith.maximumf %max3A_372, %get3A_377 : vector<16xf32>
    %get3A_379 = arith.constant 112 : index
    %get3A_380 = tpu.vector_load %arg13[%get3A_379] {strides = array<i32>} : memref<256xf32, #tpu.memory_space<vmem>>, vector<16xf32>,
    %min3A_381 = arith.minimumf %min3A_375, %get3A_380 : vector<16xf32>
    %get3A_382 = arith.constant 112 : index
    %get3A_383 = tpu.vector_load %arg21[%get3A_382] {strides = array<i32>} : memref<256xf32, #tpu.memory_space<vmem>>, vector<16xf32>,
    %max3A_384 = arith.maximumf %max3A_378, %get3A_383 : vector<16xf32>
    %get3A_385 = arith.constant 112 : index
    %get3A_386 = tpu.vector_load %arg14[%get3A_385] {strides = array<i32>} : memref<256xf32, #tpu.memory_space<vmem>>, vector<16xf32>,
    %min3A_387 = arith.minimumf %min3A_381, %get3A_386 : vector<16xf32>
    %get3A_388 = arith.constant 112 : index
    %get3A_389 = tpu.vector_load %arg22[%get3A_388] {strides = array<i32>} : memref<256xf32, #tpu.memory_space<vmem>>, vector<16xf32>,
    %max3A_390 = arith.maximumf %max3A_384, %get3A_389 : vector<16xf32>
    %get3A_391 = arith.constant 112 : index
    %get3A_392 = tpu.vector_load %arg15[%get3A_391] {strides = array<i32>} : memref<256xf32, #tpu.memory_space<vmem>>, vector<16xf32>,
    %min3A_393 = arith.minimumf %min3A_387, %get3A_392 : vector<16xf32>
    %get3A_394 = arith.constant 112 : index
    %get3A_395 = tpu.vector_load %arg23[%get3A_394] {strides = array<i32>} : memref<256xf32, #tpu.memory_space<vmem>>, vector<16xf32>,
    %max3A_396 = arith.maximumf %max3A_390, %get3A_395 : vector<16xf32>
    %get3A_397 = arith.constant 112 : index
    %get3A_398 = tpu.vector_load %arg16[%get3A_397] {strides = array<i32>} : memref<256xf32, #tpu.memory_space<vmem>>, vector<16xf32>,
    %min3A_399 = arith.minimumf %min3A_393, %get3A_398 : vector<16xf32>
    %get3A_400 = arith.constant 112 : index
    %get3A_401 = tpu.vector_load %arg24[%get3A_400] {strides = array<i32>} : memref<256xf32, #tpu.memory_space<vmem>>, vector<16xf32>,
    %max3A_402 = arith.maximumf %max3A_396, %get3A_401 : vector<16xf32>
    %get3A_403 = arith.constant 112 : index
    %get3A_404 = tpu.vector_load %arg17[%get3A_403] {strides = array<i32>} : memref<256xf32, #tpu.memory_space<vmem>>, vector<16xf32>,
    %min3A_405 = arith.minimumf %min3A_399, %get3A_404 : vector<16xf32>
    %get3A_406 = arith.constant 112 : index
    %get3A_407 = tpu.vector_load %arg25[%get3A_406] {strides = array<i32>} : memref<256xf32, #tpu.memory_space<vmem>>, vector<16xf32>,
    %max3A_408 = arith.maximumf %max3A_402, %get3A_407 : vector<16xf32>
    %swap3A_409 = arith.constant 112 : index
    %swap3A_410 = tpu.vector_load %arg10[%swap3A_409] {strides = array<i32>} : memref<256xf32, #tpu.memory_space<vmem>>, vector<16xf32>,
    tpu.vector_store %arg10[%swap3A_409], %min3A_405 {strides = array<i32>} : memref<256xf32, #tpu.memory_space<vmem>>, vector<16xf32>,
    %swap3A_411 = arith.constant 112 : index
    %swap3A_412 = tpu.vector_load %arg18[%swap3A_411] {strides = array<i32>} : memref<256xf32, #tpu.memory_space<vmem>>, vector<16xf32>,
    tpu.vector_store %arg18[%swap3A_411], %max3A_408 {strides = array<i32>} : memref<256xf32, #tpu.memory_space<vmem>>, vector<16xf32>,
    %get3A_413 = arith.constant 128 : index
    %get3A_414 = tpu.vector_load %arg10[%get3A_413] {strides = array<i32>} : memref<256xf32, #tpu.memory_space<vmem>>, vector<16xf32>,
    %get3A_415 = arith.constant 128 : index
    %get3A_416 = tpu.vector_load %arg18[%get3A_415] {strides = array<i32>} : memref<256xf32, #tpu.memory_space<vmem>>, vector<16xf32>,
    %get3A_417 = arith.constant 128 : index
    %get3A_418 = tpu.vector_load %arg11[%get3A_417] {strides = array<i32>} : memref<256xf32, #tpu.memory_space<vmem>>, vector<16xf32>,
    %min3A_419 = arith.minimumf %get3A_414, %get3A_418 : vector<16xf32>
    %get3A_420 = arith.constant 128 : index
    %get3A_421 = tpu.vector_load %arg19[%get3A_420] {strides = array<i32>} : memref<256xf32, #tpu.memory_space<vmem>>, vector<16xf32>,
    %max3A_422 = arith.maximumf %get3A_416, %get3A_421 : vector<16xf32>
    %get3A_423 = arith.constant 128 : index
    %get3A_424 = tpu.vector_load %arg12[%get3A_423] {strides = array<i32>} : memref<256xf32, #tpu.memory_space<vmem>>, vector<16xf32>,
    %min3A_425 = arith.minimumf %min3A_419, %get3A_424 : vector<16xf32>
    %get3A_426 = arith.constant 128 : index
    %get3A_427 = tpu.vector_load %arg20[%get3A_426] {strides = array<i32>} : memref<256xf32, #tpu.memory_space<vmem>>, vector<16xf32>,
    %max3A_428 = arith.maximumf %max3A_422, %get3A_427 : vector<16xf32>
    %get3A_429 = arith.constant 128 : index
    %get3A_430 = tpu.vector_load %arg13[%get3A_429] {strides = array<i32>} : memref<256xf32, #tpu.memory_space<vmem>>, vector<16xf32>,
    %min3A_431 = arith.minimumf %min3A_425, %get3A_430 : vector<16xf32>
    %get3A_432 = arith.constant 128 : index
    %get3A_433 = tpu.vector_load %arg21[%get3A_432] {strides = array<i32>} : memref<256xf32, #tpu.memory_space<vmem>>, vector<16xf32>,
    %max3A_434 = arith.maximumf %max3A_428, %get3A_433 : vector<16xf32>
    %get3A_435 = arith.constant 128 : index
    %get3A_436 = tpu.vector_load %arg14[%get3A_435] {strides = array<i32>} : memref<256xf32, #tpu.memory_space<vmem>>, vector<16xf32>,
    %min3A_437 = arith.minimumf %min3A_431, %get3A_436 : vector<16xf32>
    %get3A_438 = arith.constant 128 : index
    %get3A_439 = tpu.vector_load %arg22[%get3A_438] {strides = array<i32>} : memref<256xf32, #tpu.memory_space<vmem>>, vector<16xf32>,
    %max3A_440 = arith.maximumf %max3A_434, %get3A_439 : vector<16xf32>
    %get3A_441 = arith.constant 128 : index
    %get3A_442 = tpu.vector_load %arg15[%get3A_441] {strides = array<i32>} : memref<256xf32, #tpu.memory_space<vmem>>, vector<16xf32>,
    %min3A_443 = arith.minimumf %min3A_437, %get3A_442 : vector<16xf32>
    %get3A_444 = arith.constant 128 : index
    %get3A_445 = tpu.vector_load %arg23[%get3A_444] {strides = array<i32>} : memref<256xf32, #tpu.memory_space<vmem>>, vector<16xf32>,
    %max3A_446 = arith.maximumf %max3A_440, %get3A_445 : vector<16xf32>
    %get3A_447 = arith.constant 128 : index
    %get3A_448 = tpu.vector_load %arg16[%get3A_447] {strides = array<i32>} : memref<256xf32, #tpu.memory_space<vmem>>, vector<16xf32>,
    %min3A_449 = arith.minimumf %min3A_443, %get3A_448 : vector<16xf32>
    %get3A_450 = arith.constant 128 : index
    %get3A_451 = tpu.vector_load %arg24[%get3A_450] {strides = array<i32>} : memref<256xf32, #tpu.memory_space<vmem>>, vector<16xf32>,
    %max3A_452 = arith.maximumf %max3A_446, %get3A_451 : vector<16xf32>
    %get3A_453 = arith.constant 128 : index
    %get3A_454 = tpu.vector_load %arg17[%get3A_453] {strides = array<i32>} : memref<256xf32, #tpu.memory_space<vmem>>, vector<16xf32>,
    %min3A_455 = arith.minimumf %min3A_449, %get3A_454 : vector<16xf32>
    %get3A_456 = arith.constant 128 : index
    %get3A_457 = tpu.vector_load %arg25[%get3A_456] {strides = array<i32>} : memref<256xf32, #tpu.memory_space<vmem>>, vector<16xf32>,
    %max3A_458 = arith.maximumf %max3A_452, %get3A_457 : vector<16xf32>
    %swap3A_459 = arith.constant 128 : index
    %swap3A_460 = tpu.vector_load %arg10[%swap3A_459] {strides = array<i32>} : memref<256xf32, #tpu.memory_space<vmem>>, vector<16xf32>,
    tpu.vector_store %arg10[%swap3A_459], %min3A_455 {strides = array<i32>} : memref<256xf32, #tpu.memory_space<vmem>>, vector<16xf32>,
    %swap3A_461 = arith.constant 128 : index
    %swap3A_462 = tpu.vector_load %arg18[%swap3A_461] {strides = array<i32>} : memref<256xf32, #tpu.memory_space<vmem>>, vector<16xf32>,
    tpu.vector_store %arg18[%swap3A_461], %max3A_458 {strides = array<i32>} : memref<256xf32, #tpu.memory_space<vmem>>, vector<16xf32>,
    %get3A_463 = arith.constant 144 : index
    %get3A_464 = tpu.vector_load %arg10[%get3A_463] {strides = array<i32>} : memref<256xf32, #tpu.memory_space<vmem>>, vector<16xf32>,
    %get3A_465 = arith.constant 144 : index
    %get3A_466 = tpu.vector_load %arg18[%get3A_465] {strides = array<i32>} : memref<256xf32, #tpu.memory_space<vmem>>, vector<16xf32>,
    %get3A_467 = arith.constant 144 : index
    %get3A_468 = tpu.vector_load %arg11[%get3A_467] {strides = array<i32>} : memref<256xf32, #tpu.memory_space<vmem>>, vector<16xf32>,
    %min3A_469 = arith.minimumf %get3A_464, %get3A_468 : vector<16xf32>
    %get3A_470 = arith.constant 144 : index
    %get3A_471 = tpu.vector_load %arg19[%get3A_470] {strides = array<i32>} : memref<256xf32, #tpu.memory_space<vmem>>, vector<16xf32>,
    %max3A_472 = arith.maximumf %get3A_466, %get3A_471 : vector<16xf32>
    %get3A_473 = arith.constant 144 : index
    %get3A_474 = tpu.vector_load %arg12[%get3A_473] {strides = array<i32>} : memref<256xf32, #tpu.memory_space<vmem>>, vector<16xf32>,
    %min3A_475 = arith.minimumf %min3A_469, %get3A_474 : vector<16xf32>
    %get3A_476 = arith.constant 144 : index
    %get3A_477 = tpu.vector_load %arg20[%get3A_476] {strides = array<i32>} : memref<256xf32, #tpu.memory_space<vmem>>, vector<16xf32>,
    %max3A_478 = arith.maximumf %max3A_472, %get3A_477 : vector<16xf32>
    %get3A_479 = arith.constant 144 : index
    %get3A_480 = tpu.vector_load %arg13[%get3A_479] {strides = array<i32>} : memref<256xf32, #tpu.memory_space<vmem>>, vector<16xf32>,
    %min3A_481 = arith.minimumf %min3A_475, %get3A_480 : vector<16xf32>
    %get3A_482 = arith.constant 144 : index
    %get3A_483 = tpu.vector_load %arg21[%get3A_482] {strides = array<i32>} : memref<256xf32, #tpu.memory_space<vmem>>, vector<16xf32>,
    %max3A_484 = arith.maximumf %max3A_478, %get3A_483 : vector<16xf32>
    %get3A_485 = arith.constant 144 : index
    %get3A_486 = tpu.vector_load %arg14[%get3A_485] {strides = array<i32>} : memref<256xf32, #tpu.memory_space<vmem>>, vector<16xf32>,
    %min3A_487 = arith.minimumf %min3A_481, %get3A_486 : vector<16xf32>
    %get3A_488 = arith.constant 144 : index
    %get3A_489 = tpu.vector_load %arg22[%get3A_488] {strides = array<i32>} : memref<256xf32, #tpu.memory_space<vmem>>, vector<16xf32>,
    %max3A_490 = arith.maximumf %max3A_484, %get3A_489 : vector<16xf32>
    %get3A_491 = arith.constant 144 : index
    %get3A_492 = tpu.vector_load %arg15[%get3A_491] {strides = array<i32>} : memref<256xf32, #tpu.memory_space<vmem>>, vector<16xf32>,
    %min3A_493 = arith.minimumf %min3A_487, %get3A_492 : vector<16xf32>
    %get3A_494 = arith.constant 144 : index
    %get3A_495 = tpu.vector_load %arg23[%get3A_494] {strides = array<i32>} : memref<256xf32, #tpu.memory_space<vmem>>, vector<16xf32>,
    %max3A_496 = arith.maximumf %max3A_490, %get3A_495 : vector<16xf32>
    %get3A_497 = arith.constant 144 : index
    %get3A_498 = tpu.vector_load %arg16[%get3A_497] {strides = array<i32>} : memref<256xf32, #tpu.memory_space<vmem>>, vector<16xf32>,
    %min3A_499 = arith.minimumf %min3A_493, %get3A_498 : vector<16xf32>
    %get3A_500 = arith.constant 144 : index
    %get3A_501 = tpu.vector_load %arg24[%get3A_500] {strides = array<i32>} : memref<256xf32, #tpu.memory_space<vmem>>, vector<16xf32>,
    %max3A_502 = arith.maximumf %max3A_496, %get3A_501 : vector<16xf32>
    %get3A_503 = arith.constant 144 : index
    %get3A_504 = tpu.vector_load %arg17[%get3A_503] {strides = array<i32>} : memref<256xf32, #tpu.memory_space<vmem>>, vector<16xf32>,
    %min3A_505 = arith.minimumf %min3A_499, %get3A_504 : vector<16xf32>
    %get3A_506 = arith.constant 144 : index
    %get3A_507 = tpu.vector_load %arg25[%get3A_506] {strides = array<i32>} : memref<256xf32, #tpu.memory_space<vmem>>, vector<16xf32>,
    %max3A_508 = arith.maximumf %max3A_502, %get3A_507 : vector<16xf32>
    %swap3A_509 = arith.constant 144 : index
    %swap3A_510 = tpu.vector_load %arg10[%swap3A_509] {strides = array<i32>} : memref<256xf32, #tpu.memory_space<vmem>>, vector<16xf32>,
    tpu.vector_store %arg10[%swap3A_509], %min3A_505 {strides = array<i32>} : memref<256xf32, #tpu.memory_space<vmem>>, vector<16xf32>,
    %swap3A_511 = arith.constant 144 : index
    %swap3A_512 = tpu.vector_load %arg18[%swap3A_511] {strides = array<i32>} : memref<256xf32, #tpu.memory_space<vmem>>, vector<16xf32>,
    tpu.vector_store %arg18[%swap3A_511], %max3A_508 {strides = array<i32>} : memref<256xf32, #tpu.memory_space<vmem>>, vector<16xf32>,
    %get3A_513 = arith.constant 160 : index
    %get3A_514 = tpu.vector_load %arg10[%get3A_513] {strides = array<i32>} : memref<256xf32, #tpu.memory_space<vmem>>, vector<16xf32>,
    %get3A_515 = arith.constant 160 : index
    %get3A_516 = tpu.vector_load %arg18[%get3A_515] {strides = array<i32>} : memref<256xf32, #tpu.memory_space<vmem>>, vector<16xf32>,
    %get3A_517 = arith.constant 160 : index
    %get3A_518 = tpu.vector_load %arg11[%get3A_517] {strides = array<i32>} : memref<256xf32, #tpu.memory_space<vmem>>, vector<16xf32>,
    %min3A_519 = arith.minimumf %get3A_514, %get3A_518 : vector<16xf32>
    %get3A_520 = arith.constant 160 : index
    %get3A_521 = tpu.vector_load %arg19[%get3A_520] {strides = array<i32>} : memref<256xf32, #tpu.memory_space<vmem>>, vector<16xf32>,
    %max3A_522 = arith.maximumf %get3A_516, %get3A_521 : vector<16xf32>
    %get3A_523 = arith.constant 160 : index
    %get3A_524 = tpu.vector_load %arg12[%get3A_523] {strides = array<i32>} : memref<256xf32, #tpu.memory_space<vmem>>, vector<16xf32>,
    %min3A_525 = arith.minimumf %min3A_519, %get3A_524 : vector<16xf32>
    %get3A_526 = arith.constant 160 : index
    %get3A_527 = tpu.vector_load %arg20[%get3A_526] {strides = array<i32>} : memref<256xf32, #tpu.memory_space<vmem>>, vector<16xf32>,
    %max3A_528 = arith.maximumf %max3A_522, %get3A_527 : vector<16xf32>
    %get3A_529 = arith.constant 160 : index
    %get3A_530 = tpu.vector_load %arg13[%get3A_529] {strides = array<i32>} : memref<256xf32, #tpu.memory_space<vmem>>, vector<16xf32>,
    %min3A_531 = arith.minimumf %min3A_525, %get3A_530 : vector<16xf32>
    %get3A_532 = arith.constant 160 : index
    %get3A_533 = tpu.vector_load %arg21[%get3A_532] {strides = array<i32>} : memref<256xf32, #tpu.memory_space<vmem>>, vector<16xf32>,
    %max3A_534 = arith.maximumf %max3A_528, %get3A_533 : vector<16xf32>
    %get3A_535 = arith.constant 160 : index
    %get3A_536 = tpu.vector_load %arg14[%get3A_535] {strides = array<i32>} : memref<256xf32, #tpu.memory_space<vmem>>, vector<16xf32>,
    %min3A_537 = arith.minimumf %min3A_531, %get3A_536 : vector<16xf32>
    %get3A_538 = arith.constant 160 : index
    %get3A_539 = tpu.vector_load %arg22[%get3A_538] {strides = array<i32>} : memref<256xf32, #tpu.memory_space<vmem>>, vector<16xf32>,
    %max3A_540 = arith.maximumf %max3A_534, %get3A_539 : vector<16xf32>
    %get3A_541 = arith.constant 160 : index
    %get3A_542 = tpu.vector_load %arg15[%get3A_541] {strides = array<i32>} : memref<256xf32, #tpu.memory_space<vmem>>, vector<16xf32>,
    %min3A_543 = arith.minimumf %min3A_537, %get3A_542 : vector<16xf32>
    %get3A_544 = arith.constant 160 : index
    %get3A_545 = tpu.vector_load %arg23[%get3A_544] {strides = array<i32>} : memref<256xf32, #tpu.memory_space<vmem>>, vector<16xf32>,
    %max3A_546 = arith.maximumf %max3A_540, %get3A_545 : vector<16xf32>
    %get3A_547 = arith.constant 160 : index
    %get3A_548 = tpu.vector_load %arg16[%get3A_547] {strides = array<i32>} : memref<256xf32, #tpu.memory_space<vmem>>, vector<16xf32>,
    %min3A_549 = arith.minimumf %min3A_543, %get3A_548 : vector<16xf32>
    %get3A_550 = arith.constant 160 : index
    %get3A_551 = tpu.vector_load %arg24[%get3A_550] {strides = array<i32>} : memref<256xf32, #tpu.memory_space<vmem>>, vector<16xf32>,
    %max3A_552 = arith.maximumf %max3A_546, %get3A_551 : vector<16xf32>
    %get3A_553 = arith.constant 160 : index
    %get3A_554 = tpu.vector_load %arg17[%get3A_553] {strides = array<i32>} : memref<256xf32, #tpu.memory_space<vmem>>, vector<16xf32>,
    %min3A_555 = arith.minimumf %min3A_549, %get3A_554 : vector<16xf32>
    %get3A_556 = arith.constant 160 : index
    %get3A_557 = tpu.vector_load %arg25[%get3A_556] {strides = array<i32>} : memref<256xf32, #tpu.memory_space<vmem>>, vector<16xf32>,
    %max3A_558 = arith.maximumf %max3A_552, %get3A_557 : vector<16xf32>
    %swap3A_559 = arith.constant 160 : index
    %swap3A_560 = tpu.vector_load %arg10[%swap3A_559] {strides = array<i32>} : memref<256xf32, #tpu.memory_space<vmem>>, vector<16xf32>,
    tpu.vector_store %arg10[%swap3A_559], %min3A_555 {strides = array<i32>} : memref<256xf32, #tpu.memory_space<vmem>>, vector<16xf32>,
    %swap3A_561 = arith.constant 160 : index
    %swap3A_562 = tpu.vector_load %arg18[%swap3A_561] {strides = array<i32>} : memref<256xf32, #tpu.memory_space<vmem>>, vector<16xf32>,
    tpu.vector_store %arg18[%swap3A_561], %max3A_558 {strides = array<i32>} : memref<256xf32, #tpu.memory_space<vmem>>, vector<16xf32>,
    %get3A_563 = arith.constant 176 : index
    %get3A_564 = tpu.vector_load %arg10[%get3A_563] {strides = array<i32>} : memref<256xf32, #tpu.memory_space<vmem>>, vector<16xf32>,
    %get3A_565 = arith.constant 176 : index
    %get3A_566 = tpu.vector_load %arg18[%get3A_565] {strides = array<i32>} : memref<256xf32, #tpu.memory_space<vmem>>, vector<16xf32>,
    %get3A_567 = arith.constant 176 : index
    %get3A_568 = tpu.vector_load %arg11[%get3A_567] {strides = array<i32>} : memref<256xf32, #tpu.memory_space<vmem>>, vector<16xf32>,
    %min3A_569 = arith.minimumf %get3A_564, %get3A_568 : vector<16xf32>
    %get3A_570 = arith.constant 176 : index
    %get3A_571 = tpu.vector_load %arg19[%get3A_570] {strides = array<i32>} : memref<256xf32, #tpu.memory_space<vmem>>, vector<16xf32>,
    %max3A_572 = arith.maximumf %get3A_566, %get3A_571 : vector<16xf32>
    %get3A_573 = arith.constant 176 : index
    %get3A_574 = tpu.vector_load %arg12[%get3A_573] {strides = array<i32>} : memref<256xf32, #tpu.memory_space<vmem>>, vector<16xf32>,
    %min3A_575 = arith.minimumf %min3A_569, %get3A_574 : vector<16xf32>
    %get3A_576 = arith.constant 176 : index
    %get3A_577 = tpu.vector_load %arg20[%get3A_576] {strides = array<i32>} : memref<256xf32, #tpu.memory_space<vmem>>, vector<16xf32>,
    %max3A_578 = arith.maximumf %max3A_572, %get3A_577 : vector<16xf32>
    %get3A_579 = arith.constant 176 : index
    %get3A_580 = tpu.vector_load %arg13[%get3A_579] {strides = array<i32>} : memref<256xf32, #tpu.memory_space<vmem>>, vector<16xf32>,
    %min3A_581 = arith.minimumf %min3A_575, %get3A_580 : vector<16xf32>
    %get3A_582 = arith.constant 176 : index
    %get3A_583 = tpu.vector_load %arg21[%get3A_582] {strides = array<i32>} : memref<256xf32, #tpu.memory_space<vmem>>, vector<16xf32>,
    %max3A_584 = arith.maximumf %max3A_578, %get3A_583 : vector<16xf32>
    %get3A_585 = arith.constant 176 : index
    %get3A_586 = tpu.vector_load %arg14[%get3A_585] {strides = array<i32>} : memref<256xf32, #tpu.memory_space<vmem>>, vector<16xf32>,
    %min3A_587 = arith.minimumf %min3A_581, %get3A_586 : vector<16xf32>
    %get3A_588 = arith.constant 176 : index
    %get3A_589 = tpu.vector_load %arg22[%get3A_588] {strides = array<i32>} : memref<256xf32, #tpu.memory_space<vmem>>, vector<16xf32>,
    %max3A_590 = arith.maximumf %max3A_584, %get3A_589 : vector<16xf32>
    %get3A_591 = arith.constant 176 : index
    %get3A_592 = tpu.vector_load %arg15[%get3A_591] {strides = array<i32>} : memref<256xf32, #tpu.memory_space<vmem>>, vector<16xf32>,
    %min3A_593 = arith.minimumf %min3A_587, %get3A_592 : vector<16xf32>
    %get3A_594 = arith.constant 176 : index
    %get3A_595 = tpu.vector_load %arg23[%get3A_594] {strides = array<i32>} : memref<256xf32, #tpu.memory_space<vmem>>, vector<16xf32>,
    %max3A_596 = arith.maximumf %max3A_590, %get3A_595 : vector<16xf32>
    %get3A_597 = arith.constant 176 : index
    %get3A_598 = tpu.vector_load %arg16[%get3A_597] {strides = array<i32>} : memref<256xf32, #tpu.memory_space<vmem>>, vector<16xf32>,
    %min3A_599 = arith.minimumf %min3A_593, %get3A_598 : vector<16xf32>
    %get3A_600 = arith.constant 176 : index
    %get3A_601 = tpu.vector_load %arg24[%get3A_600] {strides = array<i32>} : memref<256xf32, #tpu.memory_space<vmem>>, vector<16xf32>,
    %max3A_602 = arith.maximumf %max3A_596, %get3A_601 : vector<16xf32>
    %get3A_603 = arith.constant 176 : index
    %get3A_604 = tpu.vector_load %arg17[%get3A_603] {strides = array<i32>} : memref<256xf32, #tpu.memory_space<vmem>>, vector<16xf32>,
    %min3A_605 = arith.minimumf %min3A_599, %get3A_604 : vector<16xf32>
    %get3A_606 = arith.constant 176 : index
    %get3A_607 = tpu.vector_load %arg25[%get3A_606] {strides = array<i32>} : memref<256xf32, #tpu.memory_space<vmem>>, vector<16xf32>,
    %max3A_608 = arith.maximumf %max3A_602, %get3A_607 : vector<16xf32>
    %swap3A_609 = arith.constant 176 : index
    %swap3A_610 = tpu.vector_load %arg10[%swap3A_609] {strides = array<i32>} : memref<256xf32, #tpu.memory_space<vmem>>, vector<16xf32>,
    tpu.vector_store %arg10[%swap3A_609], %min3A_605 {strides = array<i32>} : memref<256xf32, #tpu.memory_space<vmem>>, vector<16xf32>,
    %swap3A_611 = arith.constant 176 : index
    %swap3A_612 = tpu.vector_load %arg18[%swap3A_611] {strides = array<i32>} : memref<256xf32, #tpu.memory_space<vmem>>, vector<16xf32>,
    tpu.vector_store %arg18[%swap3A_611], %max3A_608 {strides = array<i32>} : memref<256xf32, #tpu.memory_space<vmem>>, vector<16xf32>,
    %get3A_613 = arith.constant 192 : index
    %get3A_614 = tpu.vector_load %arg10[%get3A_613] {strides = array<i32>} : memref<256xf32, #tpu.memory_space<vmem>>, vector<16xf32>,
    %get3A_615 = arith.constant 192 : index
    %get3A_616 = tpu.vector_load %arg18[%get3A_615] {strides = array<i32>} : memref<256xf32, #tpu.memory_space<vmem>>, vector<16xf32>,
    %get3A_617 = arith.constant 192 : index
    %get3A_618 = tpu.vector_load %arg11[%get3A_617] {strides = array<i32>} : memref<256xf32, #tpu.memory_space<vmem>>, vector<16xf32>,
    %min3A_619 = arith.minimumf %get3A_614, %get3A_618 : vector<16xf32>
    %get3A_620 = arith.constant 192 : index
    %get3A_621 = tpu.vector_load %arg19[%get3A_620] {strides = array<i32>} : memref<256xf32, #tpu.memory_space<vmem>>, vector<16xf32>,
    %max3A_622 = arith.maximumf %get3A_616, %get3A_621 : vector<16xf32>
    %get3A_623 = arith.constant 192 : index
    %get3A_624 = tpu.vector_load %arg12[%get3A_623] {strides = array<i32>} : memref<256xf32, #tpu.memory_space<vmem>>, vector<16xf32>,
    %min3A_625 = arith.minimumf %min3A_619, %get3A_624 : vector<16xf32>
    %get3A_626 = arith.constant 192 : index
    %get3A_627 = tpu.vector_load %arg20[%get3A_626] {strides = array<i32>} : memref<256xf32, #tpu.memory_space<vmem>>, vector<16xf32>,
    %max3A_628 = arith.maximumf %max3A_622, %get3A_627 : vector<16xf32>
    %get3A_629 = arith.constant 192 : index
    %get3A_630 = tpu.vector_load %arg13[%get3A_629] {strides = array<i32>} : memref<256xf32, #tpu.memory_space<vmem>>, vector<16xf32>,
    %min3A_631 = arith.minimumf %min3A_625, %get3A_630 : vector<16xf32>
    %get3A_632 = arith.constant 192 : index
    %get3A_633 = tpu.vector_load %arg21[%get3A_632] {strides = array<i32>} : memref<256xf32, #tpu.memory_space<vmem>>, vector<16xf32>,
    %max3A_634 = arith.maximumf %max3A_628, %get3A_633 : vector<16xf32>
    %get3A_635 = arith.constant 192 : index
    %get3A_636 = tpu.vector_load %arg14[%get3A_635] {strides = array<i32>} : memref<256xf32, #tpu.memory_space<vmem>>, vector<16xf32>,
    %min3A_637 = arith.minimumf %min3A_631, %get3A_636 : vector<16xf32>
    %get3A_638 = arith.constant 192 : index
    %get3A_639 = tpu.vector_load %arg22[%get3A_638] {strides = array<i32>} : memref<256xf32, #tpu.memory_space<vmem>>, vector<16xf32>,
    %max3A_640 = arith.maximumf %max3A_634, %get3A_639 : vector<16xf32>
    %get3A_641 = arith.constant 192 : index
    %get3A_642 = tpu.vector_load %arg15[%get3A_641] {strides = array<i32>} : memref<256xf32, #tpu.memory_space<vmem>>, vector<16xf32>,
    %min3A_643 = arith.minimumf %min3A_637, %get3A_642 : vector<16xf32>
    %get3A_644 = arith.constant 192 : index
    %get3A_645 = tpu.vector_load %arg23[%get3A_644] {strides = array<i32>} : memref<256xf32, #tpu.memory_space<vmem>>, vector<16xf32>,
    %max3A_646 = arith.maximumf %max3A_640, %get3A_645 : vector<16xf32>
    %get3A_647 = arith.constant 192 : index
    %get3A_648 = tpu.vector_load %arg16[%get3A_647] {strides = array<i32>} : memref<256xf32, #tpu.memory_space<vmem>>, vector<16xf32>,
    %min3A_649 = arith.minimumf %min3A_643, %get3A_648 : vector<16xf32>
    %get3A_650 = arith.constant 192 : index
    %get3A_651 = tpu.vector_load %arg24[%get3A_650] {strides = array<i32>} : memref<256xf32, #tpu.memory_space<vmem>>, vector<16xf32>,
    %max3A_652 = arith.maximumf %max3A_646, %get3A_651 : vector<16xf32>
    %get3A_653 = arith.constant 192 : index
    %get3A_654 = tpu.vector_load %arg17[%get3A_653] {strides = array<i32>} : memref<256xf32, #tpu.memory_space<vmem>>, vector<16xf32>,
    %min3A_655 = arith.minimumf %min3A_649, %get3A_654 : vector<16xf32>
    %get3A_656 = arith.constant 192 : index
    %get3A_657 = tpu.vector_load %arg25[%get3A_656] {strides = array<i32>} : memref<256xf32, #tpu.memory_space<vmem>>, vector<16xf32>,
    %max3A_658 = arith.maximumf %max3A_652, %get3A_657 : vector<16xf32>
    %swap3A_659 = arith.constant 192 : index
    %swap3A_660 = tpu.vector_load %arg10[%swap3A_659] {strides = array<i32>} : memref<256xf32, #tpu.memory_space<vmem>>, vector<16xf32>,
    tpu.vector_store %arg10[%swap3A_659], %min3A_655 {strides = array<i32>} : memref<256xf32, #tpu.memory_space<vmem>>, vector<16xf32>,
    %swap3A_661 = arith.constant 192 : index
    %swap3A_662 = tpu.vector_load %arg18[%swap3A_661] {strides = array<i32>} : memref<256xf32, #tpu.memory_space<vmem>>, vector<16xf32>,
    tpu.vector_store %arg18[%swap3A_661], %max3A_658 {strides = array<i32>} : memref<256xf32, #tpu.memory_space<vmem>>, vector<16xf32>,
    %get3A_663 = arith.constant 208 : index
    %get3A_664 = tpu.vector_load %arg10[%get3A_663] {strides = array<i32>} : memref<256xf32, #tpu.memory_space<vmem>>, vector<16xf32>,
    %get3A_665 = arith.constant 208 : index
    %get3A_666 = tpu.vector_load %arg18[%get3A_665] {strides = array<i32>} : memref<256xf32, #tpu.memory_space<vmem>>, vector<16xf32>,
    %get3A_667 = arith.constant 208 : index
    %get3A_668 = tpu.vector_load %arg11[%get3A_667] {strides = array<i32>} : memref<256xf32, #tpu.memory_space<vmem>>, vector<16xf32>,
    %min3A_669 = arith.minimumf %get3A_664, %get3A_668 : vector<16xf32>
    %get3A_670 = arith.constant 208 : index
    %get3A_671 = tpu.vector_load %arg19[%get3A_670] {strides = array<i32>} : memref<256xf32, #tpu.memory_space<vmem>>, vector<16xf32>,
    %max3A_672 = arith.maximumf %get3A_666, %get3A_671 : vector<16xf32>
    %get3A_673 = arith.constant 208 : index
    %get3A_674 = tpu.vector_load %arg12[%get3A_673] {strides = array<i32>} : memref<256xf32, #tpu.memory_space<vmem>>, vector<16xf32>,
    %min3A_675 = arith.minimumf %min3A_669, %get3A_674 : vector<16xf32>
    %get3A_676 = arith.constant 208 : index
    %get3A_677 = tpu.vector_load %arg20[%get3A_676] {strides = array<i32>} : memref<256xf32, #tpu.memory_space<vmem>>, vector<16xf32>,
    %max3A_678 = arith.maximumf %max3A_672, %get3A_677 : vector<16xf32>
    %get3A_679 = arith.constant 208 : index
    %get3A_680 = tpu.vector_load %arg13[%get3A_679] {strides = array<i32>} : memref<256xf32, #tpu.memory_space<vmem>>, vector<16xf32>,
    %min3A_681 = arith.minimumf %min3A_675, %get3A_680 : vector<16xf32>
    %get3A_682 = arith.constant 208 : index
    %get3A_683 = tpu.vector_load %arg21[%get3A_682] {strides = array<i32>} : memref<256xf32, #tpu.memory_space<vmem>>, vector<16xf32>,
    %max3A_684 = arith.maximumf %max3A_678, %get3A_683 : vector<16xf32>
    %get3A_685 = arith.constant 208 : index
    %get3A_686 = tpu.vector_load %arg14[%get3A_685] {strides = array<i32>} : memref<256xf32, #tpu.memory_space<vmem>>, vector<16xf32>,
    %min3A_687 = arith.minimumf %min3A_681, %get3A_686 : vector<16xf32>
    %get3A_688 = arith.constant 208 : index
    %get3A_689 = tpu.vector_load %arg22[%get3A_688] {strides = array<i32>} : memref<256xf32, #tpu.memory_space<vmem>>, vector<16xf32>,
    %max3A_690 = arith.maximumf %max3A_684, %get3A_689 : vector<16xf32>
    %get3A_691 = arith.constant 208 : index
    %get3A_692 = tpu.vector_load %arg15[%get3A_691] {strides = array<i32>} : memref<256xf32, #tpu.memory_space<vmem>>, vector<16xf32>,
    %min3A_693 = arith.minimumf %min3A_687, %get3A_692 : vector<16xf32>
    %get3A_694 = arith.constant 208 : index
    %get3A_695 = tpu.vector_load %arg23[%get3A_694] {strides = array<i32>} : memref<256xf32, #tpu.memory_space<vmem>>, vector<16xf32>,
    %max3A_696 = arith.maximumf %max3A_690, %get3A_695 : vector<16xf32>
    %get3A_697 = arith.constant 208 : index
    %get3A_698 = tpu.vector_load %arg16[%get3A_697] {strides = array<i32>} : memref<256xf32, #tpu.memory_space<vmem>>, vector<16xf32>,
    %min3A_699 = arith.minimumf %min3A_693, %get3A_698 : vector<16xf32>
    %get3A_700 = arith.constant 208 : index
    %get3A_701 = tpu.vector_load %arg24[%get3A_700] {strides = array<i32>} : memref<256xf32, #tpu.memory_space<vmem>>, vector<16xf32>,
    %max3A_702 = arith.maximumf %max3A_696, %get3A_701 : vector<16xf32>
    %get3A_703 = arith.constant 208 : index
    %get3A_704 = tpu.vector_load %arg17[%get3A_703] {strides = array<i32>} : memref<256xf32, #tpu.memory_space<vmem>>, vector<16xf32>,
    %min3A_705 = arith.minimumf %min3A_699, %get3A_704 : vector<16xf32>
    %get3A_706 = arith.constant 208 : index
    %get3A_707 = tpu.vector_load %arg25[%get3A_706] {strides = array<i32>} : memref<256xf32, #tpu.memory_space<vmem>>, vector<16xf32>,
    %max3A_708 = arith.maximumf %max3A_702, %get3A_707 : vector<16xf32>
    %swap3A_709 = arith.constant 208 : index
    %swap3A_710 = tpu.vector_load %arg10[%swap3A_709] {strides = array<i32>} : memref<256xf32, #tpu.memory_space<vmem>>, vector<16xf32>,
    tpu.vector_store %arg10[%swap3A_709], %min3A_705 {strides = array<i32>} : memref<256xf32, #tpu.memory_space<vmem>>, vector<16xf32>,
    %swap3A_711 = arith.constant 208 : index
    %swap3A_712 = tpu.vector_load %arg18[%swap3A_711] {strides = array<i32>} : memref<256xf32, #tpu.memory_space<vmem>>, vector<16xf32>,
    tpu.vector_store %arg18[%swap3A_711], %max3A_708 {strides = array<i32>} : memref<256xf32, #tpu.memory_space<vmem>>, vector<16xf32>,
    %get3A_713 = arith.constant 224 : index
    %get3A_714 = tpu.vector_load %arg10[%get3A_713] {strides = array<i32>} : memref<256xf32, #tpu.memory_space<vmem>>, vector<16xf32>,
    %get3A_715 = arith.constant 224 : index
    %get3A_716 = tpu.vector_load %arg18[%get3A_715] {strides = array<i32>} : memref<256xf32, #tpu.memory_space<vmem>>, vector<16xf32>,
    %get3A_717 = arith.constant 224 : index
    %get3A_718 = tpu.vector_load %arg11[%get3A_717] {strides = array<i32>} : memref<256xf32, #tpu.memory_space<vmem>>, vector<16xf32>,
    %min3A_719 = arith.minimumf %get3A_714, %get3A_718 : vector<16xf32>
    %get3A_720 = arith.constant 224 : index
    %get3A_721 = tpu.vector_load %arg19[%get3A_720] {strides = array<i32>} : memref<256xf32, #tpu.memory_space<vmem>>, vector<16xf32>,
    %max3A_722 = arith.maximumf %get3A_716, %get3A_721 : vector<16xf32>
    %get3A_723 = arith.constant 224 : index
    %get3A_724 = tpu.vector_load %arg12[%get3A_723] {strides = array<i32>} : memref<256xf32, #tpu.memory_space<vmem>>, vector<16xf32>,
    %min3A_725 = arith.minimumf %min3A_719, %get3A_724 : vector<16xf32>
    %get3A_726 = arith.constant 224 : index
    %get3A_727 = tpu.vector_load %arg20[%get3A_726] {strides = array<i32>} : memref<256xf32, #tpu.memory_space<vmem>>, vector<16xf32>,
    %max3A_728 = arith.maximumf %max3A_722, %get3A_727 : vector<16xf32>
    %get3A_729 = arith.constant 224 : index
    %get3A_730 = tpu.vector_load %arg13[%get3A_729] {strides = array<i32>} : memref<256xf32, #tpu.memory_space<vmem>>, vector<16xf32>,
    %min3A_731 = arith.minimumf %min3A_725, %get3A_730 : vector<16xf32>
    %get3A_732 = arith.constant 224 : index
    %get3A_733 = tpu.vector_load %arg21[%get3A_732] {strides = array<i32>} : memref<256xf32, #tpu.memory_space<vmem>>, vector<16xf32>,
    %max3A_734 = arith.maximumf %max3A_728, %get3A_733 : vector<16xf32>
    %get3A_735 = arith.constant 224 : index
    %get3A_736 = tpu.vector_load %arg14[%get3A_735] {strides = array<i32>} : memref<256xf32, #tpu.memory_space<vmem>>, vector<16xf32>,
    %min3A_737 = arith.minimumf %min3A_731, %get3A_736 : vector<16xf32>
    %get3A_738 = arith.constant 224 : index
    %get3A_739 = tpu.vector_load %arg22[%get3A_738] {strides = array<i32>} : memref<256xf32, #tpu.memory_space<vmem>>, vector<16xf32>,
    %max3A_740 = arith.maximumf %max3A_734, %get3A_739 : vector<16xf32>
    %get3A_741 = arith.constant 224 : index
    %get3A_742 = tpu.vector_load %arg15[%get3A_741] {strides = array<i32>} : memref<256xf32, #tpu.memory_space<vmem>>, vector<16xf32>,
    %min3A_743 = arith.minimumf %min3A_737, %get3A_742 : vector<16xf32>
    %get3A_744 = arith.constant 224 : index
    %get3A_745 = tpu.vector_load %arg23[%get3A_744] {strides = array<i32>} : memref<256xf32, #tpu.memory_space<vmem>>, vector<16xf32>,
    %max3A_746 = arith.maximumf %max3A_740, %get3A_745 : vector<16xf32>
    %get3A_747 = arith.constant 224 : index
    %get3A_748 = tpu.vector_load %arg16[%get3A_747] {strides = array<i32>} : memref<256xf32, #tpu.memory_space<vmem>>, vector<16xf32>,
    %min3A_749 = arith.minimumf %min3A_743, %get3A_748 : vector<16xf32>
    %get3A_750 = arith.constant 224 : index
    %get3A_751 = tpu.vector_load %arg24[%get3A_750] {strides = array<i32>} : memref<256xf32, #tpu.memory_space<vmem>>, vector<16xf32>,
    %max3A_752 = arith.maximumf %max3A_746, %get3A_751 : vector<16xf32>
    %get3A_753 = arith.constant 224 : index
    %get3A_754 = tpu.vector_load %arg17[%get3A_753] {strides = array<i32>} : memref<256xf32, #tpu.memory_space<vmem>>, vector<16xf32>,
    %min3A_755 = arith.minimumf %min3A_749, %get3A_754 : vector<16xf32>
    %get3A_756 = arith.constant 224 : index
    %get3A_757 = tpu.vector_load %arg25[%get3A_756] {strides = array<i32>} : memref<256xf32, #tpu.memory_space<vmem>>, vector<16xf32>,
    %max3A_758 = arith.maximumf %max3A_752, %get3A_757 : vector<16xf32>
    %swap3A_759 = arith.constant 224 : index
    %swap3A_760 = tpu.vector_load %arg10[%swap3A_759] {strides = array<i32>} : memref<256xf32, #tpu.memory_space<vmem>>, vector<16xf32>,
    tpu.vector_store %arg10[%swap3A_759], %min3A_755 {strides = array<i32>} : memref<256xf32, #tpu.memory_space<vmem>>, vector<16xf32>,
    %swap3A_761 = arith.constant 224 : index
    %swap3A_762 = tpu.vector_load %arg18[%swap3A_761] {strides = array<i32>} : memref<256xf32, #tpu.memory_space<vmem>>, vector<16xf32>,
    tpu.vector_store %arg18[%swap3A_761], %max3A_758 {strides = array<i32>} : memref<256xf32, #tpu.memory_space<vmem>>, vector<16xf32>,
    %get3A_763 = arith.constant 240 : index
    %get3A_764 = tpu.vector_load %arg10[%get3A_763] {strides = array<i32>} : memref<256xf32, #tpu.memory_space<vmem>>, vector<16xf32>,
    %get3A_765 = arith.constant 240 : index
    %get3A_766 = tpu.vector_load %arg18[%get3A_765] {strides = array<i32>} : memref<256xf32, #tpu.memory_space<vmem>>, vector<16xf32>,
    %get3A_767 = arith.constant 240 : index
    %get3A_768 = tpu.vector_load %arg11[%get3A_767] {strides = array<i32>} : memref<256xf32, #tpu.memory_space<vmem>>, vector<16xf32>,
    %min3A_769 = arith.minimumf %get3A_764, %get3A_768 : vector<16xf32>
    %get3A_770 = arith.constant 240 : index
    %get3A_771 = tpu.vector_load %arg19[%get3A_770] {strides = array<i32>} : memref<256xf32, #tpu.memory_space<vmem>>, vector<16xf32>,
    %max3A_772 = arith.maximumf %get3A_766, %get3A_771 : vector<16xf32>
    %get3A_773 = arith.constant 240 : index
    %get3A_774 = tpu.vector_load %arg12[%get3A_773] {strides = array<i32>} : memref<256xf32, #tpu.memory_space<vmem>>, vector<16xf32>,
    %min3A_775 = arith.minimumf %min3A_769, %get3A_774 : vector<16xf32>
    %get3A_776 = arith.constant 240 : index
    %get3A_777 = tpu.vector_load %arg20[%get3A_776] {strides = array<i32>} : memref<256xf32, #tpu.memory_space<vmem>>, vector<16xf32>,
    %max3A_778 = arith.maximumf %max3A_772, %get3A_777 : vector<16xf32>
    %get3A_779 = arith.constant 240 : index
    %get3A_780 = tpu.vector_load %arg13[%get3A_779] {strides = array<i32>} : memref<256xf32, #tpu.memory_space<vmem>>, vector<16xf32>,
    %min3A_781 = arith.minimumf %min3A_775, %get3A_780 : vector<16xf32>
    %get3A_782 = arith.constant 240 : index
    %get3A_783 = tpu.vector_load %arg21[%get3A_782] {strides = array<i32>} : memref<256xf32, #tpu.memory_space<vmem>>, vector<16xf32>,
    %max3A_784 = arith.maximumf %max3A_778, %get3A_783 : vector<16xf32>
    %get3A_785 = arith.constant 240 : index
    %get3A_786 = tpu.vector_load %arg14[%get3A_785] {strides = array<i32>} : memref<256xf32, #tpu.memory_space<vmem>>, vector<16xf32>,
    %min3A_787 = arith.minimumf %min3A_781, %get3A_786 : vector<16xf32>
    %get3A_788 = arith.constant 240 : index
    %get3A_789 = tpu.vector_load %arg22[%get3A_788] {strides = array<i32>} : memref<256xf32, #tpu.memory_space<vmem>>, vector<16xf32>,
    %max3A_790 = arith.maximumf %max3A_784, %get3A_789 : vector<16xf32>
    %get3A_791 = arith.constant 240 : index
    %get3A_792 = tpu.vector_load %arg15[%get3A_791] {strides = array<i32>} : memref<256xf32, #tpu.memory_space<vmem>>, vector<16xf32>,
    %min3A_793 = arith.minimumf %min3A_787, %get3A_792 : vector<16xf32>
    %get3A_794 = arith.constant 240 : index
    %get3A_795 = tpu.vector_load %arg23[%get3A_794] {strides = array<i32>} : memref<256xf32, #tpu.memory_space<vmem>>, vector<16xf32>,
    %max3A_796 = arith.maximumf %max3A_790, %get3A_795 : vector<16xf32>
    %get3A_797 = arith.constant 240 : index
    %get3A_798 = tpu.vector_load %arg16[%get3A_797] {strides = array<i32>} : memref<256xf32, #tpu.memory_space<vmem>>, vector<16xf32>,
    %min3A_799 = arith.minimumf %min3A_793, %get3A_798 : vector<16xf32>
    %get3A_800 = arith.constant 240 : index
    %get3A_801 = tpu.vector_load %arg24[%get3A_800] {strides = array<i32>} : memref<256xf32, #tpu.memory_space<vmem>>, vector<16xf32>,
    %max3A_802 = arith.maximumf %max3A_796, %get3A_801 : vector<16xf32>
    %get3A_803 = arith.constant 240 : index
    %get3A_804 = tpu.vector_load %arg17[%get3A_803] {strides = array<i32>} : memref<256xf32, #tpu.memory_space<vmem>>, vector<16xf32>,
    %min3A_805 = arith.minimumf %min3A_799, %get3A_804 : vector<16xf32>
    %get3A_806 = arith.constant 240 : index
    %get3A_807 = tpu.vector_load %arg25[%get3A_806] {strides = array<i32>} : memref<256xf32, #tpu.memory_space<vmem>>, vector<16xf32>,
    %max3A_808 = arith.maximumf %max3A_802, %get3A_807 : vector<16xf32>
    %swap3A_809 = arith.constant 240 : index
    %swap3A_810 = tpu.vector_load %arg10[%swap3A_809] {strides = array<i32>} : memref<256xf32, #tpu.memory_space<vmem>>, vector<16xf32>,
    tpu.vector_store %arg10[%swap3A_809], %min3A_805 {strides = array<i32>} : memref<256xf32, #tpu.memory_space<vmem>>, vector<16xf32>,
    %swap3A_811 = arith.constant 240 : index
    %swap3A_812 = tpu.vector_load %arg18[%swap3A_811] {strides = array<i32>} : memref<256xf32, #tpu.memory_space<vmem>>, vector<16xf32>,
    tpu.vector_store %arg18[%swap3A_811], %max3A_808 {strides = array<i32>} : memref<256xf32, #tpu.memory_space<vmem>>, vector<16xf32>,
    %mul3A_813 = arith.constant 16 : i32
    %mul3A_814 = vector.broadcast %mul3A_813 : i32 to vector<16xi32>
    %mul3A_815 = arith.muli %iota3A, %mul3A_814 : vector<16xi32>
    %gather3A = tpu.vector_load_idx %arg10[%mul3A_815] : memref<256xf32, #tpu.memory_space<vmem>>[vector<16xi32>], vector<16xf32>,
    %gather3A_816 = tpu.vector_load_idx %arg18[%mul3A_815] : memref<256xf32, #tpu.memory_space<vmem>>[vector<16xi32>], vector<16xf32>,
    %add3A_817 = arith.constant 1 : i32
    %add3A_818 = vector.broadcast %add3A_817 : i32 to vector<16xi32>
    %add3A_819 = arith.addi %mul3A_815, %add3A_818 : vector<16xi32>
    %gather3A_820 = tpu.vector_load_idx %arg10[%add3A_819] : memref<256xf32, #tpu.memory_space<vmem>>[vector<16xi32>], vector<16xf32>,
    %min3A_821 = arith.minimumf %gather3A, %gather3A_820 : vector<16xf32>
    %add3A_822 = arith.constant 1 : i32
    %add3A_823 = vector.broadcast %add3A_822 : i32 to vector<16xi32>
    %add3A_824 = arith.addi %mul3A_815, %add3A_823 : vector<16xi32>
    %gather3A_825 = tpu.vector_load_idx %arg18[%add3A_824] : memref<256xf32, #tpu.memory_space<vmem>>[vector<16xi32>], vector<16xf32>,
    %max3A_826 = arith.maximumf %gather3A_816, %gather3A_825 : vector<16xf32>
    %add3A_827 = arith.constant 2 : i32
    %add3A_828 = vector.broadcast %add3A_827 : i32 to vector<16xi32>
    %add3A_829 = arith.addi %mul3A_815, %add3A_828 : vector<16xi32>
    %gather3A_830 = tpu.vector_load_idx %arg10[%add3A_829] : memref<256xf32, #tpu.memory_space<vmem>>[vector<16xi32>], vector<16xf32>,
    %min3A_831 = arith.minimumf %min3A_821, %gather3A_830 : vector<16xf32>
    %add3A_832 = arith.constant 2 : i32
    %add3A_833 = vector.broadcast %add3A_832 : i32 to vector<16xi32>
    %add3A_834 = arith.addi %mul3A_815, %add3A_833 : vector<16xi32>
    %gather3A_835 = tpu.vector_load_idx %arg18[%add3A_834] : memref<256xf32, #tpu.memory_space<vmem>>[vector<16xi32>], vector<16xf32>,
    %max3A_836 = arith.maximumf %max3A_826, %gather3A_835 : vector<16xf32>
    %add3A_837 = arith.constant 3 : i32
    %add3A_838 = vector.broadcast %add3A_837 : i32 to vector<16xi32>
    %add3A_839 = arith.addi %mul3A_815, %add3A_838 : vector<16xi32>
    %gather3A_840 = tpu.vector_load_idx %arg10[%add3A_839] : memref<256xf32, #tpu.memory_space<vmem>>[vector<16xi32>], vector<16xf32>,
    %min3A_841 = arith.minimumf %min3A_831, %gather3A_840 : vector<16xf32>
    %add3A_842 = arith.constant 3 : i32
    %add3A_843 = vector.broadcast %add3A_842 : i32 to vector<16xi32>
    %add3A_844 = arith.addi %mul3A_815, %add3A_843 : vector<16xi32>
    %gather3A_845 = tpu.vector_load_idx %arg18[%add3A_844] : memref<256xf32, #tpu.memory_space<vmem>>[vector<16xi32>], vector<16xf32>,
    %max3A_846 = arith.maximumf %max3A_836, %gather3A_845 : vector<16xf32>
    %add3A_847 = arith.constant 4 : i32
    %add3A_848 = vector.broadcast %add3A_847 : i32 to vector<16xi32>
    %add3A_849 = arith.addi %mul3A_815, %add3A_848 : vector<16xi32>
    %gather3A_850 = tpu.vector_load_idx %arg10[%add3A_849] : memref<256xf32, #tpu.memory_space<vmem>>[vector<16xi32>], vector<16xf32>,
    %min3A_851 = arith.minimumf %min3A_841, %gather3A_850 : vector<16xf32>
    %add3A_852 = arith.constant 4 : i32
    %add3A_853 = vector.broadcast %add3A_852 : i32 to vector<16xi32>
    %add3A_854 = arith.addi %mul3A_815, %add3A_853 : vector<16xi32>
    %gather3A_855 = tpu.vector_load_idx %arg18[%add3A_854] : memref<256xf32, #tpu.memory_space<vmem>>[vector<16xi32>], vector<16xf32>,
    %max3A_856 = arith.maximumf %max3A_846, %gather3A_855 : vector<16xf32>
    %add3A_857 = arith.constant 5 : i32
    %add3A_858 = vector.broadcast %add3A_857 : i32 to vector<16xi32>
    %add3A_859 = arith.addi %mul3A_815, %add3A_858 : vector<16xi32>
    %gather3A_860 = tpu.vector_load_idx %arg10[%add3A_859] : memref<256xf32, #tpu.memory_space<vmem>>[vector<16xi32>], vector<16xf32>,
    %min3A_861 = arith.minimumf %min3A_851, %gather3A_860 : vector<16xf32>
    %add3A_862 = arith.constant 5 : i32
    %add3A_863 = vector.broadcast %add3A_862 : i32 to vector<16xi32>
    %add3A_864 = arith.addi %mul3A_815, %add3A_863 : vector<16xi32>
    %gather3A_865 = tpu.vector_load_idx %arg18[%add3A_864] : memref<256xf32, #tpu.memory_space<vmem>>[vector<16xi32>], vector<16xf32>,
    %max3A_866 = arith.maximumf %max3A_856, %gather3A_865 : vector<16xf32>
    %add3A_867 = arith.constant 6 : i32
    %add3A_868 = vector.broadcast %add3A_867 : i32 to vector<16xi32>
    %add3A_869 = arith.addi %mul3A_815, %add3A_868 : vector<16xi32>
    %gather3A_870 = tpu.vector_load_idx %arg10[%add3A_869] : memref<256xf32, #tpu.memory_space<vmem>>[vector<16xi32>], vector<16xf32>,
    %min3A_871 = arith.minimumf %min3A_861, %gather3A_870 : vector<16xf32>
    %add3A_872 = arith.constant 6 : i32
    %add3A_873 = vector.broadcast %add3A_872 : i32 to vector<16xi32>
    %add3A_874 = arith.addi %mul3A_815, %add3A_873 : vector<16xi32>
    %gather3A_875 = tpu.vector_load_idx %arg18[%add3A_874] : memref<256xf32, #tpu.memory_space<vmem>>[vector<16xi32>], vector<16xf32>,
    %max3A_876 = arith.maximumf %max3A_866, %gather3A_875 : vector<16xf32>
    %add3A_877 = arith.constant 7 : i32
    %add3A_878 = vector.broadcast %add3A_877 : i32 to vector<16xi32>
    %add3A_879 = arith.addi %mul3A_815, %add3A_878 : vector<16xi32>
    %gather3A_880 = tpu.vector_load_idx %arg10[%add3A_879] : memref<256xf32, #tpu.memory_space<vmem>>[vector<16xi32>], vector<16xf32>,
    %min3A_881 = arith.minimumf %min3A_871, %gather3A_880 : vector<16xf32>
    %add3A_882 = arith.constant 7 : i32
    %add3A_883 = vector.broadcast %add3A_882 : i32 to vector<16xi32>
    %add3A_884 = arith.addi %mul3A_815, %add3A_883 : vector<16xi32>
    %gather3A_885 = tpu.vector_load_idx %arg18[%add3A_884] : memref<256xf32, #tpu.memory_space<vmem>>[vector<16xi32>], vector<16xf32>,
    %max3A_886 = arith.maximumf %max3A_876, %gather3A_885 : vector<16xf32>
    %add3A_887 = arith.constant 8 : i32
    %add3A_888 = vector.broadcast %add3A_887 : i32 to vector<16xi32>
    %add3A_889 = arith.addi %mul3A_815, %add3A_888 : vector<16xi32>
    %gather3A_890 = tpu.vector_load_idx %arg10[%add3A_889] : memref<256xf32, #tpu.memory_space<vmem>>[vector<16xi32>], vector<16xf32>,
    %min3A_891 = arith.minimumf %min3A_881, %gather3A_890 : vector<16xf32>
    %add3A_892 = arith.constant 8 : i32
    %add3A_893 = vector.broadcast %add3A_892 : i32 to vector<16xi32>
    %add3A_894 = arith.addi %mul3A_815, %add3A_893 : vector<16xi32>
    %gather3A_895 = tpu.vector_load_idx %arg18[%add3A_894] : memref<256xf32, #tpu.memory_space<vmem>>[vector<16xi32>], vector<16xf32>,
    %max3A_896 = arith.maximumf %max3A_886, %gather3A_895 : vector<16xf32>
    %add3A_897 = arith.constant 9 : i32
    %add3A_898 = vector.broadcast %add3A_897 : i32 to vector<16xi32>
    %add3A_899 = arith.addi %mul3A_815, %add3A_898 : vector<16xi32>
    %gather3A_900 = tpu.vector_load_idx %arg10[%add3A_899] : memref<256xf32, #tpu.memory_space<vmem>>[vector<16xi32>], vector<16xf32>,
    %min3A_901 = arith.minimumf %min3A_891, %gather3A_900 : vector<16xf32>
    %add3A_902 = arith.constant 9 : i32
    %add3A_903 = vector.broadcast %add3A_902 : i32 to vector<16xi32>
    %add3A_904 = arith.addi %mul3A_815, %add3A_903 : vector<16xi32>
    %gather3A_905 = tpu.vector_load_idx %arg18[%add3A_904] : memref<256xf32, #tpu.memory_space<vmem>>[vector<16xi32>], vector<16xf32>,
    %max3A_906 = arith.maximumf %max3A_896, %gather3A_905 : vector<16xf32>
    %add3A_907 = arith.constant 10 : i32
    %add3A_908 = vector.broadcast %add3A_907 : i32 to vector<16xi32>
    %add3A_909 = arith.addi %mul3A_815, %add3A_908 : vector<16xi32>
    %gather3A_910 = tpu.vector_load_idx %arg10[%add3A_909] : memref<256xf32, #tpu.memory_space<vmem>>[vector<16xi32>], vector<16xf32>,
    %min3A_911 = arith.minimumf %min3A_901, %gather3A_910 : vector<16xf32>
    %add3A_912 = arith.constant 10 : i32
    %add3A_913 = vector.broadcast %add3A_912 : i32 to vector<16xi32>
    %add3A_914 = arith.addi %mul3A_815, %add3A_913 : vector<16xi32>
    %gather3A_915 = tpu.vector_load_idx %arg18[%add3A_914] : memref<256xf32, #tpu.memory_space<vmem>>[vector<16xi32>], vector<16xf32>,
    %max3A_916 = arith.maximumf %max3A_906, %gather3A_915 : vector<16xf32>
    %add3A_917 = arith.constant 11 : i32
    %add3A_918 = vector.broadcast %add3A_917 : i32 to vector<16xi32>
    %add3A_919 = arith.addi %mul3A_815, %add3A_918 : vector<16xi32>
    %gather3A_920 = tpu.vector_load_idx %arg10[%add3A_919] : memref<256xf32, #tpu.memory_space<vmem>>[vector<16xi32>], vector<16xf32>,
    %min3A_921 = arith.minimumf %min3A_911, %gather3A_920 : vector<16xf32>
    %add3A_922 = arith.constant 11 : i32
    %add3A_923 = vector.broadcast %add3A_922 : i32 to vector<16xi32>
    %add3A_924 = arith.addi %mul3A_815, %add3A_923 : vector<16xi32>
    %gather3A_925 = tpu.vector_load_idx %arg18[%add3A_924] : memref<256xf32, #tpu.memory_space<vmem>>[vector<16xi32>], vector<16xf32>,
    %max3A_926 = arith.maximumf %max3A_916, %gather3A_925 : vector<16xf32>
    %add3A_927 = arith.constant 12 : i32
    %add3A_928 = vector.broadcast %add3A_927 : i32 to vector<16xi32>
    %add3A_929 = arith.addi %mul3A_815, %add3A_928 : vector<16xi32>
    %gather3A_930 = tpu.vector_load_idx %arg10[%add3A_929] : memref<256xf32, #tpu.memory_space<vmem>>[vector<16xi32>], vector<16xf32>,
    %min3A_931 = arith.minimumf %min3A_921, %gather3A_930 : vector<16xf32>
    %add3A_932 = arith.constant 12 : i32
    %add3A_933 = vector.broadcast %add3A_932 : i32 to vector<16xi32>
    %add3A_934 = arith.addi %mul3A_815, %add3A_933 : vector<16xi32>
    %gather3A_935 = tpu.vector_load_idx %arg18[%add3A_934] : memref<256xf32, #tpu.memory_space<vmem>>[vector<16xi32>], vector<16xf32>,
    %max3A_936 = arith.maximumf %max3A_926, %gather3A_935 : vector<16xf32>
    %add3A_937 = arith.constant 13 : i32
    %add3A_938 = vector.broadcast %add3A_937 : i32 to vector<16xi32>
    %add3A_939 = arith.addi %mul3A_815, %add3A_938 : vector<16xi32>
    %gather3A_940 = tpu.vector_load_idx %arg10[%add3A_939] : memref<256xf32, #tpu.memory_space<vmem>>[vector<16xi32>], vector<16xf32>,
    %min3A_941 = arith.minimumf %min3A_931, %gather3A_940 : vector<16xf32>
    %add3A_942 = arith.constant 13 : i32
    %add3A_943 = vector.broadcast %add3A_942 : i32 to vector<16xi32>
    %add3A_944 = arith.addi %mul3A_815, %add3A_943 : vector<16xi32>
    %gather3A_945 = tpu.vector_load_idx %arg18[%add3A_944] : memref<256xf32, #tpu.memory_space<vmem>>[vector<16xi32>], vector<16xf32>,
    %max3A_946 = arith.maximumf %max3A_936, %gather3A_945 : vector<16xf32>
    %add3A_947 = arith.constant 14 : i32
    %add3A_948 = vector.broadcast %add3A_947 : i32 to vector<16xi32>
    %add3A_949 = arith.addi %mul3A_815, %add3A_948 : vector<16xi32>
    %gather3A_950 = tpu.vector_load_idx %arg10[%add3A_949] : memref<256xf32, #tpu.memory_space<vmem>>[vector<16xi32>], vector<16xf32>,
    %min3A_951 = arith.minimumf %min3A_941, %gather3A_950 : vector<16xf32>
    %add3A_952 = arith.constant 14 : i32
    %add3A_953 = vector.broadcast %add3A_952 : i32 to vector<16xi32>
    %add3A_954 = arith.addi %mul3A_815, %add3A_953 : vector<16xi32>
    %gather3A_955 = tpu.vector_load_idx %arg18[%add3A_954] : memref<256xf32, #tpu.memory_space<vmem>>[vector<16xi32>], vector<16xf32>,
    %max3A_956 = arith.maximumf %max3A_946, %gather3A_955 : vector<16xf32>
    %add3A_957 = arith.constant 15 : i32
    %add3A_958 = vector.broadcast %add3A_957 : i32 to vector<16xi32>
    %add3A_959 = arith.addi %mul3A_815, %add3A_958 : vector<16xi32>
    %gather3A_960 = tpu.vector_load_idx %arg10[%add3A_959] : memref<256xf32, #tpu.memory_space<vmem>>[vector<16xi32>], vector<16xf32>,
    %min3A_961 = arith.minimumf %min3A_951, %gather3A_960 : vector<16xf32>
    %add3A_962 = arith.constant 15 : i32
    %add3A_963 = vector.broadcast %add3A_962 : i32 to vector<16xi32>
    %add3A_964 = arith.addi %mul3A_815, %add3A_963 : vector<16xi32>
    %gather3A_965 = tpu.vector_load_idx %arg18[%add3A_964] : memref<256xf32, #tpu.memory_space<vmem>>[vector<16xi32>], vector<16xf32>,
    %max3A_966 = arith.maximumf %max3A_956, %gather3A_965 : vector<16xf32>
    %swap3A_967 = arith.constant 0 : index
    %swap3A_968 = tpu.vector_load %arg26[%swap3A_967] {strides = array<i32>} : memref<16xf32, #tpu.memory_space<vmem>>, vector<16xf32>,
    tpu.vector_store %arg26[%swap3A_967], %min3A_961 {strides = array<i32>} : memref<16xf32, #tpu.memory_space<vmem>>, vector<16xf32>,
    %mul3A_969 = arith.constant 16 : i32
    %mul3A_970 = arith.muli %add3A, %mul3A_969 : i32
    "tpu.region"() ({
      %run_scoped3A = tpu.sem_alloc : memref<!tpu.dma_semaphore, #tpu.memory_space<semaphore_mem>>
      %dma_start3A_975 = tpu.memref_slice %arg4[%mul3A_970] : memref<512xf32, #tpu.memory_space<hbm>> -> memref<16xf32, #tpu.memory_space<hbm>>
      %dma_start3A_976 = tpu.memref_slice %arg4[%mul3A_970] : memref<512xf32, #tpu.memory_space<hbm>> -> memref<16xf32, #tpu.memory_space<hbm>>
      tpu.enqueue_dma source(%arg26 : memref<16xf32, #tpu.memory_space<vmem>>) target(%dma_start3A_976 : memref<16xf32, #tpu.memory_space<hbm>>) target_semaphore(%run_scoped3A : memref<!tpu.dma_semaphore, #tpu.memory_space<semaphore_mem>>)
      %dma_wait3A = tpu.memref_slice %arg4[%mul3A_970] : memref<512xf32, #tpu.memory_space<hbm>> -> memref<16xf32, #tpu.memory_space<hbm>>
      %dma_wait3A_977 = tpu.memref_slice %arg4[%mul3A_970] : memref<512xf32, #tpu.memory_space<hbm>> -> memref<16xf32, #tpu.memory_space<hbm>>
      tpu.wait_dma2 semaphore(%run_scoped3A : memref<!tpu.dma_semaphore, #tpu.memory_space<semaphore_mem>>) src(%arg26 : memref<16xf32, #tpu.memory_space<vmem>>) dst(%dma_wait3A_977 : memref<16xf32, #tpu.memory_space<hbm>>)
      tpu.yield
    }) : () -> ()
    %swap3A_971 = arith.constant 0 : index
    %swap3A_972 = tpu.vector_load %arg26[%swap3A_971] {strides = array<i32>} : memref<16xf32, #tpu.memory_space<vmem>>, vector<16xf32>,
    tpu.vector_store %arg26[%swap3A_971], %max3A_966 {strides = array<i32>} : memref<16xf32, #tpu.memory_space<vmem>>, vector<16xf32>,
    %mul3A_973 = arith.constant 16 : i32
    %mul3A_974 = arith.muli %add3A, %mul3A_973 : i32
    "tpu.region"() ({
      %run_scoped3A = tpu.sem_alloc : memref<!tpu.dma_semaphore, #tpu.memory_space<semaphore_mem>>
      %dma_start3A_975 = tpu.memref_slice %arg5[%mul3A_974] : memref<512xf32, #tpu.memory_space<hbm>> -> memref<16xf32, #tpu.memory_space<hbm>>
      %dma_start3A_976 = tpu.memref_slice %arg5[%mul3A_974] : memref<512xf32, #tpu.memory_space<hbm>> -> memref<16xf32, #tpu.memory_space<hbm>>
      tpu.enqueue_dma source(%arg26 : memref<16xf32, #tpu.memory_space<vmem>>) target(%dma_start3A_976 : memref<16xf32, #tpu.memory_space<hbm>>) target_semaphore(%run_scoped3A : memref<!tpu.dma_semaphore, #tpu.memory_space<semaphore_mem>>)
      %dma_wait3A = tpu.memref_slice %arg5[%mul3A_974] : memref<512xf32, #tpu.memory_space<hbm>> -> memref<16xf32, #tpu.memory_space<hbm>>
      %dma_wait3A_977 = tpu.memref_slice %arg5[%mul3A_974] : memref<512xf32, #tpu.memory_space<hbm>> -> memref<16xf32, #tpu.memory_space<hbm>>
      tpu.wait_dma2 semaphore(%run_scoped3A : memref<!tpu.dma_semaphore, #tpu.memory_space<semaphore_mem>>) src(%arg26 : memref<16xf32, #tpu.memory_space<vmem>>) dst(%dma_wait3A_977 : memref<16xf32, #tpu.memory_space<hbm>>)
      tpu.yield
    }) : () -> ()
    return
  }
}

module attributes {stable_mosaic.version = 14 : i64} {
  func.func @_tcmm_body(%arg0: i32, %arg1: memref<1024x128xf32, #tpu.memory_space<vmem>>, %arg2: memref<1024x128xi32, #tpu.memory_space<vmem>>, %arg3: memref<16x128xf32, #tpu.memory_space<vmem>>, %arg4: memref<16x128xf32, #tpu.memory_space<vmem>>) attributes {dimension_semantics = [#tpu.dimension_semantics<arbitrary>], iteration_bounds = array<i64: 20>, scalar_prefetch = 0 : i64, scratch_operands = 0 : i64, tpu.core_type = #tpu.core_type<tc>, window_params = [{transform_indices = @transform_0, window_bounds = array<i64: 1024, 128>}, {transform_indices = @transform_1, window_bounds = array<i64: 1024, 128>}, {pipeline_mode = #tpu.pipeline_mode<synchronous>, transform_indices = @transform_2, window_bounds = array<i64: 16, 128>}, {pipeline_mode = #tpu.pipeline_mode<synchronous>, transform_indices = @transform_3, window_bounds = array<i64: 16, 128>}]} {
    %eq3A = arith.constant 0 : i32
    %eq3A_0 = arith.cmpi eq, %arg0, %eq3A : i32
    %convert_element_type3A = arith.extui %eq3A_0 : i1 to i32
    %cond3A = arith.constant 0 : i32
    %cond3A_1 = arith.cmpi ne, %convert_element_type3A, %cond3A : i32
    scf.if %cond3A_1 {
      %broadcast_in_dim3A_463 = arith.constant 0x7F800000 : f32
      %broadcast_in_dim3A_464 = vector.broadcast %broadcast_in_dim3A_463 : f32 to vector<16x128xf32>
      %swap3A_465 = arith.constant 0 : index
      %swap3A_466 = arith.constant 0 : index
      %swap3A_467 = vector.load %arg3[%swap3A_465, %swap3A_466] : memref<16x128xf32, #tpu.memory_space<vmem>>, vector<16x128xf32>
      tpu.vector_store %arg3[%swap3A_465, %swap3A_466], %broadcast_in_dim3A_464 {strides = array<i32>} : memref<16x128xf32, #tpu.memory_space<vmem>>, vector<16x128xf32>,
      %broadcast_in_dim3A_468 = arith.constant 0xFF800000 : f32
      %broadcast_in_dim3A_469 = vector.broadcast %broadcast_in_dim3A_468 : f32 to vector<16x128xf32>
      %swap3A_470 = arith.constant 0 : index
      %swap3A_471 = arith.constant 0 : index
      %swap3A_472 = vector.load %arg4[%swap3A_470, %swap3A_471] : memref<16x128xf32, #tpu.memory_space<vmem>>, vector<16x128xf32>
      tpu.vector_store %arg4[%swap3A_470, %swap3A_471], %broadcast_in_dim3A_469 {strides = array<i32>} : memref<16x128xf32, #tpu.memory_space<vmem>>, vector<16x128xf32>,
    } else {
    }
    %get3A = arith.constant 0 : index
    %get3A_2 = arith.constant 0 : index
    %get3A_3 = vector.load %arg1[%get3A, %get3A_2] : memref<1024x128xf32, #tpu.memory_space<vmem>>, vector<1024x128xf32>
    %get3A_4 = arith.constant 0 : index
    %get3A_5 = arith.constant 0 : index
    %get3A_6 = vector.load %arg2[%get3A_4, %get3A_5] : memref<1024x128xi32, #tpu.memory_space<vmem>>, vector<1024x128xi32>
    %eq3A_7 = arith.constant 0 : i32
    %eq3A_8 = vector.broadcast %eq3A_7 : i32 to vector<1024x128xi32>
    %eq3A_9 = arith.cmpi eq, %get3A_6, %eq3A_8 : vector<1024x128xi32>
    %jit3A = arith.constant 0x7F800000 : f32
    %broadcast_in_dim3A = vector.broadcast %jit3A : f32 to vector<1024x128xf32>
    %select_n3A = arith.select %eq3A_9, %get3A_3, %broadcast_in_dim3A : vector<1024x128xi1>, vector<1024x128xf32>
    %reduce_min3A = arith.constant dense<0x7F800000> : vector<128xf32>
    %reduce_min3A_10 = vector.multi_reduction <minimumf>, %select_n3A, %reduce_min3A [0] : vector<1024x128xf32> to vector<128xf32>
    %broadcast_in_dim3A_11 = vector.shape_cast %reduce_min3A_10 : vector<128xf32> to vector<1x128xf32>
    %jit3A_12 = arith.constant 0xFF800000 : f32
    %broadcast_in_dim3A_13 = vector.broadcast %jit3A_12 : f32 to vector<1024x128xf32>
    %select_n3A_14 = arith.select %eq3A_9, %get3A_3, %broadcast_in_dim3A_13 : vector<1024x128xi1>, vector<1024x128xf32>
    %reduce_max3A = arith.constant dense<0xFF800000> : vector<128xf32>
    %reduce_max3A_15 = vector.multi_reduction <maximumf>, %select_n3A_14, %reduce_max3A [0] : vector<1024x128xf32> to vector<128xf32>
    %broadcast_in_dim3A_16 = vector.shape_cast %reduce_max3A_15 : vector<128xf32> to vector<1x128xf32>
    %get3A_17 = arith.constant 0 : index
    %get3A_18 = arith.constant 0 : index
    %get3A_19 = vector.load %arg3[%get3A_17, %get3A_18] : memref<16x128xf32, #tpu.memory_space<vmem>>, vector<1x128xf32>
    %min3A = arith.minimumf %get3A_19, %broadcast_in_dim3A_11 : vector<1x128xf32>
    %swap3A = arith.constant 0 : index
    %swap3A_20 = arith.constant 0 : index
    %swap3A_21 = vector.load %arg3[%swap3A, %swap3A_20] : memref<16x128xf32, #tpu.memory_space<vmem>>, vector<1x128xf32>
    tpu.vector_store %arg3[%swap3A, %swap3A_20], %min3A {strides = array<i32>} : memref<16x128xf32, #tpu.memory_space<vmem>>, vector<1x128xf32>,
    %get3A_22 = arith.constant 0 : index
    %get3A_23 = arith.constant 0 : index
    %get3A_24 = vector.load %arg4[%get3A_22, %get3A_23] : memref<16x128xf32, #tpu.memory_space<vmem>>, vector<1x128xf32>
    %max3A = arith.maximumf %get3A_24, %broadcast_in_dim3A_16 : vector<1x128xf32>
    %swap3A_25 = arith.constant 0 : index
    %swap3A_26 = arith.constant 0 : index
    %swap3A_27 = vector.load %arg4[%swap3A_25, %swap3A_26] : memref<16x128xf32, #tpu.memory_space<vmem>>, vector<1x128xf32>
    tpu.vector_store %arg4[%swap3A_25, %swap3A_26], %max3A {strides = array<i32>} : memref<16x128xf32, #tpu.memory_space<vmem>>, vector<1x128xf32>,
    %eq3A_28 = arith.constant 1 : i32
    %eq3A_29 = vector.broadcast %eq3A_28 : i32 to vector<1024x128xi32>
    %eq3A_30 = arith.cmpi eq, %get3A_6, %eq3A_29 : vector<1024x128xi32>
    %jit3A_31 = arith.constant 0x7F800000 : f32
    %broadcast_in_dim3A_32 = vector.broadcast %jit3A_31 : f32 to vector<1024x128xf32>
    %select_n3A_33 = arith.select %eq3A_30, %get3A_3, %broadcast_in_dim3A_32 : vector<1024x128xi1>, vector<1024x128xf32>
    %reduce_min3A_34 = arith.constant dense<0x7F800000> : vector<128xf32>
    %reduce_min3A_35 = vector.multi_reduction <minimumf>, %select_n3A_33, %reduce_min3A_34 [0] : vector<1024x128xf32> to vector<128xf32>
    %broadcast_in_dim3A_36 = vector.shape_cast %reduce_min3A_35 : vector<128xf32> to vector<1x128xf32>
    %jit3A_37 = arith.constant 0xFF800000 : f32
    %broadcast_in_dim3A_38 = vector.broadcast %jit3A_37 : f32 to vector<1024x128xf32>
    %select_n3A_39 = arith.select %eq3A_30, %get3A_3, %broadcast_in_dim3A_38 : vector<1024x128xi1>, vector<1024x128xf32>
    %reduce_max3A_40 = arith.constant dense<0xFF800000> : vector<128xf32>
    %reduce_max3A_41 = vector.multi_reduction <maximumf>, %select_n3A_39, %reduce_max3A_40 [0] : vector<1024x128xf32> to vector<128xf32>
    %broadcast_in_dim3A_42 = vector.shape_cast %reduce_max3A_41 : vector<128xf32> to vector<1x128xf32>
    %get3A_43 = arith.constant 1 : index
    %get3A_44 = arith.constant 0 : index
    %get3A_45 = vector.load %arg3[%get3A_43, %get3A_44] : memref<16x128xf32, #tpu.memory_space<vmem>>, vector<1x128xf32>
    %min3A_46 = arith.minimumf %get3A_45, %broadcast_in_dim3A_36 : vector<1x128xf32>
    %swap3A_47 = arith.constant 1 : index
    %swap3A_48 = arith.constant 0 : index
    %swap3A_49 = vector.load %arg3[%swap3A_47, %swap3A_48] : memref<16x128xf32, #tpu.memory_space<vmem>>, vector<1x128xf32>
    tpu.vector_store %arg3[%swap3A_47, %swap3A_48], %min3A_46 {strides = array<i32>} : memref<16x128xf32, #tpu.memory_space<vmem>>, vector<1x128xf32>,
    %get3A_50 = arith.constant 1 : index
    %get3A_51 = arith.constant 0 : index
    %get3A_52 = vector.load %arg4[%get3A_50, %get3A_51] : memref<16x128xf32, #tpu.memory_space<vmem>>, vector<1x128xf32>
    %max3A_53 = arith.maximumf %get3A_52, %broadcast_in_dim3A_42 : vector<1x128xf32>
    %swap3A_54 = arith.constant 1 : index
    %swap3A_55 = arith.constant 0 : index
    %swap3A_56 = vector.load %arg4[%swap3A_54, %swap3A_55] : memref<16x128xf32, #tpu.memory_space<vmem>>, vector<1x128xf32>
    tpu.vector_store %arg4[%swap3A_54, %swap3A_55], %max3A_53 {strides = array<i32>} : memref<16x128xf32, #tpu.memory_space<vmem>>, vector<1x128xf32>,
    %eq3A_57 = arith.constant 2 : i32
    %eq3A_58 = vector.broadcast %eq3A_57 : i32 to vector<1024x128xi32>
    %eq3A_59 = arith.cmpi eq, %get3A_6, %eq3A_58 : vector<1024x128xi32>
    %jit3A_60 = arith.constant 0x7F800000 : f32
    %broadcast_in_dim3A_61 = vector.broadcast %jit3A_60 : f32 to vector<1024x128xf32>
    %select_n3A_62 = arith.select %eq3A_59, %get3A_3, %broadcast_in_dim3A_61 : vector<1024x128xi1>, vector<1024x128xf32>
    %reduce_min3A_63 = arith.constant dense<0x7F800000> : vector<128xf32>
    %reduce_min3A_64 = vector.multi_reduction <minimumf>, %select_n3A_62, %reduce_min3A_63 [0] : vector<1024x128xf32> to vector<128xf32>
    %broadcast_in_dim3A_65 = vector.shape_cast %reduce_min3A_64 : vector<128xf32> to vector<1x128xf32>
    %jit3A_66 = arith.constant 0xFF800000 : f32
    %broadcast_in_dim3A_67 = vector.broadcast %jit3A_66 : f32 to vector<1024x128xf32>
    %select_n3A_68 = arith.select %eq3A_59, %get3A_3, %broadcast_in_dim3A_67 : vector<1024x128xi1>, vector<1024x128xf32>
    %reduce_max3A_69 = arith.constant dense<0xFF800000> : vector<128xf32>
    %reduce_max3A_70 = vector.multi_reduction <maximumf>, %select_n3A_68, %reduce_max3A_69 [0] : vector<1024x128xf32> to vector<128xf32>
    %broadcast_in_dim3A_71 = vector.shape_cast %reduce_max3A_70 : vector<128xf32> to vector<1x128xf32>
    %get3A_72 = arith.constant 2 : index
    %get3A_73 = arith.constant 0 : index
    %get3A_74 = vector.load %arg3[%get3A_72, %get3A_73] : memref<16x128xf32, #tpu.memory_space<vmem>>, vector<1x128xf32>
    %min3A_75 = arith.minimumf %get3A_74, %broadcast_in_dim3A_65 : vector<1x128xf32>
    %swap3A_76 = arith.constant 2 : index
    %swap3A_77 = arith.constant 0 : index
    %swap3A_78 = vector.load %arg3[%swap3A_76, %swap3A_77] : memref<16x128xf32, #tpu.memory_space<vmem>>, vector<1x128xf32>
    tpu.vector_store %arg3[%swap3A_76, %swap3A_77], %min3A_75 {strides = array<i32>} : memref<16x128xf32, #tpu.memory_space<vmem>>, vector<1x128xf32>,
    %get3A_79 = arith.constant 2 : index
    %get3A_80 = arith.constant 0 : index
    %get3A_81 = vector.load %arg4[%get3A_79, %get3A_80] : memref<16x128xf32, #tpu.memory_space<vmem>>, vector<1x128xf32>
    %max3A_82 = arith.maximumf %get3A_81, %broadcast_in_dim3A_71 : vector<1x128xf32>
    %swap3A_83 = arith.constant 2 : index
    %swap3A_84 = arith.constant 0 : index
    %swap3A_85 = vector.load %arg4[%swap3A_83, %swap3A_84] : memref<16x128xf32, #tpu.memory_space<vmem>>, vector<1x128xf32>
    tpu.vector_store %arg4[%swap3A_83, %swap3A_84], %max3A_82 {strides = array<i32>} : memref<16x128xf32, #tpu.memory_space<vmem>>, vector<1x128xf32>,
    %eq3A_86 = arith.constant 3 : i32
    %eq3A_87 = vector.broadcast %eq3A_86 : i32 to vector<1024x128xi32>
    %eq3A_88 = arith.cmpi eq, %get3A_6, %eq3A_87 : vector<1024x128xi32>
    %jit3A_89 = arith.constant 0x7F800000 : f32
    %broadcast_in_dim3A_90 = vector.broadcast %jit3A_89 : f32 to vector<1024x128xf32>
    %select_n3A_91 = arith.select %eq3A_88, %get3A_3, %broadcast_in_dim3A_90 : vector<1024x128xi1>, vector<1024x128xf32>
    %reduce_min3A_92 = arith.constant dense<0x7F800000> : vector<128xf32>
    %reduce_min3A_93 = vector.multi_reduction <minimumf>, %select_n3A_91, %reduce_min3A_92 [0] : vector<1024x128xf32> to vector<128xf32>
    %broadcast_in_dim3A_94 = vector.shape_cast %reduce_min3A_93 : vector<128xf32> to vector<1x128xf32>
    %jit3A_95 = arith.constant 0xFF800000 : f32
    %broadcast_in_dim3A_96 = vector.broadcast %jit3A_95 : f32 to vector<1024x128xf32>
    %select_n3A_97 = arith.select %eq3A_88, %get3A_3, %broadcast_in_dim3A_96 : vector<1024x128xi1>, vector<1024x128xf32>
    %reduce_max3A_98 = arith.constant dense<0xFF800000> : vector<128xf32>
    %reduce_max3A_99 = vector.multi_reduction <maximumf>, %select_n3A_97, %reduce_max3A_98 [0] : vector<1024x128xf32> to vector<128xf32>
    %broadcast_in_dim3A_100 = vector.shape_cast %reduce_max3A_99 : vector<128xf32> to vector<1x128xf32>
    %get3A_101 = arith.constant 3 : index
    %get3A_102 = arith.constant 0 : index
    %get3A_103 = vector.load %arg3[%get3A_101, %get3A_102] : memref<16x128xf32, #tpu.memory_space<vmem>>, vector<1x128xf32>
    %min3A_104 = arith.minimumf %get3A_103, %broadcast_in_dim3A_94 : vector<1x128xf32>
    %swap3A_105 = arith.constant 3 : index
    %swap3A_106 = arith.constant 0 : index
    %swap3A_107 = vector.load %arg3[%swap3A_105, %swap3A_106] : memref<16x128xf32, #tpu.memory_space<vmem>>, vector<1x128xf32>
    tpu.vector_store %arg3[%swap3A_105, %swap3A_106], %min3A_104 {strides = array<i32>} : memref<16x128xf32, #tpu.memory_space<vmem>>, vector<1x128xf32>,
    %get3A_108 = arith.constant 3 : index
    %get3A_109 = arith.constant 0 : index
    %get3A_110 = vector.load %arg4[%get3A_108, %get3A_109] : memref<16x128xf32, #tpu.memory_space<vmem>>, vector<1x128xf32>
    %max3A_111 = arith.maximumf %get3A_110, %broadcast_in_dim3A_100 : vector<1x128xf32>
    %swap3A_112 = arith.constant 3 : index
    %swap3A_113 = arith.constant 0 : index
    %swap3A_114 = vector.load %arg4[%swap3A_112, %swap3A_113] : memref<16x128xf32, #tpu.memory_space<vmem>>, vector<1x128xf32>
    tpu.vector_store %arg4[%swap3A_112, %swap3A_113], %max3A_111 {strides = array<i32>} : memref<16x128xf32, #tpu.memory_space<vmem>>, vector<1x128xf32>,
    %eq3A_115 = arith.constant 4 : i32
    %eq3A_116 = vector.broadcast %eq3A_115 : i32 to vector<1024x128xi32>
    %eq3A_117 = arith.cmpi eq, %get3A_6, %eq3A_116 : vector<1024x128xi32>
    %jit3A_118 = arith.constant 0x7F800000 : f32
    %broadcast_in_dim3A_119 = vector.broadcast %jit3A_118 : f32 to vector<1024x128xf32>
    %select_n3A_120 = arith.select %eq3A_117, %get3A_3, %broadcast_in_dim3A_119 : vector<1024x128xi1>, vector<1024x128xf32>
    %reduce_min3A_121 = arith.constant dense<0x7F800000> : vector<128xf32>
    %reduce_min3A_122 = vector.multi_reduction <minimumf>, %select_n3A_120, %reduce_min3A_121 [0] : vector<1024x128xf32> to vector<128xf32>
    %broadcast_in_dim3A_123 = vector.shape_cast %reduce_min3A_122 : vector<128xf32> to vector<1x128xf32>
    %jit3A_124 = arith.constant 0xFF800000 : f32
    %broadcast_in_dim3A_125 = vector.broadcast %jit3A_124 : f32 to vector<1024x128xf32>
    %select_n3A_126 = arith.select %eq3A_117, %get3A_3, %broadcast_in_dim3A_125 : vector<1024x128xi1>, vector<1024x128xf32>
    %reduce_max3A_127 = arith.constant dense<0xFF800000> : vector<128xf32>
    %reduce_max3A_128 = vector.multi_reduction <maximumf>, %select_n3A_126, %reduce_max3A_127 [0] : vector<1024x128xf32> to vector<128xf32>
    %broadcast_in_dim3A_129 = vector.shape_cast %reduce_max3A_128 : vector<128xf32> to vector<1x128xf32>
    %get3A_130 = arith.constant 4 : index
    %get3A_131 = arith.constant 0 : index
    %get3A_132 = vector.load %arg3[%get3A_130, %get3A_131] : memref<16x128xf32, #tpu.memory_space<vmem>>, vector<1x128xf32>
    %min3A_133 = arith.minimumf %get3A_132, %broadcast_in_dim3A_123 : vector<1x128xf32>
    %swap3A_134 = arith.constant 4 : index
    %swap3A_135 = arith.constant 0 : index
    %swap3A_136 = vector.load %arg3[%swap3A_134, %swap3A_135] : memref<16x128xf32, #tpu.memory_space<vmem>>, vector<1x128xf32>
    tpu.vector_store %arg3[%swap3A_134, %swap3A_135], %min3A_133 {strides = array<i32>} : memref<16x128xf32, #tpu.memory_space<vmem>>, vector<1x128xf32>,
    %get3A_137 = arith.constant 4 : index
    %get3A_138 = arith.constant 0 : index
    %get3A_139 = vector.load %arg4[%get3A_137, %get3A_138] : memref<16x128xf32, #tpu.memory_space<vmem>>, vector<1x128xf32>
    %max3A_140 = arith.maximumf %get3A_139, %broadcast_in_dim3A_129 : vector<1x128xf32>
    %swap3A_141 = arith.constant 4 : index
    %swap3A_142 = arith.constant 0 : index
    %swap3A_143 = vector.load %arg4[%swap3A_141, %swap3A_142] : memref<16x128xf32, #tpu.memory_space<vmem>>, vector<1x128xf32>
    tpu.vector_store %arg4[%swap3A_141, %swap3A_142], %max3A_140 {strides = array<i32>} : memref<16x128xf32, #tpu.memory_space<vmem>>, vector<1x128xf32>,
    %eq3A_144 = arith.constant 5 : i32
    %eq3A_145 = vector.broadcast %eq3A_144 : i32 to vector<1024x128xi32>
    %eq3A_146 = arith.cmpi eq, %get3A_6, %eq3A_145 : vector<1024x128xi32>
    %jit3A_147 = arith.constant 0x7F800000 : f32
    %broadcast_in_dim3A_148 = vector.broadcast %jit3A_147 : f32 to vector<1024x128xf32>
    %select_n3A_149 = arith.select %eq3A_146, %get3A_3, %broadcast_in_dim3A_148 : vector<1024x128xi1>, vector<1024x128xf32>
    %reduce_min3A_150 = arith.constant dense<0x7F800000> : vector<128xf32>
    %reduce_min3A_151 = vector.multi_reduction <minimumf>, %select_n3A_149, %reduce_min3A_150 [0] : vector<1024x128xf32> to vector<128xf32>
    %broadcast_in_dim3A_152 = vector.shape_cast %reduce_min3A_151 : vector<128xf32> to vector<1x128xf32>
    %jit3A_153 = arith.constant 0xFF800000 : f32
    %broadcast_in_dim3A_154 = vector.broadcast %jit3A_153 : f32 to vector<1024x128xf32>
    %select_n3A_155 = arith.select %eq3A_146, %get3A_3, %broadcast_in_dim3A_154 : vector<1024x128xi1>, vector<1024x128xf32>
    %reduce_max3A_156 = arith.constant dense<0xFF800000> : vector<128xf32>
    %reduce_max3A_157 = vector.multi_reduction <maximumf>, %select_n3A_155, %reduce_max3A_156 [0] : vector<1024x128xf32> to vector<128xf32>
    %broadcast_in_dim3A_158 = vector.shape_cast %reduce_max3A_157 : vector<128xf32> to vector<1x128xf32>
    %get3A_159 = arith.constant 5 : index
    %get3A_160 = arith.constant 0 : index
    %get3A_161 = vector.load %arg3[%get3A_159, %get3A_160] : memref<16x128xf32, #tpu.memory_space<vmem>>, vector<1x128xf32>
    %min3A_162 = arith.minimumf %get3A_161, %broadcast_in_dim3A_152 : vector<1x128xf32>
    %swap3A_163 = arith.constant 5 : index
    %swap3A_164 = arith.constant 0 : index
    %swap3A_165 = vector.load %arg3[%swap3A_163, %swap3A_164] : memref<16x128xf32, #tpu.memory_space<vmem>>, vector<1x128xf32>
    tpu.vector_store %arg3[%swap3A_163, %swap3A_164], %min3A_162 {strides = array<i32>} : memref<16x128xf32, #tpu.memory_space<vmem>>, vector<1x128xf32>,
    %get3A_166 = arith.constant 5 : index
    %get3A_167 = arith.constant 0 : index
    %get3A_168 = vector.load %arg4[%get3A_166, %get3A_167] : memref<16x128xf32, #tpu.memory_space<vmem>>, vector<1x128xf32>
    %max3A_169 = arith.maximumf %get3A_168, %broadcast_in_dim3A_158 : vector<1x128xf32>
    %swap3A_170 = arith.constant 5 : index
    %swap3A_171 = arith.constant 0 : index
    %swap3A_172 = vector.load %arg4[%swap3A_170, %swap3A_171] : memref<16x128xf32, #tpu.memory_space<vmem>>, vector<1x128xf32>
    tpu.vector_store %arg4[%swap3A_170, %swap3A_171], %max3A_169 {strides = array<i32>} : memref<16x128xf32, #tpu.memory_space<vmem>>, vector<1x128xf32>,
    %eq3A_173 = arith.constant 6 : i32
    %eq3A_174 = vector.broadcast %eq3A_173 : i32 to vector<1024x128xi32>
    %eq3A_175 = arith.cmpi eq, %get3A_6, %eq3A_174 : vector<1024x128xi32>
    %jit3A_176 = arith.constant 0x7F800000 : f32
    %broadcast_in_dim3A_177 = vector.broadcast %jit3A_176 : f32 to vector<1024x128xf32>
    %select_n3A_178 = arith.select %eq3A_175, %get3A_3, %broadcast_in_dim3A_177 : vector<1024x128xi1>, vector<1024x128xf32>
    %reduce_min3A_179 = arith.constant dense<0x7F800000> : vector<128xf32>
    %reduce_min3A_180 = vector.multi_reduction <minimumf>, %select_n3A_178, %reduce_min3A_179 [0] : vector<1024x128xf32> to vector<128xf32>
    %broadcast_in_dim3A_181 = vector.shape_cast %reduce_min3A_180 : vector<128xf32> to vector<1x128xf32>
    %jit3A_182 = arith.constant 0xFF800000 : f32
    %broadcast_in_dim3A_183 = vector.broadcast %jit3A_182 : f32 to vector<1024x128xf32>
    %select_n3A_184 = arith.select %eq3A_175, %get3A_3, %broadcast_in_dim3A_183 : vector<1024x128xi1>, vector<1024x128xf32>
    %reduce_max3A_185 = arith.constant dense<0xFF800000> : vector<128xf32>
    %reduce_max3A_186 = vector.multi_reduction <maximumf>, %select_n3A_184, %reduce_max3A_185 [0] : vector<1024x128xf32> to vector<128xf32>
    %broadcast_in_dim3A_187 = vector.shape_cast %reduce_max3A_186 : vector<128xf32> to vector<1x128xf32>
    %get3A_188 = arith.constant 6 : index
    %get3A_189 = arith.constant 0 : index
    %get3A_190 = vector.load %arg3[%get3A_188, %get3A_189] : memref<16x128xf32, #tpu.memory_space<vmem>>, vector<1x128xf32>
    %min3A_191 = arith.minimumf %get3A_190, %broadcast_in_dim3A_181 : vector<1x128xf32>
    %swap3A_192 = arith.constant 6 : index
    %swap3A_193 = arith.constant 0 : index
    %swap3A_194 = vector.load %arg3[%swap3A_192, %swap3A_193] : memref<16x128xf32, #tpu.memory_space<vmem>>, vector<1x128xf32>
    tpu.vector_store %arg3[%swap3A_192, %swap3A_193], %min3A_191 {strides = array<i32>} : memref<16x128xf32, #tpu.memory_space<vmem>>, vector<1x128xf32>,
    %get3A_195 = arith.constant 6 : index
    %get3A_196 = arith.constant 0 : index
    %get3A_197 = vector.load %arg4[%get3A_195, %get3A_196] : memref<16x128xf32, #tpu.memory_space<vmem>>, vector<1x128xf32>
    %max3A_198 = arith.maximumf %get3A_197, %broadcast_in_dim3A_187 : vector<1x128xf32>
    %swap3A_199 = arith.constant 6 : index
    %swap3A_200 = arith.constant 0 : index
    %swap3A_201 = vector.load %arg4[%swap3A_199, %swap3A_200] : memref<16x128xf32, #tpu.memory_space<vmem>>, vector<1x128xf32>
    tpu.vector_store %arg4[%swap3A_199, %swap3A_200], %max3A_198 {strides = array<i32>} : memref<16x128xf32, #tpu.memory_space<vmem>>, vector<1x128xf32>,
    %eq3A_202 = arith.constant 7 : i32
    %eq3A_203 = vector.broadcast %eq3A_202 : i32 to vector<1024x128xi32>
    %eq3A_204 = arith.cmpi eq, %get3A_6, %eq3A_203 : vector<1024x128xi32>
    %jit3A_205 = arith.constant 0x7F800000 : f32
    %broadcast_in_dim3A_206 = vector.broadcast %jit3A_205 : f32 to vector<1024x128xf32>
    %select_n3A_207 = arith.select %eq3A_204, %get3A_3, %broadcast_in_dim3A_206 : vector<1024x128xi1>, vector<1024x128xf32>
    %reduce_min3A_208 = arith.constant dense<0x7F800000> : vector<128xf32>
    %reduce_min3A_209 = vector.multi_reduction <minimumf>, %select_n3A_207, %reduce_min3A_208 [0] : vector<1024x128xf32> to vector<128xf32>
    %broadcast_in_dim3A_210 = vector.shape_cast %reduce_min3A_209 : vector<128xf32> to vector<1x128xf32>
    %jit3A_211 = arith.constant 0xFF800000 : f32
    %broadcast_in_dim3A_212 = vector.broadcast %jit3A_211 : f32 to vector<1024x128xf32>
    %select_n3A_213 = arith.select %eq3A_204, %get3A_3, %broadcast_in_dim3A_212 : vector<1024x128xi1>, vector<1024x128xf32>
    %reduce_max3A_214 = arith.constant dense<0xFF800000> : vector<128xf32>
    %reduce_max3A_215 = vector.multi_reduction <maximumf>, %select_n3A_213, %reduce_max3A_214 [0] : vector<1024x128xf32> to vector<128xf32>
    %broadcast_in_dim3A_216 = vector.shape_cast %reduce_max3A_215 : vector<128xf32> to vector<1x128xf32>
    %get3A_217 = arith.constant 7 : index
    %get3A_218 = arith.constant 0 : index
    %get3A_219 = vector.load %arg3[%get3A_217, %get3A_218] : memref<16x128xf32, #tpu.memory_space<vmem>>, vector<1x128xf32>
    %min3A_220 = arith.minimumf %get3A_219, %broadcast_in_dim3A_210 : vector<1x128xf32>
    %swap3A_221 = arith.constant 7 : index
    %swap3A_222 = arith.constant 0 : index
    %swap3A_223 = vector.load %arg3[%swap3A_221, %swap3A_222] : memref<16x128xf32, #tpu.memory_space<vmem>>, vector<1x128xf32>
    tpu.vector_store %arg3[%swap3A_221, %swap3A_222], %min3A_220 {strides = array<i32>} : memref<16x128xf32, #tpu.memory_space<vmem>>, vector<1x128xf32>,
    %get3A_224 = arith.constant 7 : index
    %get3A_225 = arith.constant 0 : index
    %get3A_226 = vector.load %arg4[%get3A_224, %get3A_225] : memref<16x128xf32, #tpu.memory_space<vmem>>, vector<1x128xf32>
    %max3A_227 = arith.maximumf %get3A_226, %broadcast_in_dim3A_216 : vector<1x128xf32>
    %swap3A_228 = arith.constant 7 : index
    %swap3A_229 = arith.constant 0 : index
    %swap3A_230 = vector.load %arg4[%swap3A_228, %swap3A_229] : memref<16x128xf32, #tpu.memory_space<vmem>>, vector<1x128xf32>
    tpu.vector_store %arg4[%swap3A_228, %swap3A_229], %max3A_227 {strides = array<i32>} : memref<16x128xf32, #tpu.memory_space<vmem>>, vector<1x128xf32>,
    %eq3A_231 = arith.constant 8 : i32
    %eq3A_232 = vector.broadcast %eq3A_231 : i32 to vector<1024x128xi32>
    %eq3A_233 = arith.cmpi eq, %get3A_6, %eq3A_232 : vector<1024x128xi32>
    %jit3A_234 = arith.constant 0x7F800000 : f32
    %broadcast_in_dim3A_235 = vector.broadcast %jit3A_234 : f32 to vector<1024x128xf32>
    %select_n3A_236 = arith.select %eq3A_233, %get3A_3, %broadcast_in_dim3A_235 : vector<1024x128xi1>, vector<1024x128xf32>
    %reduce_min3A_237 = arith.constant dense<0x7F800000> : vector<128xf32>
    %reduce_min3A_238 = vector.multi_reduction <minimumf>, %select_n3A_236, %reduce_min3A_237 [0] : vector<1024x128xf32> to vector<128xf32>
    %broadcast_in_dim3A_239 = vector.shape_cast %reduce_min3A_238 : vector<128xf32> to vector<1x128xf32>
    %jit3A_240 = arith.constant 0xFF800000 : f32
    %broadcast_in_dim3A_241 = vector.broadcast %jit3A_240 : f32 to vector<1024x128xf32>
    %select_n3A_242 = arith.select %eq3A_233, %get3A_3, %broadcast_in_dim3A_241 : vector<1024x128xi1>, vector<1024x128xf32>
    %reduce_max3A_243 = arith.constant dense<0xFF800000> : vector<128xf32>
    %reduce_max3A_244 = vector.multi_reduction <maximumf>, %select_n3A_242, %reduce_max3A_243 [0] : vector<1024x128xf32> to vector<128xf32>
    %broadcast_in_dim3A_245 = vector.shape_cast %reduce_max3A_244 : vector<128xf32> to vector<1x128xf32>
    %get3A_246 = arith.constant 8 : index
    %get3A_247 = arith.constant 0 : index
    %get3A_248 = vector.load %arg3[%get3A_246, %get3A_247] : memref<16x128xf32, #tpu.memory_space<vmem>>, vector<1x128xf32>
    %min3A_249 = arith.minimumf %get3A_248, %broadcast_in_dim3A_239 : vector<1x128xf32>
    %swap3A_250 = arith.constant 8 : index
    %swap3A_251 = arith.constant 0 : index
    %swap3A_252 = vector.load %arg3[%swap3A_250, %swap3A_251] : memref<16x128xf32, #tpu.memory_space<vmem>>, vector<1x128xf32>
    tpu.vector_store %arg3[%swap3A_250, %swap3A_251], %min3A_249 {strides = array<i32>} : memref<16x128xf32, #tpu.memory_space<vmem>>, vector<1x128xf32>,
    %get3A_253 = arith.constant 8 : index
    %get3A_254 = arith.constant 0 : index
    %get3A_255 = vector.load %arg4[%get3A_253, %get3A_254] : memref<16x128xf32, #tpu.memory_space<vmem>>, vector<1x128xf32>
    %max3A_256 = arith.maximumf %get3A_255, %broadcast_in_dim3A_245 : vector<1x128xf32>
    %swap3A_257 = arith.constant 8 : index
    %swap3A_258 = arith.constant 0 : index
    %swap3A_259 = vector.load %arg4[%swap3A_257, %swap3A_258] : memref<16x128xf32, #tpu.memory_space<vmem>>, vector<1x128xf32>
    tpu.vector_store %arg4[%swap3A_257, %swap3A_258], %max3A_256 {strides = array<i32>} : memref<16x128xf32, #tpu.memory_space<vmem>>, vector<1x128xf32>,
    %eq3A_260 = arith.constant 9 : i32
    %eq3A_261 = vector.broadcast %eq3A_260 : i32 to vector<1024x128xi32>
    %eq3A_262 = arith.cmpi eq, %get3A_6, %eq3A_261 : vector<1024x128xi32>
    %jit3A_263 = arith.constant 0x7F800000 : f32
    %broadcast_in_dim3A_264 = vector.broadcast %jit3A_263 : f32 to vector<1024x128xf32>
    %select_n3A_265 = arith.select %eq3A_262, %get3A_3, %broadcast_in_dim3A_264 : vector<1024x128xi1>, vector<1024x128xf32>
    %reduce_min3A_266 = arith.constant dense<0x7F800000> : vector<128xf32>
    %reduce_min3A_267 = vector.multi_reduction <minimumf>, %select_n3A_265, %reduce_min3A_266 [0] : vector<1024x128xf32> to vector<128xf32>
    %broadcast_in_dim3A_268 = vector.shape_cast %reduce_min3A_267 : vector<128xf32> to vector<1x128xf32>
    %jit3A_269 = arith.constant 0xFF800000 : f32
    %broadcast_in_dim3A_270 = vector.broadcast %jit3A_269 : f32 to vector<1024x128xf32>
    %select_n3A_271 = arith.select %eq3A_262, %get3A_3, %broadcast_in_dim3A_270 : vector<1024x128xi1>, vector<1024x128xf32>
    %reduce_max3A_272 = arith.constant dense<0xFF800000> : vector<128xf32>
    %reduce_max3A_273 = vector.multi_reduction <maximumf>, %select_n3A_271, %reduce_max3A_272 [0] : vector<1024x128xf32> to vector<128xf32>
    %broadcast_in_dim3A_274 = vector.shape_cast %reduce_max3A_273 : vector<128xf32> to vector<1x128xf32>
    %get3A_275 = arith.constant 9 : index
    %get3A_276 = arith.constant 0 : index
    %get3A_277 = vector.load %arg3[%get3A_275, %get3A_276] : memref<16x128xf32, #tpu.memory_space<vmem>>, vector<1x128xf32>
    %min3A_278 = arith.minimumf %get3A_277, %broadcast_in_dim3A_268 : vector<1x128xf32>
    %swap3A_279 = arith.constant 9 : index
    %swap3A_280 = arith.constant 0 : index
    %swap3A_281 = vector.load %arg3[%swap3A_279, %swap3A_280] : memref<16x128xf32, #tpu.memory_space<vmem>>, vector<1x128xf32>
    tpu.vector_store %arg3[%swap3A_279, %swap3A_280], %min3A_278 {strides = array<i32>} : memref<16x128xf32, #tpu.memory_space<vmem>>, vector<1x128xf32>,
    %get3A_282 = arith.constant 9 : index
    %get3A_283 = arith.constant 0 : index
    %get3A_284 = vector.load %arg4[%get3A_282, %get3A_283] : memref<16x128xf32, #tpu.memory_space<vmem>>, vector<1x128xf32>
    %max3A_285 = arith.maximumf %get3A_284, %broadcast_in_dim3A_274 : vector<1x128xf32>
    %swap3A_286 = arith.constant 9 : index
    %swap3A_287 = arith.constant 0 : index
    %swap3A_288 = vector.load %arg4[%swap3A_286, %swap3A_287] : memref<16x128xf32, #tpu.memory_space<vmem>>, vector<1x128xf32>
    tpu.vector_store %arg4[%swap3A_286, %swap3A_287], %max3A_285 {strides = array<i32>} : memref<16x128xf32, #tpu.memory_space<vmem>>, vector<1x128xf32>,
    %eq3A_289 = arith.constant 10 : i32
    %eq3A_290 = vector.broadcast %eq3A_289 : i32 to vector<1024x128xi32>
    %eq3A_291 = arith.cmpi eq, %get3A_6, %eq3A_290 : vector<1024x128xi32>
    %jit3A_292 = arith.constant 0x7F800000 : f32
    %broadcast_in_dim3A_293 = vector.broadcast %jit3A_292 : f32 to vector<1024x128xf32>
    %select_n3A_294 = arith.select %eq3A_291, %get3A_3, %broadcast_in_dim3A_293 : vector<1024x128xi1>, vector<1024x128xf32>
    %reduce_min3A_295 = arith.constant dense<0x7F800000> : vector<128xf32>
    %reduce_min3A_296 = vector.multi_reduction <minimumf>, %select_n3A_294, %reduce_min3A_295 [0] : vector<1024x128xf32> to vector<128xf32>
    %broadcast_in_dim3A_297 = vector.shape_cast %reduce_min3A_296 : vector<128xf32> to vector<1x128xf32>
    %jit3A_298 = arith.constant 0xFF800000 : f32
    %broadcast_in_dim3A_299 = vector.broadcast %jit3A_298 : f32 to vector<1024x128xf32>
    %select_n3A_300 = arith.select %eq3A_291, %get3A_3, %broadcast_in_dim3A_299 : vector<1024x128xi1>, vector<1024x128xf32>
    %reduce_max3A_301 = arith.constant dense<0xFF800000> : vector<128xf32>
    %reduce_max3A_302 = vector.multi_reduction <maximumf>, %select_n3A_300, %reduce_max3A_301 [0] : vector<1024x128xf32> to vector<128xf32>
    %broadcast_in_dim3A_303 = vector.shape_cast %reduce_max3A_302 : vector<128xf32> to vector<1x128xf32>
    %get3A_304 = arith.constant 10 : index
    %get3A_305 = arith.constant 0 : index
    %get3A_306 = vector.load %arg3[%get3A_304, %get3A_305] : memref<16x128xf32, #tpu.memory_space<vmem>>, vector<1x128xf32>
    %min3A_307 = arith.minimumf %get3A_306, %broadcast_in_dim3A_297 : vector<1x128xf32>
    %swap3A_308 = arith.constant 10 : index
    %swap3A_309 = arith.constant 0 : index
    %swap3A_310 = vector.load %arg3[%swap3A_308, %swap3A_309] : memref<16x128xf32, #tpu.memory_space<vmem>>, vector<1x128xf32>
    tpu.vector_store %arg3[%swap3A_308, %swap3A_309], %min3A_307 {strides = array<i32>} : memref<16x128xf32, #tpu.memory_space<vmem>>, vector<1x128xf32>,
    %get3A_311 = arith.constant 10 : index
    %get3A_312 = arith.constant 0 : index
    %get3A_313 = vector.load %arg4[%get3A_311, %get3A_312] : memref<16x128xf32, #tpu.memory_space<vmem>>, vector<1x128xf32>
    %max3A_314 = arith.maximumf %get3A_313, %broadcast_in_dim3A_303 : vector<1x128xf32>
    %swap3A_315 = arith.constant 10 : index
    %swap3A_316 = arith.constant 0 : index
    %swap3A_317 = vector.load %arg4[%swap3A_315, %swap3A_316] : memref<16x128xf32, #tpu.memory_space<vmem>>, vector<1x128xf32>
    tpu.vector_store %arg4[%swap3A_315, %swap3A_316], %max3A_314 {strides = array<i32>} : memref<16x128xf32, #tpu.memory_space<vmem>>, vector<1x128xf32>,
    %eq3A_318 = arith.constant 11 : i32
    %eq3A_319 = vector.broadcast %eq3A_318 : i32 to vector<1024x128xi32>
    %eq3A_320 = arith.cmpi eq, %get3A_6, %eq3A_319 : vector<1024x128xi32>
    %jit3A_321 = arith.constant 0x7F800000 : f32
    %broadcast_in_dim3A_322 = vector.broadcast %jit3A_321 : f32 to vector<1024x128xf32>
    %select_n3A_323 = arith.select %eq3A_320, %get3A_3, %broadcast_in_dim3A_322 : vector<1024x128xi1>, vector<1024x128xf32>
    %reduce_min3A_324 = arith.constant dense<0x7F800000> : vector<128xf32>
    %reduce_min3A_325 = vector.multi_reduction <minimumf>, %select_n3A_323, %reduce_min3A_324 [0] : vector<1024x128xf32> to vector<128xf32>
    %broadcast_in_dim3A_326 = vector.shape_cast %reduce_min3A_325 : vector<128xf32> to vector<1x128xf32>
    %jit3A_327 = arith.constant 0xFF800000 : f32
    %broadcast_in_dim3A_328 = vector.broadcast %jit3A_327 : f32 to vector<1024x128xf32>
    %select_n3A_329 = arith.select %eq3A_320, %get3A_3, %broadcast_in_dim3A_328 : vector<1024x128xi1>, vector<1024x128xf32>
    %reduce_max3A_330 = arith.constant dense<0xFF800000> : vector<128xf32>
    %reduce_max3A_331 = vector.multi_reduction <maximumf>, %select_n3A_329, %reduce_max3A_330 [0] : vector<1024x128xf32> to vector<128xf32>
    %broadcast_in_dim3A_332 = vector.shape_cast %reduce_max3A_331 : vector<128xf32> to vector<1x128xf32>
    %get3A_333 = arith.constant 11 : index
    %get3A_334 = arith.constant 0 : index
    %get3A_335 = vector.load %arg3[%get3A_333, %get3A_334] : memref<16x128xf32, #tpu.memory_space<vmem>>, vector<1x128xf32>
    %min3A_336 = arith.minimumf %get3A_335, %broadcast_in_dim3A_326 : vector<1x128xf32>
    %swap3A_337 = arith.constant 11 : index
    %swap3A_338 = arith.constant 0 : index
    %swap3A_339 = vector.load %arg3[%swap3A_337, %swap3A_338] : memref<16x128xf32, #tpu.memory_space<vmem>>, vector<1x128xf32>
    tpu.vector_store %arg3[%swap3A_337, %swap3A_338], %min3A_336 {strides = array<i32>} : memref<16x128xf32, #tpu.memory_space<vmem>>, vector<1x128xf32>,
    %get3A_340 = arith.constant 11 : index
    %get3A_341 = arith.constant 0 : index
    %get3A_342 = vector.load %arg4[%get3A_340, %get3A_341] : memref<16x128xf32, #tpu.memory_space<vmem>>, vector<1x128xf32>
    %max3A_343 = arith.maximumf %get3A_342, %broadcast_in_dim3A_332 : vector<1x128xf32>
    %swap3A_344 = arith.constant 11 : index
    %swap3A_345 = arith.constant 0 : index
    %swap3A_346 = vector.load %arg4[%swap3A_344, %swap3A_345] : memref<16x128xf32, #tpu.memory_space<vmem>>, vector<1x128xf32>
    tpu.vector_store %arg4[%swap3A_344, %swap3A_345], %max3A_343 {strides = array<i32>} : memref<16x128xf32, #tpu.memory_space<vmem>>, vector<1x128xf32>,
    %eq3A_347 = arith.constant 12 : i32
    %eq3A_348 = vector.broadcast %eq3A_347 : i32 to vector<1024x128xi32>
    %eq3A_349 = arith.cmpi eq, %get3A_6, %eq3A_348 : vector<1024x128xi32>
    %jit3A_350 = arith.constant 0x7F800000 : f32
    %broadcast_in_dim3A_351 = vector.broadcast %jit3A_350 : f32 to vector<1024x128xf32>
    %select_n3A_352 = arith.select %eq3A_349, %get3A_3, %broadcast_in_dim3A_351 : vector<1024x128xi1>, vector<1024x128xf32>
    %reduce_min3A_353 = arith.constant dense<0x7F800000> : vector<128xf32>
    %reduce_min3A_354 = vector.multi_reduction <minimumf>, %select_n3A_352, %reduce_min3A_353 [0] : vector<1024x128xf32> to vector<128xf32>
    %broadcast_in_dim3A_355 = vector.shape_cast %reduce_min3A_354 : vector<128xf32> to vector<1x128xf32>
    %jit3A_356 = arith.constant 0xFF800000 : f32
    %broadcast_in_dim3A_357 = vector.broadcast %jit3A_356 : f32 to vector<1024x128xf32>
    %select_n3A_358 = arith.select %eq3A_349, %get3A_3, %broadcast_in_dim3A_357 : vector<1024x128xi1>, vector<1024x128xf32>
    %reduce_max3A_359 = arith.constant dense<0xFF800000> : vector<128xf32>
    %reduce_max3A_360 = vector.multi_reduction <maximumf>, %select_n3A_358, %reduce_max3A_359 [0] : vector<1024x128xf32> to vector<128xf32>
    %broadcast_in_dim3A_361 = vector.shape_cast %reduce_max3A_360 : vector<128xf32> to vector<1x128xf32>
    %get3A_362 = arith.constant 12 : index
    %get3A_363 = arith.constant 0 : index
    %get3A_364 = vector.load %arg3[%get3A_362, %get3A_363] : memref<16x128xf32, #tpu.memory_space<vmem>>, vector<1x128xf32>
    %min3A_365 = arith.minimumf %get3A_364, %broadcast_in_dim3A_355 : vector<1x128xf32>
    %swap3A_366 = arith.constant 12 : index
    %swap3A_367 = arith.constant 0 : index
    %swap3A_368 = vector.load %arg3[%swap3A_366, %swap3A_367] : memref<16x128xf32, #tpu.memory_space<vmem>>, vector<1x128xf32>
    tpu.vector_store %arg3[%swap3A_366, %swap3A_367], %min3A_365 {strides = array<i32>} : memref<16x128xf32, #tpu.memory_space<vmem>>, vector<1x128xf32>,
    %get3A_369 = arith.constant 12 : index
    %get3A_370 = arith.constant 0 : index
    %get3A_371 = vector.load %arg4[%get3A_369, %get3A_370] : memref<16x128xf32, #tpu.memory_space<vmem>>, vector<1x128xf32>
    %max3A_372 = arith.maximumf %get3A_371, %broadcast_in_dim3A_361 : vector<1x128xf32>
    %swap3A_373 = arith.constant 12 : index
    %swap3A_374 = arith.constant 0 : index
    %swap3A_375 = vector.load %arg4[%swap3A_373, %swap3A_374] : memref<16x128xf32, #tpu.memory_space<vmem>>, vector<1x128xf32>
    tpu.vector_store %arg4[%swap3A_373, %swap3A_374], %max3A_372 {strides = array<i32>} : memref<16x128xf32, #tpu.memory_space<vmem>>, vector<1x128xf32>,
    %eq3A_376 = arith.constant 13 : i32
    %eq3A_377 = vector.broadcast %eq3A_376 : i32 to vector<1024x128xi32>
    %eq3A_378 = arith.cmpi eq, %get3A_6, %eq3A_377 : vector<1024x128xi32>
    %jit3A_379 = arith.constant 0x7F800000 : f32
    %broadcast_in_dim3A_380 = vector.broadcast %jit3A_379 : f32 to vector<1024x128xf32>
    %select_n3A_381 = arith.select %eq3A_378, %get3A_3, %broadcast_in_dim3A_380 : vector<1024x128xi1>, vector<1024x128xf32>
    %reduce_min3A_382 = arith.constant dense<0x7F800000> : vector<128xf32>
    %reduce_min3A_383 = vector.multi_reduction <minimumf>, %select_n3A_381, %reduce_min3A_382 [0] : vector<1024x128xf32> to vector<128xf32>
    %broadcast_in_dim3A_384 = vector.shape_cast %reduce_min3A_383 : vector<128xf32> to vector<1x128xf32>
    %jit3A_385 = arith.constant 0xFF800000 : f32
    %broadcast_in_dim3A_386 = vector.broadcast %jit3A_385 : f32 to vector<1024x128xf32>
    %select_n3A_387 = arith.select %eq3A_378, %get3A_3, %broadcast_in_dim3A_386 : vector<1024x128xi1>, vector<1024x128xf32>
    %reduce_max3A_388 = arith.constant dense<0xFF800000> : vector<128xf32>
    %reduce_max3A_389 = vector.multi_reduction <maximumf>, %select_n3A_387, %reduce_max3A_388 [0] : vector<1024x128xf32> to vector<128xf32>
    %broadcast_in_dim3A_390 = vector.shape_cast %reduce_max3A_389 : vector<128xf32> to vector<1x128xf32>
    %get3A_391 = arith.constant 13 : index
    %get3A_392 = arith.constant 0 : index
    %get3A_393 = vector.load %arg3[%get3A_391, %get3A_392] : memref<16x128xf32, #tpu.memory_space<vmem>>, vector<1x128xf32>
    %min3A_394 = arith.minimumf %get3A_393, %broadcast_in_dim3A_384 : vector<1x128xf32>
    %swap3A_395 = arith.constant 13 : index
    %swap3A_396 = arith.constant 0 : index
    %swap3A_397 = vector.load %arg3[%swap3A_395, %swap3A_396] : memref<16x128xf32, #tpu.memory_space<vmem>>, vector<1x128xf32>
    tpu.vector_store %arg3[%swap3A_395, %swap3A_396], %min3A_394 {strides = array<i32>} : memref<16x128xf32, #tpu.memory_space<vmem>>, vector<1x128xf32>,
    %get3A_398 = arith.constant 13 : index
    %get3A_399 = arith.constant 0 : index
    %get3A_400 = vector.load %arg4[%get3A_398, %get3A_399] : memref<16x128xf32, #tpu.memory_space<vmem>>, vector<1x128xf32>
    %max3A_401 = arith.maximumf %get3A_400, %broadcast_in_dim3A_390 : vector<1x128xf32>
    %swap3A_402 = arith.constant 13 : index
    %swap3A_403 = arith.constant 0 : index
    %swap3A_404 = vector.load %arg4[%swap3A_402, %swap3A_403] : memref<16x128xf32, #tpu.memory_space<vmem>>, vector<1x128xf32>
    tpu.vector_store %arg4[%swap3A_402, %swap3A_403], %max3A_401 {strides = array<i32>} : memref<16x128xf32, #tpu.memory_space<vmem>>, vector<1x128xf32>,
    %eq3A_405 = arith.constant 14 : i32
    %eq3A_406 = vector.broadcast %eq3A_405 : i32 to vector<1024x128xi32>
    %eq3A_407 = arith.cmpi eq, %get3A_6, %eq3A_406 : vector<1024x128xi32>
    %jit3A_408 = arith.constant 0x7F800000 : f32
    %broadcast_in_dim3A_409 = vector.broadcast %jit3A_408 : f32 to vector<1024x128xf32>
    %select_n3A_410 = arith.select %eq3A_407, %get3A_3, %broadcast_in_dim3A_409 : vector<1024x128xi1>, vector<1024x128xf32>
    %reduce_min3A_411 = arith.constant dense<0x7F800000> : vector<128xf32>
    %reduce_min3A_412 = vector.multi_reduction <minimumf>, %select_n3A_410, %reduce_min3A_411 [0] : vector<1024x128xf32> to vector<128xf32>
    %broadcast_in_dim3A_413 = vector.shape_cast %reduce_min3A_412 : vector<128xf32> to vector<1x128xf32>
    %jit3A_414 = arith.constant 0xFF800000 : f32
    %broadcast_in_dim3A_415 = vector.broadcast %jit3A_414 : f32 to vector<1024x128xf32>
    %select_n3A_416 = arith.select %eq3A_407, %get3A_3, %broadcast_in_dim3A_415 : vector<1024x128xi1>, vector<1024x128xf32>
    %reduce_max3A_417 = arith.constant dense<0xFF800000> : vector<128xf32>
    %reduce_max3A_418 = vector.multi_reduction <maximumf>, %select_n3A_416, %reduce_max3A_417 [0] : vector<1024x128xf32> to vector<128xf32>
    %broadcast_in_dim3A_419 = vector.shape_cast %reduce_max3A_418 : vector<128xf32> to vector<1x128xf32>
    %get3A_420 = arith.constant 14 : index
    %get3A_421 = arith.constant 0 : index
    %get3A_422 = vector.load %arg3[%get3A_420, %get3A_421] : memref<16x128xf32, #tpu.memory_space<vmem>>, vector<1x128xf32>
    %min3A_423 = arith.minimumf %get3A_422, %broadcast_in_dim3A_413 : vector<1x128xf32>
    %swap3A_424 = arith.constant 14 : index
    %swap3A_425 = arith.constant 0 : index
    %swap3A_426 = vector.load %arg3[%swap3A_424, %swap3A_425] : memref<16x128xf32, #tpu.memory_space<vmem>>, vector<1x128xf32>
    tpu.vector_store %arg3[%swap3A_424, %swap3A_425], %min3A_423 {strides = array<i32>} : memref<16x128xf32, #tpu.memory_space<vmem>>, vector<1x128xf32>,
    %get3A_427 = arith.constant 14 : index
    %get3A_428 = arith.constant 0 : index
    %get3A_429 = vector.load %arg4[%get3A_427, %get3A_428] : memref<16x128xf32, #tpu.memory_space<vmem>>, vector<1x128xf32>
    %max3A_430 = arith.maximumf %get3A_429, %broadcast_in_dim3A_419 : vector<1x128xf32>
    %swap3A_431 = arith.constant 14 : index
    %swap3A_432 = arith.constant 0 : index
    %swap3A_433 = vector.load %arg4[%swap3A_431, %swap3A_432] : memref<16x128xf32, #tpu.memory_space<vmem>>, vector<1x128xf32>
    tpu.vector_store %arg4[%swap3A_431, %swap3A_432], %max3A_430 {strides = array<i32>} : memref<16x128xf32, #tpu.memory_space<vmem>>, vector<1x128xf32>,
    %eq3A_434 = arith.constant 15 : i32
    %eq3A_435 = vector.broadcast %eq3A_434 : i32 to vector<1024x128xi32>
    %eq3A_436 = arith.cmpi eq, %get3A_6, %eq3A_435 : vector<1024x128xi32>
    %jit3A_437 = arith.constant 0x7F800000 : f32
    %broadcast_in_dim3A_438 = vector.broadcast %jit3A_437 : f32 to vector<1024x128xf32>
    %select_n3A_439 = arith.select %eq3A_436, %get3A_3, %broadcast_in_dim3A_438 : vector<1024x128xi1>, vector<1024x128xf32>
    %reduce_min3A_440 = arith.constant dense<0x7F800000> : vector<128xf32>
    %reduce_min3A_441 = vector.multi_reduction <minimumf>, %select_n3A_439, %reduce_min3A_440 [0] : vector<1024x128xf32> to vector<128xf32>
    %broadcast_in_dim3A_442 = vector.shape_cast %reduce_min3A_441 : vector<128xf32> to vector<1x128xf32>
    %jit3A_443 = arith.constant 0xFF800000 : f32
    %broadcast_in_dim3A_444 = vector.broadcast %jit3A_443 : f32 to vector<1024x128xf32>
    %select_n3A_445 = arith.select %eq3A_436, %get3A_3, %broadcast_in_dim3A_444 : vector<1024x128xi1>, vector<1024x128xf32>
    %reduce_max3A_446 = arith.constant dense<0xFF800000> : vector<128xf32>
    %reduce_max3A_447 = vector.multi_reduction <maximumf>, %select_n3A_445, %reduce_max3A_446 [0] : vector<1024x128xf32> to vector<128xf32>
    %broadcast_in_dim3A_448 = vector.shape_cast %reduce_max3A_447 : vector<128xf32> to vector<1x128xf32>
    %get3A_449 = arith.constant 15 : index
    %get3A_450 = arith.constant 0 : index
    %get3A_451 = vector.load %arg3[%get3A_449, %get3A_450] : memref<16x128xf32, #tpu.memory_space<vmem>>, vector<1x128xf32>
    %min3A_452 = arith.minimumf %get3A_451, %broadcast_in_dim3A_442 : vector<1x128xf32>
    %swap3A_453 = arith.constant 15 : index
    %swap3A_454 = arith.constant 0 : index
    %swap3A_455 = vector.load %arg3[%swap3A_453, %swap3A_454] : memref<16x128xf32, #tpu.memory_space<vmem>>, vector<1x128xf32>
    tpu.vector_store %arg3[%swap3A_453, %swap3A_454], %min3A_452 {strides = array<i32>} : memref<16x128xf32, #tpu.memory_space<vmem>>, vector<1x128xf32>,
    %get3A_456 = arith.constant 15 : index
    %get3A_457 = arith.constant 0 : index
    %get3A_458 = vector.load %arg4[%get3A_456, %get3A_457] : memref<16x128xf32, #tpu.memory_space<vmem>>, vector<1x128xf32>
    %max3A_459 = arith.maximumf %get3A_458, %broadcast_in_dim3A_448 : vector<1x128xf32>
    %swap3A_460 = arith.constant 15 : index
    %swap3A_461 = arith.constant 0 : index
    %swap3A_462 = vector.load %arg4[%swap3A_460, %swap3A_461] : memref<16x128xf32, #tpu.memory_space<vmem>>, vector<1x128xf32>
    tpu.vector_store %arg4[%swap3A_460, %swap3A_461], %max3A_459 {strides = array<i32>} : memref<16x128xf32, #tpu.memory_space<vmem>>, vector<1x128xf32>,
    return
  }
  func.func @transform_0(%arg0: i32) -> (i32, i32) {
    %c0_i32 = arith.constant 0 : i32
    %c0_i32_0 = arith.constant 0 : i32
    return %arg0, %c0_i32 : i32, i32
  }
  func.func @transform_1(%arg0: i32) -> (i32, i32) {
    %c0_i32 = arith.constant 0 : i32
    %c0_i32_0 = arith.constant 0 : i32
    return %arg0, %c0_i32 : i32, i32
  }
  func.func @transform_2(%arg0: i32) -> (i32, i32) {
    %c0_i32 = arith.constant 0 : i32
    %c0_i32_0 = arith.constant 0 : i32
    %c0_i32_1 = arith.constant 0 : i32
    return %c0_i32, %c0_i32_0 : i32, i32
  }
  func.func @transform_3(%arg0: i32) -> (i32, i32) {
    %c0_i32 = arith.constant 0 : i32
    %c0_i32_0 = arith.constant 0 : i32
    %c0_i32_1 = arith.constant 0 : i32
    return %c0_i32, %c0_i32_0 : i32, i32
  }
}

module attributes {stable_mosaic.version = 14 : i64} {
  func.func @_table_body(%arg0: memref<32x16xf32, #tpu.memory_space<vmem>>, %arg1: memref<32x16xf32, #tpu.memory_space<vmem>>, %arg2: memref<16x128xf32, #tpu.memory_space<vmem>>, %arg3: memref<16x128xf32, #tpu.memory_space<vmem>>, %arg4: memref<1x16xi32, #tpu.memory_space<vmem>>, %arg5: memref<16x1xi32, #tpu.memory_space<vmem>>, %arg6: memref<16x256xf32, #tpu.memory_space<vmem>>, %arg7: memref<129x16xf32, #tpu.memory_space<vmem>>, %arg8: memref<1x16xf32, #tpu.memory_space<vmem>>, %arg9: memref<1x16xf32, #tpu.memory_space<vmem>>, %arg10: memref<1x16xf32, #tpu.memory_space<vmem>>) attributes {dimension_semantics = [], scalar_prefetch = 0 : i64, scratch_operands = 0 : i64, tpu.core_type = #tpu.core_type<tc>} {
    %get3A = arith.constant 0 : index
    %get3A_0 = arith.constant 0 : index
    %get3A_1 = vector.load %arg2[%get3A, %get3A_0] : memref<16x128xf32, #tpu.memory_space<vmem>>, vector<16x128xf32>
    %reduce_min3A = arith.constant dense<0x7F800000> : vector<16xf32>
    %reduce_min3A_2 = vector.multi_reduction <minimumf>, %get3A_1, %reduce_min3A [1] : vector<16x128xf32> to vector<16xf32>
    %broadcast_in_dim3A = vector.shape_cast %reduce_min3A_2 : vector<16xf32> to vector<16x1xf32>
    %broadcast_in_dim3A_3 = vector.shape_cast %broadcast_in_dim3A : vector<16x1xf32> to vector<16x1xf32>
    %broadcast_in_dim3A_4 = vector.broadcast %broadcast_in_dim3A_3 : vector<16x1xf32> to vector<16x16xf32>
    %iota3A = tpu.iota {dimensions = array<i32: 0>} : vector<16x16xi32>
    %iota3A_5 = tpu.iota {dimensions = array<i32: 1>} : vector<16x16xi32>
    %eq3A = arith.cmpi eq, %iota3A, %iota3A_5 : vector<16x16xi32>
    %jit3A = arith.constant 0x7F800000 : f32
    %broadcast_in_dim3A_6 = vector.broadcast %jit3A : f32 to vector<16x16xf32>
    %select_n3A = arith.select %eq3A, %broadcast_in_dim3A_4, %broadcast_in_dim3A_6 : vector<16x16xi1>, vector<16x16xf32>
    %reduce_min3A_7 = arith.constant dense<0x7F800000> : vector<16xf32>
    %reduce_min3A_8 = vector.multi_reduction <minimumf>, %select_n3A, %reduce_min3A_7 [0] : vector<16x16xf32> to vector<16xf32>
    %broadcast_in_dim3A_9 = vector.shape_cast %reduce_min3A_8 : vector<16xf32> to vector<1x16xf32>
    %get3A_10 = arith.constant 0 : index
    %get3A_11 = arith.constant 0 : index
    %get3A_12 = vector.load %arg3[%get3A_10, %get3A_11] : memref<16x128xf32, #tpu.memory_space<vmem>>, vector<16x128xf32>
    %reduce_max3A = arith.constant dense<0xFF800000> : vector<16xf32>
    %reduce_max3A_13 = vector.multi_reduction <maximumf>, %get3A_12, %reduce_max3A [1] : vector<16x128xf32> to vector<16xf32>
    %broadcast_in_dim3A_14 = vector.shape_cast %reduce_max3A_13 : vector<16xf32> to vector<16x1xf32>
    %neg3A = arith.constant 0.000000e+00 : f32
    %neg3A_15 = vector.broadcast %neg3A : f32 to vector<16x1xf32>
    %neg3A_16 = arith.subf %neg3A_15, %broadcast_in_dim3A_14 : vector<16x1xf32>
    %broadcast_in_dim3A_17 = vector.shape_cast %neg3A_16 : vector<16x1xf32> to vector<16x1xf32>
    %broadcast_in_dim3A_18 = vector.broadcast %broadcast_in_dim3A_17 : vector<16x1xf32> to vector<16x16xf32>
    %iota3A_19 = tpu.iota {dimensions = array<i32: 0>} : vector<16x16xi32>
    %iota3A_20 = tpu.iota {dimensions = array<i32: 1>} : vector<16x16xi32>
    %eq3A_21 = arith.cmpi eq, %iota3A_19, %iota3A_20 : vector<16x16xi32>
    %jit3A_22 = arith.constant 0x7F800000 : f32
    %broadcast_in_dim3A_23 = vector.broadcast %jit3A_22 : f32 to vector<16x16xf32>
    %select_n3A_24 = arith.select %eq3A_21, %broadcast_in_dim3A_18, %broadcast_in_dim3A_23 : vector<16x16xi1>, vector<16x16xf32>
    %reduce_min3A_25 = arith.constant dense<0x7F800000> : vector<16xf32>
    %reduce_min3A_26 = vector.multi_reduction <minimumf>, %select_n3A_24, %reduce_min3A_25 [0] : vector<16x16xf32> to vector<16xf32>
    %broadcast_in_dim3A_27 = vector.shape_cast %reduce_min3A_26 : vector<16xf32> to vector<1x16xf32>
    %neg3A_28 = arith.constant 0.000000e+00 : f32
    %neg3A_29 = vector.broadcast %neg3A_28 : f32 to vector<1x16xf32>
    %neg3A_30 = arith.subf %neg3A_29, %broadcast_in_dim3A_27 : vector<1x16xf32>
    %get3A_31 = arith.constant 0 : index
    %get3A_32 = arith.constant 0 : index
    %get3A_33 = vector.load %arg0[%get3A_31, %get3A_32] : memref<32x16xf32, #tpu.memory_space<vmem>>, vector<32x16xf32>
    %reduce_min3A_34 = arith.constant dense<0x7F800000> : vector<16xf32>
    %reduce_min3A_35 = vector.multi_reduction <minimumf>, %get3A_33, %reduce_min3A_34 [0] : vector<32x16xf32> to vector<16xf32>
    %broadcast_in_dim3A_36 = vector.shape_cast %reduce_min3A_35 : vector<16xf32> to vector<1x16xf32>
    %min3A = arith.minimumf %broadcast_in_dim3A_36, %broadcast_in_dim3A_9 : vector<1x16xf32>
    %get3A_37 = arith.constant 0 : index
    %get3A_38 = arith.constant 0 : index
    %get3A_39 = vector.load %arg1[%get3A_37, %get3A_38] : memref<32x16xf32, #tpu.memory_space<vmem>>, vector<32x16xf32>
    %reduce_max3A_40 = arith.constant dense<0xFF800000> : vector<16xf32>
    %reduce_max3A_41 = vector.multi_reduction <maximumf>, %get3A_39, %reduce_max3A_40 [0] : vector<32x16xf32> to vector<16xf32>
    %broadcast_in_dim3A_42 = vector.shape_cast %reduce_max3A_41 : vector<16xf32> to vector<1x16xf32>
    %max3A = arith.maximumf %broadcast_in_dim3A_42, %neg3A_30 : vector<1x16xf32>
    %sub3A = arith.subf %max3A, %min3A : vector<1x16xf32>
    %ge3A = arith.constant 9.99999993E-9 : f32
    %ge3A_43 = vector.broadcast %ge3A : f32 to vector<1x16xf32>
    %ge3A_44 = arith.cmpf oge, %sub3A, %ge3A_43 : vector<1x16xf32>
    %get3A_45 = arith.constant 0 : index
    %get3A_46 = arith.constant 0 : index
    %get3A_47 = vector.load %arg4[%get3A_45, %get3A_46] : memref<1x16xi32, #tpu.memory_space<vmem>>, vector<1x16xi32>
    %shift_left3A = arith.constant 1 : i32
    %shift_left3A_48 = vector.broadcast %shift_left3A : i32 to vector<1x16xi32>
    %shift_left3A_49 = arith.shli %shift_left3A_48, %get3A_47 : vector<1x16xi32>
    %sub3A_50 = arith.constant 1 : i32
    %sub3A_51 = vector.broadcast %sub3A_50 : i32 to vector<1x16xi32>
    %sub3A_52 = arith.subi %shift_left3A_49, %sub3A_51 : vector<1x16xi32>
    %convert_element_type3A = arith.sitofp %sub3A_52 : vector<1x16xi32> to vector<1x16xf32>
    %jit3A_53 = arith.constant 1.000000e+00 : f32
    %broadcast_in_dim3A_54 = vector.broadcast %jit3A_53 : f32 to vector<1x16xf32>
    %select_n3A_55 = arith.select %ge3A_44, %sub3A, %broadcast_in_dim3A_54 : vector<1x16xi1>, vector<1x16xf32>
    %div3A = arith.divf %convert_element_type3A, %select_n3A_55 : vector<1x16xf32>
    %jit3A_56 = arith.constant 0.000000e+00 : f32
    %broadcast_in_dim3A_57 = vector.broadcast %jit3A_56 : f32 to vector<1x16xf32>
    %select_n3A_58 = arith.select %ge3A_44, %div3A, %broadcast_in_dim3A_57 : vector<1x16xi1>, vector<1x16xf32>
    %swap3A = arith.constant 0 : index
    %swap3A_59 = arith.constant 0 : index
    %swap3A_60 = vector.load %arg8[%swap3A, %swap3A_59] : memref<1x16xf32, #tpu.memory_space<vmem>>, vector<1x16xf32>
    tpu.vector_store %arg8[%swap3A, %swap3A_59], %select_n3A_58 {strides = array<i32>} : memref<1x16xf32, #tpu.memory_space<vmem>>, vector<1x16xf32>,
    %jit3A_61 = arith.constant 0.000000e+00 : f32
    %broadcast_in_dim3A_62 = vector.broadcast %jit3A_61 : f32 to vector<1x16xf32>
    %select_n3A_63 = arith.select %ge3A_44, %min3A, %broadcast_in_dim3A_62 : vector<1x16xi1>, vector<1x16xf32>
    %neg3A_64 = arith.constant 0.000000e+00 : f32
    %neg3A_65 = vector.broadcast %neg3A_64 : f32 to vector<1x16xf32>
    %neg3A_66 = arith.subf %neg3A_65, %select_n3A_63 : vector<1x16xf32>
    %mul3A = arith.mulf %neg3A_66, %select_n3A_58 : vector<1x16xf32>
    %swap3A_67 = arith.constant 0 : index
    %swap3A_68 = arith.constant 0 : index
    %swap3A_69 = vector.load %arg9[%swap3A_67, %swap3A_68] : memref<1x16xf32, #tpu.memory_space<vmem>>, vector<1x16xf32>
    tpu.vector_store %arg9[%swap3A_67, %swap3A_68], %mul3A {strides = array<i32>} : memref<1x16xf32, #tpu.memory_space<vmem>>, vector<1x16xf32>,
    %jit3A_70 = arith.constant 0.000000e+00 : f32
    %broadcast_in_dim3A_71 = vector.broadcast %jit3A_70 : f32 to vector<1x16xf32>
    %select_n3A_72 = arith.select %ge3A_44, %convert_element_type3A, %broadcast_in_dim3A_71 : vector<1x16xi1>, vector<1x16xf32>
    %swap3A_73 = arith.constant 0 : index
    %swap3A_74 = arith.constant 0 : index
    %swap3A_75 = vector.load %arg10[%swap3A_73, %swap3A_74] : memref<1x16xf32, #tpu.memory_space<vmem>>, vector<1x16xf32>
    tpu.vector_store %arg10[%swap3A_73, %swap3A_74], %select_n3A_72 {strides = array<i32>} : memref<1x16xf32, #tpu.memory_space<vmem>>, vector<1x16xf32>,
    %broadcast_in_dim3A_76 = vector.shape_cast %min3A : vector<1x16xf32> to vector<1x16xf32>
    %broadcast_in_dim3A_77 = vector.broadcast %broadcast_in_dim3A_76 : vector<1x16xf32> to vector<16x16xf32>
    %iota3A_78 = tpu.iota {dimensions = array<i32: 0>} : vector<16x16xi32>
    %iota3A_79 = tpu.iota {dimensions = array<i32: 1>} : vector<16x16xi32>
    %eq3A_80 = arith.cmpi eq, %iota3A_78, %iota3A_79 : vector<16x16xi32>
    %jit3A_81 = arith.constant 0x7F800000 : f32
    %broadcast_in_dim3A_82 = vector.broadcast %jit3A_81 : f32 to vector<16x16xf32>
    %select_n3A_83 = arith.select %eq3A_80, %broadcast_in_dim3A_77, %broadcast_in_dim3A_82 : vector<16x16xi1>, vector<16x16xf32>
    %reduce_min3A_84 = arith.constant dense<0x7F800000> : vector<16xf32>
    %reduce_min3A_85 = vector.multi_reduction <minimumf>, %select_n3A_83, %reduce_min3A_84 [1] : vector<16x16xf32> to vector<16xf32>
    %broadcast_in_dim3A_86 = vector.shape_cast %reduce_min3A_85 : vector<16xf32> to vector<16x1xf32>
    %neg3A_87 = arith.constant 0.000000e+00 : f32
    %neg3A_88 = vector.broadcast %neg3A_87 : f32 to vector<1x16xf32>
    %neg3A_89 = arith.subf %neg3A_88, %max3A : vector<1x16xf32>
    %broadcast_in_dim3A_90 = vector.shape_cast %neg3A_89 : vector<1x16xf32> to vector<1x16xf32>
    %broadcast_in_dim3A_91 = vector.broadcast %broadcast_in_dim3A_90 : vector<1x16xf32> to vector<16x16xf32>
    %iota3A_92 = tpu.iota {dimensions = array<i32: 0>} : vector<16x16xi32>
    %iota3A_93 = tpu.iota {dimensions = array<i32: 1>} : vector<16x16xi32>
    %eq3A_94 = arith.cmpi eq, %iota3A_92, %iota3A_93 : vector<16x16xi32>
    %jit3A_95 = arith.constant 0x7F800000 : f32
    %broadcast_in_dim3A_96 = vector.broadcast %jit3A_95 : f32 to vector<16x16xf32>
    %select_n3A_97 = arith.select %eq3A_94, %broadcast_in_dim3A_91, %broadcast_in_dim3A_96 : vector<16x16xi1>, vector<16x16xf32>
    %reduce_min3A_98 = arith.constant dense<0x7F800000> : vector<16xf32>
    %reduce_min3A_99 = vector.multi_reduction <minimumf>, %select_n3A_97, %reduce_min3A_98 [1] : vector<16x16xf32> to vector<16xf32>
    %broadcast_in_dim3A_100 = vector.shape_cast %reduce_min3A_99 : vector<16xf32> to vector<16x1xf32>
    %neg3A_101 = arith.constant 0.000000e+00 : f32
    %neg3A_102 = vector.broadcast %neg3A_101 : f32 to vector<16x1xf32>
    %neg3A_103 = arith.subf %neg3A_102, %broadcast_in_dim3A_100 : vector<16x1xf32>
    %sub3A_104 = arith.subf %neg3A_103, %broadcast_in_dim3A_86 : vector<16x1xf32>
    %ge3A_105 = arith.constant 9.99999993E-9 : f32
    %ge3A_106 = vector.broadcast %ge3A_105 : f32 to vector<16x1xf32>
    %ge3A_107 = arith.cmpf oge, %sub3A_104, %ge3A_106 : vector<16x1xf32>
    %get3A_108 = arith.constant 0 : index
    %get3A_109 = arith.constant 0 : index
    %get3A_110 = vector.load %arg5[%get3A_108, %get3A_109] : memref<16x1xi32, #tpu.memory_space<vmem>>, vector<16x1xi32>
    %shift_left3A_111 = arith.constant 1 : i32
    %shift_left3A_112 = vector.broadcast %shift_left3A_111 : i32 to vector<16x1xi32>
    %shift_left3A_113 = arith.shli %shift_left3A_112, %get3A_110 : vector<16x1xi32>
    %get3A_114 = arith.constant 0 : index
    %get3A_115 = arith.constant 0 : index
    %get3A_116 = vector.load %arg6[%get3A_114, %get3A_115] : memref<16x256xf32, #tpu.memory_space<vmem>>, vector<16x128xf32>
    %iota3A_117 = tpu.iota {dimensions = array<i32: 1>} : vector<16x128xi32>
    %lt3A = vector.broadcast %shift_left3A_113 : vector<16x1xi32> to vector<16x128xi32>
    %lt3A_118 = arith.cmpi slt, %iota3A_117, %lt3A : vector<16x128xi32>
    %jit3A_119 = arith.constant 0xFF800000 : f32
    %broadcast_in_dim3A_120 = vector.broadcast %jit3A_119 : f32 to vector<16x128xf32>
    %select_n3A_121 = arith.select %lt3A_118, %get3A_116, %broadcast_in_dim3A_120 : vector<16x128xi1>, vector<16x128xf32>
    %reduce_max3A_122 = arith.constant dense<0xFF800000> : vector<16xf32>
    %reduce_max3A_123 = vector.multi_reduction <maximumf>, %select_n3A_121, %reduce_max3A_122 [1] : vector<16x128xf32> to vector<16xf32>
    %broadcast_in_dim3A_124 = vector.shape_cast %reduce_max3A_123 : vector<16xf32> to vector<16x1xf32>
    %sub3A_125 = vector.broadcast %broadcast_in_dim3A_124 : vector<16x1xf32> to vector<16x128xf32>
    %sub3A_126 = arith.subf %select_n3A_121, %sub3A_125 : vector<16x128xf32>
    %exp3A = math.exp %sub3A_126 : vector<16x128xf32>
    %reduce_sum3A = arith.constant dense<0.000000e+00> : vector<16xf32>
    %reduce_sum3A_127 = vector.multi_reduction <add>, %exp3A, %reduce_sum3A [1] : vector<16x128xf32> to vector<16xf32>
    %broadcast_in_dim3A_128 = vector.shape_cast %reduce_sum3A_127 : vector<16xf32> to vector<16x1xf32>
    %div3A_129 = vector.broadcast %broadcast_in_dim3A_128 : vector<16x1xf32> to vector<16x128xf32>
    %div3A_130 = arith.divf %exp3A, %div3A_129 : vector<16x128xf32>
    %sub3A_131 = arith.constant 1 : i32
    %sub3A_132 = vector.broadcast %sub3A_131 : i32 to vector<16x1xi32>
    %sub3A_133 = arith.subi %shift_left3A_113, %sub3A_132 : vector<16x1xi32>
    %eq3A_134 = vector.broadcast %sub3A_133 : vector<16x1xi32> to vector<16x128xi32>
    %eq3A_135 = arith.cmpi eq, %iota3A_117, %eq3A_134 : vector<16x128xi32>
    %jit3A_136 = arith.constant 0.000000e+00 : f32
    %broadcast_in_dim3A_137 = vector.broadcast %jit3A_136 : f32 to vector<16x128xf32>
    %select_n3A_138 = arith.select %eq3A_135, %div3A_130, %broadcast_in_dim3A_137 : vector<16x128xi1>, vector<16x128xf32>
    %reduce_sum3A_139 = arith.constant dense<0.000000e+00> : vector<16xf32>
    %reduce_sum3A_140 = vector.multi_reduction <add>, %select_n3A_138, %reduce_sum3A_139 [1] : vector<16x128xf32> to vector<16xf32>
    %broadcast_in_dim3A_141 = vector.shape_cast %reduce_sum3A_140 : vector<16xf32> to vector<16x1xf32>
    %broadcast_in_dim3A_142 = vector.shape_cast %broadcast_in_dim3A_141 : vector<16x1xf32> to vector<16x1xf32>
    %broadcast_in_dim3A_143 = vector.broadcast %broadcast_in_dim3A_142 : vector<16x1xf32> to vector<16x128xf32>
    %select_n3A_144 = arith.select %lt3A_118, %div3A_130, %broadcast_in_dim3A_143 : vector<16x128xi1>, vector<16x128xf32>
    %jit3A_145 = arith.constant 1.000000e+00 : f32
    %broadcast_in_dim3A_146 = vector.shape_cast %ge3A_107 : vector<16x1xi1> to vector<16x1xi1>
    %broadcast_in_dim3A_147 = vector.broadcast %broadcast_in_dim3A_146 : vector<16x1xi1> to vector<16x128xi1>
    %broadcast_in_dim3A_148 = vector.broadcast %jit3A_145 : f32 to vector<16x128xf32>
    %select_n3A_149 = arith.select %broadcast_in_dim3A_147, %select_n3A_144, %broadcast_in_dim3A_148 : vector<16x128xi1>, vector<16x128xf32>
    %add3A = arith.constant 1.000000e-10 : f32
    %add3A_150 = vector.broadcast %add3A : f32 to vector<16x128xf32>
    %add3A_151 = arith.addf %select_n3A_149, %add3A_150 : vector<16x128xf32>
    %iota3A_152 = tpu.iota {dimensions = array<i32: 0>} : vector<16x16xi32>
    %iota3A_153 = tpu.iota {dimensions = array<i32: 1>} : vector<16x16xi32>
    %eq3A_154 = arith.cmpi eq, %iota3A_152, %iota3A_153 : vector<16x16xi32>
    %convert_element_type3A_155 = arith.extui %eq3A_154 : vector<16x16xi1> to vector<16x16xi32>
    %convert_element_type3A_156 = arith.sitofp %convert_element_type3A_155 : vector<16x16xi32> to vector<16x16xf32>
    %dot_general3A = arith.constant dense<0.000000e+00> : vector<128x16xf32>
    %dot_general3A_157 = tpu.matmul %add3A_151, %convert_element_type3A_156, %dot_general3A {dimension_numbers = #tpu.dot_dimension_numbers<[0], [0], [1], [1], [0, 1, 1, 1], [], []>, transpose_lhs_hint = false} : vector<16x128xf32>, vector<16x16xf32>, vector<128x16xf32> -> vector<128x16xf32>
    %swap3A_158 = arith.constant 0 : index
    %swap3A_159 = arith.constant 0 : index
    %swap3A_160 = vector.load %arg7[%swap3A_158, %swap3A_159] : memref<129x16xf32, #tpu.memory_space<vmem>>, vector<128x16xf32>
    tpu.vector_store %arg7[%swap3A_158, %swap3A_159], %dot_general3A_157 {strides = array<i32>} : memref<129x16xf32, #tpu.memory_space<vmem>>, vector<128x16xf32>,
    %jit3A_161 = arith.constant 1.000000e+00 : f32
    %broadcast_in_dim3A_162 = vector.broadcast %jit3A_161 : f32 to vector<16x1xf32>
    %select_n3A_163 = arith.select %ge3A_107, %broadcast_in_dim3A_141, %broadcast_in_dim3A_162 : vector<16x1xi1>, vector<16x1xf32>
    %add3A_164 = arith.constant 1.000000e-10 : f32
    %add3A_165 = vector.broadcast %add3A_164 : f32 to vector<16x1xf32>
    %add3A_166 = arith.addf %select_n3A_163, %add3A_165 : vector<16x1xf32>
    %dot_general3A_167 = arith.constant dense<0.000000e+00> : vector<1x16xf32>
    %dot_general3A_168 = tpu.matmul %add3A_166, %convert_element_type3A_156, %dot_general3A_167 {dimension_numbers = #tpu.dot_dimension_numbers<[0], [0], [1], [1], [0, 1, 1, 1], [], []>, transpose_lhs_hint = false} : vector<16x1xf32>, vector<16x16xf32>, vector<1x16xf32> -> vector<1x16xf32>
    %swap3A_169 = arith.constant 128 : index
    %swap3A_170 = arith.constant 0 : index
    %swap3A_171 = vector.load %arg7[%swap3A_169, %swap3A_170] : memref<129x16xf32, #tpu.memory_space<vmem>>, vector<1x16xf32>
    tpu.vector_store %arg7[%swap3A_169, %swap3A_170], %dot_general3A_168 {strides = array<i32>} : memref<129x16xf32, #tpu.memory_space<vmem>>, vector<1x16xf32>,
    return
  }
}

module attributes {stable_mosaic.version = 14 : i64} {
  func.func @_final_body(%arg0: memref<32x16xf32, #tpu.memory_space<vmem>>, %arg1: memref<1x1xf32, #tpu.memory_space<vmem>>) attributes {dimension_semantics = [], scalar_prefetch = 0 : i64, scratch_operands = 0 : i64, tpu.core_type = #tpu.core_type<tc>} {
    %get3A = arith.constant 0 : index
    %get3A_0 = arith.constant 0 : index
    %get3A_1 = vector.load %arg0[%get3A, %get3A_0] : memref<32x16xf32, #tpu.memory_space<vmem>>, vector<32x16xf32>
    %reduce_sum3A = arith.constant dense<0.000000e+00> : vector<32xf32>
    %reduce_sum3A_2 = vector.multi_reduction <add>, %get3A_1, %reduce_sum3A [1] : vector<32x16xf32> to vector<32xf32>
    %broadcast_in_dim3A = vector.shape_cast %reduce_sum3A_2 : vector<32xf32> to vector<32x1xf32>
    %reduce_sum3A_3 = arith.constant dense<0.000000e+00> : vector<1xf32>
    %reduce_sum3A_4 = vector.multi_reduction <add>, %broadcast_in_dim3A, %reduce_sum3A_3 [0] : vector<32x1xf32> to vector<1xf32>
    %broadcast_in_dim3A_5 = vector.shape_cast %reduce_sum3A_4 : vector<1xf32> to vector<1x1xf32>
    %neg3A = arith.constant 0.000000e+00 : f32
    %neg3A_6 = vector.broadcast %neg3A : f32 to vector<1x1xf32>
    %neg3A_7 = arith.subf %neg3A_6, %broadcast_in_dim3A_5 : vector<1x1xf32>
    %div3A = arith.constant 0x4A800000 : f32
    %div3A_8 = vector.broadcast %div3A : f32 to vector<1x1xf32>
    %div3A_9 = arith.divf %neg3A_7, %div3A_8 : vector<1x1xf32>
    %swap3A = arith.constant 0 : index
    %swap3A_10 = arith.constant 0 : index
    %swap3A_11 = vector.load %arg1[%swap3A, %swap3A_10] : memref<1x1xf32, #tpu.memory_space<vmem>>, vector<1x1xf32>
    tpu.vector_store %arg1[%swap3A, %swap3A_10], %div3A_9 {strides = array<i32>} : memref<1x1xf32, #tpu.memory_space<vmem>>, vector<1x1xf32>,
    return
  }
}

</mosaic_0001>

<sc_bundles>
// kernel: kernel.10.cloned.1.call-start
scs
__scs_entry_jumppad:
0x0: {  	(pc) =	sbr.rel $0x88, $3  }
0x1: {  	(tag) =	ssettag $0x0;
	lr =	simm.s32 $0x1  }
0x2: {  	[smem:$0x3F9D] =	sst lr;
	_ =	strace $0xD0000000  }
0x3: {  	_ = 	snop  }
0x4: {  	_ = 	snop  }
0x5: {  	_ = 	snop  }
0x6: {  	_ = 	snop  }
0x7: {  	_ = 	snop  }
__scs_overlays_trampoline_lowered:
0x8: {  	[smem:$0x3FAC] =	sst s0  }
0x9: {  	[smem:$0x3FAD] =	sst s1  }
0xa: {  	[smem:$0x3FAE] =	sst s2  }
0xb: {  	[smem:$0x3FAF] =	sst s3  }
0xc: {  	[smem:$0x3FB0] =	sst s4  }
0xd: {  	[smem:$0x3FB1] =	sst s5  }
0xe: {  	[smem:$0x3FB2] =	sst s6  }
0xf: {  	[smem:$0x3FB3] =	sst s7  }
0x10: {  	[smem:$0x3FB4] =	sst s8  }
0x11: {  	[smem:$0x3FB5] =	sst s9;
	s0 =	simm.s32 @!p0 $0x0  }
0x12: {  	s1 =	sld [smem:$0x3F9B];
	s0 =	simm.s32 @p0 $0x1  }
0x13: {  	[smem:$0x3FB6] =	sst s0;
	s0 =	simm.s32 @!p1 $0x0  }
0x14: {  	s2 =	sld [smem:$0x3F9A];
	s0 =	simm.s32 @p1 $0x1  }
0x15: {  	[smem:$0x3FB7] =	sst s0;
	s0 =	simm.s32 @!p2 $0x0  }
0x16: {  	s3 =	sld [smem:$0x3FDB];
	s0 =	simm.s32 @p2 $0x1  }
0x17: {  	s4 =	simm.s32 $0x1BF5;
	[smem:$0x3FB9] =	sst s0  }
0x18: {  	s0 =	sld [smem:$0x3F9C];
	_ =	swait.ge [sflag:s4], $0x0  }
0x19: {  	s7 =	sld [smem:$0x3F9D]  }
0x1a: {  	s8 =	sadd.s32 $0xFFFFE003, lr  }
0x1b: {  	s9 =	sadd.s32 $0xFFFFFEF7, lr;
	s5 =	simm.s32 $0xFFFFFFFF;
	p2 =	slt.u32 s8, $0xFFFFF086  }
0x1c: {  	p1 =	slt.u32 s9, $0xF7A;
	s5 =	simm.s32 @!p2 $0x0  }
0x1d: {  	s5 =	simm.s32 @p1 $0x1;
	p0 =	seq.s32 s7, s2  }
0x1e: {  	s7 =	smul.u32 @!p0 $0xF7A, s2;
	p2 =	seq.s32 @!p0 s5, $0x0  }
0x1f: {  	s9 =	smul.u32 $0xF7A, s1;
	s8 =	simm.s32 @!p0 $0x1BF5;
	p2 =	por !p2, p0  }
0x20: {  	[sflag:s8] =	ssyncset.s32 @!p0 $0xFFFFF086;
	s6 =	sadd.s32 @!p0 s3, s7;
	s7 =	simm.s32 @!p0 $0x108  }
0x21: {  	s3 =	sadd.s32 s3, s9;
	s6 =	sadd.s32 @!p0 $0x88, s6;
	s7 =	simm.s32 @p2 $0x1082  }
0x22: {  	[simem:s7], [sflag:s8] =	dma.local @!p0 [hbm:s6], $0xF7A  }
0x23: {  	s9 =	sor.u32 $0xD0000000, s2;
	s6 =	simm.s32 $0x108;
	_ =	swait.ge @!p0 [sflag:s8], $0x0  }
0x24: {  	s3 =	sadd.s32 $0x88, s3;
	s6 =	simm.s32 @!p1 $0x1082;
	[sflag:s4] =	ssyncset.s32 $0xFFFFF086  }
0x25: {  	[simem:s6], [sflag:s4] =	dma.local [hbm:s3], $0xF7A  }
0x26: {  	[smem:$0x3F9D] =	sst s1;
	(tag) =	ssettag s2;
	_ =	strace s9  }
0x27: {  	s1 =	sld [smem:$0x3FAD]  }
0x28: {  	s2 =	sld [smem:$0x3FAE]  }
0x29: {  	s4 =	sld [smem:$0x3FB0]  }
0x2a: {  	p0 =	seq.s32 s5, $0x0;
	s5 =	sld [smem:$0x3FB1]  }
0x2b: {  	s6 =	sld [smem:$0x3FB2]  }
0x2c: {  	s7 =	sld [smem:$0x3FB3]  }
0x2d: {  	s3 =	simm.s32 $0x108;
	s8 =	sld [smem:$0x3FB4]  }
0x2e: {  	s3 =	simm.s32 @!p0 $0x1082;
	s9 =	sld [smem:$0x3FB5]  }
0x2f: {  	lr =	sadd.s32 s0, s3;
	s0 =	sld [smem:$0x3FAC]  }
0x30: {  	s3 =	sld [smem:$0x3FAF]  }
0x31: {  	[smem:$0x3FB8] =	sst s10  }
0x32: {  	s10 =	sld [smem:$0x3FB6];
	_ =	sdelay $0x3  }
0x33: {  	p0 =	seq.s32 s10, $0x1;
	s10 =	sld [smem:$0x3FB8];
	_ =	sdelay $0x3  }
0x34: {  	[smem:$0x3FB8] =	sst s10  }
0x35: {  	s10 =	sld [smem:$0x3FB7];
	_ =	sdelay $0x3  }
0x36: {  	p1 =	seq.s32 s10, $0x1;
	s10 =	sld [smem:$0x3FB8];
	_ =	sdelay $0x3  }
0x37: {  	[smem:$0x3FB8] =	sst s10  }
0x38: {  	s10 =	sld [smem:$0x3FB9]  }
0x39: {  	_ = 	snop;
	(pc) =	sbr.ind lr, $3  }
0x3a: {  	_ = 	snop  }
0x3b: {  	_ = 	snop  }
0x3c: {  	p2 =	seq.s32 s10, $0x1;
	s10 =	sld [smem:$0x3FB8]  }
0x3d: {  	_ =	shalt  }
0x3e: {  	_ =	shalt  }
0x3f: {  	_ =	shalt  }
0x40: {  	_ =	shalt  }
0x41: {  	_ =	shalt  }
0x42: {  	_ =	shalt  }
0x43: {  	_ =	shalt  }
0x44: {  	_ =	shalt  }
0x45: {  	_ =	shalt  }
0x46: {  	_ =	shalt  }
0x47: {  	_ =	shalt  }
0x48: {  	_ =	shalt  }
0x49: {  	_ =	shalt  }
0x4a: {  	_ =	shalt  }
0x4b: {  	_ =	shalt  }
0x4c: {  	_ =	shalt  }
0x4d: {  	_ =	shalt  }
0x4e: {  	_ =	shalt  }
0x4f: {  	_ =	shalt  }
0x50: {  	_ =	shalt  }
0x51: {  	_ =	shalt  }
0x52: {  	_ =	shalt  }
0x53: {  	_ =	shalt  }
0x54: {  	_ =	shalt  }
0x55: {  	_ =	shalt  }
0x56: {  	_ =	shalt  }
0x57: {  	_ =	shalt  }
0x58: {  	_ =	shalt  }
0x59: {  	_ =	shalt  }
0x5a: {  	_ =	shalt  }
0x5b: {  	_ =	shalt  }
0x5c: {  	_ =	shalt  }
0x5d: {  	_ =	shalt  }
0x5e: {  	_ =	shalt  }
0x5f: {  	_ =	shalt  }
0x60: {  	_ =	shalt  }
0x61: {  	_ =	shalt  }
0x62: {  	_ =	shalt  }
0x63: {  	_ =	shalt  }
0x64: {  	_ =	shalt  }
0x65: {  	_ =	shalt  }
0x66: {  	_ =	shalt  }
0x67: {  	_ =	shalt  }
0x68: {  	_ =	shalt  }
0x69: {  	_ =	shalt  }
0x6a: {  	_ =	shalt  }
0x6b: {  	_ =	shalt  }
0x6c: {  	_ =	shalt  }
0x6d: {  	_ =	shalt  }
0x6e: {  	_ =	shalt  }
0x6f: {  	_ =	shalt  }
0x70: {  	_ =	shalt  }
0x71: {  	_ =	shalt  }
0x72: {  	_ =	shalt  }
0x73: {  	_ =	shalt  }
0x74: {  	_ =	shalt  }
0x75: {  	_ =	shalt  }
0x76: {  	_ =	shalt  }
0x77: {  	_ =	shalt  }
0x78: {  	_ =	shalt  }
0x79: {  	_ =	shalt  }
0x7a: {  	_ =	shalt  }
0x7b: {  	_ =	shalt  }
0x7c: {  	_ =	shalt  }
0x7d: {  	_ =	shalt  }
0x7e: {  	_ =	shalt  }
0x7f: {  	_ =	shalt  }
0x80: {  	_ =	shalt  }
0x81: {  	_ =	shalt  }
0x82: {  	_ =	shalt  }
0x83: {  	_ =	shalt  }
0x84: {  	_ =	shalt  }
0x85: {  	_ =	shalt  }
0x86: {  	_ =	shalt  }
0x87: {  	_ =	shalt  }
.Lfunc_end0:
.L_simem_size_0:
called_computation.1_lowered:
.L_overlay_start_0:
0x88: {  	s2 =	sld [smem:$0x3FD9]  }
0x89: {  	s3 =	sld [smem:$0x3FFE];
	_ =	sdelay $0x1  }
0x8a: {  	s1 =	srdreg.scid  }
0x8b: {  	s0 =	sand.u32 $0x1, s1  }
0x8c: {  	s17 =	sshll.u32 s0, $0xA;
	s2 =	sadd.s32 s3, s2  }
0x8d: {  	s2 =	sadd.s32 s2, s17  }
0x8e: {  	[smem:$0x3FC4] =	sst s2  }
0x8f: {  	_ = 	snop  }
0x90: {  	s2 =	sld [smem:$0x3FC9]  }
0x91: {  	s18 =	sld [smem:$0x3FC8]  }
0x92: {  	s4 =	sld [smem:$0x3FD0];
	(tm) =	ssettm $0x1  }
0x93: {  	s5 =	sld [smem:$0x3FFB];
	_ =	sdelay $0x3  }
0x94: {  	_ =	strace s5  }
0x95: {  	s5 =	sld [smem:$0x3FFC];
	_ =	sdelay $0x3  }
0x96: {  	_ =	strace s5  }
0x97: {  	s5 =	sld [smem:$0x3FFD];
	_ =	sdelay $0x3  }
0x98: {  	_ =	strace s5  }
0x99: {  	_ =	strace $0x8FFFFFFF  }
0x9a: {  	s19 =	sld [smem:$0x3FDB];
	_ =	sdelay $0x1  }
0x9b: {  	s6 =	simm.s32 $_scs_section_size  }
0x9c: {  	s7 =	simm.s32 $_size__tile_overlayer_lowered;
	s8 =	simm.s32 $_tile_overlayer_lowered  }
0x9d: {  	s22 =	simm.s32 $0x1BFF;
	s21 =	sshll.u32 s8, $0x1;
	s5 =	sadd.s32 s6, s19  }
0x9e: {  	s9 =	simm.s32 $0x0;
	s20 =	sshll.u32 s7, $0x1;
	s7 =	sadd.s32 s21, s5  }
0x9f: {  	[timem:s9], [sflag:s22] =	dma.local [hbm:s7], s20  }
0xa0: {  	_ =	swait.ge [sflag:s22], s20  }
0xa1: {  	s6 =	ssub.s32 $0x0, s20;
	[sflag:s22] =	ssyncset.done $0x0  }
0xa2: {  	[sflag:s22] =	ssyncadd.s32 s6;
	_ =	sdelay $0x1  }
0xa3: {  	s23 =	simm.s32 $0x1B8B  }
0xa4: {  	_ =	swait.ge [sflag:s23], $0x1  }
0xa5: {  	[sflag:s23] =	ssyncset.done $0x0  }
0xa6: {  	s25 =	simm.s32 $0x1B8E;
	s24 =	sld [smem:$0x3FFE];
	[sflag:s23] =	ssyncadd.s32 $0xFFFFFFFF  }
0xa7: {  	s26 =	simm.s32 $execute0_lowered;
	[smem:$0x3FD2] =	sst s25  }
0xa8: {  	s7 =	sshll.u32 s26, $0x1;
	_ =	strace $0x80000049;
	[dreg:$0x1] =	wrdreg $0xFFFFFFFF  }
0xa9: {  	s28 =	simm.s32 $_size_execute0_lowered;
	s5 =	sadd.s32 s5, s7;
	[dreg:$0x0] =	wrdreg $0x0  }
0xaa: {  	s7 =	sshll.u32 s28, $0x1;
	[dreg:$0x2] =	wrdreg s5  }
0xab: {  	[dreg:$0x3] =	wrdreg s7  }
0xac: {  	[dreg:$0x4] =	wrdreg $0xC0  }
0xad: {  	_ =	task [dreg:s9], $0x5FFFF  }
0xae: {  	[dreg:$0x1] =	wrdreg $0xFFFFFFFF  }
0xaf: {  	[dreg:$0x0] =	wrdreg $0x60  }
0xb0: {  	[dreg:$0x2] =	wrdreg s2  }
0xb1: {  	[dreg:$0x3] =	wrdreg s18  }
0xb2: {  	[dreg:$0x4] =	wrdreg s24  }
0xb3: {  	[dreg:$0x5] =	wrdreg s4  }
0xb4: {  	[dreg:$0x6] =	wrdreg $0x9  }
0xb5: {  	_ =	task.clear_ibuf [dreg:s9], $0x7FFFF;
	_ =	strace $0x90000049  }
0xb6: {  	s29 =	simm.s32 $0x9;
	_ =	strace $0x8000004B  }
0xb7: {  	_ =	swait.ge [sflag:s29], $0x1  }
0xb8: {  	[sflag:s29] =	ssyncadd.s32 $0xFFFFFFFF  }
0xb9: {  	_ =	strace $0x9000004B  }
0xba: {  	_ =	sfence  }
0xbb: {  	s30 =	sld [smem:$0x0];
	_ =	sdelay $0x2  }
0xbc: {  	s31 =	sshll.u32 s1, $0xD;
	s1 =	sshrl.u32 s1, $0x2  }
0xbd: {  	s3 =	sand.u32 $0x4000, s31;
	s1 =	sadd.s32 s1, s30  }
0xbe: {  	s0 =	sor.u32 s3, s0;
	s1 =	sshll.u32 s1, $0x11  }
0xbf: {  	s0 =	sor.u32 s1, s0  }
0xc0: {  	s0 =	sadd.s32 $0x8F2B, s0  }
0xc1: {  	[sflag:s0] =	ssyncadd.remote.s32 $0x1  }
0xc2: {  	_ =	sfence.sel $0xFFFF  }
0xc3: {  	[dreg:$0x0] =	wrdreg $0xFFFFFFFF;
	(pc) =	sbr.abs _section_cstart, $3  }
0xc4: {  	[dreg:$0x1] =	wrdreg $0xFFFFFFFF  }
0xc5: {  	_ =	task.clear_ibuf [dreg:s9], $0x2FFFF;
	_ =	strace $0x9FFFFFFF  }
0xc6: {  	(tm) =	ssettm $0x7FFFFFFF  }
0xc7: {  	_ =	shalt  }
tec
execute0_lowered:
.L_overlay_start_1:
0x0: {  	(tag) =	ssettag $0x1  }
0x1: {  	s1 =	rddreg [dreg:$0x0]  }
0x2: {  	s2 =	rddreg [dreg:$0x1]  }
0x3: {  	s0 =	rddreg [dreg:$0x2];
	s5 =	simm.s32 $0x0  }
0x4: {  	s4 =	srdreg.scid;
	s3 =	stileid.u32;
	s15 =	simm.s32 $0x8000  }
0x5: {  	s16 =	simm.s32 $0x5;
	s17 =	simm.s32 $0x8880;
	s18 =	simm.s32 $0x8900  }
0x6: {  	s19 =	simm.s32 $0x8980;
	s20 =	simm.s32 $0x2000;
	s21 =	simm.s32 $0x4000  }
0x7: {  	s22 =	simm.s32 $0x6000;
	s23 =	simm.s32 $0x1;
	s24 =	simm.s32 $0x2  }
0x8: {  	s25 =	simm.s32 $0x3;
	s26 =	simm.s32 $0x4;
	s28 =	simm.s32 $0x8A00  }
0x9: {  	s29 =	simm.s32 $0x0;
	[smem:$0x7FF] =	sst s5;
	s4 =	sand.u32 $0x1, s4  }
0xa: {  	s8 =	sshll.u32 s3, $0x1;
	s6 =	sadd.s32 $0x2000, s0;
	s7 =	sadd.s32 $0x1C00, s0  }
0xb: {  	_ =	strace $0x8000004A;
	s9 =	sor.u32 s4, s8;
	s4 =	ssub.s32 $0x2, s4  }
0xc: {  	s8 =	sadd.s32 $0x1E00, s0;
	s10 =	sshll.u32 s9, $0x1;
	s31 =	sshrl.u32 s4, $0x1  }
0xd: {  	s11 =	sshll.u32 s9, $0xE;
	s9 =	sshll.u32 s9, $0x11;
	s0 =	sadd.s32 s10, s0  }
0xe: {  	s4 =	ssub.s32 s4, s31;
	s10 =	sadd.s32 s1, s11;
	s11 =	sadd.s32 s2, s11  }
0xf: {  	s12 =	sor.u32 $0x4000, s9;
	s13 =	sadd.s32 $0x2200, s0;
	s14 =	smax.u32 s4, $0x1  }
.LBB2_1:
0x10: {  	[tilespmem:s15], [sflag:$0x5] =	stream.linear.gather [hbm4b:s6+s5], $0x880, $0x38;
	[tilespmem:$0x8A80] =	vst v63  }
0x11: {  	_ =	swait.ge [sflag:s16], $0x880  }
0x12: {  	[sflag:s16] =	ssyncset.done $0x0  }
0x13: {  	[sflag:s16] =	ssyncadd.s32 $0xFFFFF780  }
0x14: {  	s0 =	rddreg [dreg:$0x3]  }
0x15: {  	[tilespmem:s17], [sflag:$0x5] =	stream.linear.gather [hbm4b:s0+s5], $0x80, $0x38;
	[tilespmem:$0x8A80] =	vst v63  }
0x16: {  	_ =	swait.ge [sflag:s16], $0x80  }
0x17: {  	[sflag:s16] =	ssyncset.done $0x0  }
0x18: {  	[sflag:s16] =	ssyncadd.s32 $0xFFFFFF80  }
0x19: {  	[tilespmem:s18], [sflag:$0x5] =	stream.linear.gather [hbm4b:s7+s5], $0x80, $0x38;
	[tilespmem:$0x8A80] =	vst v63  }
0x1a: {  	_ =	swait.ge [sflag:s16], $0x80  }
0x1b: {  	[sflag:s16] =	ssyncset.done $0x0  }
0x1c: {  	[sflag:s16] =	ssyncadd.s32 $0xFFFFFF80  }
0x1d: {  	[tilespmem:s19], [sflag:$0x5] =	stream.linear.gather [hbm4b:s8+s5], $0x80, $0x38;
	[tilespmem:$0x8A80] =	vst v63  }
0x1e: {  	_ =	swait.ge [sflag:s16], $0x80  }
0x1f: {  	[sflag:s16] =	ssyncset.done $0x0  }
0x20: {  	[sflag:s16] =	ssyncadd.s32 $0xFFFFFF80  }
0x21: {  	[tilespmem:s5], [sflag:$0x1] =	stream.linear.gather [hbm4b:s10+s5], $0x2000, $0x38;
	[tilespmem:$0x8A80] =	vst v63  }
0x22: {  	s30 =	simm.s32 $0x0  }
0x23: {  	v1 =	vimm.f32 $0.0e+00;
	v0 =	vimm.f32 $0.0e+00;
	[tilespmem:s20], [sflag:$0x2] =	stream.linear.gather [hbm4b:s11+s5], $0x2000, $0x38;
	[tilespmem:$0x8A80] =	vst v63  }
.LBB2_2:
0x24: {  	s31 =	sshll.u32 s30, $0xE  }
0x25: {  	s0 =	sor.u32 s31, s9  }
0x26: {  	s0 =	sshrl.u32 s0, $0x3  }
0x27: {  	s0 =	sor.u32 $0x400, s0  }
0x28: {  	s3 =	simm.s32 $0x0;
	s4 =	sadd.s32 s1, s0  }
0x29: {  	[tilespmem:s21], [sflag:$0x3] =	stream.linear.gather [hbm4b:s4+s3], $0x2000, $0x38;
	[tilespmem:$0x8A80] =	vst v63  }
0x2a: {  	s0 =	sadd.s32 s2, s0  }
0x2b: {  	[tilespmem:s22], [sflag:$0x4] =	stream.linear.gather [hbm4b:s0+s3], $0x2000, $0x38;
	[tilespmem:$0x8A80] =	vst v63  }
0x2c: {  	_ =	swait.ge [sflag:s23], $0x2000  }
0x2d: {  	[sflag:s23] =	ssyncset.done $0x0  }
0x2e: {  	[sflag:s23] =	ssyncadd.s32 $0xFFFFE000  }
0x2f: {  	_ =	swait.ge [sflag:s24], $0x2000  }
0x30: {  	[sflag:s24] =	ssyncset.done $0x0  }
0x31: {  	s3 =	simm.s32 $0x0;
	[sflag:s24] =	ssyncadd.s32 $0xFFFFE000  }
0x32: {  	v2 =	vld [tilespmem:s3+$0x2010];
	_ =	sdelay $0x6  }
0x33: {  	v4 =	vld [tilespmem:s3+$0x10]  }
0x34: {  	v3 =	vld.idx.msk [tilespmem:v2+s17+$0x0], $0xffff  }
0x35: {  	v5 =	vld [tilespmem:s3+$0x2000]  }
0x36: {  	v6 =	vld.idx.msk [tilespmem:v2+s18+$0x0], $0xffff;
	_ =	sdelay $0x1  }
0x37: {  	v7 =	vld.idx.msk [tilespmem:v2+s19+$0x0], $0xffff  }
0x38: {  	v3 =	vmul.f32 v3, v4;
	_ =	sdelay $0x1  }
0x39: {  	v3 =	vadd.f32 v6, v3  }
0x3a: {  	v4 =	vld [tilespmem:s3+$0x0]  }
0x3b: {  	v6 =	vld.idx.msk [tilespmem:v5+s17+$0x0], $0xffff;
	v3 =	vmin.f32 v3, v7  }
0x3c: {  	v7 =	vtrunc.f32 v3  }
0x3d: {  	s4 =	simm.s32 $0x20;
	v9 =	vld.idx.msk [tilespmem:v5+s18+$0x0], $0xffff;
	v7 =	vcvt.f32.s32 v7  }
0x3e: {  	v8 =	vld [tilespmem:s4+$0x2010]  }
0x3f: {  	v10 =	vld.idx.msk [tilespmem:v5+s19+$0x0], $0xffff;
	v11 =	vshll.u32 v7, $0x4  }
0x40: {  	v4 =	vmul.f32 v6, v4;
	v2 =	vadd.s32 v2, v11  }
0x41: {  	v6 =	vadd.s32 $0x10, v2  }
0x42: {  	v4 =	vadd.f32 v9, v4  }
0x43: {  	v12 =	vld [tilespmem:s4+$0x10]  }
0x44: {  	v9 =	vld [tilespmem:s4+$0x2000];
	v4 =	vmin.f32 v4, v10  }
0x45: {  	v11 =	vtrunc.f32 v4;
	v2 =	vld.idx.msk [tilespmem:v2+s15+$0x0], $0xffff  }
0x46: {  	v11 =	vcvt.f32.s32 v11;
	v6 =	vld.idx.msk [tilespmem:v6+s15+$0x0], $0xffff  }
0x47: {  	v10 =	vld.idx.msk [tilespmem:v8+s17+$0x0], $0xffff  }
0x48: {  	v13 =	vshll.u32 v11, $0x4  }
0x49: {  	v7 =	vcvt.s32.f32 v7;
	v5 =	vadd.s32 v5, v13;
	v13 =	vld.idx.msk [tilespmem:v8+s18+$0x0], $0xffff;
	_ =	sdelay $0x1  }
0x4a: {  	v15 =	vld.idx.msk [tilespmem:v8+s19+$0x0], $0xffff;
	v3 =	vsub.f32 v3, v7;
	v6 =	vsub.f32 v6, v2  }
0x4b: {  	v7 =	vmul.f32 v10, v12;
	v14 =	vadd.s32 $0x10, v5  }
0x4c: {  	v3 =	vmul.f32 v3, v6  }
0x4d: {  	v10 =	vld [tilespmem:s4+$0x0];
	v7 =	vadd.f32 v13, v7  }
0x4e: {  	v6 =	vld.idx.msk [tilespmem:v9+s17+$0x0], $0xffff;
	v2 =	vadd.f32 v3, v2  }
0x4f: {  	v3 =	vld.idx.msk [tilespmem:v5+s15+$0x0], $0xffff;
	v5 =	vmin.f32 v7, v15  }
0x50: {  	v11 =	vcvt.s32.f32 v11;
	v12 =	vld.idx.msk [tilespmem:v14+s15+$0x0], $0xffff;
	v7 =	vtrunc.f32 v5;
	v14 =	vand.u32 $0x7FFFFF, v2  }
0x51: {  	v15 =	vld.idx.msk [tilespmem:v9+s18+$0x0], $0xffff;
	v7 =	vcvt.f32.s32 v7;
	v14 =	vor.u32 $0x3F800000, v14  }
0x52: {  	s3 =	simm.s32 $0x40;
	v4 =	vsub.f32 v4, v11;
	v11 =	vld.idx.msk [tilespmem:v9+s19+$0x0], $0xffff;
	v16 =	vmul.f32 $2.482560650e-02, v14  }
0x53: {  	v13 =	vld [tilespmem:s3+$0x2010];
	v6 =	vmul.f32 v6, v10;
	v10 =	vshll.u32 v7, $0x4  }
0x54: {  	v8 =	vadd.s32 v8, v10;
	v10 =	vsub.f32 $2.668588160e-01, v16  }
0x55: {  	v17 =	vadd.s32 $0x10, v8  }
0x56: {  	v6 =	vadd.f32 v15, v6;
	v16 =	vld [tilespmem:s3+$0x2000];
	v10 =	vmul.f32 v14, v10  }
0x57: {  	v12 =	vsub.f32 v12, v3  }
0x58: {  	v18 =	vld [tilespmem:s3+$0x10];
	v6 =	vmin.f32 v6, v11;
	v10 =	vadd.f32 $-1.234263180e+00, v10  }
0x59: {  	v4 =	vmul.f32 v4, v12;
	v11 =	vtrunc.f32 v6;
	v8 =	vld.idx.msk [tilespmem:v8+s15+$0x0], $0xffff  }
0x5a: {  	v11 =	vcvt.f32.s32 v11;
	v17 =	vld.idx.msk [tilespmem:v17+s15+$0x0], $0xffff;
	v10 =	vmul.f32 v14, v10  }
0x5b: {  	v3 =	vadd.f32 v4, v3;
	v4 =	vld.idx.msk [tilespmem:v13+s17+$0x0], $0xffff  }
0x5c: {  	v2 =	vshra.s32 v2, $0x17;
	v20 =	vld.idx.msk [tilespmem:v13+s18+$0x0], $0xffff;
	v19 =	vshll.u32 v11, $0x4;
	v10 =	vadd.f32 $3.218832730e+00, v10  }
0x5d: {  	v2 =	vadd.s32 $0xFFFFFF81, v2;
	v7 =	vcvt.s32.f32 v7;
	v12 =	vld [tilespmem:s3+$0x0];
	v9 =	vadd.s32 v9, v19  }
0x5e: {  	v2 =	vcvt.s32.f32 v2;
	v22 =	vadd.s32 $0x10, v9;
	v19 =	vld.idx.msk [tilespmem:v16+s17+$0x0], $0xffff;
	v10 =	vmul.f32 v14, v10  }
0x5f: {  	v23 =	vld.idx.msk [tilespmem:v13+s19+$0x0], $0xffff;
	v5 =	vsub.f32 v5, v7;
	v15 =	vand.u32 $0x7FFFFF, v3;
	v7 =	vsub.f32 v17, v8  }
0x60: {  	v11 =	vcvt.s32.f32 v11;
	v24 =	vld.idx.msk [tilespmem:v16+s18+$0x0], $0xffff;
	v4 =	vmul.f32 v4, v18;
	v10 =	vadd.f32 $-5.264110570e+00, v10  }
0x61: {  	v3 =	vshra.s32 v3, $0x17;
	v15 =	vor.u32 $0x3F800000, v15;
	v5 =	vmul.f32 v5, v7  }
0x62: {  	v21 =	vmul.f32 $2.482560650e-02, v15;
	v17 =	vld.idx.msk [tilespmem:v16+s19+$0x0], $0xffff;
	v4 =	vadd.f32 v20, v4;
	v7 =	vmul.f32 v14, v10  }
0x63: {  	v6 =	vsub.f32 v6, v11;
	v10 =	vmul.f32 v19, v12;
	v12 =	vld.idx.msk [tilespmem:v22+s15+$0x0], $0xffff;
	v20 =	vadd.f32 v5, v8  }
0x64: {  	s4 =	simm.s32 $0x60;
	v21 =	vsub.f32 $2.668588160e-01, v21;
	v5 =	vld.idx.msk [tilespmem:v9+s15+$0x0], $0xffff;
	v9 =	vmin.f32 v4, v23;
	v4 =	vadd.f32 $6.065830230e+00, v7  }
0x65: {  	v8 =	vadd.f32 v24, v10;
	v10 =	vtrunc.f32 v9;
	v7 =	vld [tilespmem:s4+$0x2010];
	v18 =	vand.u32 $0x7FFFFF, v20  }
0x66: {  	v11 =	vmul.f32 v15, v21;
	v10 =	vcvt.f32.s32 v10;
	v21 =	vor.u32 $0x3F800000, v18  }
0x67: {  	v3 =	vadd.s32 $0xFFFFFF81, v3;
	v4 =	vmul.f32 v14, v4;
	v14 =	vmul.f32 $2.482560650e-02, v21  }
0x68: {  	v11 =	vadd.f32 $-1.234263180e+00, v11;
	v17 =	vmin.f32 v8, v17;
	v8 =	vshll.u32 v10, $0x4  }
0x69: {  	v12 =	vsub.f32 v12, v5;
	v13 =	vadd.s32 v13, v8;
	v14 =	vsub.f32 $2.668588160e-01, v14  }
0x6a: {  	v11 =	vmul.f32 v15, v11;
	v18 =	vtrunc.f32 v17;
	v4 =	vadd.f32 $-3.028317450e+00, v4  }
0x6b: {  	v8 =	vld [tilespmem:s4+$0x2000];
	v19 =	vadd.s32 $0x10, v13;
	v6 =	vmul.f32 v6, v12;
	v12 =	vmul.f32 v21, v14  }
0x6c: {  	v11 =	vadd.f32 $3.218832730e+00, v11;
	v4 =	vadd.f32 v2, v4;
	v14 =	vcvt.f32.s32 v18  }
0x6d: {  	v2 =	vcvt.s32.f32 v3;
	v5 =	vadd.f32 v6, v5;
	v6 =	vld.idx.msk [tilespmem:v7+s17+$0x0], $0xffff;
	v3 =	vadd.f32 $-1.234263180e+00, v12  }
0x6e: {  	v4 =	vadd.f32 v4, v1;
	v1 =	vmul.f32 v15, v11;
	v11 =	vshll.u32 v14, $0x4;
	v13 =	vld.idx.msk [tilespmem:v13+s15+$0x0], $0xffff  }
0x6f: {  	v10 =	vcvt.s32.f32 v10;
	v16 =	vadd.s32 v16, v11;
	v11 =	vld [tilespmem:s4+$0x10]  }
0x70: {  	v12 =	vcvt.s32.f32 v14;
	v18 =	vld.idx.msk [tilespmem:v19+s15+$0x0], $0xffff;
	v19 =	vmul.f32 v21, v3  }
0x71: {  	v61 =	vld.idx.msk [tilespmem:v7+s18+$0x0], $0xffff;
	v14 =	vand.u32 $0x7FFFFF, v5;
	v5 =	vshra.s32 v5, $0x17;
	v1 =	vadd.f32 $-5.264110570e+00, v1  }
0x72: {  	v3 =	vor.u32 $0x3F800000, v14;
	v14 =	vld [tilespmem:s4+$0x0];
	v22 =	vadd.s32 $0x10, v16;
	v19 =	vadd.f32 $3.218832730e+00, v19  }
0x73: {  	v23 =	vmul.f32 $2.482560650e-02, v3;
	v25 =	vmul.f32 v15, v1;
	v1 =	vadd.s32 $0xFFFFFF81, v5;
	v5 =	vld.idx.msk [tilespmem:v8+s17+$0x0], $0xffff  }
0x74: {  	v9 =	vsub.f32 v9, v10;
	v19 =	vmul.f32 v21, v19  }
0x75: {  	v26 =	vld.idx.msk [tilespmem:v7+s19+$0x0], $0xffff;
	v23 =	vsub.f32 $2.668588160e-01, v23;
	v6 =	vmul.f32 v6, v11;
	v11 =	vsub.f32 v18, v13  }
0x76: {  	v20 =	vshra.s32 v20, $0x17;
	v10 =	vsub.f32 v17, v12;
	v27 =	vld.idx.msk [tilespmem:v8+s18+$0x0], $0xffff;
	v18 =	vadd.f32 $-5.264110570e+00, v19  }
0x77: {  	v25 =	vadd.f32 $6.065830230e+00, v25;
	v12 =	vmul.f32 v3, v23;
	v17 =	vmul.f32 v9, v11  }
0x78: {  	v6 =	vadd.f32 v61, v6;
	v23 =	vmul.f32 v5, v14;
	v14 =	vld.idx.msk [tilespmem:v22+s15+$0x0], $0xffff;
	v19 =	vmul.f32 v21, v18  }
0x79: {  	v63 =	vadd.s32 $0xFFFFFF81, v20;
	v15 =	vmul.f32 v15, v25;
	v62 =	vadd.f32 $-1.234263180e+00, v12;
	v12 =	vld.idx.msk [tilespmem:v16+s15+$0x0], $0xffff  }
0x7a: {  	v18 =	vld.idx.msk [tilespmem:v8+s19+$0x0], $0xffff;
	v11 =	vmin.f32 v6, v26;
	v5 =	vadd.f32 v17, v13;
	v6 =	vadd.f32 $6.065830230e+00, v19  }
0x7b: {  	s4 =	simm.s32 $0x80;
	v1 =	vcvt.s32.f32 v1;
	v9 =	vadd.f32 $-3.028317450e+00, v15;
	v22 =	vadd.f32 v27, v23  }
0x7c: {  	v13 =	vtrunc.f32 v11;
	v19 =	vld [tilespmem:s4+$0x2010];
	v17 =	vand.u32 $0x7FFFFF, v5;
	v21 =	vmul.f32 v21, v6  }
0x7d: {  	v16 =	vld [tilespmem:s4+$0x2000];
	v15 =	vmul.f32 v3, v62;
	v13 =	vcvt.f32.s32 v13;
	v6 =	vor.u32 $0x3F800000, v17  }
0x7e: {  	s0 =	simm.s32 $0x280;
	v17 =	vld [tilespmem:s4+$0x0];
	v23 =	vmul.f32 $2.482560650e-02, v6;
	v20 =	vadd.f32 $-3.028317450e+00, v21;
	v21 =	vcvt.s32.f32 v63  }
.LBB2_3:
0x7f: {  	p0 =	sne.s32 s0, $0x7F80;
	v18 =	vmin.f32 v22, v18;
	v22 =	vshll.u32 v13, $0x4;
	v14 =	vsub.f32 v14, v12  }
0x80: {  	v22 =	vadd.s32 v7, v22;
	v23 =	vsub.f32 $2.668588160e-01, v23;
	v20 =	vadd.f32 v21, v20  }
0x81: {  	v21 =	vtrunc.f32 v18;
	v24 =	vadd.s32 $0x10, v22;
	v10 =	vmul.f32 v10, v14;
	v7 =	vmovc v19  }
0x82: {  	v14 =	vcvt.f32.s32 v21;
	v21 =	vmul.f32 v6, v23;
	v4 =	vadd.f32 v20, v4  }
0x83: {  	v12 =	vadd.f32 v10, v12;
	v10 =	vadd.f32 $3.218832730e+00, v15  }
0x84: {  	v15 =	vld.idx.msk [tilespmem:v19+s17+$0x0], $0xffff;
	v19 =	vcvt.s32.f32 v14;
	v14 =	vshll.u32 v14, $0x4;
	v20 =	vadd.f32 $-1.234263180e+00, v21  }
0x85: {  	v21 =	vadd.s32 v8, v14;
	v22 =	vld.idx.msk [tilespmem:v22+s15+$0x0], $0xffff;
	v14 =	vand.u32 $0x7FFFFF, v12;
	v23 =	vmul.f32 v3, v10;
	v8 =	vmovc v16  }
0x86: {  	v10 =	vsub.f32 v18, v19;
	v19 =	vadd.s32 $0x10, v21;
	v24 =	vld.idx.msk [tilespmem:v24+s15+$0x0], $0xffff;
	v18 =	vmul.f32 v6, v20  }
0x87: {  	v12 =	vshra.s32 v12, $0x17;
	v25 =	vor.u32 $0x3F800000, v14;
	v20 =	vld [tilespmem:s4+$0x10];
	v14 =	vadd.f32 $-5.264110570e+00, v23  }
0x88: {  	v12 =	vadd.s32 $0xFFFFFF81, v12;
	v26 =	vmul.f32 $2.482560650e-02, v25;
	v23 =	vld.idx.msk [tilespmem:v7+s18+$0x0], $0xffff;
	v18 =	vadd.f32 $3.218832730e+00, v18  }
0x89: {  	v13 =	vcvt.s32.f32 v13;
	v9 =	vadd.f32 v2, v9;
	v2 =	vmovc v1;
	v16 =	vld.idx.msk [tilespmem:v16+s17+$0x0], $0xffff;
	v14 =	vmul.f32 v3, v14  }
0x8a: {  	v1 =	vcvt.s32.f32 v12;
	v26 =	vsub.f32 $2.668588160e-01, v26;
	v27 =	vld.idx.msk [tilespmem:v7+s19+$0x0], $0xffff;
	v12 =	vmul.f32 v6, v18  }
0x8b: {  	v11 =	vsub.f32 v11, v13;
	v28 =	vld.idx.msk [tilespmem:v8+s18+$0x0], $0xffff;
	v13 =	vadd.f32 $6.065830230e+00, v14  }
0x8c: {  	v18 =	vld.idx.msk [tilespmem:v8+s19+$0x0], $0xffff;
	v15 =	vmul.f32 v15, v20;
	v20 =	vsub.f32 v24, v22;
	v24 =	vadd.f32 $-5.264110570e+00, v12  }
0x8d: {  	v0 =	vadd.f32 v9, v0;
	v14 =	vld.idx.msk [tilespmem:v19+s15+$0x0], $0xffff;
	v19 =	vmul.f32 v25, v26;
	v26 =	vmul.f32 v3, v13  }
0x8e: {  	v13 =	vadd.f32 v23, v15;
	v12 =	vld.idx.msk [tilespmem:v21+s15+$0x0], $0xffff;
	v15 =	vmul.f32 v11, v20;
	v20 =	vmul.f32 v6, v24  }
0x8f: {  	v3 =	vmovc v25;
	v16 =	vmul.f32 v16, v17;
	v17 =	vadd.f32 $-1.234263180e+00, v19;
	v9 =	vadd.f32 $-3.028317450e+00, v26  }
.Ltmp0:
0x90: {  	v11 =	vmin.f32 v13, v27;
	v13 =	vadd.f32 v15, v22;
	v20 =	vadd.f32 $6.065830230e+00, v20;
	(pc) =	sbr.rel @p0 .LBB2_3-.Ltmp0, $4  }
0x91: {  	s4 =	sshra.s32 s0, $0x2;
	v22 =	vadd.f32 v28, v16;
	v21 =	vtrunc.f32 v11;
	v15 =	vmul.f32 v3, v17  }
0x92: {  	v23 =	vshra.s32 v5, $0x17;
	v19 =	vld [tilespmem:s4+$0x2010];
	v17 =	vand.u32 $0x7FFFFF, v13;
	v20 =	vmul.f32 v6, v20;
	v5 =	vmovc v13  }
0x93: {  	v13 =	vcvt.f32.s32 v21;
	v21 =	vadd.s32 $0xFFFFFF81, v23;
	v16 =	vld [tilespmem:s4+$0x2000];
	v6 =	vor.u32 $0x3F800000, v17  }
0x94: {  	s0 =	sadd.s32 $0x80, s0;
	v21 =	vcvt.s32.f32 v21;
	v17 =	vld [tilespmem:s4+$0x0];
	v23 =	vmul.f32 $2.482560650e-02, v6;
	v20 =	vadd.f32 $-3.028317450e+00, v20  }
0x95: {  	_ =	sdelay $0x4  }
0x96: {  	v25 =	vld [tilespmem:s4+$0x10]  }
0x97: {  	v24 =	vld.idx.msk [tilespmem:v19+s17+$0x0], $0xffff  }
0x98: {  	v27 =	vld.idx.msk [tilespmem:v19+s18+$0x0], $0xffff  }
0x99: {  	v26 =	vld.idx.msk [tilespmem:v16+s17+$0x0], $0xffff  }
0x9a: {  	v29 =	vld.idx.msk [tilespmem:v19+s19+$0x0], $0xffff  }
0x9b: {  	v28 =	vld.idx.msk [tilespmem:v16+s18+$0x0], $0xffff  }
0x9c: {  	v24 =	vmul.f32 v24, v25  }
0x9d: {  	v18 =	vmin.f32 v22, v18;
	v22 =	vshll.u32 v13, $0x4;
	v30 =	vld.idx.msk [tilespmem:v16+s19+$0x0], $0xffff  }
0x9e: {  	v45 =	vtrunc.f32 v18;
	v17 =	vmul.f32 v26, v17;
	v24 =	vadd.f32 v27, v24  }
0x9f: {  	v7 =	vadd.s32 v7, v22;
	v22 =	vcvt.f32.s32 v45  }
0xa0: {  	v46 =	vadd.s32 $0x10, v7;
	v17 =	vadd.f32 v28, v17;
	v24 =	vmin.f32 v24, v29  }
0xa1: {  	v14 =	vsub.f32 v14, v12;
	v23 =	vsub.f32 $2.668588160e-01, v23;
	v48 =	vtrunc.f32 v24  }
0xa2: {  	v47 =	vshll.u32 v22, $0x4;
	v17 =	vmin.f32 v17, v30;
	v49 =	vcvt.f32.s32 v48  }
0xa3: {  	v23 =	vmul.f32 v6, v23;
	v8 =	vadd.s32 v8, v47;
	v50 =	vtrunc.f32 v17  }
0xa4: {  	v51 =	vadd.s32 $0x10, v8;
	v7 =	vld.idx.msk [tilespmem:v7+s15+$0x0], $0xffff;
	v27 =	vcvt.f32.s32 v50;
	v52 =	vshll.u32 v49, $0x4  }
0xa5: {  	v10 =	vmul.f32 v10, v14;
	v14 =	vadd.f32 $-1.234263180e+00, v23;
	v25 =	vld.idx.msk [tilespmem:v46+s15+$0x0], $0xffff;
	v19 =	vadd.s32 v19, v52  }
0xa6: {  	v53 =	vshll.u32 v27, $0x4;
	v54 =	vadd.s32 $0x10, v19  }
0xa7: {  	v15 =	vadd.f32 $3.218832730e+00, v15;
	v14 =	vmul.f32 v6, v14;
	v16 =	vadd.s32 v16, v53  }
0xa8: {  	v10 =	vadd.f32 v10, v12;
	v12 =	vcvt.s32.f32 v13;
	v8 =	vld.idx.msk [tilespmem:v8+s15+$0x0], $0xffff;
	v29 =	vadd.s32 $0x10, v16  }
0xa9: {  	p0 =	seq.s32 s30, $0x7;
	v20 =	vadd.f32 v21, v20;
	v14 =	vadd.f32 $3.218832730e+00, v14;
	v28 =	vld.idx.msk [tilespmem:v51+s15+$0x0], $0xffff  }
0xaa: {  	s0 =	sadd.s32 @!p0 s31, s12;
	v11 =	vsub.f32 v11, v12;
	v12 =	vand.u32 $0x7FFFFF, v10;
	v25 =	vsub.f32 v25, v7;
	v19 =	vld.idx.msk [tilespmem:v19+s15+$0x0], $0xffff  }
0xab: {  	s0 =	sshrl.u32 @!p0 s0, $0x3;
	v15 =	vmul.f32 v3, v15;
	v12 =	vor.u32 $0x3F800000, v12;
	v14 =	vmul.f32 v6, v14;
	v13 =	vld.idx.msk [tilespmem:v54+s15+$0x0], $0xffff  }
0xac: {  	s4 =	simm.s32 @!p0 $0x0;
	s3 =	sadd.s32 @!p0 s1, s0;
	v4 =	vadd.f32 v20, v4;
	v20 =	vmul.f32 $2.482560650e-02, v12;
	v11 =	vmul.f32 v11, v25;
	v16 =	vld.idx.msk [tilespmem:v16+s15+$0x0], $0xffff  }
0xad: {  	v2 =	vadd.f32 v2, v9;
	v14 =	vadd.f32 $-5.264110570e+00, v14;
	v23 =	vld.idx.msk [tilespmem:v29+s15+$0x0], $0xffff;
	[tilespmem:s4], [sflag:$0x1] =	stream.linear.gather @!p0 [hbm4b:s3+s4], $0x2000, $0x38  }
0xae: {  	v5 =	vshra.s32 v5, $0x17;
	s0 =	sadd.s32 @!p0 s2, s0;
	v15 =	vadd.f32 $-5.264110570e+00, v15;
	v7 =	vadd.f32 v11, v7;
	s3 =	simm.s32 @!p0 $0x2000  }
0xaf: {  	v5 =	vadd.s32 $0xFFFFFF81, v5;
	v14 =	vmul.f32 v6, v14;
	v11 =	vsub.f32 $2.668588160e-01, v20;
	[tilespmem:s3], [sflag:$0x2] =	stream.linear.gather @!p0 [hbm4b:s0+s4], $0x2000, $0x38;
	[tilespmem:$0x8A80] =	vst v63  }
0xb0: {  	v21 =	vcvt.s32.f32 v22;
	v15 =	vmul.f32 v3, v15;
	v20 =	vand.u32 $0x7FFFFF, v7;
	_ =	swait.ge [sflag:s25], $0x2000  }
0xb1: {  	v14 =	vadd.f32 $6.065830230e+00, v14;
	v11 =	vmul.f32 v12, v11;
	v20 =	vor.u32 $0x3F800000, v20;
	[sflag:s25] =	ssyncset.done $0x0  }
0xb2: {  	v18 =	vsub.f32 v18, v21;
	v15 =	vadd.f32 $6.065830230e+00, v15;
	v21 =	vmul.f32 $2.482560650e-02, v20;
	[sflag:s25] =	ssyncadd.s32 $0xFFFFE000  }
0xb3: {  	v2 =	vadd.f32 v2, v0;
	v6 =	vmul.f32 v6, v14;
	v11 =	vadd.f32 $-1.234263180e+00, v11;
	_ =	swait.ge [sflag:s26], $0x2000  }
0xb4: {  	v3 =	vmul.f32 v3, v15;
	v14 =	vsub.f32 v28, v8;
	v9 =	vsub.f32 $2.668588160e-01, v21;
	[sflag:s26] =	ssyncset.done $0x0  }
0xb5: {  	s31 =	simm.s32 $0x0;
	v5 =	vcvt.s32.f32 v5;
	v0 =	vadd.f32 $-3.028317450e+00, v6;
	v11 =	vmul.f32 v12, v11;
	[sflag:s26] =	ssyncadd.s32 $0xFFFFE000  }
0xb6: {  	v3 =	vadd.f32 $-3.028317450e+00, v3;
	v6 =	vmul.f32 v18, v14;
	v9 =	vmul.f32 v20, v9;
	v15 =	vld [tilespmem:s31+$0x6010]  }
0xb7: {  	v0 =	vadd.f32 v5, v0;
	v11 =	vadd.f32 $3.218832730e+00, v11  }
0xb8: {  	v10 =	vshra.s32 v10, $0x17;
	v5 =	vadd.f32 v6, v8;
	v9 =	vadd.f32 $-1.234263180e+00, v9  }
0xb9: {  	v4 =	vadd.f32 v0, v4;
	v0 =	vcvt.s32.f32 v27;
	v6 =	vmul.f32 v12, v11  }
0xba: {  	v1 =	vadd.f32 v1, v3;
	v8 =	vmul.f32 v20, v9;
	v9 =	vcvt.s32.f32 v49  }
0xbb: {  	v11 =	vand.u32 $0x7FFFFF, v5;
	v13 =	vsub.f32 v13, v19;
	v6 =	vadd.f32 $-5.264110570e+00, v6  }
0xbc: {  	v11 =	vor.u32 $0x3F800000, v11;
	v8 =	vadd.f32 $3.218832730e+00, v8;
	v9 =	vsub.f32 v24, v9;
	v18 =	vld [tilespmem:s31+$0x4010]  }
0xbd: {  	v17 =	vsub.f32 v17, v0;
	v0 =	vmul.f32 $2.482560650e-02, v11;
	v6 =	vmul.f32 v12, v6;
	v21 =	vld [tilespmem:s31+$0x6000]  }
0xbe: {  	v5 =	vshra.s32 v5, $0x17;
	v8 =	vmul.f32 v20, v8;
	v9 =	vmul.f32 v9, v13;
	v14 =	vld.idx.msk [tilespmem:v15+s17+$0x0], $0xffff  }
0xbf: {  	v5 =	vadd.s32 $0xFFFFFF81, v5;
	v22 =	vsub.f32 $2.668588160e-01, v0;
	v6 =	vadd.f32 $6.065830230e+00, v6  }
0xc0: {  	v0 =	vcvt.s32.f32 v5;
	v5 =	vadd.f32 $-5.264110570e+00, v8;
	v8 =	vadd.f32 v9, v19;
	v13 =	vld.idx.msk [tilespmem:v15+s18+$0x0], $0xffff  }
0xc1: {  	v10 =	vadd.s32 $0xFFFFFF81, v10;
	v1 =	vadd.f32 v1, v2  }
0xc2: {  	v6 =	vmul.f32 v12, v6;
	v5 =	vmul.f32 v20, v5;
	v12 =	vand.u32 $0x7FFFFF, v8;
	v9 =	vld.idx.msk [tilespmem:v15+s19+$0x0], $0xffff  }
0xc3: {  	v3 =	vmul.f32 v11, v22;
	v12 =	vor.u32 $0x3F800000, v12;
	v14 =	vmul.f32 v14, v18  }
0xc4: {  	v7 =	vshra.s32 v7, $0x17;
	v2 =	vadd.f32 $6.065830230e+00, v5;
	v5 =	vmul.f32 $2.482560650e-02, v12  }
0xc5: {  	v7 =	vadd.s32 $0xFFFFFF81, v7;
	v3 =	vadd.f32 $-1.234263180e+00, v3;
	v13 =	vadd.f32 v13, v14  }
0xc6: {  	v10 =	vcvt.s32.f32 v10;
	v7 =	vcvt.s32.f32 v7;
	v19 =	vld.idx.msk [tilespmem:v21+s17+$0x0], $0xffff;
	v5 =	vsub.f32 $2.668588160e-01, v5  }
0xc7: {  	v3 =	vmul.f32 v11, v3;
	v18 =	vsub.f32 v23, v16;
	v14 =	vld [tilespmem:s31+$0x4000];
	v9 =	vmin.f32 v13, v9  }
0xc8: {  	v6 =	vadd.f32 $-3.028317450e+00, v6;
	v5 =	vmul.f32 v12, v5;
	v13 =	vtrunc.f32 v9  }
0xc9: {  	s3 =	simm.s32 $0x20;
	v17 =	vmul.f32 v17, v18;
	v18 =	vld.idx.msk [tilespmem:v21+s18+$0x0], $0xffff;
	v13 =	vcvt.f32.s32 v13  }
0xca: {  	v3 =	vadd.f32 $3.218832730e+00, v3;
	v6 =	vadd.f32 v10, v6;
	v2 =	vmul.f32 v20, v2;
	v20 =	vld [tilespmem:s3+$0x6010]  }
0xcb: {  	v5 =	vadd.f32 $-1.234263180e+00, v5;
	v16 =	vadd.f32 v17, v16;
	v17 =	vld.idx.msk [tilespmem:v21+s19+$0x0], $0xffff;
	v22 =	vshll.u32 v13, $0x4  }
0xcc: {  	v2 =	vadd.f32 $-3.028317450e+00, v2;
	v14 =	vmul.f32 v19, v14;
	v15 =	vadd.s32 v15, v22  }
0xcd: {  	v3 =	vmul.f32 v11, v3;
	v5 =	vmul.f32 v12, v5;
	v19 =	vadd.s32 $0x10, v15  }
0xce: {  	v2 =	vadd.f32 v7, v2;
	v14 =	vadd.f32 v18, v14  }
0xcf: {  	v10 =	vld [tilespmem:s3+$0x4010];
	v3 =	vadd.f32 $-5.264110570e+00, v3;
	v5 =	vadd.f32 $3.218832730e+00, v5  }
0xd0: {  	v2 =	vadd.f32 v2, v4;
	v22 =	vand.u32 $0x7FFFFF, v16;
	v18 =	vld [tilespmem:s3+$0x6000];
	v14 =	vmin.f32 v14, v17  }
0xd1: {  	v5 =	vmul.f32 v12, v5;
	v7 =	vor.u32 $0x3F800000, v22;
	v4 =	vtrunc.f32 v14;
	v15 =	vld.idx.msk [tilespmem:v15+s15+$0x0], $0xffff  }
0xd2: {  	v8 =	vshra.s32 v8, $0x17;
	v22 =	vmul.f32 $2.482560650e-02, v7;
	v4 =	vcvt.f32.s32 v4;
	v19 =	vld.idx.msk [tilespmem:v19+s15+$0x0], $0xffff  }
0xd3: {  	v8 =	vadd.s32 $0xFFFFFF81, v8;
	v3 =	vmul.f32 v11, v3;
	v5 =	vadd.f32 $-5.264110570e+00, v5;
	v17 =	vld.idx.msk [tilespmem:v20+s17+$0x0], $0xffff  }
0xd4: {  	v13 =	vcvt.s32.f32 v13;
	v22 =	vsub.f32 $2.668588160e-01, v22;
	v23 =	vshll.u32 v4, $0x4  }
0xd5: {  	v3 =	vadd.f32 $6.065830230e+00, v3;
	v5 =	vmul.f32 v12, v5;
	v21 =	vadd.s32 v21, v23;
	v23 =	vld.idx.msk [tilespmem:v20+s18+$0x0], $0xffff  }
0xd6: {  	v9 =	vsub.f32 v9, v13;
	v22 =	vmul.f32 v7, v22;
	v55 =	vadd.s32 $0x10, v21  }
0xd7: {  	v56 =	vld.idx.msk [tilespmem:v20+s19+$0x0], $0xffff;
	v3 =	vmul.f32 v11, v3;
	v5 =	vadd.f32 $6.065830230e+00, v5;
	v13 =	vsub.f32 v19, v15  }
0xd8: {  	v8 =	vcvt.s32.f32 v8;
	v11 =	vld [tilespmem:s3+$0x4000];
	v10 =	vmul.f32 v17, v10;
	v22 =	vadd.f32 $-1.234263180e+00, v22  }
0xd9: {  	v3 =	vadd.f32 $-3.028317450e+00, v3;
	v5 =	vmul.f32 v12, v5;
	v12 =	vld.idx.msk [tilespmem:v18+s17+$0x0], $0xffff;
	v9 =	vmul.f32 v9, v13  }
0xda: {  	v1 =	vadd.f32 v6, v1;
	v6 =	vmul.f32 v7, v22;
	v22 =	vld.idx.msk [tilespmem:v18+s18+$0x0], $0xffff;
	v10 =	vadd.f32 v23, v10  }
0xdb: {  	v0 =	vadd.f32 v0, v3;
	v16 =	vshra.s32 v16, $0x17;
	v13 =	vld.idx.msk [tilespmem:v55+s15+$0x0], $0xffff;
	v9 =	vadd.f32 v9, v15  }
0xdc: {  	s4 =	simm.s32 $0x40;
	v5 =	vadd.f32 $-3.028317450e+00, v5;
	v6 =	vadd.f32 $3.218832730e+00, v6;
	v10 =	vmin.f32 v10, v56;
	v15 =	vld.idx.msk [tilespmem:v21+s15+$0x0], $0xffff  }
0xdd: {  	v4 =	vcvt.s32.f32 v4;
	v19 =	vld [tilespmem:s4+$0x6010];
	v17 =	vtrunc.f32 v10;
	v21 =	vand.u32 $0x7FFFFF, v9  }
0xde: {  	v6 =	vmul.f32 v7, v6;
	v17 =	vcvt.f32.s32 v17;
	v21 =	vor.u32 $0x3F800000, v21  }
0xdf: {  	v4 =	vsub.f32 v14, v4;
	v14 =	vld.idx.msk [tilespmem:v18+s19+$0x0], $0xffff;
	v5 =	vadd.f32 v8, v5;
	v23 =	vmul.f32 $2.482560650e-02, v21  }
0xe0: {  	v11 =	vmul.f32 v12, v11;
	v6 =	vadd.f32 $-5.264110570e+00, v6;
	v12 =	vshll.u32 v17, $0x4  }
0xe1: {  	v12 =	vadd.s32 v20, v12;
	v13 =	vsub.f32 v13, v15;
	v20 =	vsub.f32 $2.668588160e-01, v23  }
0xe2: {  	v11 =	vadd.f32 v22, v11;
	v6 =	vmul.f32 v7, v6;
	v8 =	vadd.s32 $0x10, v12  }
0xe3: {  	v16 =	vadd.s32 $0xFFFFFF81, v16;
	v23 =	vld [tilespmem:s4+$0x6000];
	v4 =	vmul.f32 v4, v13;
	v13 =	vmul.f32 v21, v20  }
0xe4: {  	v20 =	vadd.f32 v5, v2;
	v2 =	vadd.f32 $6.065830230e+00, v6;
	v6 =	vmin.f32 v11, v14  }
0xe5: {  	v16 =	vcvt.s32.f32 v16;
	v11 =	vld.idx.msk [tilespmem:v19+s17+$0x0], $0xffff;
	v3 =	vtrunc.f32 v6;
	v13 =	vadd.f32 $-1.234263180e+00, v13  }
0xe6: {  	v4 =	vadd.f32 v4, v15;
	v2 =	vmul.f32 v7, v2;
	v7 =	vld.idx.msk [tilespmem:v12+s15+$0x0], $0xffff;
	v3 =	vcvt.f32.s32 v3  }
0xe7: {  	v0 =	vadd.f32 v0, v1;
	v17 =	vcvt.s32.f32 v17;
	v8 =	vld.idx.msk [tilespmem:v8+s15+$0x0], $0xffff;
	v13 =	vmul.f32 v21, v13  }
0xe8: {  	v12 =	vand.u32 $0x7FFFFF, v4;
	v1 =	vadd.f32 $-3.028317450e+00, v2;
	v2 =	vld [tilespmem:s4+$0x4010];
	v14 =	vshll.u32 v3, $0x4  }
0xe9: {  	v5 =	vld [tilespmem:s4+$0x4000];
	v12 =	vor.u32 $0x3F800000, v12;
	v14 =	vadd.s32 v18, v14;
	v13 =	vadd.f32 $3.218832730e+00, v13  }
0xea: {  	v15 =	vld.idx.msk [tilespmem:v19+s18+$0x0], $0xffff;
	v22 =	vmul.f32 $2.482560650e-02, v12;
	v18 =	vadd.s32 $0x10, v14  }
0xeb: {  	v10 =	vsub.f32 v10, v17;
	v1 =	vadd.f32 v16, v1;
	v16 =	vld.idx.msk [tilespmem:v23+s17+$0x0], $0xffff;
	v13 =	vmul.f32 v21, v13  }
0xec: {  	v57 =	vld.idx.msk [tilespmem:v19+s19+$0x0], $0xffff;
	v3 =	vcvt.s32.f32 v3;
	v22 =	vsub.f32 $2.668588160e-01, v22;
	v8 =	vsub.f32 v8, v7  }
0xed: {  	v58 =	vld.idx.msk [tilespmem:v23+s18+$0x0], $0xffff;
	v0 =	vadd.f32 v1, v0;
	v1 =	vmul.f32 v11, v2;
	v2 =	vadd.f32 $-5.264110570e+00, v13  }
0xee: {  	v9 =	vshra.s32 v9, $0x17;
	v3 =	vsub.f32 v6, v3;
	v8 =	vmul.f32 v10, v8;
	v10 =	vld.idx.msk [tilespmem:v23+s19+$0x0], $0xffff  }
0xef: {  	v6 =	vmul.f32 v12, v22;
	v1 =	vadd.f32 v15, v1;
	v11 =	vld.idx.msk [tilespmem:v18+s15+$0x0], $0xffff;
	v2 =	vmul.f32 v21, v2  }
0xf0: {  	v4 =	vshra.s32 v4, $0x17;
	v5 =	vmul.f32 v16, v5;
	v7 =	vadd.f32 v8, v7;
	v8 =	vld.idx.msk [tilespmem:v14+s15+$0x0], $0xffff  }
0xf1: {  	s31 =	simm.s32 $0x60;
	v13 =	vadd.f32 $-1.234263180e+00, v6;
	v14 =	vmin.f32 v1, v57;
	v1 =	vadd.f32 $6.065830230e+00, v2  }
0xf2: {  	v6 =	vld [tilespmem:s31+$0x6010];
	v15 =	vand.u32 $0x7FFFFF, v7;
	v2 =	vadd.f32 v58, v5;
	v5 =	vtrunc.f32 v14  }
0xf3: {  	v16 =	vcvt.f32.s32 v5;
	v1 =	vmul.f32 v21, v1;
	v21 =	vor.u32 $0x3F800000, v15  }
0xf4: {  	v13 =	vmul.f32 v12, v13;
	v5 =	vadd.s32 $0xFFFFFF81, v9;
	v9 =	vmul.f32 $2.482560650e-02, v21  }
0xf5: {  	v10 =	vmin.f32 v2, v10;
	v11 =	vsub.f32 v11, v8;
	v2 =	vshll.u32 v16, $0x4  }
0xf6: {  	v17 =	vtrunc.f32 v10;
	v15 =	vadd.s32 v19, v2;
	v2 =	vsub.f32 $2.668588160e-01, v9  }
0xf7: {  	v1 =	vadd.f32 $-3.028317450e+00, v1;
	v9 =	vcvt.s32.f32 v5;
	v18 =	vadd.s32 $0x10, v15  }
0xf8: {  	v4 =	vadd.s32 $0xFFFFFF81, v4;
	v3 =	vmul.f32 v3, v11;
	v11 =	vmul.f32 v21, v2  }
0xf9: {  	v13 =	vadd.f32 $3.218832730e+00, v13;
	v5 =	vld [tilespmem:s31+$0x6000];
	v1 =	vadd.f32 v9, v1;
	v9 =	vcvt.f32.s32 v17  }
0xfa: {  	v2 =	vcvt.s32.f32 v4;
	v4 =	vadd.f32 v3, v8;
	v17 =	vld.idx.msk [tilespmem:v6+s17+$0x0], $0xffff;
	v3 =	vadd.f32 $-1.234263180e+00, v11  }
0xfb: {  	v16 =	vcvt.s32.f32 v16;
	v8 =	vadd.f32 v1, v20;
	v15 =	vld.idx.msk [tilespmem:v15+s15+$0x0], $0xffff;
	v1 =	vmul.f32 v12, v13  }
0xfc: {  	v11 =	vcvt.s32.f32 v9;
	v9 =	vshll.u32 v9, $0x4;
	v18 =	vld.idx.msk [tilespmem:v18+s15+$0x0], $0xffff;
	v19 =	vmul.f32 v21, v3  }
0xfd: {  	v13 =	vand.u32 $0x7FFFFF, v4;
	v20 =	vadd.s32 v23, v9;
	v9 =	vld [tilespmem:s31+$0x4010];
	v1 =	vadd.f32 $-5.264110570e+00, v1  }
0xfe: {  	v14 =	vsub.f32 v14, v16;
	v3 =	vor.u32 $0x3F800000, v13;
	v19 =	vadd.f32 $3.218832730e+00, v19  }
0xff: {  	v59 =	vld.idx.msk [tilespmem:v6+s18+$0x0], $0xffff;
	v4 =	vshra.s32 v4, $0x17;
	v23 =	vmul.f32 $2.482560650e-02, v3;
	v60 =	vmul.f32 v12, v1  }
0x100: {  	v13 =	vld [tilespmem:s31+$0x4000];
	v22 =	vadd.s32 $0x10, v20;
	v11 =	vsub.f32 v10, v11;
	v19 =	vmul.f32 v21, v19  }
0x101: {  	v1 =	vadd.s32 $0xFFFFFF81, v4;
	v4 =	vld.idx.msk [tilespmem:v5+s17+$0x0], $0xffff;
	v23 =	vsub.f32 $2.668588160e-01, v23;
	v16 =	vadd.f32 $6.065830230e+00, v60  }
0x102: {  	v61 =	vld.idx.msk [tilespmem:v6+s19+$0x0], $0xffff;
	v9 =	vmul.f32 v17, v9;
	v17 =	vsub.f32 v18, v15;
	v18 =	vadd.f32 $-5.264110570e+00, v19  }
0x103: {  	v62 =	vld.idx.msk [tilespmem:v5+s18+$0x0], $0xffff;
	v10 =	vmul.f32 v3, v23;
	v23 =	vshra.s32 v7, $0x17;
	v12 =	vmul.f32 v12, v16  }
0x104: {  	v9 =	vadd.f32 v59, v9;
	v14 =	vmul.f32 v14, v17;
	v17 =	vld.idx.msk [tilespmem:v5+s19+$0x0], $0xffff;
	v16 =	vmul.f32 v21, v18  }
0x105: {  	v19 =	vld.idx.msk [tilespmem:v22+s15+$0x0], $0xffff;
	v23 =	vadd.s32 $0xFFFFFF81, v23;
	v18 =	vadd.f32 $-1.234263180e+00, v10;
	v10 =	vadd.f32 $-3.028317450e+00, v12  }
0x106: {  	v13 =	vmul.f32 v4, v13;
	v4 =	vadd.f32 v14, v15;
	v12 =	vadd.f32 $6.065830230e+00, v16;
	v16 =	vld.idx.msk [tilespmem:v20+s15+$0x0], $0xffff  }
0x107: {  	s4 =	simm.s32 $0x80;
	v1 =	vcvt.s32.f32 v1;
	v23 =	vcvt.s32.f32 v23;
	v9 =	vmin.f32 v9, v61  }
0x108: {  	v15 =	vld [tilespmem:s4+$0x6010];
	v14 =	vtrunc.f32 v9;
	v22 =	vand.u32 $0x7FFFFF, v4;
	v63 =	vmul.f32 v21, v12  }
0x109: {  	v20 =	vadd.f32 v62, v13;
	v13 =	vld [tilespmem:s4+$0x6000];
	v7 =	vor.u32 $0x3F800000, v22;
	v12 =	vcvt.f32.s32 v14  }
0x10a: {  	s0 =	simm.s32 $0x280;
	v18 =	vmul.f32 v3, v18;
	v14 =	vld [tilespmem:s4+$0x4000];
	v21 =	vmul.f32 $2.482560650e-02, v7;
	v22 =	vadd.f32 $-3.028317450e+00, v63  }
.LBB2_5:
0x10b: {  	p0 =	sne.s32 s0, $0x7F80;
	v17 =	vmin.f32 v20, v17;
	v20 =	vshll.u32 v12, $0x4;
	v19 =	vsub.f32 v19, v16  }
0x10c: {  	v20 =	vadd.s32 v6, v20;
	v21 =	vsub.f32 $2.668588160e-01, v21;
	v22 =	vadd.f32 v23, v22  }
0x10d: {  	v23 =	vtrunc.f32 v17;
	v24 =	vadd.s32 $0x10, v20;
	v11 =	vmul.f32 v11, v19;
	v6 =	vmovc v15  }
0x10e: {  	v19 =	vcvt.f32.s32 v23;
	v21 =	vmul.f32 v7, v21;
	v8 =	vadd.f32 v22, v8  }
0x10f: {  	v16 =	vadd.f32 v11, v16;
	v11 =	vadd.f32 $3.218832730e+00, v18  }
0x110: {  	v18 =	vcvt.s32.f32 v19;
	v19 =	vshll.u32 v19, $0x4;
	v15 =	vld.idx.msk [tilespmem:v15+s17+$0x0], $0xffff;
	v21 =	vadd.f32 $-1.234263180e+00, v21  }
0x111: {  	v22 =	vadd.s32 v5, v19;
	v5 =	vmovc v13;
	v20 =	vld.idx.msk [tilespmem:v20+s15+$0x0], $0xffff;
	v19 =	vand.u32 $0x7FFFFF, v16;
	v23 =	vmul.f32 v3, v11  }
0x112: {  	v11 =	vsub.f32 v17, v18;
	v18 =	vadd.s32 $0x10, v22;
	v24 =	vld.idx.msk [tilespmem:v24+s15+$0x0], $0xffff;
	v17 =	vmul.f32 v7, v21  }
0x113: {  	v16 =	vshra.s32 v16, $0x17;
	v25 =	vor.u32 $0x3F800000, v19;
	v21 =	vld [tilespmem:s4+$0x4010];
	v19 =	vadd.f32 $-5.264110570e+00, v23  }
0x114: {  	v16 =	vadd.s32 $0xFFFFFF81, v16;
	v26 =	vmul.f32 $2.482560650e-02, v25;
	v23 =	vld.idx.msk [tilespmem:v6+s18+$0x0], $0xffff;
	v17 =	vadd.f32 $3.218832730e+00, v17  }
0x115: {  	v12 =	vcvt.s32.f32 v12;
	v10 =	vadd.f32 v2, v10;
	v2 =	vmovc v1;
	v13 =	vld.idx.msk [tilespmem:v13+s17+$0x0], $0xffff;
	v19 =	vmul.f32 v3, v19  }
0x116: {  	v1 =	vcvt.s32.f32 v16;
	v26 =	vsub.f32 $2.668588160e-01, v26;
	v27 =	vld.idx.msk [tilespmem:v6+s19+$0x0], $0xffff;
	v16 =	vmul.f32 v7, v17  }
0x117: {  	v9 =	vsub.f32 v9, v12;
	v28 =	vld.idx.msk [tilespmem:v5+s18+$0x0], $0xffff;
	v12 =	vadd.f32 $6.065830230e+00, v19  }
0x118: {  	v17 =	vld.idx.msk [tilespmem:v5+s19+$0x0], $0xffff;
	v15 =	vmul.f32 v15, v21;
	v21 =	vsub.f32 v24, v20;
	v24 =	vadd.f32 $-5.264110570e+00, v16  }
0x119: {  	v0 =	vadd.f32 v10, v0;
	v19 =	vld.idx.msk [tilespmem:v18+s15+$0x0], $0xffff;
	v18 =	vmul.f32 v25, v26;
	v26 =	vmul.f32 v3, v12  }
0x11a: {  	v12 =	vadd.f32 v23, v15;
	v16 =	vld.idx.msk [tilespmem:v22+s15+$0x0], $0xffff;
	v15 =	vmul.f32 v9, v21;
	v21 =	vmul.f32 v7, v24  }
0x11b: {  	v3 =	vmovc v25;
	v13 =	vmul.f32 v13, v14;
	v14 =	vadd.f32 $-1.234263180e+00, v18;
	v10 =	vadd.f32 $-3.028317450e+00, v26  }
.Ltmp1:
0x11c: {  	v9 =	vmin.f32 v12, v27;
	v12 =	vadd.f32 v15, v20;
	v21 =	vadd.f32 $6.065830230e+00, v21;
	(pc) =	sbr.rel @p0 .LBB2_5-.Ltmp1, $4  }
0x11d: {  	s4 =	sshra.s32 s0, $0x2;
	v20 =	vadd.f32 v28, v13;
	v22 =	vtrunc.f32 v9;
	v18 =	vmul.f32 v3, v14  }
0x11e: {  	v23 =	vshra.s32 v4, $0x17;
	v15 =	vld [tilespmem:s4+$0x6010];
	v14 =	vand.u32 $0x7FFFFF, v12;
	v24 =	vmul.f32 v7, v21;
	v4 =	vmovc v12  }
0x11f: {  	v23 =	vadd.s32 $0xFFFFFF81, v23;
	v12 =	vcvt.f32.s32 v22;
	v13 =	vld [tilespmem:s4+$0x6000];
	v7 =	vor.u32 $0x3F800000, v14  }
0x120: {  	s0 =	sadd.s32 $0x80, s0;
	v23 =	vcvt.s32.f32 v23;
	v14 =	vld [tilespmem:s4+$0x4000];
	v21 =	vmul.f32 $2.482560650e-02, v7;
	v22 =	vadd.f32 $-3.028317450e+00, v24  }
0x121: {  	_ =	sdelay $0x4  }
0x122: {  	v25 =	vld [tilespmem:s4+$0x4010]  }
0x123: {  	v24 =	vld.idx.msk [tilespmem:v15+s17+$0x0], $0xffff  }
0x124: {  	v46 =	vld.idx.msk [tilespmem:v15+s18+$0x0], $0xffff  }
0x125: {  	v27 =	vshll.u32 v12, $0x4;
	v26 =	vld.idx.msk [tilespmem:v13+s17+$0x0], $0xffff  }
0x126: {  	v19 =	vsub.f32 v19, v16;
	v17 =	vmin.f32 v20, v17;
	v53 =	vadd.f32 $3.218832730e+00, v18;
	v50 =	vld.idx.msk [tilespmem:v15+s19+$0x0], $0xffff  }
0x127: {  	v30 =	vcvt.s32.f32 v12;
	v2 =	vadd.f32 v2, v10;
	v4 =	vshra.s32 v4, $0x17;
	v48 =	vld.idx.msk [tilespmem:v13+s18+$0x0], $0xffff  }
0x128: {  	v22 =	vadd.f32 v23, v22;
	v6 =	vadd.s32 v6, v27;
	v24 =	vmul.f32 v24, v25  }
0x129: {  	v47 =	vsub.f32 $2.668588160e-01, v21;
	v49 =	vtrunc.f32 v17;
	v11 =	vmul.f32 v11, v19;
	v52 =	vld.idx.msk [tilespmem:v13+s19+$0x0], $0xffff  }
0x12a: {  	v51 =	vadd.s32 $0x10, v6;
	v14 =	vmul.f32 v26, v14;
	v23 =	vadd.f32 v46, v24  }
0x12b: {  	v4 =	vadd.s32 $0xFFFFFF81, v4;
	v27 =	vcvt.f32.s32 v49;
	v20 =	vmul.f32 v7, v47  }
0x12c: {  	v8 =	vadd.f32 v22, v8;
	v14 =	vadd.f32 v48, v14;
	v19 =	vmin.f32 v23, v50  }
0x12d: {  	v55 =	vshll.u32 v27, $0x4;
	v20 =	vadd.f32 $-1.234263180e+00, v20;
	v23 =	vtrunc.f32 v19  }
0x12e: {  	v5 =	vadd.s32 v5, v55;
	v6 =	vld.idx.msk [tilespmem:v6+s15+$0x0], $0xffff;
	v14 =	vmin.f32 v14, v52;
	v57 =	vcvt.f32.s32 v23  }
0x12f: {  	v20 =	vmul.f32 v7, v20;
	v22 =	vld.idx.msk [tilespmem:v51+s15+$0x0], $0xffff;
	v24 =	vadd.s32 $0x10, v5;
	v58 =	vtrunc.f32 v14  }
0x130: {  	v9 =	vsub.f32 v9, v30;
	v23 =	vcvt.f32.s32 v58;
	v59 =	vshll.u32 v57, $0x4  }
0x131: {  	v0 =	vadd.f32 v2, v0;
	v20 =	vadd.f32 $3.218832730e+00, v20;
	v61 =	vadd.s32 v15, v59  }
0x132: {  	v11 =	vadd.f32 v11, v16;
	v62 =	vshll.u32 v23, $0x4;
	v63 =	vadd.s32 $0x10, v61  }
0x133: {  	v16 =	vmul.f32 v3, v53;
	v5 =	vld.idx.msk [tilespmem:v5+s15+$0x0], $0xffff;
	v20 =	vmul.f32 v7, v20;
	v29 =	vadd.s32 v13, v62  }
0x134: {  	v56 =	vand.u32 $0x7FFFFF, v11;
	v32 =	vsub.f32 v22, v6;
	v24 =	vld.idx.msk [tilespmem:v24+s15+$0x0], $0xffff;
	v25 =	vadd.s32 $0x10, v29  }
0x135: {  	v54 =	vcvt.s32.f32 v27;
	v21 =	vor.u32 $0x3F800000, v56;
	v20 =	vadd.f32 $-5.264110570e+00, v20  }
0x136: {  	v16 =	vadd.f32 $-5.264110570e+00, v16;
	v60 =	vmul.f32 $2.482560650e-02, v21;
	v9 =	vmul.f32 v9, v32;
	v15 =	vld.idx.msk [tilespmem:v61+s15+$0x0], $0xffff  }
0x137: {  	v4 =	vcvt.s32.f32 v4;
	v17 =	vsub.f32 v17, v54;
	v2 =	vmul.f32 v7, v20;
	v33 =	vld.idx.msk [tilespmem:v63+s15+$0x0], $0xffff  }
0x138: {  	v16 =	vmul.f32 v3, v16;
	v31 =	vsub.f32 $2.668588160e-01, v60;
	v6 =	vadd.f32 v9, v6;
	v35 =	vld.idx.msk [tilespmem:v29+s15+$0x0], $0xffff  }
0x139: {  	v11 =	vshra.s32 v11, $0x17;
	v2 =	vadd.f32 $6.065830230e+00, v2;
	v37 =	vsub.f32 v24, v5;
	v34 =	vld.idx.msk [tilespmem:v25+s15+$0x0], $0xffff  }
0x13a: {  	v16 =	vadd.f32 $6.065830230e+00, v16;
	v18 =	vcvt.s32.f32 v57;
	v38 =	vcvt.s32.f32 v23  }
0x13b: {  	v36 =	vand.u32 $0x7FFFFF, v6;
	v2 =	vmul.f32 v7, v2;
	v7 =	vmul.f32 v17, v37  }
0x13c: {  	v10 =	vmul.f32 v21, v31;
	v18 =	vsub.f32 v19, v18;
	v13 =	vor.u32 $0x3F800000, v36  }
0x13d: {  	v14 =	vsub.f32 v14, v38;
	v39 =	vmul.f32 $2.482560650e-02, v13;
	v5 =	vadd.f32 v7, v5  }
0x13e: {  	v3 =	vmul.f32 v3, v16;
	v12 =	vsub.f32 v33, v15;
	v16 =	vsub.f32 v34, v35  }
0x13f: {  	v10 =	vadd.f32 $-1.234263180e+00, v10;
	v41 =	vsub.f32 $2.668588160e-01, v39;
	v42 =	vand.u32 $0x7FFFFF, v5  }
0x140: {  	v44 =	vor.u32 $0x3F800000, v42;
	v12 =	vmul.f32 v18, v12;
	v40 =	vmul.f32 v14, v16  }
0x141: {  	v3 =	vadd.f32 $-3.028317450e+00, v3;
	v2 =	vadd.f32 $-3.028317450e+00, v2;
	v46 =	vmul.f32 $2.482560650e-02, v44  }
0x142: {  	v43 =	vmul.f32 v13, v41;
	v12 =	vadd.f32 v12, v15;
	v7 =	vadd.f32 v40, v35  }
0x143: {  	v10 =	vmul.f32 v21, v10;
	v2 =	vadd.f32 v4, v2;
	v49 =	vsub.f32 $2.668588160e-01, v46  }
0x144: {  	v9 =	vadd.f32 $-1.234263180e+00, v43;
	v45 =	vand.u32 $0x7FFFFF, v12;
	v47 =	vand.u32 $0x7FFFFF, v7  }
0x145: {  	v4 =	vmul.f32 v44, v49;
	v15 =	vor.u32 $0x3F800000, v45;
	v17 =	vor.u32 $0x3F800000, v47  }
0x146: {  	v1 =	vadd.f32 v1, v3;
	v48 =	vmul.f32 $2.482560650e-02, v15;
	v50 =	vmul.f32 $2.482560650e-02, v17  }
0x147: {  	v10 =	vadd.f32 $3.218832730e+00, v10;
	v9 =	vmul.f32 v13, v9;
	v4 =	vadd.f32 $-1.234263180e+00, v4  }
0x148: {  	v11 =	vadd.s32 $0xFFFFFF81, v11;
	v18 =	vsub.f32 $2.668588160e-01, v48;
	v51 =	vsub.f32 $2.668588160e-01, v50  }
0x149: {  	v0 =	vadd.f32 v1, v0;
	v9 =	vadd.f32 $3.218832730e+00, v9;
	v4 =	vmul.f32 v44, v4  }
0x14a: {  	v2 =	vadd.f32 v2, v8;
	v52 =	vmul.f32 v15, v18;
	v8 =	vmul.f32 v17, v51  }
0x14b: {  	v10 =	vmul.f32 v21, v10;
	v9 =	vmul.f32 v13, v9;
	v3 =	vadd.f32 $3.218832730e+00, v4  }
0x14c: {  	v11 =	vcvt.s32.f32 v11;
	v16 =	vadd.f32 $-1.234263180e+00, v52;
	v8 =	vadd.f32 $-1.234263180e+00, v8  }
0x14d: {  	v10 =	vadd.f32 $-5.264110570e+00, v10;
	v9 =	vadd.f32 $-5.264110570e+00, v9;
	v3 =	vmul.f32 v44, v3  }
0x14e: {  	v56 =	vshra.s32 v6, $0x17;
	v16 =	vmul.f32 v15, v16;
	v53 =	vmul.f32 v17, v8  }
0x14f: {  	v10 =	vmul.f32 v21, v10;
	v9 =	vmul.f32 v13, v9;
	v1 =	vadd.f32 $-5.264110570e+00, v3  }
0x150: {  	v5 =	vshra.s32 v5, $0x17;
	v55 =	vadd.f32 $3.218832730e+00, v16;
	v4 =	vadd.f32 $3.218832730e+00, v53  }
0x151: {  	v54 =	vadd.f32 $6.065830230e+00, v10;
	v9 =	vadd.f32 $6.065830230e+00, v9;
	v1 =	vmul.f32 v44, v1  }
0x152: {  	v5 =	vadd.s32 $0xFFFFFF81, v5;
	v10 =	vmul.f32 v15, v55;
	v3 =	vmul.f32 v17, v4  }
0x153: {  	v57 =	vmul.f32 v13, v9;
	v8 =	vmul.f32 v21, v54;
	v1 =	vadd.f32 $6.065830230e+00, v1  }
0x154: {  	v5 =	vcvt.s32.f32 v5;
	v58 =	vadd.f32 $-5.264110570e+00, v10;
	v3 =	vadd.f32 $-5.264110570e+00, v3  }
0x155: {  	v6 =	vadd.f32 $-3.028317450e+00, v57;
	v8 =	vadd.f32 $-3.028317450e+00, v8;
	v1 =	vmul.f32 v44, v1  }
0x156: {  	v4 =	vadd.s32 $0xFFFFFF81, v56;
	v9 =	vmul.f32 v15, v58;
	v3 =	vmul.f32 v17, v3  }
0x157: {  	v8 =	vadd.f32 v11, v8;
	v4 =	vcvt.s32.f32 v4;
	v1 =	vadd.f32 $-3.028317450e+00, v1  }
0x158: {  	v61 =	vshra.s32 v12, $0x17;
	v60 =	vadd.f32 $6.065830230e+00, v9;
	v3 =	vadd.f32 $6.065830230e+00, v3  }
0x159: {  	v59 =	vshra.s32 v7, $0x17;
	v0 =	vadd.f32 v8, v0;
	v4 =	vadd.f32 v4, v6  }
0x15a: {  	s30 =	sadd.s32 $0x1, s30;
	v6 =	vadd.s32 $0xFFFFFF81, v59;
	v7 =	vmul.f32 v15, v60;
	v3 =	vmul.f32 v17, v3  }
0x15b: {  	p0 =	sne.s32 s30, $0x8;
	v1 =	vadd.f32 v5, v1;
	v6 =	vcvt.s32.f32 v6;
	v9 =	vadd.s32 $0xFFFFFF81, v61  }
.Ltmp2:
0x15c: {  	v62 =	vcvt.s32.f32 v9;
	v7 =	vadd.f32 $-3.028317450e+00, v7;
	v3 =	vadd.f32 $-3.028317450e+00, v3;
	(pc) =	sbr.rel @p0 .LBB2_2-.Ltmp2, $3  }
0x15d: {  	v2 =	vadd.f32 v4, v2;
	v0 =	vadd.f32 v1, v0  }
0x15e: {  	v63 =	vadd.f32 v62, v7;
	v3 =	vadd.f32 v6, v3;
	_ =	sdelay $0x1  }
0x15f: {  	v1 =	vadd.f32 v63, v2;
	v0 =	vadd.f32 v3, v0  }
0x160: {  	_ = 	snop  }
0x161: {  	s29 =	sadd.s32 $0x1, s29;
	v0 =	vadd.f32 v1, v0  }
0x162: {  	p0 =	sne.s32 s29, s14  }
.Ltmp3:
0x163: {  	[tilespmem:$0x8A00] =	vst v0;
	(pc) =	sbr.rel @p0 .LBB2_1-.Ltmp3, $4  }
0x164: {  	[hbm4b:s13+s5] =	stream.linear.scatter [tilespmem:s28], [sflag:$0x5], $0x10, $0x38;
	[tilespmem:$0x8A80] =	vst v63  }
0x165: {  	_ =	swait.ge [sflag:s16], $0x10  }
0x166: {  	[sflag:s16] =	ssyncset.done $0x0  }
0x167: {  	[sflag:s16] =	ssyncadd.s32 $0xFFFFFFF0  }
0x168: {  	_ =	sfence.sel $0x180000  }
0x169: {  	[bflag:$0x0] =	sbarrier.arrive $0xFFFF  }
0x16a: {  	_ =	strace $0x9000004A  }
0x16b: {  	s0 =	stileid.u32;
	[bflag:$0x2] =	sbarrier.arrive $0xFFFF  }
0x16c: {  	p0 =	sne.s32 s0, $0x0;
	s0 =	rddreg [dreg:$0x4]  }
0x16d: {  	s0 =	sadd.s32 @!p0 $0x100000, s0  }
0x16e: {  	[sflag:s0] =	ssyncadd.tile.s32 @!p0 $0x1;
	_ =	shalt  }
.Lfunc_end2:
_tile_overlayer_lowered:
.L_overlay_start_2:
0x16f: {  	(tag) =	ssettag $0x2  }
0x170: {  	s0 =	rddreg [dreg:$0x0];
	s2 =	stileid.u32  }
0x171: {  	s1 =	rddreg [dreg:$0x1];
	p0 =	sne.s32 s2, $0x0  }
0x172: {  	s3 =	rddreg [dreg:$0x2];
	[bflag:$0x3] =	sbarrier.arrive $0xFFFF;
	s2 =	simm.s32 @!p0 $0x1C05  }
0x173: {  	[timem:s3], [sflag:s2] =	dma.local @!p0 [hbm:s0], s1  }
0x174: {  	s0 =	simm.s32 @!p0 $0x5  }
0x175: {  	_ =	swait.ge @!p0 [sflag:s0], s1  }
0x176: {  	s1 =	ssub.s32 @!p0 $0x0, s1;
	[sflag:s0] =	ssyncset.done @!p0 $0x0  }
0x177: {  	[sflag:s0] =	ssyncadd.s32 @!p0 s1  }
0x178: {  	[bflag:$0x3] =	sbarrier.arrive $0xFFFF  }
0x179: {  	_ =	shalt  }

// kernel: kernel.7.cloned.1.call-start
scs
__scs_entry_jumppad:
0x0: {  	(pc) =	sbr.rel $0x88, $3  }
0x1: {  	(tag) =	ssettag $0x0;
	lr =	simm.s32 $0x1  }
0x2: {  	[smem:$0x3F9D] =	sst lr;
	_ =	strace $0xD0000000  }
0x3: {  	_ = 	snop  }
0x4: {  	_ = 	snop  }
0x5: {  	_ = 	snop  }
0x6: {  	_ = 	snop  }
0x7: {  	_ = 	snop  }
__scs_overlays_trampoline_lowered:
0x8: {  	[smem:$0x3FAC] =	sst s0  }
0x9: {  	[smem:$0x3FAD] =	sst s1  }
0xa: {  	[smem:$0x3FAE] =	sst s2  }
0xb: {  	[smem:$0x3FAF] =	sst s3  }
0xc: {  	[smem:$0x3FB0] =	sst s4  }
0xd: {  	[smem:$0x3FB1] =	sst s5  }
0xe: {  	[smem:$0x3FB2] =	sst s6  }
0xf: {  	[smem:$0x3FB3] =	sst s7  }
0x10: {  	[smem:$0x3FB4] =	sst s8  }
0x11: {  	[smem:$0x3FB5] =	sst s9;
	s0 =	simm.s32 @!p0 $0x0  }
0x12: {  	s1 =	sld [smem:$0x3F9B];
	s0 =	simm.s32 @p0 $0x1  }
0x13: {  	[smem:$0x3FB6] =	sst s0;
	s0 =	simm.s32 @!p1 $0x0  }
0x14: {  	s2 =	sld [smem:$0x3F9A];
	s0 =	simm.s32 @p1 $0x1  }
0x15: {  	[smem:$0x3FB7] =	sst s0;
	s0 =	simm.s32 @!p2 $0x0  }
0x16: {  	s3 =	sld [smem:$0x3FDB];
	s0 =	simm.s32 @p2 $0x1  }
0x17: {  	s4 =	simm.s32 $0x1BF5;
	[smem:$0x3FB9] =	sst s0  }
0x18: {  	s0 =	sld [smem:$0x3F9C];
	_ =	swait.ge [sflag:s4], $0x0  }
0x19: {  	s7 =	sld [smem:$0x3F9D]  }
0x1a: {  	s8 =	sadd.s32 $0xFFFFE003, lr  }
0x1b: {  	s9 =	sadd.s32 $0xFFFFFEF7, lr;
	s5 =	simm.s32 $0xFFFFFFFF;
	p2 =	slt.u32 s8, $0xFFFFF086  }
0x1c: {  	p1 =	slt.u32 s9, $0xF7A;
	s5 =	simm.s32 @!p2 $0x0  }
0x1d: {  	s5 =	simm.s32 @p1 $0x1;
	p0 =	seq.s32 s7, s2  }
0x1e: {  	s7 =	smul.u32 @!p0 $0xF7A, s2;
	p2 =	seq.s32 @!p0 s5, $0x0  }
0x1f: {  	s9 =	smul.u32 $0xF7A, s1;
	s8 =	simm.s32 @!p0 $0x1BF5;
	p2 =	por !p2, p0  }
0x20: {  	[sflag:s8] =	ssyncset.s32 @!p0 $0xFFFFF086;
	s6 =	sadd.s32 @!p0 s3, s7;
	s7 =	simm.s32 @!p0 $0x108  }
0x21: {  	s3 =	sadd.s32 s3, s9;
	s6 =	sadd.s32 @!p0 $0x88, s6;
	s7 =	simm.s32 @p2 $0x1082  }
0x22: {  	[simem:s7], [sflag:s8] =	dma.local @!p0 [hbm:s6], $0xF7A  }
0x23: {  	s9 =	sor.u32 $0xD0000000, s2;
	s6 =	simm.s32 $0x108;
	_ =	swait.ge @!p0 [sflag:s8], $0x0  }
0x24: {  	s3 =	sadd.s32 $0x88, s3;
	s6 =	simm.s32 @!p1 $0x1082;
	[sflag:s4] =	ssyncset.s32 $0xFFFFF086  }
0x25: {  	[simem:s6], [sflag:s4] =	dma.local [hbm:s3], $0xF7A  }
0x26: {  	[smem:$0x3F9D] =	sst s1;
	(tag) =	ssettag s2;
	_ =	strace s9  }
0x27: {  	s1 =	sld [smem:$0x3FAD]  }
0x28: {  	s2 =	sld [smem:$0x3FAE]  }
0x29: {  	s4 =	sld [smem:$0x3FB0]  }
0x2a: {  	p0 =	seq.s32 s5, $0x0;
	s5 =	sld [smem:$0x3FB1]  }
0x2b: {  	s6 =	sld [smem:$0x3FB2]  }
0x2c: {  	s7 =	sld [smem:$0x3FB3]  }
0x2d: {  	s3 =	simm.s32 $0x108;
	s8 =	sld [smem:$0x3FB4]  }
0x2e: {  	s3 =	simm.s32 @!p0 $0x1082;
	s9 =	sld [smem:$0x3FB5]  }
0x2f: {  	lr =	sadd.s32 s0, s3;
	s0 =	sld [smem:$0x3FAC]  }
0x30: {  	s3 =	sld [smem:$0x3FAF]  }
0x31: {  	[smem:$0x3FB8] =	sst s10  }
0x32: {  	s10 =	sld [smem:$0x3FB6];
	_ =	sdelay $0x3  }
0x33: {  	p0 =	seq.s32 s10, $0x1;
	s10 =	sld [smem:$0x3FB8];
	_ =	sdelay $0x3  }
0x34: {  	[smem:$0x3FB8] =	sst s10  }
0x35: {  	s10 =	sld [smem:$0x3FB7];
	_ =	sdelay $0x3  }
0x36: {  	p1 =	seq.s32 s10, $0x1;
	s10 =	sld [smem:$0x3FB8];
	_ =	sdelay $0x3  }
0x37: {  	[smem:$0x3FB8] =	sst s10  }
0x38: {  	s10 =	sld [smem:$0x3FB9]  }
0x39: {  	_ = 	snop;
	(pc) =	sbr.ind lr, $3  }
0x3a: {  	_ = 	snop  }
0x3b: {  	_ = 	snop  }
0x3c: {  	p2 =	seq.s32 s10, $0x1;
	s10 =	sld [smem:$0x3FB8]  }
0x3d: {  	_ =	shalt  }
0x3e: {  	_ =	shalt  }
0x3f: {  	_ =	shalt  }
0x40: {  	_ =	shalt  }
0x41: {  	_ =	shalt  }
0x42: {  	_ =	shalt  }
0x43: {  	_ =	shalt  }
0x44: {  	_ =	shalt  }
0x45: {  	_ =	shalt  }
0x46: {  	_ =	shalt  }
0x47: {  	_ =	shalt  }
0x48: {  	_ =	shalt  }
0x49: {  	_ =	shalt  }
0x4a: {  	_ =	shalt  }
0x4b: {  	_ =	shalt  }
0x4c: {  	_ =	shalt  }
0x4d: {  	_ =	shalt  }
0x4e: {  	_ =	shalt  }
0x4f: {  	_ =	shalt  }
0x50: {  	_ =	shalt  }
0x51: {  	_ =	shalt  }
0x52: {  	_ =	shalt  }
0x53: {  	_ =	shalt  }
0x54: {  	_ =	shalt  }
0x55: {  	_ =	shalt  }
0x56: {  	_ =	shalt  }
0x57: {  	_ =	shalt  }
0x58: {  	_ =	shalt  }
0x59: {  	_ =	shalt  }
0x5a: {  	_ =	shalt  }
0x5b: {  	_ =	shalt  }
0x5c: {  	_ =	shalt  }
0x5d: {  	_ =	shalt  }
0x5e: {  	_ =	shalt  }
0x5f: {  	_ =	shalt  }
0x60: {  	_ =	shalt  }
0x61: {  	_ =	shalt  }
0x62: {  	_ =	shalt  }
0x63: {  	_ =	shalt  }
0x64: {  	_ =	shalt  }
0x65: {  	_ =	shalt  }
0x66: {  	_ =	shalt  }
0x67: {  	_ =	shalt  }
0x68: {  	_ =	shalt  }
0x69: {  	_ =	shalt  }
0x6a: {  	_ =	shalt  }
0x6b: {  	_ =	shalt  }
0x6c: {  	_ =	shalt  }
0x6d: {  	_ =	shalt  }
0x6e: {  	_ =	shalt  }
0x6f: {  	_ =	shalt  }
0x70: {  	_ =	shalt  }
0x71: {  	_ =	shalt  }
0x72: {  	_ =	shalt  }
0x73: {  	_ =	shalt  }
0x74: {  	_ =	shalt  }
0x75: {  	_ =	shalt  }
0x76: {  	_ =	shalt  }
0x77: {  	_ =	shalt  }
0x78: {  	_ =	shalt  }
0x79: {  	_ =	shalt  }
0x7a: {  	_ =	shalt  }
0x7b: {  	_ =	shalt  }
0x7c: {  	_ =	shalt  }
0x7d: {  	_ =	shalt  }
0x7e: {  	_ =	shalt  }
0x7f: {  	_ =	shalt  }
0x80: {  	_ =	shalt  }
0x81: {  	_ =	shalt  }
0x82: {  	_ =	shalt  }
0x83: {  	_ =	shalt  }
0x84: {  	_ =	shalt  }
0x85: {  	_ =	shalt  }
0x86: {  	_ =	shalt  }
0x87: {  	_ =	shalt  }
.Lfunc_end0:
.L_simem_size_0:
called_computation_lowered:
.L_overlay_start_0:
0x88: {  	s2 =	sld [smem:$0x3FD9]  }
0x89: {  	s3 =	sld [smem:$0x3FFE];
	_ =	sdelay $0x1  }
0x8a: {  	s1 =	srdreg.scid  }
0x8b: {  	s0 =	sand.u32 $0x1, s1  }
0x8c: {  	s17 =	sshll.u32 s0, $0xA;
	s2 =	sadd.s32 s3, s2  }
0x8d: {  	s2 =	sadd.s32 s2, s17  }
0x8e: {  	[smem:$0x3FC4] =	sst s2  }
0x8f: {  	_ = 	snop  }
0x90: {  	s2 =	sld [smem:$0x3FC9]  }
0x91: {  	s18 =	sld [smem:$0x3FC8];
	(tm) =	ssettm $0x1  }
0x92: {  	s4 =	sld [smem:$0x3FFB];
	_ =	sdelay $0x3  }
0x93: {  	_ =	strace s4  }
0x94: {  	s4 =	sld [smem:$0x3FFC];
	_ =	sdelay $0x3  }
0x95: {  	_ =	strace s4  }
0x96: {  	s4 =	sld [smem:$0x3FFD];
	_ =	sdelay $0x3  }
0x97: {  	_ =	strace s4  }
0x98: {  	_ =	strace $0x8FFFFFFF  }
0x99: {  	s19 =	sld [smem:$0x3FDB];
	_ =	sdelay $0x1  }
0x9a: {  	s5 =	simm.s32 $_scs_section_size  }
0x9b: {  	s6 =	simm.s32 $_size__tile_overlayer_lowered;
	s7 =	simm.s32 $_tile_overlayer_lowered  }
0x9c: {  	s22 =	simm.s32 $0x1BFF;
	s21 =	sshll.u32 s7, $0x1;
	s4 =	sadd.s32 s5, s19  }
0x9d: {  	s8 =	simm.s32 $0x0;
	s20 =	sshll.u32 s6, $0x1;
	s6 =	sadd.s32 s21, s4  }
0x9e: {  	[timem:s8], [sflag:s22] =	dma.local [hbm:s6], s20  }
0x9f: {  	_ =	swait.ge [sflag:s22], s20  }
0xa0: {  	s5 =	ssub.s32 $0x0, s20;
	[sflag:s22] =	ssyncset.done $0x0  }
0xa1: {  	[sflag:s22] =	ssyncadd.s32 s5;
	_ =	sdelay $0x1  }
0xa2: {  	s23 =	simm.s32 $0x1B8B  }
0xa3: {  	_ =	swait.ge [sflag:s23], $0x1  }
0xa4: {  	[sflag:s23] =	ssyncset.done $0x0  }
0xa5: {  	s25 =	simm.s32 $0x1B8E;
	s24 =	sld [smem:$0x3FFE];
	[sflag:s23] =	ssyncadd.s32 $0xFFFFFFFF  }
0xa6: {  	s26 =	simm.s32 $execute0_lowered;
	[smem:$0x3FD2] =	sst s25  }
0xa7: {  	s6 =	sshll.u32 s26, $0x1;
	_ =	strace $0x80000046;
	[dreg:$0x1] =	wrdreg $0xFFFFFFFF  }
0xa8: {  	s28 =	simm.s32 $_size_execute0_lowered;
	s4 =	sadd.s32 s4, s6;
	[dreg:$0x0] =	wrdreg $0x0  }
0xa9: {  	s6 =	sshll.u32 s28, $0x1;
	[dreg:$0x2] =	wrdreg s4  }
0xaa: {  	[dreg:$0x3] =	wrdreg s6  }
0xab: {  	[dreg:$0x4] =	wrdreg $0xC0  }
0xac: {  	_ =	task [dreg:s8], $0x5FFFF  }
0xad: {  	[dreg:$0x1] =	wrdreg $0xFFFFFFFF  }
0xae: {  	[dreg:$0x0] =	wrdreg $0x60  }
0xaf: {  	[dreg:$0x2] =	wrdreg s2  }
0xb0: {  	[dreg:$0x3] =	wrdreg s18  }
0xb1: {  	[dreg:$0x4] =	wrdreg s24  }
0xb2: {  	[dreg:$0x5] =	wrdreg $0x9  }
0xb3: {  	_ =	task.clear_ibuf [dreg:s8], $0x6FFFF;
	_ =	strace $0x90000046  }
0xb4: {  	s29 =	simm.s32 $0x9;
	_ =	strace $0x80000048  }
0xb5: {  	_ =	swait.ge [sflag:s29], $0x1  }
0xb6: {  	[sflag:s29] =	ssyncadd.s32 $0xFFFFFFFF  }
0xb7: {  	_ =	strace $0x90000048  }
0xb8: {  	_ =	sfence  }
0xb9: {  	s30 =	sld [smem:$0x0];
	_ =	sdelay $0x2  }
0xba: {  	s31 =	sshll.u32 s1, $0xD;
	s1 =	sshrl.u32 s1, $0x2  }
0xbb: {  	s3 =	sand.u32 $0x4000, s31;
	s1 =	sadd.s32 s1, s30  }
0xbc: {  	s0 =	sor.u32 s3, s0;
	s1 =	sshll.u32 s1, $0x11  }
0xbd: {  	s0 =	sor.u32 s1, s0  }
0xbe: {  	s0 =	sadd.s32 $0x8F2B, s0  }
0xbf: {  	[sflag:s0] =	ssyncadd.remote.s32 $0x1  }
0xc0: {  	_ =	sfence.sel $0xFFFF  }
0xc1: {  	[dreg:$0x0] =	wrdreg $0xFFFFFFFF;
	(pc) =	sbr.abs _section_cstart, $3  }
0xc2: {  	[dreg:$0x1] =	wrdreg $0xFFFFFFFF  }
0xc3: {  	_ =	task.clear_ibuf [dreg:s8], $0x2FFFF;
	_ =	strace $0x9FFFFFFF  }
0xc4: {  	(tm) =	ssettm $0x7FFFFFFF  }
0xc5: {  	_ =	shalt  }
tec
execute0_lowered:
.L_overlay_start_1:
0x0: {  	(tag) =	ssettag $0x1  }
0x1: {  	s1 =	rddreg [dreg:$0x0];
	v0 =	vlaneseq.u32  }
0x2: {  	s3 =	rddreg [dreg:$0x1];
	s5 =	simm.s32 $0x0;
	v1 =	vmul.u32 $0x10, v0  }
0x3: {  	s0 =	srdreg.scid;
	[smem:$0x7FF] =	sst s5  }
0x4: {  	s4 =	stileid.u32;
	s2 =	rddreg [dreg:$0x2];
	_ =	strace $0x80000047;
	v4 =	vor.u32 $0x1, v1;
	[tilespmem:$0x1FFE0] =	vst v1  }
0x5: {  	s13 =	simm.s32 $0x4000;
	s14 =	simm.s32 $0x6000;
	s15 =	simm.s32 $0x1;
	[tilespmem:$0x1FF00] =	vst v4;
	v4 =	vor.u32 $0x2, v1  }
0x6: {  	s16 =	simm.s32 $0x2;
	s17 =	simm.s32 $0x8000;
	s18 =	simm.s32 $0x8800;
	[tilespmem:$0x1FF10] =	vst v4;
	v4 =	vor.u32 $0x3, v1  }
0x7: {  	s19 =	simm.s32 $0x8100;
	s20 =	simm.s32 $0x8900;
	s21 =	simm.s32 $0x8200;
	[tilespmem:$0x1FF20] =	vst v4;
	v4 =	vor.u32 $0x4, v1  }
0x8: {  	s22 =	simm.s32 $0x8A00;
	s28 =	simm.s32 $0x8500;
	s29 =	simm.s32 $0x8D00;
	[tilespmem:$0x1FF30] =	vst v4;
	v4 =	vor.u32 $0x5, v1  }
0x9: {  	s30 =	simm.s32 $0x8600;
	s0 =	sand.u32 $0x1, s0;
	s4 =	sshll.u32 s4, $0x1;
	[tilespmem:$0x1FF40] =	vst v4;
	v4 =	vor.u32 $0x6, v1  }
0xa: {  	s31 =	simm.s32 $0x8E00;
	s4 =	sor.u32 s0, s4;
	s0 =	ssub.s32 $0x2, s0;
	[tilespmem:$0x1FF50] =	vst v4;
	v4 =	vor.u32 $0x7, v1  }
0xb: {  	s23 =	smul.u32 $0xC000, s4;
	s4 =	sshll.u32 s4, $0x1;
	s6 =	sshrl.u32 s0, $0x1;
	[tilespmem:$0x1FF60] =	vst v4;
	v4 =	vor.u32 $0x8, v1  }
0xc: {  	s12 =	simm.s32 $0x3;
	s2 =	sadd.s32 s4, s2;
	s0 =	ssub.s32 s0, s6;
	[tilespmem:$0x1FF70] =	vst v4;
	v4 =	vor.u32 $0x9, v1  }
0xd: {  	s6 =	simm.s32 $0x0;
	s24 =	sshrl.u32 s23, $0x3;
	s7 =	sadd.s32 $0x4000, s23;
	[tilespmem:$0x1FF80] =	vst v4;
	v4 =	vor.u32 $0xA, v1  }
0xe: {  	s8 =	sor.u32 $0x2000, s23;
	s26 =	sadd.s32 $0x1C00, s2;
	s2 =	sadd.s32 $0x1E00, s2;
	[tilespmem:$0x1FF90] =	vst v4;
	v4 =	vor.u32 $0xB, v1  }
0xf: {  	s0 =	smax.u32 s0, $0x1;
	s23 =	simm.s32 $0x8300;
	[dreg:$0x6] =	wrdreg s26;
	[tilespmem:$0x1FFA0] =	vst v4;
	v4 =	vor.u32 $0xC, v1  }
0x10: {  	s25 =	sadd.s32 s1, s24;
	s4 =	sadd.s32 s3, s24;
	[dreg:$0x7] =	wrdreg s2;
	[tilespmem:$0x1FFB0] =	vst v4;
	v4 =	vor.u32 $0xD, v1  }
0x11: {  	[dreg:$0x8] =	wrdreg s0;
	s24 =	simm.s32 $0x8B00;
	s26 =	simm.s32 $0x8C00;
	[tilespmem:$0x1FFC0] =	vst v4;
	v4 =	vor.u32 $0xE, v1  }
0x12: {  	s2 =	simm.s32 $0x8700;
	s0 =	simm.s32 $0x8F00;
	[dreg:$0x4] =	wrdreg s25;
	v1 =	vor.u32 $0xF, v1;
	[tilespmem:$0x1FFD0] =	vst v4  }
0x13: {  	v2 =	vimm.f32 $+Inf;
	v3 =	vimm.f32 $-Inf;
	[dreg:$0x5] =	wrdreg s4;
	s25 =	simm.s32 $0x8400;
	s4 =	simm.s32 $0x4;
	[tilespmem:$0x1FFF0] =	vst v1  }
.LBB2_1:
0x14: {  	[dreg:$0x9] =	wrdreg s6;
	s5 =	simm.s32 $0x0;
	s6 =	simm.s32 $0x40  }
.LBB2_2:
0x15: {  	p0 =	sne.s32 s6, $0x3C0;
	[tilespmem:s5+$0x8F00] =	vst v3  }
0x16: {  	[tilespmem:s5+$0x8000] =	vst v2  }
0x17: {  	[tilespmem:s5+$0x8800] =	vst v3  }
0x18: {  	[tilespmem:s5+$0x8100] =	vst v2  }
0x19: {  	[tilespmem:s5+$0x8900] =	vst v3  }
0x1a: {  	[tilespmem:s5+$0x8200] =	vst v2  }
0x1b: {  	[tilespmem:s5+$0x8A00] =	vst v3  }
0x1c: {  	[tilespmem:s5+$0x8300] =	vst v2  }
0x1d: {  	[tilespmem:s5+$0x8B00] =	vst v3  }
0x1e: {  	[tilespmem:s5+$0x8400] =	vst v2  }
0x1f: {  	[tilespmem:s5+$0x8C00] =	vst v3  }
.Ltmp0:
0x20: {  	[tilespmem:s5+$0x8500] =	vst v2;
	(pc) =	sbr.rel @p0 .LBB2_2-.Ltmp0, $4  }
0x21: {  	[tilespmem:s5+$0x8D00] =	vst v3  }
0x22: {  	[tilespmem:s5+$0x8600] =	vst v2  }
0x23: {  	[tilespmem:s5+$0x8E00] =	vst v3  }
0x24: {  	[tilespmem:s5+$0x8700] =	vst v2;
	s5 =	sshra.s32 s6, $0x2;
	s6 =	sadd.s32 $0x40, s6  }
0x25: {  	[tilespmem:s5+$0x8F00] =	vst v3  }
0x26: {  	[tilespmem:s5+$0x8000] =	vst v2  }
0x27: {  	[tilespmem:s5+$0x8800] =	vst v3  }
0x28: {  	[tilespmem:s5+$0x8100] =	vst v2  }
0x29: {  	[tilespmem:s5+$0x8900] =	vst v3  }
0x2a: {  	[tilespmem:s5+$0x8200] =	vst v2  }
0x2b: {  	[tilespmem:s5+$0x8A00] =	vst v3  }
0x2c: {  	[tilespmem:s5+$0x8300] =	vst v2  }
0x2d: {  	[tilespmem:s5+$0x8B00] =	vst v3  }
0x2e: {  	[tilespmem:s5+$0x8400] =	vst v2  }
0x2f: {  	[tilespmem:s5+$0x8C00] =	vst v3  }
0x30: {  	[tilespmem:s5+$0x8500] =	vst v2  }
0x31: {  	[tilespmem:s5+$0x8D00] =	vst v3  }
0x32: {  	[tilespmem:s5+$0x8600] =	vst v2  }
0x33: {  	[tilespmem:s5+$0x8E00] =	vst v3  }
0x34: {  	[tilespmem:s5+$0x8700] =	vst v2;
	s10 =	simm.s32 $0x0;
	s9 =	rddreg [dreg:$0x4]  }
0x35: {  	[tilespmem:s10], [sflag:$0x1] =	stream.linear.gather [hbm4b:s9+s10], $0x2000, $0x38;
	[tilespmem:$0x9080] =	vst v63  }
0x36: {  	s11 =	rddreg [dreg:$0x5];
	s6 =	simm.s32 $0x2000  }
0x37: {  	[tilespmem:s6], [sflag:$0x2] =	stream.linear.gather [hbm4b:s11+s10], $0x2000, $0x38;
	[tilespmem:$0x9080] =	vst v63  }
0x38: {  	s11 =	simm.s32 $0x0  }
.LBB2_4:
0x39: {  	s5 =	sshll.u32 s11, $0xE  }
0x3a: {  	s6 =	sadd.s32 s5, s8  }
0x3b: {  	s6 =	sshrl.u32 s6, $0x3  }
0x3c: {  	s9 =	sadd.s32 s1, s6  }
0x3d: {  	[tilespmem:s13], [sflag:$0x3] =	stream.linear.gather [hbm4b:s9+s10], $0x2000, $0x38;
	[tilespmem:$0x9080] =	vst v63  }
0x3e: {  	s6 =	sadd.s32 s3, s6  }
0x3f: {  	[tilespmem:s14], [sflag:$0x4] =	stream.linear.gather [hbm4b:s6+s10], $0x2000, $0x38;
	[tilespmem:$0x9080] =	vst v63  }
0x40: {  	_ =	swait.ge [sflag:s15], $0x2000  }
0x41: {  	[sflag:s15] =	ssyncset.done $0x0  }
0x42: {  	[sflag:s15] =	ssyncadd.s32 $0xFFFFE000  }
0x43: {  	_ =	swait.ge [sflag:s16], $0x2000  }
0x44: {  	[sflag:s16] =	ssyncset.done $0x0  }
0x45: {  	s6 =	simm.s32 $0x0;
	[sflag:s16] =	ssyncadd.s32 $0xFFFFE000  }
.LBB2_5:
0x46: {  	s9 =	sshra.s32 s6, $0x2  }
0x47: {  	v1 =	vld [tilespmem:s9+$0x2000];
	_ =	sdelay $0x4  }
0x48: {  	v1 =	vshll.u32 v1, $0x4  }
0x49: {  	v1 =	vor.u32 v0, v1;
	_ =	sdelay $0x3  }
0x4a: {  	v4 =	vld [tilespmem:s9+$0x0]  }
0x4b: {  	v5 =	vld.idx.msk [tilespmem:v1+s17+$0x0], $0xffff;
	_ =	sdelay $0x4  }
0x4c: {  	v5 =	vmin.f32 v5, v4  }
0x4d: {  	[tilespmem:v1+s17+$0x0] =	vst.idx.msk $0xffff, v5  }
0x4e: {  	v5 =	vld.idx.msk [tilespmem:v1+s18+$0x0], $0xffff;
	_ =	sdelay $0x4  }
0x4f: {  	v4 =	vmax.f32 v5, v4  }
0x50: {  	[tilespmem:v1+s18+$0x0] =	vst.idx.msk $0xffff, v4  }
0x51: {  	v1 =	vld [tilespmem:s9+$0x2010];
	_ =	sdelay $0x4  }
0x52: {  	v1 =	vshll.u32 v1, $0x4  }
0x53: {  	v1 =	vor.u32 v0, v1;
	_ =	sdelay $0x3  }
0x54: {  	v4 =	vld [tilespmem:s9+$0x10]  }
0x55: {  	v5 =	vld.idx.msk [tilespmem:v1+s19+$0x0], $0xffff;
	_ =	sdelay $0x4  }
0x56: {  	v5 =	vmin.f32 v5, v4  }
0x57: {  	[tilespmem:v1+s19+$0x0] =	vst.idx.msk $0xffff, v5  }
0x58: {  	v5 =	vld.idx.msk [tilespmem:v1+s20+$0x0], $0xffff;
	_ =	sdelay $0x4  }
0x59: {  	v4 =	vmax.f32 v5, v4  }
0x5a: {  	[tilespmem:v1+s20+$0x0] =	vst.idx.msk $0xffff, v4  }
0x5b: {  	v1 =	vld [tilespmem:s9+$0x2020];
	_ =	sdelay $0x4  }
0x5c: {  	v1 =	vshll.u32 v1, $0x4  }
0x5d: {  	v1 =	vor.u32 v0, v1;
	_ =	sdelay $0x3  }
0x5e: {  	v4 =	vld [tilespmem:s9+$0x20]  }
0x5f: {  	v5 =	vld.idx.msk [tilespmem:v1+s21+$0x0], $0xffff;
	_ =	sdelay $0x4  }
0x60: {  	v5 =	vmin.f32 v5, v4  }
0x61: {  	[tilespmem:v1+s21+$0x0] =	vst.idx.msk $0xffff, v5  }
0x62: {  	v5 =	vld.idx.msk [tilespmem:v1+s22+$0x0], $0xffff;
	_ =	sdelay $0x4  }
0x63: {  	v4 =	vmax.f32 v5, v4  }
0x64: {  	[tilespmem:v1+s22+$0x0] =	vst.idx.msk $0xffff, v4  }
0x65: {  	v1 =	vld [tilespmem:s9+$0x2030];
	_ =	sdelay $0x4  }
0x66: {  	v1 =	vshll.u32 v1, $0x4  }
0x67: {  	v1 =	vor.u32 v0, v1;
	_ =	sdelay $0x3  }
0x68: {  	v4 =	vld [tilespmem:s9+$0x30]  }
0x69: {  	v5 =	vld.idx.msk [tilespmem:v1+s23+$0x0], $0xffff;
	_ =	sdelay $0x4  }
0x6a: {  	v5 =	vmin.f32 v5, v4  }
0x6b: {  	[tilespmem:v1+s23+$0x0] =	vst.idx.msk $0xffff, v5  }
0x6c: {  	v5 =	vld.idx.msk [tilespmem:v1+s24+$0x0], $0xffff;
	_ =	sdelay $0x4  }
0x6d: {  	v4 =	vmax.f32 v5, v4  }
0x6e: {  	[tilespmem:v1+s24+$0x0] =	vst.idx.msk $0xffff, v4  }
0x6f: {  	v1 =	vld [tilespmem:s9+$0x2040];
	_ =	sdelay $0x4  }
0x70: {  	v1 =	vshll.u32 v1, $0x4  }
0x71: {  	v1 =	vor.u32 v0, v1;
	_ =	sdelay $0x3  }
0x72: {  	v4 =	vld [tilespmem:s9+$0x40]  }
0x73: {  	v5 =	vld.idx.msk [tilespmem:v1+s25+$0x0], $0xffff;
	_ =	sdelay $0x4  }
0x74: {  	v5 =	vmin.f32 v5, v4  }
0x75: {  	[tilespmem:v1+s25+$0x0] =	vst.idx.msk $0xffff, v5  }
0x76: {  	v5 =	vld.idx.msk [tilespmem:v1+s26+$0x0], $0xffff;
	_ =	sdelay $0x4  }
0x77: {  	v4 =	vmax.f32 v5, v4  }
0x78: {  	[tilespmem:v1+s26+$0x0] =	vst.idx.msk $0xffff, v4  }
0x79: {  	v1 =	vld [tilespmem:s9+$0x2050];
	_ =	sdelay $0x4  }
0x7a: {  	v1 =	vshll.u32 v1, $0x4  }
0x7b: {  	v1 =	vor.u32 v0, v1;
	_ =	sdelay $0x3  }
0x7c: {  	v4 =	vld [tilespmem:s9+$0x50]  }
0x7d: {  	v5 =	vld.idx.msk [tilespmem:v1+s28+$0x0], $0xffff;
	_ =	sdelay $0x4  }
0x7e: {  	v5 =	vmin.f32 v5, v4  }
0x7f: {  	[tilespmem:v1+s28+$0x0] =	vst.idx.msk $0xffff, v5  }
0x80: {  	v5 =	vld.idx.msk [tilespmem:v1+s29+$0x0], $0xffff;
	_ =	sdelay $0x4  }
0x81: {  	v4 =	vmax.f32 v5, v4  }
0x82: {  	[tilespmem:v1+s29+$0x0] =	vst.idx.msk $0xffff, v4  }
0x83: {  	v1 =	vld [tilespmem:s9+$0x2060];
	_ =	sdelay $0x4  }
0x84: {  	v1 =	vshll.u32 v1, $0x4  }
0x85: {  	v1 =	vor.u32 v0, v1;
	_ =	sdelay $0x3  }
0x86: {  	v4 =	vld [tilespmem:s9+$0x60]  }
0x87: {  	v5 =	vld.idx.msk [tilespmem:v1+s30+$0x0], $0xffff;
	_ =	sdelay $0x4  }
0x88: {  	v5 =	vmin.f32 v5, v4  }
0x89: {  	[tilespmem:v1+s30+$0x0] =	vst.idx.msk $0xffff, v5  }
0x8a: {  	v5 =	vld.idx.msk [tilespmem:v1+s31+$0x0], $0xffff;
	_ =	sdelay $0x4  }
0x8b: {  	v4 =	vmax.f32 v5, v4  }
0x8c: {  	[tilespmem:v1+s31+$0x0] =	vst.idx.msk $0xffff, v4  }
0x8d: {  	v1 =	vld [tilespmem:s9+$0x2070];
	_ =	sdelay $0x4  }
0x8e: {  	v1 =	vshll.u32 v1, $0x4  }
0x8f: {  	v1 =	vor.u32 v0, v1;
	_ =	sdelay $0x3  }
0x90: {  	v4 =	vld [tilespmem:s9+$0x70]  }
0x91: {  	v5 =	vld.idx.msk [tilespmem:v1+s2+$0x0], $0xffff;
	_ =	sdelay $0x4  }
0x92: {  	v5 =	vmin.f32 v5, v4  }
0x93: {  	[tilespmem:v1+s2+$0x0] =	vst.idx.msk $0xffff, v5  }
0x94: {  	v5 =	vld.idx.msk [tilespmem:v1+s0+$0x0], $0xffff  }
0x95: {  	p0 =	sne.s32 s6, $0x7E00  }
.Ltmp1:
0x96: {  	_ = 	snop;
	(pc) =	sbr.rel @p0 .LBB2_5-.Ltmp1, $3  }
0x97: {  	_ =	sdelay $0x1  }
0x98: {  	v4 =	vmax.f32 v5, v4  }
0x99: {  	s6 =	sadd.s32 $0x200, s6;
	[tilespmem:v1+s0+$0x0] =	vst.idx.msk $0xffff, v4  }
0x9a: {  	p0 =	seq.s32 s11, $0x2  }
0x9b: {  	s5 =	sadd.s32 @!p0 s5, s7  }
0x9c: {  	s5 =	sshrl.u32 @!p0 s5, $0x3  }
0x9d: {  	s9 =	simm.s32 @!p0 $0x0;
	s6 =	sadd.s32 @!p0 s1, s5  }
0x9e: {  	[tilespmem:s9], [sflag:$0x1] =	stream.linear.gather @!p0 [hbm4b:s6+s9], $0x2000, $0x38;
	[tilespmem:$0x9080] =	vst v63  }
0x9f: {  	s5 =	sadd.s32 @!p0 s3, s5;
	s6 =	simm.s32 @!p0 $0x2000  }
0xa0: {  	[tilespmem:s6], [sflag:$0x2] =	stream.linear.gather @!p0 [hbm4b:s5+s9], $0x2000, $0x38;
	[tilespmem:$0x9080] =	vst v63  }
0xa1: {  	_ =	swait.ge [sflag:s12], $0x2000  }
0xa2: {  	[sflag:s12] =	ssyncset.done $0x0  }
0xa3: {  	[sflag:s12] =	ssyncadd.s32 $0xFFFFE000  }
0xa4: {  	_ =	swait.ge [sflag:s4], $0x2000  }
0xa5: {  	[sflag:s4] =	ssyncset.done $0x0  }
0xa6: {  	s5 =	simm.s32 $0x0;
	[sflag:s4] =	ssyncadd.s32 $0xFFFFE000  }
.LBB2_7:
0xa7: {  	s6 =	sshra.s32 s5, $0x2  }
0xa8: {  	v1 =	vld [tilespmem:s6+$0x6000];
	_ =	sdelay $0x4  }
0xa9: {  	v1 =	vshll.u32 v1, $0x4  }
0xaa: {  	v1 =	vor.u32 v0, v1;
	_ =	sdelay $0x3  }
0xab: {  	v4 =	vld [tilespmem:s6+$0x4000]  }
0xac: {  	v5 =	vld.idx.msk [tilespmem:v1+s17+$0x0], $0xffff;
	_ =	sdelay $0x4  }
0xad: {  	v5 =	vmin.f32 v5, v4  }
0xae: {  	[tilespmem:v1+s17+$0x0] =	vst.idx.msk $0xffff, v5  }
0xaf: {  	v5 =	vld.idx.msk [tilespmem:v1+s18+$0x0], $0xffff;
	_ =	sdelay $0x4  }
0xb0: {  	v4 =	vmax.f32 v5, v4  }
0xb1: {  	[tilespmem:v1+s18+$0x0] =	vst.idx.msk $0xffff, v4  }
0xb2: {  	v1 =	vld [tilespmem:s6+$0x6010];
	_ =	sdelay $0x4  }
0xb3: {  	v1 =	vshll.u32 v1, $0x4  }
0xb4: {  	v1 =	vor.u32 v0, v1;
	_ =	sdelay $0x3  }
0xb5: {  	v4 =	vld [tilespmem:s6+$0x4010]  }
0xb6: {  	v5 =	vld.idx.msk [tilespmem:v1+s19+$0x0], $0xffff;
	_ =	sdelay $0x4  }
0xb7: {  	v5 =	vmin.f32 v5, v4  }
0xb8: {  	[tilespmem:v1+s19+$0x0] =	vst.idx.msk $0xffff, v5  }
0xb9: {  	v5 =	vld.idx.msk [tilespmem:v1+s20+$0x0], $0xffff;
	_ =	sdelay $0x4  }
0xba: {  	v4 =	vmax.f32 v5, v4  }
0xbb: {  	[tilespmem:v1+s20+$0x0] =	vst.idx.msk $0xffff, v4  }
0xbc: {  	v1 =	vld [tilespmem:s6+$0x6020];
	_ =	sdelay $0x4  }
0xbd: {  	v1 =	vshll.u32 v1, $0x4  }
0xbe: {  	v1 =	vor.u32 v0, v1;
	_ =	sdelay $0x3  }
0xbf: {  	v4 =	vld [tilespmem:s6+$0x4020]  }
0xc0: {  	v5 =	vld.idx.msk [tilespmem:v1+s21+$0x0], $0xffff;
	_ =	sdelay $0x4  }
0xc1: {  	v5 =	vmin.f32 v5, v4  }
0xc2: {  	[tilespmem:v1+s21+$0x0] =	vst.idx.msk $0xffff, v5  }
0xc3: {  	v5 =	vld.idx.msk [tilespmem:v1+s22+$0x0], $0xffff;
	_ =	sdelay $0x4  }
0xc4: {  	v4 =	vmax.f32 v5, v4  }
0xc5: {  	[tilespmem:v1+s22+$0x0] =	vst.idx.msk $0xffff, v4  }
0xc6: {  	v1 =	vld [tilespmem:s6+$0x6030];
	_ =	sdelay $0x4  }
0xc7: {  	v1 =	vshll.u32 v1, $0x4  }
0xc8: {  	v1 =	vor.u32 v0, v1;
	_ =	sdelay $0x3  }
0xc9: {  	v4 =	vld [tilespmem:s6+$0x4030]  }
0xca: {  	v5 =	vld.idx.msk [tilespmem:v1+s23+$0x0], $0xffff;
	_ =	sdelay $0x4  }
0xcb: {  	v5 =	vmin.f32 v5, v4  }
0xcc: {  	[tilespmem:v1+s23+$0x0] =	vst.idx.msk $0xffff, v5  }
0xcd: {  	v5 =	vld.idx.msk [tilespmem:v1+s24+$0x0], $0xffff;
	_ =	sdelay $0x4  }
0xce: {  	v4 =	vmax.f32 v5, v4  }
0xcf: {  	[tilespmem:v1+s24+$0x0] =	vst.idx.msk $0xffff, v4  }
0xd0: {  	v1 =	vld [tilespmem:s6+$0x6040];
	_ =	sdelay $0x4  }
0xd1: {  	v1 =	vshll.u32 v1, $0x4  }
0xd2: {  	v1 =	vor.u32 v0, v1;
	_ =	sdelay $0x3  }
0xd3: {  	v4 =	vld [tilespmem:s6+$0x4040]  }
0xd4: {  	v5 =	vld.idx.msk [tilespmem:v1+s25+$0x0], $0xffff;
	_ =	sdelay $0x4  }
0xd5: {  	v5 =	vmin.f32 v5, v4  }
0xd6: {  	[tilespmem:v1+s25+$0x0] =	vst.idx.msk $0xffff, v5  }
0xd7: {  	v5 =	vld.idx.msk [tilespmem:v1+s26+$0x0], $0xffff;
	_ =	sdelay $0x4  }
0xd8: {  	v4 =	vmax.f32 v5, v4  }
0xd9: {  	[tilespmem:v1+s26+$0x0] =	vst.idx.msk $0xffff, v4  }
0xda: {  	v1 =	vld [tilespmem:s6+$0x6050];
	_ =	sdelay $0x4  }
0xdb: {  	v1 =	vshll.u32 v1, $0x4  }
0xdc: {  	v1 =	vor.u32 v0, v1;
	_ =	sdelay $0x3  }
0xdd: {  	v4 =	vld [tilespmem:s6+$0x4050]  }
0xde: {  	v5 =	vld.idx.msk [tilespmem:v1+s28+$0x0], $0xffff;
	_ =	sdelay $0x4  }
0xdf: {  	v5 =	vmin.f32 v5, v4  }
0xe0: {  	[tilespmem:v1+s28+$0x0] =	vst.idx.msk $0xffff, v5  }
0xe1: {  	v5 =	vld.idx.msk [tilespmem:v1+s29+$0x0], $0xffff;
	_ =	sdelay $0x4  }
0xe2: {  	v4 =	vmax.f32 v5, v4  }
0xe3: {  	[tilespmem:v1+s29+$0x0] =	vst.idx.msk $0xffff, v4  }
0xe4: {  	v1 =	vld [tilespmem:s6+$0x6060];
	_ =	sdelay $0x4  }
0xe5: {  	v1 =	vshll.u32 v1, $0x4  }
0xe6: {  	v1 =	vor.u32 v0, v1;
	_ =	sdelay $0x3  }
0xe7: {  	v4 =	vld [tilespmem:s6+$0x4060]  }
0xe8: {  	v5 =	vld.idx.msk [tilespmem:v1+s30+$0x0], $0xffff;
	_ =	sdelay $0x4  }
0xe9: {  	v5 =	vmin.f32 v5, v4  }
0xea: {  	[tilespmem:v1+s30+$0x0] =	vst.idx.msk $0xffff, v5  }
0xeb: {  	v5 =	vld.idx.msk [tilespmem:v1+s31+$0x0], $0xffff;
	_ =	sdelay $0x4  }
0xec: {  	v4 =	vmax.f32 v5, v4  }
0xed: {  	[tilespmem:v1+s31+$0x0] =	vst.idx.msk $0xffff, v4  }
0xee: {  	v1 =	vld [tilespmem:s6+$0x6070];
	_ =	sdelay $0x4  }
0xef: {  	v1 =	vshll.u32 v1, $0x4  }
0xf0: {  	v1 =	vor.u32 v0, v1;
	_ =	sdelay $0x3  }
0xf1: {  	v4 =	vld [tilespmem:s6+$0x4070]  }
0xf2: {  	v5 =	vld.idx.msk [tilespmem:v1+s2+$0x0], $0xffff;
	_ =	sdelay $0x4  }
0xf3: {  	v5 =	vmin.f32 v5, v4  }
0xf4: {  	[tilespmem:v1+s2+$0x0] =	vst.idx.msk $0xffff, v5  }
0xf5: {  	v5 =	vld.idx.msk [tilespmem:v1+s0+$0x0], $0xffff  }
0xf6: {  	p0 =	sne.s32 s5, $0x7E00  }
.Ltmp2:
0xf7: {  	_ = 	snop;
	(pc) =	sbr.rel @p0 .LBB2_7-.Ltmp2, $3  }
0xf8: {  	_ =	sdelay $0x1  }
0xf9: {  	v4 =	vmax.f32 v5, v4  }
0xfa: {  	s5 =	sadd.s32 $0x200, s5;
	[tilespmem:v1+s0+$0x0] =	vst.idx.msk $0xffff, v4  }
0xfb: {  	s11 =	sadd.s32 $0x1, s11  }
0xfc: {  	p0 =	sne.s32 s11, $0x3  }
.Ltmp3:
0xfd: {  	_ = 	snop;
	(pc) =	sbr.rel @p0 .LBB2_4-.Ltmp3, $1  }
0xfe: {  	_ =	sdelay $0x3  }
0xff: {  	v17 =	vld [tilespmem:$0x8000]  }
0x100: {  	v18 =	vld [tilespmem:$0x8800]  }
0x101: {  	v8 =	vld [tilespmem:$0x8100]  }
0x102: {  	v4 =	vld [tilespmem:$0x8900]  }
0x103: {  	v11 =	vld [tilespmem:$0x8200]  }
0x104: {  	v12 =	vld [tilespmem:$0x8A00]  }
0x105: {  	v19 =	vld [tilespmem:$0x8300]  }
0x106: {  	v13 =	vld [tilespmem:$0x8B00]  }
0x107: {  	v21 =	vld [tilespmem:$0x8400]  }
0x108: {  	v22 =	vld [tilespmem:$0x8C00]  }
0x109: {  	v27 =	vld [tilespmem:$0x8500]  }
0x10a: {  	v28 =	vld [tilespmem:$0x8D00]  }
0x10b: {  	v35 =	vld [tilespmem:$0x8600]  }
0x10c: {  	v50 =	vld [tilespmem:$0x8E00]  }
0x10d: {  	v1 =	vld [tilespmem:$0x8700]  }
0x10e: {  	v5 =	vld [tilespmem:$0x8010]  }
0x10f: {  	v14 =	vld [tilespmem:$0x8810]  }
0x110: {  	v6 =	vld [tilespmem:$0x8910]  }
0x111: {  	v7 =	vld [tilespmem:$0x8210]  }
0x112: {  	v15 =	vld [tilespmem:$0x8A10]  }
0x113: {  	v16 =	vld [tilespmem:$0x8310]  }
0x114: {  	v29 =	vld [tilespmem:$0x8B10]  }
0x115: {  	v26 =	vld [tilespmem:$0x8410]  }
0x116: {  	v36 =	vld [tilespmem:$0x8C10]  }
0x117: {  	v37 =	vld [tilespmem:$0x8510]  }
0x118: {  	v38 =	vld [tilespmem:$0x8D10]  }
0x119: {  	v59 =	vld [tilespmem:$0x8610]  }
0x11a: {  	v9 =	vld [tilespmem:$0x8E10]  }
0x11b: {  	v42 =	vld [tilespmem:$0x8710]  }
0x11c: {  	v43 =	vld [tilespmem:$0x8F10]  }
0x11d: {  	v23 =	vld [tilespmem:$0x8020]  }
0x11e: {  	v24 =	vld [tilespmem:$0x8820]  }
0x11f: {  	v10 =	vld [tilespmem:$0x8920]  }
0x120: {  	v25 =	vld [tilespmem:$0x8220]  }
0x121: {  	v20 =	vld [tilespmem:$0x8A20]  }
0x122: {  	v31 =	vld [tilespmem:$0x8320]  }
0x123: {  	v32 =	vld [tilespmem:$0x8B20]  }
0x124: {  	v39 =	vld [tilespmem:$0x8420]  }
0x125: {  	v40 =	vld [tilespmem:$0x8C20]  }
0x126: {  	v52 =	vld [tilespmem:$0x8520]  }
0x127: {  	v53 =	vld [tilespmem:$0x8D20]  }
0x128: {  	v57 =	vld [tilespmem:$0x8620]  }
0x129: {  	v30 =	vld [tilespmem:$0x8E20]  }
0x12a: {  	v44 =	vld [tilespmem:$0x8720]  }
0x12b: {  	v45 =	vld [tilespmem:$0x8F20]  }
0x12c: {  	v41 =	vld [tilespmem:$0x8030]  }
0x12d: {  	v33 =	vld [tilespmem:$0x8130]  }
0x12e: {  	v54 =	vld [tilespmem:$0x8330]  }
0x12f: {  	v48 =	vld [tilespmem:$0x8B30]  }
0x130: {  	v34 =	vld [tilespmem:$0x8430]  }
0x131: {  	v46 =	vld [tilespmem:$0x8C30]  }
0x132: {  	v47 =	vld [tilespmem:$0x8530]  }
0x133: {  	v49 =	vld [tilespmem:$0x8D30]  }
0x134: {  	v51 =	vld [tilespmem:$0x8630]  }
0x135: {  	v55 =	vld [tilespmem:$0x8E30]  }
0x136: {  	v56 =	vld [tilespmem:$0x8730]  }
0x137: {  	v58 =	vld [tilespmem:$0x8F30]  }
0x138: {  	v60 =	vld [tilespmem:$0x8440]  }
0x139: {  	v61 =	vld [tilespmem:$0x8C40]  }
0x13a: {  	v62 =	vld [tilespmem:$0x8540]  }
0x13b: {  	v63 =	vld [tilespmem:$0x8D40];
	[tilespmem:$0x1F6B0] =	vst v1  }
0x13c: {  	v1 =	vld [tilespmem:$0x8F00];
	[tilespmem:$0x1F6D0] =	vst v9  }
0x13d: {  	[tilespmem:$0x1F6E0] =	vst v42;
	v9 =	vld [tilespmem:$0x8120]  }
0x13e: {  	[tilespmem:$0x1F6F0] =	vst v43;
	v42 =	vld [tilespmem:$0x8830]  }
0x13f: {  	[tilespmem:$0x1F700] =	vst v30;
	v30 =	vld [tilespmem:$0x8930]  }
0x140: {  	[tilespmem:$0x1F710] =	vst v44;
	v43 =	vld [tilespmem:$0x8230]  }
0x141: {  	[tilespmem:$0x1F720] =	vst v45;
	v44 =	vld [tilespmem:$0x8A30]  }
0x142: {  	[tilespmem:$0x1F750] =	vst v47;
	v47 =	vld [tilespmem:$0x8040]  }
0x143: {  	[tilespmem:$0x1F7C0] =	vst v58;
	v58 =	vld [tilespmem:$0x8840]  }
0x144: {  	[tilespmem:$0x1F730] =	vst v34;
	v34 =	vld [tilespmem:$0x8140]  }
0x145: {  	[tilespmem:$0x1F740] =	vst v46;
	v45 =	vld [tilespmem:$0x8940]  }
0x146: {  	[tilespmem:$0x1F7B0] =	vst v60;
	v60 =	vld [tilespmem:$0x8640]  }
0x147: {  	[tilespmem:$0x1F760] =	vst v49;
	v46 =	vld [tilespmem:$0x8240]  }
0x148: {  	[tilespmem:$0x1F780] =	vst v55;
	v55 =	vld [tilespmem:$0x8A40]  }
0x149: {  	[tilespmem:$0x1F790] =	vst v56;
	v56 =	vld [tilespmem:$0x8340]  }
0x14a: {  	[tilespmem:$0x1F770] =	vst v51;
	v49 =	vld [tilespmem:$0x8B40]  }
0x14b: {  	[tilespmem:$0x1F800] =	vst v60;
	v60 =	vld [tilespmem:$0x8A50]  }
0x14c: {  	[tilespmem:$0x1F7D0] =	vst v61;
	v61 =	vld [tilespmem:$0x8E40]  }
0x14d: {  	[tilespmem:$0x1F7E0] =	vst v62;
	v62 =	vld [tilespmem:$0x8740]  }
0x14e: {  	[tilespmem:$0x1F7F0] =	vst v63;
	v63 =	vld [tilespmem:$0x8F40]  }
0x14f: {  	v51 =	vld [tilespmem:$0x8950];
	[tilespmem:$0x1F6C0] =	vst v1  }
0x150: {  	[tilespmem:$0x1F810] =	vst v60;
	v60 =	vld [tilespmem:$0x8350]  }
0x151: {  	v1 =	vld [tilespmem:$0x8110];
	[tilespmem:$0x1F7A0] =	vst v49  }
0x152: {  	[tilespmem:$0x1F820] =	vst v61;
	v61 =	vld [tilespmem:$0x8050]  }
0x153: {  	[tilespmem:$0x1F850] =	vst v62;
	v62 =	vld [tilespmem:$0x8850]  }
0x154: {  	[tilespmem:$0x1F880] =	vst v63;
	v49 =	vld [tilespmem:$0x8150]  }
0x155: {  	v63 =	vld [tilespmem:$0x8250];
	[tilespmem:$0x1F830] =	vst v60  }
0x156: {  	v60 =	vld [tilespmem:$0x8B50];
	_ =	sdelay $0x4  }
0x157: {  	[tilespmem:$0x1F840] =	vst v60;
	v60 =	vld [tilespmem:$0x8450];
	_ =	sdelay $0x4  }
0x158: {  	[tilespmem:$0x1F860] =	vst v60;
	v60 =	vld [tilespmem:$0x8C50];
	_ =	sdelay $0x4  }
0x159: {  	[tilespmem:$0x1F870] =	vst v60;
	v60 =	vld [tilespmem:$0x8550];
	_ =	sdelay $0x4  }
0x15a: {  	[tilespmem:$0x1F890] =	vst v60;
	v60 =	vld [tilespmem:$0x8D50];
	_ =	sdelay $0x4  }
0x15b: {  	[tilespmem:$0x1F8A0] =	vst v60;
	v60 =	vld [tilespmem:$0x8650];
	_ =	sdelay $0x4  }
0x15c: {  	[tilespmem:$0x1F8B0] =	vst v60;
	v60 =	vld [tilespmem:$0x8E50];
	_ =	sdelay $0x4  }
0x15d: {  	[tilespmem:$0x1F900] =	vst v60;
	v60 =	vld [tilespmem:$0x8750];
	_ =	sdelay $0x4  }
0x15e: {  	[tilespmem:$0x1F930] =	vst v60;
	v60 =	vld [tilespmem:$0x8F50];
	_ =	sdelay $0x4  }
0x15f: {  	[tilespmem:$0x1F960] =	vst v60;
	v60 =	vld [tilespmem:$0x8060];
	_ =	sdelay $0x4  }
0x160: {  	[tilespmem:$0x1F8C0] =	vst v60;
	v60 =	vld [tilespmem:$0x8860];
	_ =	sdelay $0x4  }
0x161: {  	[tilespmem:$0x1F8E0] =	vst v60;
	v60 =	vld [tilespmem:$0x8160];
	_ =	sdelay $0x4  }
0x162: {  	[tilespmem:$0x1F8D0] =	vst v60;
	v60 =	vld [tilespmem:$0x8960];
	_ =	sdelay $0x4  }
0x163: {  	[tilespmem:$0x1F8F0] =	vst v60;
	v60 =	vld [tilespmem:$0x8260];
	_ =	sdelay $0x4  }
0x164: {  	[tilespmem:$0x1F910] =	vst v60;
	v60 =	vld [tilespmem:$0x8A60];
	_ =	sdelay $0x4  }
0x165: {  	[tilespmem:$0x1F920] =	vst v60;
	v60 =	vld [tilespmem:$0x8360];
	_ =	sdelay $0x4  }
0x166: {  	[tilespmem:$0x1F940] =	vst v60;
	v60 =	vld [tilespmem:$0x8B60];
	_ =	sdelay $0x4  }
0x167: {  	[tilespmem:$0x1F950] =	vst v60;
	v60 =	vld [tilespmem:$0x8460];
	_ =	sdelay $0x4  }
0x168: {  	[tilespmem:$0x1F970] =	vst v60;
	v60 =	vld [tilespmem:$0x8C60];
	_ =	sdelay $0x4  }
0x169: {  	[tilespmem:$0x1F980] =	vst v60;
	v60 =	vld [tilespmem:$0x8560];
	_ =	sdelay $0x4  }
0x16a: {  	[tilespmem:$0x1F990] =	vst v60;
	v60 =	vld [tilespmem:$0x8D60];
	_ =	sdelay $0x4  }
0x16b: {  	[tilespmem:$0x1F9A0] =	vst v60;
	v60 =	vld [tilespmem:$0x8660];
	_ =	sdelay $0x4  }
0x16c: {  	[tilespmem:$0x1F9D0] =	vst v60;
	v60 =	vld [tilespmem:$0x8E60];
	_ =	sdelay $0x4  }
0x16d: {  	[tilespmem:$0x1FA10] =	vst v60;
	v60 =	vld [tilespmem:$0x8760];
	_ =	sdelay $0x4  }
0x16e: {  	[tilespmem:$0x1FA40] =	vst v60;
	v60 =	vld [tilespmem:$0x8F60];
	_ =	sdelay $0x4  }
0x16f: {  	[tilespmem:$0x1FA70] =	vst v60;
	v60 =	vld [tilespmem:$0x8070];
	_ =	sdelay $0x4  }
0x170: {  	[tilespmem:$0x1F9B0] =	vst v60;
	v60 =	vld [tilespmem:$0x8870];
	_ =	sdelay $0x4  }
0x171: {  	[tilespmem:$0x1F9E0] =	vst v60;
	v60 =	vld [tilespmem:$0x8170];
	_ =	sdelay $0x4  }
0x172: {  	[tilespmem:$0x1F9C0] =	vst v60;
	v60 =	vld [tilespmem:$0x8970];
	_ =	sdelay $0x4  }
0x173: {  	[tilespmem:$0x1F9F0] =	vst v60;
	v60 =	vld [tilespmem:$0x8270];
	_ =	sdelay $0x4  }
0x174: {  	[tilespmem:$0x1FA00] =	vst v60;
	v60 =	vld [tilespmem:$0x8A70];
	_ =	sdelay $0x4  }
0x175: {  	[tilespmem:$0x1FA20] =	vst v60;
	v60 =	vld [tilespmem:$0x8370];
	_ =	sdelay $0x4  }
0x176: {  	[tilespmem:$0x1FA30] =	vst v60;
	v60 =	vld [tilespmem:$0x8B70];
	_ =	sdelay $0x4  }
0x177: {  	[tilespmem:$0x1FA50] =	vst v60;
	v60 =	vld [tilespmem:$0x8470];
	_ =	sdelay $0x4  }
0x178: {  	[tilespmem:$0x1FA60] =	vst v60;
	v60 =	vld [tilespmem:$0x8C70];
	_ =	sdelay $0x4  }
0x179: {  	[tilespmem:$0x1FA80] =	vst v60;
	v60 =	vld [tilespmem:$0x8570];
	_ =	sdelay $0x4  }
0x17a: {  	[tilespmem:$0x1FA90] =	vst v60;
	v60 =	vld [tilespmem:$0x8D70];
	_ =	sdelay $0x4  }
0x17b: {  	[tilespmem:$0x1FAA0] =	vst v60;
	v60 =	vld [tilespmem:$0x8670];
	_ =	sdelay $0x4  }
0x17c: {  	[tilespmem:$0x1FAF0] =	vst v60;
	v60 =	vld [tilespmem:$0x8E70];
	_ =	sdelay $0x4  }
0x17d: {  	[tilespmem:$0x1FB20] =	vst v60;
	v60 =	vld [tilespmem:$0x8770];
	_ =	sdelay $0x4  }
0x17e: {  	[tilespmem:$0x1FB50] =	vst v60;
	v60 =	vld [tilespmem:$0x8F70];
	_ =	sdelay $0x4  }
0x17f: {  	[tilespmem:$0x1FB80] =	vst v60;
	v60 =	vld [tilespmem:$0x8080];
	_ =	sdelay $0x4  }
0x180: {  	[tilespmem:$0x1FAB0] =	vst v60;
	v60 =	vld [tilespmem:$0x8880];
	_ =	sdelay $0x4  }
0x181: {  	[tilespmem:$0x1FAD0] =	vst v60;
	v60 =	vld [tilespmem:$0x8180];
	_ =	sdelay $0x4  }
0x182: {  	[tilespmem:$0x1FAC0] =	vst v60;
	v60 =	vld [tilespmem:$0x8980];
	_ =	sdelay $0x4  }
0x183: {  	[tilespmem:$0x1FAE0] =	vst v60;
	v60 =	vld [tilespmem:$0x8280];
	_ =	sdelay $0x4  }
0x184: {  	[tilespmem:$0x1FB00] =	vst v60;
	v60 =	vld [tilespmem:$0x8A80];
	_ =	sdelay $0x4  }
0x185: {  	[tilespmem:$0x1FB10] =	vst v60;
	v60 =	vld [tilespmem:$0x8380];
	_ =	sdelay $0x4  }
0x186: {  	[tilespmem:$0x1FB30] =	vst v60;
	v60 =	vld [tilespmem:$0x8B80];
	_ =	sdelay $0x4  }
0x187: {  	[tilespmem:$0x1FB40] =	vst v60;
	v60 =	vld [tilespmem:$0x8480];
	_ =	sdelay $0x4  }
0x188: {  	[tilespmem:$0x1FB60] =	vst v60;
	v60 =	vld [tilespmem:$0x8C80];
	_ =	sdelay $0x4  }
0x189: {  	[tilespmem:$0x1FB70] =	vst v60;
	v60 =	vld [tilespmem:$0x8580];
	_ =	sdelay $0x4  }
0x18a: {  	[tilespmem:$0x1FB90] =	vst v60;
	v60 =	vld [tilespmem:$0x8D80];
	_ =	sdelay $0x4  }
0x18b: {  	[tilespmem:$0x1FBA0] =	vst v60;
	v60 =	vld [tilespmem:$0x8680];
	_ =	sdelay $0x4  }
0x18c: {  	[tilespmem:$0x1FBB0] =	vst v60;
	v60 =	vld [tilespmem:$0x8E80];
	_ =	sdelay $0x4  }
0x18d: {  	[tilespmem:$0x1FC00] =	vst v60;
	v60 =	vld [tilespmem:$0x8780];
	_ =	sdelay $0x4  }
0x18e: {  	[tilespmem:$0x1FC30] =	vst v60;
	v60 =	vld [tilespmem:$0x8F80];
	_ =	sdelay $0x4  }
0x18f: {  	[tilespmem:$0x1FC60] =	vst v60;
	v60 =	vld [tilespmem:$0x8090];
	_ =	sdelay $0x4  }
0x190: {  	[tilespmem:$0x1FBC0] =	vst v60;
	v60 =	vld [tilespmem:$0x8890];
	_ =	sdelay $0x4  }
0x191: {  	[tilespmem:$0x1FBE0] =	vst v60;
	v60 =	vld [tilespmem:$0x8190];
	_ =	sdelay $0x4  }
0x192: {  	[tilespmem:$0x1FBD0] =	vst v60;
	v60 =	vld [tilespmem:$0x8990];
	_ =	sdelay $0x4  }
0x193: {  	[tilespmem:$0x1FBF0] =	vst v60;
	v60 =	vld [tilespmem:$0x8290];
	_ =	sdelay $0x4  }
0x194: {  	[tilespmem:$0x1FC10] =	vst v60;
	v60 =	vld [tilespmem:$0x8A90];
	_ =	sdelay $0x4  }
0x195: {  	[tilespmem:$0x1FC20] =	vst v60;
	v60 =	vld [tilespmem:$0x8390];
	_ =	sdelay $0x4  }
0x196: {  	[tilespmem:$0x1FC40] =	vst v60;
	v60 =	vld [tilespmem:$0x8B90];
	_ =	sdelay $0x4  }
0x197: {  	[tilespmem:$0x1FC50] =	vst v60;
	v60 =	vld [tilespmem:$0x8490];
	_ =	sdelay $0x4  }
0x198: {  	[tilespmem:$0x1FC70] =	vst v60;
	v60 =	vld [tilespmem:$0x8C90];
	_ =	sdelay $0x4  }
0x199: {  	[tilespmem:$0x1FC80] =	vst v60;
	v60 =	vld [tilespmem:$0x8590];
	_ =	sdelay $0x4  }
0x19a: {  	[tilespmem:$0x1FC90] =	vst v60;
	v60 =	vld [tilespmem:$0x8D90];
	_ =	sdelay $0x4  }
0x19b: {  	[tilespmem:$0x1FCA0] =	vst v60;
	v60 =	vld [tilespmem:$0x8690];
	_ =	sdelay $0x4  }
0x19c: {  	[tilespmem:$0x1FCD0] =	vst v60;
	v60 =	vld [tilespmem:$0x8E90];
	_ =	sdelay $0x4  }
0x19d: {  	[tilespmem:$0x1FD10] =	vst v60;
	v60 =	vld [tilespmem:$0x8790];
	_ =	sdelay $0x4  }
0x19e: {  	[tilespmem:$0x1FD40] =	vst v60;
	v60 =	vld [tilespmem:$0x8F90];
	_ =	sdelay $0x4  }
0x19f: {  	[tilespmem:$0x1FD70] =	vst v60;
	v60 =	vld [tilespmem:$0x80A0];
	_ =	sdelay $0x4  }
0x1a0: {  	[tilespmem:$0x1FCB0] =	vst v60;
	v60 =	vld [tilespmem:$0x88A0];
	_ =	sdelay $0x4  }
0x1a1: {  	[tilespmem:$0x1FCE0] =	vst v60;
	v60 =	vld [tilespmem:$0x81A0];
	_ =	sdelay $0x4  }
0x1a2: {  	[tilespmem:$0x1FCC0] =	vst v60;
	v60 =	vld [tilespmem:$0x89A0];
	_ =	sdelay $0x4  }
0x1a3: {  	[tilespmem:$0x1FCF0] =	vst v60;
	v60 =	vld [tilespmem:$0x82A0];
	_ =	sdelay $0x4  }
0x1a4: {  	[tilespmem:$0x1FD00] =	vst v60;
	v60 =	vld [tilespmem:$0x8AA0];
	_ =	sdelay $0x4  }
0x1a5: {  	[tilespmem:$0x1FD20] =	vst v60;
	v60 =	vld [tilespmem:$0x83A0];
	_ =	sdelay $0x4  }
0x1a6: {  	[tilespmem:$0x1FD30] =	vst v60;
	v60 =	vld [tilespmem:$0x8BA0]  }
0x1a7: {  	v4 =	vmax.f32 v18, v4  }
0x1a8: {  	v4 =	vmax.f32 v4, v12;
	v12 =	vld [tilespmem:$0x85B0]  }
0x1a9: {  	v4 =	vmax.f32 v4, v13;
	v13 =	vld [tilespmem:$0x8DB0]  }
0x1aa: {  	v1 =	vmin.f32 v5, v1;
	v5 =	vld [tilespmem:$0x86B0]  }
0x1ab: {  	[tilespmem:$0x1FD50] =	vst v60;
	v60 =	vld [tilespmem:$0x84A0]  }
0x1ac: {  	v8 =	vmin.f32 v17, v8;
	v17 =	vld [tilespmem:$0x8EB0]  }
0x1ad: {  	v8 =	vmin.f32 v8, v11;
	v18 =	vld [tilespmem:$0x87B0]  }
0x1ae: {  	v8 =	vmin.f32 v8, v19;
	v19 =	vld [tilespmem:$0x1F6B0]  }
0x1af: {  	v8 =	vmin.f32 v8, v21;
	v1 =	vmin.f32 v1, v7;
	v21 =	vld [tilespmem:$0x8FB0]  }
0x1b0: {  	v1 =	vmin.f32 v1, v16;
	[tilespmem:$0x1FD60] =	vst v60;
	v60 =	vld [tilespmem:$0x8CA0]  }
0x1b1: {  	v1 =	vmin.f32 v1, v26;
	v26 =	vld [tilespmem:$0x1F6C0]  }
0x1b2: {  	v4 =	vmax.f32 v4, v22;
	v7 =	vld [tilespmem:$0x81C0]  }
0x1b3: {  	v4 =	vmax.f32 v4, v28;
	v11 =	vld [tilespmem:$0x82C0]  }
0x1b4: {  	v4 =	vmax.f32 v4, v50;
	v50 =	vld [tilespmem:$0x1F730]  }
0x1b5: {  	[tilespmem:$0x1FD80] =	vst v60;
	v60 =	vld [tilespmem:$0x85A0]  }
0x1b6: {  	v8 =	vmin.f32 v8, v27;
	v27 =	vmax.f32 v24, v10;
	v1 =	vmin.f32 v1, v37;
	v10 =	vld [tilespmem:$0x8CC0]  }
0x1b7: {  	v28 =	vmin.f32 v1, v59;
	v59 =	vld [tilespmem:$0x1F770]  }
0x1b8: {  	v16 =	vld [tilespmem:$0x8DC0];
	[tilespmem:$0x1FEB0] =	vst v5  }
0x1b9: {  	[tilespmem:$0x1FED0] =	vst v17;
	v17 =	vld [tilespmem:$0x86C0]  }
0x1ba: {  	v6 =	vmax.f32 v14, v6;
	[tilespmem:$0x1FD90] =	vst v60;
	v60 =	vld [tilespmem:$0x8DA0]  }
0x1bb: {  	v6 =	vmax.f32 v6, v15;
	v5 =	vmin.f32 v8, v35;
	[tilespmem:$0x1FEF0] =	vst v21;
	v21 =	vmax.f32 v4, v26;
	v26 =	vld [tilespmem:$0x1F790]  }
0x1bc: {  	v22 =	vmin.f32 v5, v19;
	v5 =	vmax.f32 v6, v29;
	v29 =	vld [tilespmem:$0x1F6D0]  }
0x1bd: {  	v4 =	vmax.f32 v5, v36;
	v36 =	vld [tilespmem:$0x1F6F0]  }
0x1be: {  	v5 =	vld [tilespmem:$0x80C0]  }
0x1bf: {  	[tilespmem:$0x1FDA0] =	vst v60;
	v60 =	vld [tilespmem:$0x86A0]  }
0x1c0: {  	v6 =	vld [tilespmem:$0x88C0];
	v4 =	vmax.f32 v4, v38  }
0x1c1: {  	v4 =	vmax.f32 v4, v29;
	v29 =	vld [tilespmem:$0x1F7B0]  }
0x1c2: {  	v24 =	vmax.f32 v4, v36;
	v4 =	vld [tilespmem:$0x8AC0]  }
0x1c3: {  	[tilespmem:$0x1FEC0] =	vst v5;
	v5 =	vmin.f32 v23, v9;
	v9 =	vld [tilespmem:$0x84C0]  }
0x1c4: {  	[tilespmem:$0x1FDF0] =	vst v60;
	v60 =	vld [tilespmem:$0x8EA0]  }
0x1c5: {  	v23 =	vld [tilespmem:$0x1F780];
	v1 =	vmin.f32 v5, v25  }
0x1c6: {  	v5 =	vmax.f32 v27, v20;
	v31 =	vmin.f32 v1, v31;
	v1 =	vld [tilespmem:$0x89C0]  }
0x1c7: {  	v5 =	vmax.f32 v5, v32;
	v32 =	vld [tilespmem:$0x1F6E0]  }
0x1c8: {  	v35 =	vmin.f32 v31, v39;
	v39 =	vmin.f32 v41, v33;
	v41 =	vld [tilespmem:$0x1F700]  }
0x1c9: {  	[tilespmem:$0x1FE20] =	vst v60;
	v60 =	vld [tilespmem:$0x87A0]  }
0x1ca: {  	v5 =	vmax.f32 v5, v40;
	v31 =	vld [tilespmem:$0x1F7C0]  }
0x1cb: {  	v37 =	vmax.f32 v5, v53;
	v5 =	vld [tilespmem:$0x83C0]  }
0x1cc: {  	v40 =	vmax.f32 v42, v30;
	v42 =	vmin.f32 v39, v43;
	v43 =	vld [tilespmem:$0x1F710]  }
0x1cd: {  	v8 =	vmin.f32 v35, v52;
	v52 =	vld [tilespmem:$0x1F740]  }
0x1ce: {  	[tilespmem:$0x1FE50] =	vst v60;
	v60 =	vld [tilespmem:$0x8FA0]  }
0x1cf: {  	v53 =	vld [tilespmem:$0x1F750]  }
0x1d0: {  	v35 =	vld [tilespmem:$0x1F7F0]  }
0x1d1: {  	v39 =	vld [tilespmem:$0x1F810]  }
0x1d2: {  	[tilespmem:$0x1FE90] =	vst v12;
	v38 =	vmin.f32 v8, v57;
	v8 =	vld [tilespmem:$0x8BC0]  }
0x1d3: {  	v12 =	vmax.f32 v40, v44;
	[tilespmem:$0x1FE80] =	vst v60;
	v60 =	vld [tilespmem:$0x80B0]  }
0x1d4: {  	v12 =	vmax.f32 v12, v48;
	v48 =	vld [tilespmem:$0x1F720]  }
0x1d5: {  	v44 =	vmin.f32 v42, v54;
	v54 =	vld [tilespmem:$0x1F760]  }
0x1d6: {  	v57 =	vmin.f32 v47, v34;
	v34 =	vld [tilespmem:$0x1F7E0]  }
0x1d7: {  	v42 =	vld [tilespmem:$0x1F820]  }
0x1d8: {  	[tilespmem:$0x1FDB0] =	vst v60;
	v60 =	vld [tilespmem:$0x88B0]  }
0x1d9: {  	v47 =	vld [tilespmem:$0x1F870]  }
0x1da: {  	v15 =	vmin.f32 v57, v46;
	v46 =	vld [tilespmem:$0x1F860]  }
0x1db: {  	v27 =	vmin.f32 v28, v32;
	v28 =	vld [tilespmem:$0x1F7A0]  }
0x1dc: {  	v32 =	vld [tilespmem:$0x1F7D0]  }
0x1dd: {  	[tilespmem:$0x1FDD0] =	vst v60;
	v60 =	vld [tilespmem:$0x81B0]  }
0x1de: {  	v15 =	vmin.f32 v15, v56;
	v1 =	vmax.f32 v6, v1;
	v6 =	vld [tilespmem:$0x80F0]  }
0x1df: {  	[tilespmem:$0x1FEE0] =	vst v18;
	v18 =	vmin.f32 v15, v29;
	v15 =	vld [tilespmem:$0x8EC0]  }
0x1e0: {  	v1 =	vmax.f32 v1, v4;
	v4 =	vld [tilespmem:$0x88F0]  }
0x1e1: {  	v33 =	vmin.f32 v38, v43;
	v38 =	vld [tilespmem:$0x1F800]  }
0x1e2: {  	[tilespmem:$0x1FDC0] =	vst v60;
	v60 =	vld [tilespmem:$0x89B0]  }
0x1e3: {  	v43 =	vld [tilespmem:$0x1F830]  }
0x1e4: {  	v36 =	vmin.f32 v61, v49;
	v12 =	vmax.f32 v12, v52;
	v49 =	vld [tilespmem:$0x1F890]  }
0x1e5: {  	[tilespmem:$0x1FEA0] =	vst v13;
	v13 =	vmax.f32 v37, v41;
	v14 =	vmax.f32 v12, v54;
	v12 =	vld [tilespmem:$0x85C0]  }
0x1e6: {  	v30 =	vmax.f32 v13, v48;
	v13 =	vmin.f32 v44, v50;
	v44 =	vld [tilespmem:$0x1F840]  }
0x1e7: {  	[tilespmem:$0x1FDE0] =	vst v60;
	v60 =	vld [tilespmem:$0x82B0]  }
0x1e8: {  	v48 =	vld [tilespmem:$0x1F880]  }
0x1e9: {  	[tilespmem:$0x8020] =	vst v33;
	v33 =	vld [tilespmem:$0x85E0];
	v14 =	vmax.f32 v14, v23  }
0x1ea: {  	v40 =	vmax.f32 v14, v31;
	v14 =	vld [tilespmem:$0x87C0]  }
0x1eb: {  	v50 =	vld [tilespmem:$0x1F8A0]  }
0x1ec: {  	[tilespmem:$0x1FE00] =	vst v60;
	v60 =	vld [tilespmem:$0x8AB0]  }
0x1ed: {  	v37 =	vmax.f32 v62, v51;
	v51 =	vld [tilespmem:$0x1F8B0]  }
0x1ee: {  	v13 =	vmin.f32 v13, v53;
	v56 =	vld [tilespmem:$0x1F900]  }
0x1ef: {  	v13 =	vmin.f32 v13, v59;
	v59 =	vld [tilespmem:$0x1F930]  }
0x1f0: {  	v62 =	vld [tilespmem:$0x1F960]  }
0x1f1: {  	[tilespmem:$0x1FE10] =	vst v60;
	v60 =	vld [tilespmem:$0x83B0]  }
0x1f2: {  	v52 =	vld [tilespmem:$0x1F8C0]  }
0x1f3: {  	v54 =	vld [tilespmem:$0x1F8E0]  }
0x1f4: {  	v53 =	vld [tilespmem:$0x1F8D0]  }
0x1f5: {  	v57 =	vld [tilespmem:$0x1F910]  }
0x1f6: {  	[tilespmem:$0x1FE30] =	vst v60;
	v60 =	vld [tilespmem:$0x8BB0]  }
0x1f7: {  	v61 =	vld [tilespmem:$0x1F950]  }
0x1f8: {  	v20 =	vmin.f32 v36, v63;
	v63 =	vld [tilespmem:$0x1F970]  }
0x1f9: {  	v36 =	vld [tilespmem:$0x1F980]  }
0x1fa: {  	v23 =	vmax.f32 v37, v39;
	v37 =	vld [tilespmem:$0x1F990]  }
0x1fb: {  	v23 =	vmax.f32 v23, v44;
	[tilespmem:$0x1FE40] =	vst v60;
	v60 =	vld [tilespmem:$0x84B0]  }
0x1fc: {  	v23 =	vmax.f32 v23, v47;
	v29 =	vmin.f32 v52, v53;
	v47 =	vld [tilespmem:$0x1F9D0]  }
0x1fd: {  	v29 =	vmin.f32 v29, v57;
	v57 =	vld [tilespmem:$0x1FA70]  }
0x1fe: {  	v39 =	vld [tilespmem:$0x1F9B0]  }
0x1ff: {  	v52 =	vld [tilespmem:$0x1FA20]  }
0x200: {  	[tilespmem:$0x1FE60] =	vst v60;
	v60 =	vld [tilespmem:$0x8CB0]  }
0x201: {  	v41 =	vmin.f32 v13, v26;
	v53 =	vld [tilespmem:$0x1FA30]  }
0x202: {  	[tilespmem:$0x8030] =	vst v41;
	v41 =	vld [tilespmem:$0x1FDF0]  }
0x203: {  	[tilespmem:$0x8830] =	vst v40;
	v40 =	vld [tilespmem:$0x1FE20]  }
0x204: {  	[tilespmem:$0x8820] =	vst v30;
	v30 =	vld [tilespmem:$0x1FDB0]  }
0x205: {  	[tilespmem:$0x1FE70] =	vst v60;
	v60 =	vmax.f32 v58, v45;
	v45 =	vld [tilespmem:$0x1F850]  }
0x206: {  	v58 =	vld [tilespmem:$0x1F920]  }
0x207: {  	v25 =	vmax.f32 v60, v55;
	v55 =	vld [tilespmem:$0x1F8F0]  }
0x208: {  	v18 =	vmin.f32 v18, v34;
	v60 =	vld [tilespmem:$0x1F940]  }
0x209: {  	v13 =	vmax.f32 v25, v28;
	v25 =	vmin.f32 v18, v38;
	v18 =	vld [tilespmem:$0x80D0]  }
0x20a: {  	v38 =	vld [tilespmem:$0x1F9A0];
	v13 =	vmax.f32 v13, v32  }
0x20b: {  	v19 =	vmax.f32 v13, v35;
	v13 =	vld [tilespmem:$0x8FC0]  }
0x20c: {  	v20 =	vmin.f32 v20, v43;
	v26 =	vmax.f32 v19, v42;
	v19 =	vld [tilespmem:$0x88D0]  }
0x20d: {  	v42 =	vmin.f32 v25, v45;
	v25 =	vmin.f32 v20, v46;
	v20 =	vld [tilespmem:$0x81D0]  }
0x20e: {  	v46 =	vld [tilespmem:$0x1F9C0]  }
0x20f: {  	v43 =	vmax.f32 v26, v48;
	v26 =	vmax.f32 v23, v50;
	v23 =	vld [tilespmem:$0x89D0]  }
0x210: {  	v48 =	vld [tilespmem:$0x1F9E0]  }
0x211: {  	v25 =	vmin.f32 v25, v49;
	v49 =	vld [tilespmem:$0x1F9F0]  }
0x212: {  	v50 =	vld [tilespmem:$0x1FA00]  }
0x213: {  	v31 =	vmax.f32 v54, v55;
	v54 =	vld [tilespmem:$0x1FA40]  }
0x214: {  	v55 =	vld [tilespmem:$0x1FA50]  }
0x215: {  	v29 =	vmin.f32 v29, v60;
	v60 =	vld [tilespmem:$0x1FAA0]  }
0x216: {  	[tilespmem:$0x8040] =	vst v42;
	v42 =	vld [tilespmem:$0x1FE50]  }
0x217: {  	v28 =	vmin.f32 v25, v51;
	v25 =	vld [tilespmem:$0x82D0]  }
0x218: {  	v32 =	vmax.f32 v26, v56;
	v26 =	vld [tilespmem:$0x8AD0]  }
0x219: {  	v51 =	vld [tilespmem:$0x1FA10]  }
0x21a: {  	v56 =	vld [tilespmem:$0x1FA60]  }
0x21b: {  	v31 =	vmax.f32 v31, v58;
	v58 =	vld [tilespmem:$0x1FA80]  }
0x21c: {  	[tilespmem:$0x8840] =	vst v43;
	v43 =	vld [tilespmem:$0x1FE80]  }
0x21d: {  	v44 =	vmin.f32 v28, v59;
	v28 =	vld [tilespmem:$0x83D0]  }
0x21e: {  	v45 =	vmax.f32 v32, v62;
	v32 =	vmin.f32 v29, v63;
	v29 =	vld [tilespmem:$0x8BD0]  }
0x21f: {  	v59 =	vld [tilespmem:$0x1FA90]  }
0x220: {  	v31 =	vmax.f32 v31, v61;
	v61 =	vld [tilespmem:$0x1FAB0]  }
0x221: {  	v62 =	vld [tilespmem:$0x1FAC0]  }
0x222: {  	v63 =	vld [tilespmem:$0x1FAD0]  }
0x223: {  	[tilespmem:$0x8050] =	vst v44;
	v44 =	vld [tilespmem:$0x1FEB0]  }
0x224: {  	v31 =	vmax.f32 v31, v36;
	[tilespmem:$0x8850] =	vst v45;
	v45 =	vld [tilespmem:$0x8AF0]  }
0x225: {  	v32 =	vmin.f32 v32, v37;
	v34 =	vmax.f32 v31, v38;
	v31 =	vld [tilespmem:$0x84D0]  }
0x226: {  	v36 =	vmin.f32 v32, v47;
	v32 =	vld [tilespmem:$0x8CD0]  }
0x227: {  	v35 =	vmin.f32 v39, v46;
	v39 =	vld [tilespmem:$0x8ED0]  }
0x228: {  	v46 =	vmin.f32 v36, v54;
	v54 =	vld [tilespmem:$0x1FB00]  }
0x229: {  	v37 =	vmax.f32 v48, v49;
	v38 =	vmax.f32 v34, v51;
	v34 =	vld [tilespmem:$0x85D0]  }
0x22a: {  	v35 =	vmin.f32 v35, v50;
	v37 =	vmax.f32 v37, v52;
	v52 =	vld [tilespmem:$0x1FAE0]  }
0x22b: {  	v35 =	vmin.f32 v35, v53;
	v53 =	vld [tilespmem:$0x1FAF0]  }
0x22c: {  	[tilespmem:$0x8060] =	vst v46;
	v46 =	vld [tilespmem:$0x1FEE0]  }
0x22d: {  	v36 =	vmax.f32 v37, v55;
	v37 =	vmin.f32 v35, v56;
	v35 =	vld [tilespmem:$0x8DD0]  }
0x22e: {  	v47 =	vmax.f32 v38, v57;
	v38 =	vld [tilespmem:$0x86D0]  }
0x22f: {  	v55 =	vld [tilespmem:$0x1FB10]  }
0x230: {  	v56 =	vld [tilespmem:$0x1FB20]  }
0x231: {  	v57 =	vld [tilespmem:$0x1FB30]  }
0x232: {  	v48 =	vmin.f32 v61, v62;
	v61 =	vld [tilespmem:$0x1FB70]  }
0x233: {  	v62 =	vld [tilespmem:$0x1FB80]  }
0x234: {  	v36 =	vmax.f32 v36, v58;
	v58 =	vld [tilespmem:$0x1FB40]  }
0x235: {  	v36 =	vmax.f32 v36, v60;
	v60 =	vld [tilespmem:$0x1FB60]  }
0x236: {  	v37 =	vmin.f32 v37, v59;
	v59 =	vld [tilespmem:$0x1FB50]  }
0x237: {  	v49 =	vmax.f32 v63, v52;
	v63 =	vld [tilespmem:$0x1FB90]  }
0x238: {  	v48 =	vmin.f32 v48, v54;
	v51 =	vmax.f32 v36, v56;
	v56 =	vld [tilespmem:$0x1FBA0]  }
0x239: {  	v49 =	vmax.f32 v49, v55;
	v48 =	vmin.f32 v48, v57;
	v57 =	vld [tilespmem:$0x1FBB0]  }
0x23a: {  	v49 =	vmax.f32 v49, v58;
	v48 =	vmin.f32 v48, v60;
	v60 =	vld [tilespmem:$0x1FBE0]  }
0x23b: {  	v49 =	vmax.f32 v49, v61;
	v61 =	vld [tilespmem:$0x1FBF0]  }
0x23c: {  	v58 =	vld [tilespmem:$0x1FBC0]  }
0x23d: {  	v50 =	vmin.f32 v37, v53;
	v51 =	vmax.f32 v51, v62;
	v62 =	vld [tilespmem:$0x1FC00]  }
0x23e: {  	v50 =	vmin.f32 v50, v59;
	v59 =	vld [tilespmem:$0x1FBD0]  }
0x23f: {  	v48 =	vmin.f32 v48, v63;
	v63 =	vld [tilespmem:$0x1FC10]  }
0x240: {  	v55 =	vmax.f32 v60, v61;
	v61 =	vld [tilespmem:$0x1FC30]  }
0x241: {  	[tilespmem:$0x8860] =	vst v47;
	v47 =	vld [tilespmem:$0x1FEF0];
	v49 =	vmax.f32 v49, v56  }
0x242: {  	v49 =	vmax.f32 v49, v62;
	v62 =	vld [tilespmem:$0x1FC40]  }
0x243: {  	v54 =	vmin.f32 v58, v59;
	v60 =	vld [tilespmem:$0x1FC20]  }
0x244: {  	v48 =	vmin.f32 v48, v57;
	v54 =	vmin.f32 v54, v63;
	v63 =	vld [tilespmem:$0x1FC50]  }
0x245: {  	v48 =	vmin.f32 v48, v61;
	v61 =	vld [tilespmem:$0x1FC70]  }
0x246: {  	v37 =	vld [tilespmem:$0x87D0]  }
0x247: {  	v52 =	vld [tilespmem:$0x80E0]  }
0x248: {  	v55 =	vmax.f32 v55, v60;
	v60 =	vld [tilespmem:$0x1FC60]  }
0x249: {  	v54 =	vmin.f32 v54, v62;
	v55 =	vmax.f32 v55, v63;
	v63 =	vld [tilespmem:$0x1FC90]  }
0x24a: {  	v54 =	vmin.f32 v54, v61;
	v61 =	vld [tilespmem:$0x1FCD0]  }
0x24b: {  	v53 =	vld [tilespmem:$0x88E0]  }
0x24c: {  	v62 =	vld [tilespmem:$0x1FC80]  }
0x24d: {  	v36 =	vld [tilespmem:$0x8FD0]  }
0x24e: {  	[tilespmem:$0x8000] =	vst v22;
	v49 =	vmax.f32 v49, v60;
	v60 =	vld [tilespmem:$0x1FCA0];
	v22 =	vmin.f32 v54, v63  }
0x24f: {  	[tilespmem:$0x8800] =	vst v21;
	v21 =	vmin.f32 v22, v61;
	v22 =	vld [tilespmem:$0x1FCE0]  }
0x250: {  	v61 =	vld [tilespmem:$0x1FCF0]  }
0x251: {  	v55 =	vmax.f32 v55, v62;
	v62 =	vld [tilespmem:$0x1FD10]  }
0x252: {  	v63 =	vld [tilespmem:$0x1FD20]  }
0x253: {  	v54 =	vmax.f32 v55, v60;
	v55 =	vld [tilespmem:$0x1FCB0]  }
0x254: {  	v60 =	vld [tilespmem:$0x1FCC0]  }
0x255: {  	v22 =	vmax.f32 v22, v61;
	v61 =	vld [tilespmem:$0x1FD00]  }
0x256: {  	[tilespmem:$0x8010] =	vst v27;
	v27 =	vmax.f32 v54, v62;
	v62 =	vld [tilespmem:$0x1FD30]  }
0x257: {  	v22 =	vmax.f32 v22, v63;
	v63 =	vld [tilespmem:$0x1FD40]  }
0x258: {  	[tilespmem:$0x8870] =	vst v51;
	v51 =	vld [tilespmem:$0x84F0]  }
0x259: {  	v56 =	vld [tilespmem:$0x81E0];
	v55 =	vmin.f32 v55, v60  }
0x25a: {  	v57 =	vld [tilespmem:$0x89E0];
	v55 =	vmin.f32 v55, v61  }
0x25b: {  	v54 =	vmin.f32 v55, v62;
	v62 =	vld [tilespmem:$0x1FD50]  }
0x25c: {  	v21 =	vmin.f32 v21, v63;
	v63 =	vld [tilespmem:$0x1FD60]  }
0x25d: {  	v58 =	vld [tilespmem:$0x82E0]  }
0x25e: {  	v59 =	vld [tilespmem:$0x8AE0]  }
0x25f: {  	v52 =	vmin.f32 v52, v56;
	v56 =	vld [tilespmem:$0x8CF0]  }
0x260: {  	v22 =	vmax.f32 v22, v62;
	v62 =	vld [tilespmem:$0x1FD70]  }
0x261: {  	[tilespmem:$0x8810] =	vst v24;
	v24 =	vmin.f32 v54, v63;
	v63 =	vld [tilespmem:$0x1FD80]  }
0x262: {  	[tilespmem:$0x8880] =	vst v49;
	v49 =	vld [tilespmem:$0x8BF0]  }
0x263: {  	v60 =	vld [tilespmem:$0x83E0]  }
0x264: {  	v61 =	vld [tilespmem:$0x8BE0]  }
0x265: {  	v27 =	vmax.f32 v27, v62;
	v62 =	vld [tilespmem:$0x1FD90]  }
0x266: {  	v22 =	vmax.f32 v22, v63;
	v63 =	vld [tilespmem:$0x1FDA0]  }
0x267: {  	v55 =	vld [tilespmem:$0x84E0]  }
0x268: {  	v54 =	vld [tilespmem:$0x8CE0]  }
0x269: {  	[tilespmem:$0x8890] =	vst v27;
	v27 =	vld [tilespmem:$0x8EF0]  }
0x26a: {  	v24 =	vmin.f32 v24, v62;
	v62 =	vld [tilespmem:$0x1FDC0]  }
0x26b: {  	v22 =	vmax.f32 v22, v63;
	v63 =	vld [tilespmem:$0x1FDE0]  }
0x26c: {  	v24 =	vmin.f32 v24, v41;
	v41 =	vld [tilespmem:$0x1FE00]  }
0x26d: {  	v22 =	vmax.f32 v22, v40;
	v40 =	vld [tilespmem:$0x1FE30]  }
0x26e: {  	v24 =	vmin.f32 v24, v42;
	v42 =	vld [tilespmem:$0x1FE60]  }
0x26f: {  	v22 =	vmax.f32 v22, v43;
	v43 =	vld [tilespmem:$0x1FE90]  }
0x270: {  	[tilespmem:$0x80A0] =	vst v24;
	v24 =	vld [tilespmem:$0x86F0]  }
0x271: {  	v30 =	vmin.f32 v30, v62;
	v62 =	vld [tilespmem:$0x1FDD0]  }
0x272: {  	v30 =	vmin.f32 v30, v41;
	v41 =	vld [tilespmem:$0x1FE10]  }
0x273: {  	v30 =	vmin.f32 v30, v40;
	v40 =	vld [tilespmem:$0x1FE40]  }
0x274: {  	v30 =	vmin.f32 v30, v42;
	v42 =	vld [tilespmem:$0x1FE70]  }
0x275: {  	v30 =	vmin.f32 v30, v43;
	v43 =	vld [tilespmem:$0x1FEA0]  }
0x276: {  	v30 =	vmin.f32 v30, v44;
	v44 =	vld [tilespmem:$0x1FEC0]  }
0x277: {  	v62 =	vmax.f32 v62, v63;
	v63 =	vld [tilespmem:$0x8DE0]  }
0x278: {  	v41 =	vmax.f32 v62, v41;
	v62 =	vld [tilespmem:$0x86E0]  }
0x279: {  	v40 =	vmax.f32 v41, v40;
	v41 =	vld [tilespmem:$0x8EE0]  }
0x27a: {  	v40 =	vmax.f32 v40, v42;
	v42 =	vld [tilespmem:$0x87E0]  }
0x27b: {  	v40 =	vmax.f32 v40, v43;
	v43 =	vld [tilespmem:$0x8FE0];
	v7 =	vmin.f32 v44, v7  }
0x27c: {  	v57 =	vmax.f32 v53, v57;
	v44 =	vld [tilespmem:$0x1FED0];
	v7 =	vmin.f32 v7, v11  }
0x27d: {  	v11 =	vmin.f32 v30, v46;
	v30 =	vmin.f32 v18, v20;
	v18 =	vmin.f32 v52, v58;
	v58 =	vld [tilespmem:$0x85F0]  }
0x27e: {  	v20 =	vmax.f32 v57, v59;
	v59 =	vld [tilespmem:$0x8DF0]  }
0x27f: {  	v52 =	vld [tilespmem:$0x1FFB0]  }
0x280: {  	v1 =	vmax.f32 v1, v8;
	v5 =	vmin.f32 v7, v5;
	v7 =	vld [tilespmem:$0x81F0]  }
0x281: {  	v1 =	vmax.f32 v1, v10;
	v10 =	vmin.f32 v30, v25;
	v30 =	vld [tilespmem:$0x1FF00]  }
0x282: {  	v5 =	vmin.f32 v5, v9;
	v9 =	vld [tilespmem:$0x89F0]  }
0x283: {  	v61 =	vmax.f32 v20, v61;
	v10 =	vmin.f32 v10, v28;
	v28 =	vld [tilespmem:$0x87F0]  }
0x284: {  	v1 =	vmax.f32 v1, v16;
	v25 =	vmax.f32 v61, v54;
	v54 =	vld [tilespmem:$0x1FFC0]  }
0x285: {  	v1 =	vmax.f32 v1, v15;
	v10 =	vmin.f32 v10, v31;
	v31 =	vld [tilespmem:$0x1FF10];
	v40 =	vmax.f32 v40, v44  }
0x286: {  	v1 =	vmax.f32 v1, v13;
	v18 =	vmin.f32 v18, v60;
	v8 =	vmax.f32 v40, v47;
	v40 =	vld [tilespmem:$0x82F0]  }
0x287: {  	[tilespmem:$0x88C0] =	vst v1;
	v18 =	vmin.f32 v18, v55;
	v5 =	vmin.f32 v5, v12;
	v44 =	vmax.f32 v19, v23;
	v47 =	vld [tilespmem:$0x83F0]  }
0x288: {  	[tilespmem:$0x8070] =	vst v50;
	v10 =	vmin.f32 v10, v34;
	v46 =	vmax.f32 v44, v26;
	v26 =	vmin.f32 v18, v33;
	v33 =	vld [tilespmem:$0x1FF20]  }
0x289: {  	[tilespmem:$0x8080] =	vst v48;
	v5 =	vmin.f32 v5, v17;
	v10 =	vmin.f32 v10, v38;
	v38 =	vld [tilespmem:$0x1FF50]  }
0x28a: {  	[tilespmem:$0x8090] =	vst v21;
	v5 =	vmin.f32 v5, v14;
	v44 =	vld [tilespmem:$0x1FF80];
	v48 =	vmax.f32 v46, v29;
	v10 =	vmin.f32 v10, v37  }
0x28b: {  	v6 =	vmin.f32 v6, v7;
	[tilespmem:$0x80C0] =	vst v5;
	v5 =	vmax.f32 v25, v63;
	v1 =	vmin.f32 v26, v62;
	v29 =	vld [tilespmem:$0x8FF0]  }
0x28c: {  	[tilespmem:$0x88A0] =	vst v22;
	v50 =	vmax.f32 v48, v32;
	v4 =	vmax.f32 v4, v9;
	v1 =	vmin.f32 v1, v42;
	v42 =	vld [tilespmem:$0x1FF70]  }
0x28d: {  	[tilespmem:$0x80B0] =	vst v11;
	v5 =	vmax.f32 v5, v41;
	v13 =	vmax.f32 v50, v35;
	v4 =	vmax.f32 v4, v45;
	v35 =	vld [tilespmem:$0x1FF30]  }
0x28e: {  	[tilespmem:$0x88B0] =	vst v8;
	v50 =	vld [tilespmem:$0x1FFA0];
	v13 =	vmax.f32 v13, v39;
	v4 =	vmax.f32 v4, v49;
	v6 =	vmin.f32 v6, v40  }
0x28f: {  	[tilespmem:$0x80D0] =	vst v10;
	v60 =	vmax.f32 v13, v36;
	v4 =	vmax.f32 v4, v56;
	v36 =	vld [tilespmem:$0x1FF40];
	v6 =	vmin.f32 v6, v47  }
0x290: {  	v5 =	vmax.f32 v5, v43;
	[tilespmem:$0x80E0] =	vst v1;
	v40 =	vld [tilespmem:$0x1FF60];
	v1 =	vmax.f32 v4, v59;
	v6 =	vmin.f32 v6, v51  }
0x291: {  	[tilespmem:$0x88E0] =	vst v5;
	v56 =	vld [tilespmem:$0x1FFD0];
	v1 =	vmax.f32 v1, v27;
	v6 =	vmin.f32 v6, v58  }
0x292: {  	[tilespmem:$0x88D0] =	vst v60;
	v47 =	vld [tilespmem:$0x1FF90];
	v1 =	vmax.f32 v1, v29;
	v4 =	vmin.f32 v6, v24  }
0x293: {  	v58 =	vld [tilespmem:$0x1FFF0];
	[tilespmem:$0x88F0] =	vst v1;
	v4 =	vmin.f32 v4, v28  }
0x294: {  	[tilespmem:$0x80F0] =	vst v4;
	v4 =	vld [tilespmem:$0x1FFE0]  }
0x295: {  	v5 =	vld.idx.msk [tilespmem:v30+s17+$0x0], $0xffff  }
0x296: {  	v6 =	vld.idx.msk [tilespmem:v30+s18+$0x0], $0xffff  }
0x297: {  	v32 =	vld.idx.msk [tilespmem:v31+s17+$0x0], $0xffff  }
0x298: {  	v8 =	vld.idx.msk [tilespmem:v31+s18+$0x0], $0xffff  }
0x299: {  	v34 =	vld.idx.msk [tilespmem:v33+s17+$0x0], $0xffff  }
0x29a: {  	v10 =	vld.idx.msk [tilespmem:v33+s18+$0x0], $0xffff  }
0x29b: {  	v11 =	vld.idx.msk [tilespmem:v35+s17+$0x0], $0xffff  }
0x29c: {  	v12 =	vld.idx.msk [tilespmem:v35+s18+$0x0], $0xffff  }
0x29d: {  	v39 =	vld.idx.msk [tilespmem:v38+s17+$0x0], $0xffff  }
0x29e: {  	v16 =	vld.idx.msk [tilespmem:v38+s18+$0x0], $0xffff  }
0x29f: {  	v43 =	vld.idx.msk [tilespmem:v42+s17+$0x0], $0xffff  }
0x2a0: {  	v45 =	vld.idx.msk [tilespmem:v44+s17+$0x0], $0xffff  }
0x2a1: {  	v1 =	vld.idx.msk [tilespmem:v4+s17+$0x0], $0xffff  }
0x2a2: {  	v46 =	vld.idx.msk [tilespmem:v44+s18+$0x0], $0xffff  }
0x2a3: {  	v51 =	vld.idx.msk [tilespmem:v50+s17+$0x0], $0xffff  }
0x2a4: {  	v53 =	vld.idx.msk [tilespmem:v52+s17+$0x0], $0xffff  }
0x2a5: {  	v37 =	vld.idx.msk [tilespmem:v36+s17+$0x0], $0xffff  }
0x2a6: {  	v4 =	vld.idx.msk [tilespmem:v4+s18+$0x0], $0xffff;
	v1 =	vmin.f32 v1, v5  }
0x2a7: {  	v41 =	vld.idx.msk [tilespmem:v40+s17+$0x0], $0xffff;
	v1 =	vmin.f32 v1, v32  }
0x2a8: {  	v55 =	vld.idx.msk [tilespmem:v54+s17+$0x0], $0xffff;
	v1 =	vmin.f32 v1, v34  }
0x2a9: {  	v14 =	vld.idx.msk [tilespmem:v36+s18+$0x0], $0xffff;
	v1 =	vmin.f32 v1, v11  }
0x2aa: {  	v48 =	vld.idx.msk [tilespmem:v47+s17+$0x0], $0xffff;
	v1 =	vmin.f32 v1, v37  }
0x2ab: {  	v18 =	vld.idx.msk [tilespmem:v40+s18+$0x0], $0xffff;
	v4 =	vmax.f32 v4, v6;
	v1 =	vmin.f32 v1, v39  }
0x2ac: {  	v57 =	vld.idx.msk [tilespmem:v56+s17+$0x0], $0xffff;
	v4 =	vmax.f32 v4, v8;
	v1 =	vmin.f32 v1, v41  }
0x2ad: {  	v5 =	vld.idx.msk [tilespmem:v42+s18+$0x0], $0xffff;
	v4 =	vmax.f32 v4, v10;
	v1 =	vmin.f32 v1, v43  }
0x2ae: {  	v49 =	vld.idx.msk [tilespmem:v47+s18+$0x0], $0xffff;
	v4 =	vmax.f32 v4, v12;
	v1 =	vmin.f32 v1, v45  }
0x2af: {  	v59 =	vld.idx.msk [tilespmem:v58+s17+$0x0], $0xffff;
	v4 =	vmax.f32 v4, v14;
	v1 =	vmin.f32 v1, v48  }
0x2b0: {  	v60 =	vld.idx.msk [tilespmem:v50+s18+$0x0], $0xffff;
	v4 =	vmax.f32 v4, v16;
	v1 =	vmin.f32 v1, v51  }
0x2b1: {  	v61 =	vld.idx.msk [tilespmem:v52+s18+$0x0], $0xffff;
	v4 =	vmax.f32 v4, v18;
	v1 =	vmin.f32 v1, v53  }
0x2b2: {  	v62 =	vld.idx.msk [tilespmem:v54+s18+$0x0], $0xffff;
	v4 =	vmax.f32 v4, v5;
	v1 =	vmin.f32 v1, v55  }
0x2b3: {  	v5 =	vld.idx.msk [tilespmem:v56+s18+$0x0], $0xffff;
	v4 =	vmax.f32 v4, v46;
	v1 =	vmin.f32 v1, v57  }
0x2b4: {  	s5 =	simm.s32 $0x0;
	v63 =	vld.idx.msk [tilespmem:v58+s18+$0x0], $0xffff;
	v4 =	vmax.f32 v4, v49;
	v1 =	vmin.f32 v1, v59  }
0x2b5: {  	s9 =	simm.s32 $0x9000;
	s10 =	simm.s32 $0x5;
	s6 =	rddreg [dreg:$0x6];
	[tilespmem:$0x9000] =	vst v1;
	v1 =	vmax.f32 v4, v60  }
0x2b6: {  	v1 =	vmax.f32 v1, v61;
	[hbm4b:s6+s5] =	stream.linear.scatter [tilespmem:s9], [sflag:$0x5], $0x10, $0x38;
	[tilespmem:$0x9080] =	vst v63  }
0x2b7: {  	v1 =	vmax.f32 v1, v62;
	_ =	swait.ge [sflag:s10], $0x10  }
0x2b8: {  	v1 =	vmax.f32 v1, v5;
	[sflag:s10] =	ssyncset.done $0x0  }
0x2b9: {  	v1 =	vmax.f32 v1, v63;
	[sflag:s10] =	ssyncadd.s32 $0xFFFFFFF0  }
0x2ba: {  	s11 =	rddreg [dreg:$0x7];
	[tilespmem:$0x9000] =	vst v1  }
0x2bb: {  	[hbm4b:s11+s5] =	stream.linear.scatter [tilespmem:s9], [sflag:$0x5], $0x10, $0x38;
	[tilespmem:$0x9080] =	vst v63  }
0x2bc: {  	_ =	swait.ge [sflag:s10], $0x10  }
0x2bd: {  	s9 =	rddreg [dreg:$0x9]  }
0x2be: {  	s11 =	rddreg [dreg:$0x8];
	s6 =	sadd.s32 $0x1, s9  }
0x2bf: {  	p0 =	sne.s32 s6, s11  }
.Ltmp4:
0x2c0: {  	_ = 	snop;
	(pc) =	sbr.rel @p0 .LBB2_1-.Ltmp4, $3  }
0x2c1: {  	_ =	sdelay $0x1  }
0x2c2: {  	[sflag:s10] =	ssyncset.done $0x0  }
0x2c3: {  	[sflag:s10] =	ssyncadd.s32 $0xFFFFFFF0  }
0x2c4: {  	_ =	sfence.sel $0x180000  }
0x2c5: {  	[bflag:$0x0] =	sbarrier.arrive $0xFFFF  }
0x2c6: {  	_ =	strace $0x90000047  }
0x2c7: {  	s0 =	stileid.u32;
	[bflag:$0x2] =	sbarrier.arrive $0xFFFF  }
0x2c8: {  	p0 =	sne.s32 s0, $0x0;
	s0 =	rddreg [dreg:$0x3]  }
0x2c9: {  	s0 =	sadd.s32 @!p0 $0x100000, s0  }
0x2ca: {  	[sflag:s0] =	ssyncadd.tile.s32 @!p0 $0x1;
	_ =	shalt  }
.Lfunc_end2:
_tile_overlayer_lowered:
.L_overlay_start_2:
0x2cb: {  	(tag) =	ssettag $0x2  }
0x2cc: {  	s0 =	rddreg [dreg:$0x0];
	s2 =	stileid.u32  }
0x2cd: {  	s1 =	rddreg [dreg:$0x1];
	p0 =	sne.s32 s2, $0x0  }
0x2ce: {  	s3 =	rddreg [dreg:$0x2];
	[bflag:$0x3] =	sbarrier.arrive $0xFFFF;
	s2 =	simm.s32 @!p0 $0x1C05  }
0x2cf: {  	[timem:s3], [sflag:s2] =	dma.local @!p0 [hbm:s0], s1  }
0x2d0: {  	s0 =	simm.s32 @!p0 $0x5  }
0x2d1: {  	_ =	swait.ge @!p0 [sflag:s0], s1  }
0x2d2: {  	s1 =	ssub.s32 @!p0 $0x0, s1;
	[sflag:s0] =	ssyncset.done @!p0 $0x0  }
0x2d3: {  	[sflag:s0] =	ssyncadd.s32 @!p0 s1  }
0x2d4: {  	[bflag:$0x3] =	sbarrier.arrive $0xFFFF  }
0x2d5: {  	_ =	shalt  }

</sc_bundles>
